<compile_context>
chip_gen: v7x
topology: tpu7x:2x2x1
jax: 0.10.2.dev20260603
libtpu: 0.0.44.dev20260713+nightly
codegen_flags: <defaults>
</compile_context>

<pallas_src>
import functools

import jax
import jax.numpy as jnp
from jax import lax
from jax.experimental import pallas as pl
from jax.experimental.pallas import tpu as pltpu
from jax.experimental.pallas import tpu_sc as plsc

D_MODEL = 64
SCALE = float(D_MODEL) ** 0.5
NUM_WORKERS = 32
STEP = 128
NBUF = 2
LANES = 16


def _emb_kernel(steps_per_w, idx_hbm, table_hbm, out_hbm,
                idx_v, gbufs, wbufs, gsems, wsems):
    nc = 2
    wid = lax.axis_index("s") * nc + lax.axis_index("c")
    per_w = steps_per_w * STEP
    base = wid * per_w
    pltpu.sync_copy(idx_hbm.at[pl.ds(base, per_w)], idx_v)

    def gather_issue(j, b):
        def row16(c, _):
            r0 = c * LANES
            chunk = idx_v[pl.ds(j * STEP + r0, LANES)]
            for l in range(LANES):
                pltpu.make_async_copy(
                    table_hbm.at[chunk[l]], gbufs[b].at[r0 + l], gsems[b]
                ).start()
            return 0

        lax.fori_loop(0, STEP // LANES, row16, 0, unroll=4)

    def gather_drain(b):
        pltpu.make_async_copy(
            out_hbm.at[pl.ds(0, STEP)], gbufs[b], gsems[b]
        ).wait()

    def write(j, b):
        return pltpu.make_async_copy(
            wbufs[b], out_hbm.at[pl.ds(base + j * STEP, STEP)], wsems[b]
        )

    gather_issue(0, 0)

    n_rounds = steps_per_w // NBUF

    def round_body(k, _):
        for b in range(NBUF):
            j = k * NBUF + b
            nb = (b + 1) % NBUF
            @pl.when(j + 1 < steps_per_w)
            def _():
                gather_issue(j + 1, nb)

            gather_drain(b)
            @pl.when(k > 0)
            def _():
                write(j - NBUF, b).wait()

            @plsc.parallel_loop(0, STEP, unroll=4)
            def _(i):
                for t in range(D_MODEL // LANES):
                    sl = pl.ds(t * LANES, LANES)
                    wbufs[b][i, sl] = gbufs[b][i, sl] * SCALE

            write(j, b).start()
        return 0

    lax.fori_loop(0, n_rounds, round_body, 0)

    for b in range(NBUF):
        write(steps_per_w - NBUF + b, b).wait()


def kernel(x, table):
    b0, b1 = x.shape
    total = b0 * b1
    n_steps = total // STEP
    steps_per_w = n_steps // NUM_WORKERS
    assert n_steps * STEP == total and steps_per_w * NUM_WORKERS == n_steps
    assert steps_per_w % NBUF == 0

    idx1d = x.reshape(total).astype(jnp.int32)

    mesh = plsc.VectorSubcoreMesh(core_axis_name="c", subcore_axis_name="s")
    out = pl.kernel(
        functools.partial(_emb_kernel, steps_per_w),
        mesh=mesh,
        out_type=jax.ShapeDtypeStruct((total, D_MODEL), jnp.float32),
        scratch_types=[
            pltpu.VMEM((steps_per_w * STEP,), jnp.int32),
            [pltpu.VMEM((STEP, D_MODEL), jnp.float32) for _ in range(NBUF)],
            [pltpu.VMEM((STEP, D_MODEL), jnp.float32) for _ in range(NBUF)],
            [pltpu.SemaphoreType.DMA for _ in range(NBUF)],
            [pltpu.SemaphoreType.DMA for _ in range(NBUF)],
        ],
    )(idx1d, table)
    return out.reshape(b0, b1, D_MODEL)

# --- scband reference (transcript-rebuilt; emitter-appended) ---
"""Pipeline reference for scband-embedding-86139864088704 (READ-ONLY COPY).

The authoritative reference and input builder live on the scoring server;
editing this copy changes nothing except your own understanding.
"""

import jax, jax.numpy as jnp
import numpy as np

DICT_LEN = 1000000
D_MODEL = 64

def setup_inputs(seed: int = 0) -> dict:
    key = jax.random.key(seed)
    k1, k2 = jax.random.split(key)
    x = jax.random.randint(k1, (4096, 50), 0, DICT_LEN, dtype=jnp.int64 if jax.config.jax_enable_x64 else jnp.int32)
    table = jax.random.normal(k2, (DICT_LEN, D_MODEL), dtype=jnp.float32)
    return {"x": x, "table": table}

def reference(x, table):
    out = jnp.take(table, x, axis=0)
    out = out * (D_MODEL ** 0.5)
    return out

if __name__ == "__main__":
    import jax
    _d = setup_inputs()
    print(jax.jit(kernel)(*tuple(_d.values())))

</pallas_src>

<mosaic_0001>
#map = affine_map<(d0, d1) -> (0)>
#map1 = affine_map<(d0, d1) -> (0, 0)>
module attributes {stable_mosaic.version = 14 : i64} {
  func.func @_emb_kernel(%arg0: i32, %arg1: i32, %arg2: memref<204800xi32, #tpu.memory_space<hbm>>, %arg3: memref<1000000x64xf32, #tpu.memory_space<hbm>>, %arg4: memref<204800x64xf32, #tpu.memory_space<hbm>>, %arg5: memref<6400xi32, #tpu.memory_space<vmem>>, %arg6: memref<128x64xf32, #tpu.memory_space<vmem>>, %arg7: memref<128x64xf32, #tpu.memory_space<vmem>>, %arg8: memref<128x64xf32, #tpu.memory_space<vmem>>, %arg9: memref<128x64xf32, #tpu.memory_space<vmem>>, %arg10: memref<!tpu.dma_semaphore, #tpu.memory_space<semaphore_mem>>, %arg11: memref<!tpu.dma_semaphore, #tpu.memory_space<semaphore_mem>>, %arg12: memref<!tpu.dma_semaphore, #tpu.memory_space<semaphore_mem>>, %arg13: memref<!tpu.dma_semaphore, #tpu.memory_space<semaphore_mem>>) attributes {dimension_semantics = [#tpu.dimension_semantics<core_parallel>, #tpu.dimension_semantics<subcore_parallel>], iteration_bounds = array<i64: 2, 16>, scalar_prefetch = 0 : i64, scratch_operands = 9 : i64, tpu.core_type = #tpu.core_type<sc_vector_subcore>, window_params = [{transform_indices = #map}, {transform_indices = #map1}, {transform_indices = #map1}]} {
    %mul3A = arith.constant 2 : i32
    %mul3A_0 = arith.muli %arg1, %mul3A : i32
    %add3A = arith.addi %mul3A_0, %arg0 : i32
    %mul3A_1 = arith.constant 6400 : i32
    %mul3A_2 = arith.muli %add3A, %mul3A_1 : i32
    "tpu.region"() ({
      %run_scoped3A = tpu.sem_alloc : memref<!tpu.dma_semaphore, #tpu.memory_space<semaphore_mem>>
      %dma_start3A = tpu.memref_slice %arg2[%mul3A_2] : memref<204800xi32, #tpu.memory_space<hbm>> -> memref<6400xi32, #tpu.memory_space<hbm>>
      %dma_start3A_27 = tpu.memref_slice %arg2[%mul3A_2] : memref<204800xi32, #tpu.memory_space<hbm>> -> memref<6400xi32, #tpu.memory_space<hbm>>
      tpu.enqueue_dma source(%dma_start3A_27 : memref<6400xi32, #tpu.memory_space<hbm>>) target(%arg5 : memref<6400xi32, #tpu.memory_space<vmem>>) target_semaphore(%run_scoped3A : memref<!tpu.dma_semaphore, #tpu.memory_space<semaphore_mem>>)
      %dma_wait3A_28 = tpu.memref_slice %arg2[%mul3A_2] : memref<204800xi32, #tpu.memory_space<hbm>> -> memref<6400xi32, #tpu.memory_space<hbm>>
      %dma_wait3A_29 = tpu.memref_slice %arg2[%mul3A_2] : memref<204800xi32, #tpu.memory_space<hbm>> -> memref<6400xi32, #tpu.memory_space<hbm>>
      tpu.wait_dma2 semaphore(%run_scoped3A : memref<!tpu.dma_semaphore, #tpu.memory_space<semaphore_mem>>) src(%dma_wait3A_29 : memref<6400xi32, #tpu.memory_space<hbm>>) dst(%arg5 : memref<6400xi32, #tpu.memory_space<vmem>>)
      tpu.yield
    }) : () -> ()
    %scan3A = arith.constant 0 : i32
    %scan3A_3 = arith.constant 0 : i32
    %scan3A_4 = arith.constant 8 : i32
    %scan3A_5 = arith.addi %scan3A_3, %scan3A_4 : i32
    %scan3A_6 = arith.constant 4 : i32
    %scan3A_7 = scf.for %scan3A_27 = %scan3A_3 to %scan3A_5 step %scan3A_6 iter_args(%scan3A_28 = %scan3A) -> (i32)  : i32 {
      %mul3A_29 = arith.constant 16 : i32
      %mul3A_30 = arith.muli %scan3A_27, %mul3A_29 : i32
      %add3A_31 = arith.constant 0 : i32
      %add3A_32 = arith.addi %add3A_31, %mul3A_30 : i32
      %get3A = arith.index_cast %add3A_32 : i32 to index
      %get3A_33 = tpu.vector_load %arg5[%get3A] {strides = array<i32>} : memref<6400xi32, #tpu.memory_space<vmem>>, vector<16xi32>,
      %get3A_34 = vector.shape_cast %get3A_33 : vector<16xi32> to vector<16xi32>
      %slice3A = vector.extract_strided_slice %get3A_34 {offsets = [0], sizes = [1], strides = [1]} : vector<16xi32> to vector<1xi32>
      %squeeze3A = vector.extract %slice3A[0] : i32 from vector<1xi32>
      %add3A_35 = arith.constant 0 : i32
      %add3A_36 = arith.addi %mul3A_30, %add3A_35 : i32
      %dma_start3A = arith.constant 0 : i32
      %dma_start3A_37 = tpu.memref_slice %arg6[%add3A_36, %dma_start3A] : memref<128x64xf32, #tpu.memory_space<vmem>> -> memref<1x64xf32, #tpu.memory_space<vmem>>
      %dma_start3A_38 = tpu.memref_squeeze %dma_start3A_37 : memref<1x64xf32, #tpu.memory_space<vmem>> -> memref<64xf32, #tpu.memory_space<vmem>>
      %dma_start3A_39 = arith.constant 0 : i32
      %dma_start3A_40 = tpu.memref_slice %arg3[%squeeze3A, %dma_start3A_39] : memref<1000000x64xf32, #tpu.memory_space<hbm>> -> memref<1x64xf32, #tpu.memory_space<hbm>>
      %dma_start3A_41 = tpu.memref_squeeze %dma_start3A_40 : memref<1x64xf32, #tpu.memory_space<hbm>> -> memref<64xf32, #tpu.memory_space<hbm>>
      %dma_start3A_42 = arith.constant 0 : i32
      %dma_start3A_43 = tpu.memref_slice %arg6[%add3A_36, %dma_start3A_42] : memref<128x64xf32, #tpu.memory_space<vmem>> -> memref<1x64xf32, #tpu.memory_space<vmem>>
      %dma_start3A_44 = tpu.memref_squeeze %dma_start3A_43 : memref<1x64xf32, #tpu.memory_space<vmem>> -> memref<64xf32, #tpu.memory_space<vmem>>
      %dma_start3A_45 = arith.constant 0 : i32
      %dma_start3A_46 = tpu.memref_slice %arg3[%squeeze3A, %dma_start3A_45] : memref<1000000x64xf32, #tpu.memory_space<hbm>> -> memref<1x64xf32, #tpu.memory_space<hbm>>
      %dma_start3A_47 = tpu.memref_squeeze %dma_start3A_46 : memref<1x64xf32, #tpu.memory_space<hbm>> -> memref<64xf32, #tpu.memory_space<hbm>>
      tpu.enqueue_dma source(%dma_start3A_47 : memref<64xf32, #tpu.memory_space<hbm>>) target(%dma_start3A_44 : memref<64xf32, #tpu.memory_space<vmem>>) target_semaphore(%arg10 : memref<!tpu.dma_semaphore, #tpu.memory_space<semaphore_mem>>)
      %slice3A_48 = vector.extract_strided_slice %get3A_34 {offsets = [1], sizes = [1], strides = [1]} : vector<16xi32> to vector<1xi32>
      %squeeze3A_49 = vector.extract %slice3A_48[0] : i32 from vector<1xi32>
      %add3A_50 = arith.constant 1 : i32
      %add3A_51 = arith.addi %mul3A_30, %add3A_50 : i32
      %dma_start3A_52 = arith.constant 0 : i32
      %dma_start3A_53 = tpu.memref_slice %arg6[%add3A_51, %dma_start3A_52] : memref<128x64xf32, #tpu.memory_space<vmem>> -> memref<1x64xf32, #tpu.memory_space<vmem>>
      %dma_start3A_54 = tpu.memref_squeeze %dma_start3A_53 : memref<1x64xf32, #tpu.memory_space<vmem>> -> memref<64xf32, #tpu.memory_space<vmem>>
      %dma_start3A_55 = arith.constant 0 : i32
      %dma_start3A_56 = tpu.memref_slice %arg3[%squeeze3A_49, %dma_start3A_55] : memref<1000000x64xf32, #tpu.memory_space<hbm>> -> memref<1x64xf32, #tpu.memory_space<hbm>>
      %dma_start3A_57 = tpu.memref_squeeze %dma_start3A_56 : memref<1x64xf32, #tpu.memory_space<hbm>> -> memref<64xf32, #tpu.memory_space<hbm>>
      %dma_start3A_58 = arith.constant 0 : i32
      %dma_start3A_59 = tpu.memref_slice %arg6[%add3A_51, %dma_start3A_58] : memref<128x64xf32, #tpu.memory_space<vmem>> -> memref<1x64xf32, #tpu.memory_space<vmem>>
      %dma_start3A_60 = tpu.memref_squeeze %dma_start3A_59 : memref<1x64xf32, #tpu.memory_space<vmem>> -> memref<64xf32, #tpu.memory_space<vmem>>
      %dma_start3A_61 = arith.constant 0 : i32
      %dma_start3A_62 = tpu.memref_slice %arg3[%squeeze3A_49, %dma_start3A_61] : memref<1000000x64xf32, #tpu.memory_space<hbm>> -> memref<1x64xf32, #tpu.memory_space<hbm>>
      %dma_start3A_63 = tpu.memref_squeeze %dma_start3A_62 : memref<1x64xf32, #tpu.memory_space<hbm>> -> memref<64xf32, #tpu.memory_space<hbm>>
      tpu.enqueue_dma source(%dma_start3A_63 : memref<64xf32, #tpu.memory_space<hbm>>) target(%dma_start3A_60 : memref<64xf32, #tpu.memory_space<vmem>>) target_semaphore(%arg10 : memref<!tpu.dma_semaphore, #tpu.memory_space<semaphore_mem>>)
      %slice3A_64 = vector.extract_strided_slice %get3A_34 {offsets = [2], sizes = [1], strides = [1]} : vector<16xi32> to vector<1xi32>
      %squeeze3A_65 = vector.extract %slice3A_64[0] : i32 from vector<1xi32>
      %add3A_66 = arith.constant 2 : i32
      %add3A_67 = arith.addi %mul3A_30, %add3A_66 : i32
      %dma_start3A_68 = arith.constant 0 : i32
      %dma_start3A_69 = tpu.memref_slice %arg6[%add3A_67, %dma_start3A_68] : memref<128x64xf32, #tpu.memory_space<vmem>> -> memref<1x64xf32, #tpu.memory_space<vmem>>
      %dma_start3A_70 = tpu.memref_squeeze %dma_start3A_69 : memref<1x64xf32, #tpu.memory_space<vmem>> -> memref<64xf32, #tpu.memory_space<vmem>>
      %dma_start3A_71 = arith.constant 0 : i32
      %dma_start3A_72 = tpu.memref_slice %arg3[%squeeze3A_65, %dma_start3A_71] : memref<1000000x64xf32, #tpu.memory_space<hbm>> -> memref<1x64xf32, #tpu.memory_space<hbm>>
      %dma_start3A_73 = tpu.memref_squeeze %dma_start3A_72 : memref<1x64xf32, #tpu.memory_space<hbm>> -> memref<64xf32, #tpu.memory_space<hbm>>
      %dma_start3A_74 = arith.constant 0 : i32
      %dma_start3A_75 = tpu.memref_slice %arg6[%add3A_67, %dma_start3A_74] : memref<128x64xf32, #tpu.memory_space<vmem>> -> memref<1x64xf32, #tpu.memory_space<vmem>>
      %dma_start3A_76 = tpu.memref_squeeze %dma_start3A_75 : memref<1x64xf32, #tpu.memory_space<vmem>> -> memref<64xf32, #tpu.memory_space<vmem>>
      %dma_start3A_77 = arith.constant 0 : i32
      %dma_start3A_78 = tpu.memref_slice %arg3[%squeeze3A_65, %dma_start3A_77] : memref<1000000x64xf32, #tpu.memory_space<hbm>> -> memref<1x64xf32, #tpu.memory_space<hbm>>
      %dma_start3A_79 = tpu.memref_squeeze %dma_start3A_78 : memref<1x64xf32, #tpu.memory_space<hbm>> -> memref<64xf32, #tpu.memory_space<hbm>>
      tpu.enqueue_dma source(%dma_start3A_79 : memref<64xf32, #tpu.memory_space<hbm>>) target(%dma_start3A_76 : memref<64xf32, #tpu.memory_space<vmem>>) target_semaphore(%arg10 : memref<!tpu.dma_semaphore, #tpu.memory_space<semaphore_mem>>)
      %slice3A_80 = vector.extract_strided_slice %get3A_34 {offsets = [3], sizes = [1], strides = [1]} : vector<16xi32> to vector<1xi32>
      %squeeze3A_81 = vector.extract %slice3A_80[0] : i32 from vector<1xi32>
      %add3A_82 = arith.constant 3 : i32
      %add3A_83 = arith.addi %mul3A_30, %add3A_82 : i32
      %dma_start3A_84 = arith.constant 0 : i32
      %dma_start3A_85 = tpu.memref_slice %arg6[%add3A_83, %dma_start3A_84] : memref<128x64xf32, #tpu.memory_space<vmem>> -> memref<1x64xf32, #tpu.memory_space<vmem>>
      %dma_start3A_86 = tpu.memref_squeeze %dma_start3A_85 : memref<1x64xf32, #tpu.memory_space<vmem>> -> memref<64xf32, #tpu.memory_space<vmem>>
      %dma_start3A_87 = arith.constant 0 : i32
      %dma_start3A_88 = tpu.memref_slice %arg3[%squeeze3A_81, %dma_start3A_87] : memref<1000000x64xf32, #tpu.memory_space<hbm>> -> memref<1x64xf32, #tpu.memory_space<hbm>>
      %dma_start3A_89 = tpu.memref_squeeze %dma_start3A_88 : memref<1x64xf32, #tpu.memory_space<hbm>> -> memref<64xf32, #tpu.memory_space<hbm>>
      %dma_start3A_90 = arith.constant 0 : i32
      %dma_start3A_91 = tpu.memref_slice %arg6[%add3A_83, %dma_start3A_90] : memref<128x64xf32, #tpu.memory_space<vmem>> -> memref<1x64xf32, #tpu.memory_space<vmem>>
      %dma_start3A_92 = tpu.memref_squeeze %dma_start3A_91 : memref<1x64xf32, #tpu.memory_space<vmem>> -> memref<64xf32, #tpu.memory_space<vmem>>
      %dma_start3A_93 = arith.constant 0 : i32
      %dma_start3A_94 = tpu.memref_slice %arg3[%squeeze3A_81, %dma_start3A_93] : memref<1000000x64xf32, #tpu.memory_space<hbm>> -> memref<1x64xf32, #tpu.memory_space<hbm>>
      %dma_start3A_95 = tpu.memref_squeeze %dma_start3A_94 : memref<1x64xf32, #tpu.memory_space<hbm>> -> memref<64xf32, #tpu.memory_space<hbm>>
      tpu.enqueue_dma source(%dma_start3A_95 : memref<64xf32, #tpu.memory_space<hbm>>) target(%dma_start3A_92 : memref<64xf32, #tpu.memory_space<vmem>>) target_semaphore(%arg10 : memref<!tpu.dma_semaphore, #tpu.memory_space<semaphore_mem>>)
      %slice3A_96 = vector.extract_strided_slice %get3A_34 {offsets = [4], sizes = [1], strides = [1]} : vector<16xi32> to vector<1xi32>
      %squeeze3A_97 = vector.extract %slice3A_96[0] : i32 from vector<1xi32>
      %add3A_98 = arith.constant 4 : i32
      %add3A_99 = arith.addi %mul3A_30, %add3A_98 : i32
      %dma_start3A_100 = arith.constant 0 : i32
      %dma_start3A_101 = tpu.memref_slice %arg6[%add3A_99, %dma_start3A_100] : memref<128x64xf32, #tpu.memory_space<vmem>> -> memref<1x64xf32, #tpu.memory_space<vmem>>
      %dma_start3A_102 = tpu.memref_squeeze %dma_start3A_101 : memref<1x64xf32, #tpu.memory_space<vmem>> -> memref<64xf32, #tpu.memory_space<vmem>>
      %dma_start3A_103 = arith.constant 0 : i32
      %dma_start3A_104 = tpu.memref_slice %arg3[%squeeze3A_97, %dma_start3A_103] : memref<1000000x64xf32, #tpu.memory_space<hbm>> -> memref<1x64xf32, #tpu.memory_space<hbm>>
      %dma_start3A_105 = tpu.memref_squeeze %dma_start3A_104 : memref<1x64xf32, #tpu.memory_space<hbm>> -> memref<64xf32, #tpu.memory_space<hbm>>
      %dma_start3A_106 = arith.constant 0 : i32
      %dma_start3A_107 = tpu.memref_slice %arg6[%add3A_99, %dma_start3A_106] : memref<128x64xf32, #tpu.memory_space<vmem>> -> memref<1x64xf32, #tpu.memory_space<vmem>>
      %dma_start3A_108 = tpu.memref_squeeze %dma_start3A_107 : memref<1x64xf32, #tpu.memory_space<vmem>> -> memref<64xf32, #tpu.memory_space<vmem>>
      %dma_start3A_109 = arith.constant 0 : i32
      %dma_start3A_110 = tpu.memref_slice %arg3[%squeeze3A_97, %dma_start3A_109] : memref<1000000x64xf32, #tpu.memory_space<hbm>> -> memref<1x64xf32, #tpu.memory_space<hbm>>
      %dma_start3A_111 = tpu.memref_squeeze %dma_start3A_110 : memref<1x64xf32, #tpu.memory_space<hbm>> -> memref<64xf32, #tpu.memory_space<hbm>>
      tpu.enqueue_dma source(%dma_start3A_111 : memref<64xf32, #tpu.memory_space<hbm>>) target(%dma_start3A_108 : memref<64xf32, #tpu.memory_space<vmem>>) target_semaphore(%arg10 : memref<!tpu.dma_semaphore, #tpu.memory_space<semaphore_mem>>)
      %slice3A_112 = vector.extract_strided_slice %get3A_34 {offsets = [5], sizes = [1], strides = [1]} : vector<16xi32> to vector<1xi32>
      %squeeze3A_113 = vector.extract %slice3A_112[0] : i32 from vector<1xi32>
      %add3A_114 = arith.constant 5 : i32
      %add3A_115 = arith.addi %mul3A_30, %add3A_114 : i32
      %dma_start3A_116 = arith.constant 0 : i32
      %dma_start3A_117 = tpu.memref_slice %arg6[%add3A_115, %dma_start3A_116] : memref<128x64xf32, #tpu.memory_space<vmem>> -> memref<1x64xf32, #tpu.memory_space<vmem>>
      %dma_start3A_118 = tpu.memref_squeeze %dma_start3A_117 : memref<1x64xf32, #tpu.memory_space<vmem>> -> memref<64xf32, #tpu.memory_space<vmem>>
      %dma_start3A_119 = arith.constant 0 : i32
      %dma_start3A_120 = tpu.memref_slice %arg3[%squeeze3A_113, %dma_start3A_119] : memref<1000000x64xf32, #tpu.memory_space<hbm>> -> memref<1x64xf32, #tpu.memory_space<hbm>>
      %dma_start3A_121 = tpu.memref_squeeze %dma_start3A_120 : memref<1x64xf32, #tpu.memory_space<hbm>> -> memref<64xf32, #tpu.memory_space<hbm>>
      %dma_start3A_122 = arith.constant 0 : i32
      %dma_start3A_123 = tpu.memref_slice %arg6[%add3A_115, %dma_start3A_122] : memref<128x64xf32, #tpu.memory_space<vmem>> -> memref<1x64xf32, #tpu.memory_space<vmem>>
      %dma_start3A_124 = tpu.memref_squeeze %dma_start3A_123 : memref<1x64xf32, #tpu.memory_space<vmem>> -> memref<64xf32, #tpu.memory_space<vmem>>
      %dma_start3A_125 = arith.constant 0 : i32
      %dma_start3A_126 = tpu.memref_slice %arg3[%squeeze3A_113, %dma_start3A_125] : memref<1000000x64xf32, #tpu.memory_space<hbm>> -> memref<1x64xf32, #tpu.memory_space<hbm>>
      %dma_start3A_127 = tpu.memref_squeeze %dma_start3A_126 : memref<1x64xf32, #tpu.memory_space<hbm>> -> memref<64xf32, #tpu.memory_space<hbm>>
      tpu.enqueue_dma source(%dma_start3A_127 : memref<64xf32, #tpu.memory_space<hbm>>) target(%dma_start3A_124 : memref<64xf32, #tpu.memory_space<vmem>>) target_semaphore(%arg10 : memref<!tpu.dma_semaphore, #tpu.memory_space<semaphore_mem>>)
      %slice3A_128 = vector.extract_strided_slice %get3A_34 {offsets = [6], sizes = [1], strides = [1]} : vector<16xi32> to vector<1xi32>
      %squeeze3A_129 = vector.extract %slice3A_128[0] : i32 from vector<1xi32>
      %add3A_130 = arith.constant 6 : i32
      %add3A_131 = arith.addi %mul3A_30, %add3A_130 : i32
      %dma_start3A_132 = arith.constant 0 : i32
      %dma_start3A_133 = tpu.memref_slice %arg6[%add3A_131, %dma_start3A_132] : memref<128x64xf32, #tpu.memory_space<vmem>> -> memref<1x64xf32, #tpu.memory_space<vmem>>
      %dma_start3A_134 = tpu.memref_squeeze %dma_start3A_133 : memref<1x64xf32, #tpu.memory_space<vmem>> -> memref<64xf32, #tpu.memory_space<vmem>>
      %dma_start3A_135 = arith.constant 0 : i32
      %dma_start3A_136 = tpu.memref_slice %arg3[%squeeze3A_129, %dma_start3A_135] : memref<1000000x64xf32, #tpu.memory_space<hbm>> -> memref<1x64xf32, #tpu.memory_space<hbm>>
      %dma_start3A_137 = tpu.memref_squeeze %dma_start3A_136 : memref<1x64xf32, #tpu.memory_space<hbm>> -> memref<64xf32, #tpu.memory_space<hbm>>
      %dma_start3A_138 = arith.constant 0 : i32
      %dma_start3A_139 = tpu.memref_slice %arg6[%add3A_131, %dma_start3A_138] : memref<128x64xf32, #tpu.memory_space<vmem>> -> memref<1x64xf32, #tpu.memory_space<vmem>>
      %dma_start3A_140 = tpu.memref_squeeze %dma_start3A_139 : memref<1x64xf32, #tpu.memory_space<vmem>> -> memref<64xf32, #tpu.memory_space<vmem>>
      %dma_start3A_141 = arith.constant 0 : i32
      %dma_start3A_142 = tpu.memref_slice %arg3[%squeeze3A_129, %dma_start3A_141] : memref<1000000x64xf32, #tpu.memory_space<hbm>> -> memref<1x64xf32, #tpu.memory_space<hbm>>
      %dma_start3A_143 = tpu.memref_squeeze %dma_start3A_142 : memref<1x64xf32, #tpu.memory_space<hbm>> -> memref<64xf32, #tpu.memory_space<hbm>>
      tpu.enqueue_dma source(%dma_start3A_143 : memref<64xf32, #tpu.memory_space<hbm>>) target(%dma_start3A_140 : memref<64xf32, #tpu.memory_space<vmem>>) target_semaphore(%arg10 : memref<!tpu.dma_semaphore, #tpu.memory_space<semaphore_mem>>)
      %slice3A_144 = vector.extract_strided_slice %get3A_34 {offsets = [7], sizes = [1], strides = [1]} : vector<16xi32> to vector<1xi32>
      %squeeze3A_145 = vector.extract %slice3A_144[0] : i32 from vector<1xi32>
      %add3A_146 = arith.constant 7 : i32
      %add3A_147 = arith.addi %mul3A_30, %add3A_146 : i32
      %dma_start3A_148 = arith.constant 0 : i32
      %dma_start3A_149 = tpu.memref_slice %arg6[%add3A_147, %dma_start3A_148] : memref<128x64xf32, #tpu.memory_space<vmem>> -> memref<1x64xf32, #tpu.memory_space<vmem>>
      %dma_start3A_150 = tpu.memref_squeeze %dma_start3A_149 : memref<1x64xf32, #tpu.memory_space<vmem>> -> memref<64xf32, #tpu.memory_space<vmem>>
      %dma_start3A_151 = arith.constant 0 : i32
      %dma_start3A_152 = tpu.memref_slice %arg3[%squeeze3A_145, %dma_start3A_151] : memref<1000000x64xf32, #tpu.memory_space<hbm>> -> memref<1x64xf32, #tpu.memory_space<hbm>>
      %dma_start3A_153 = tpu.memref_squeeze %dma_start3A_152 : memref<1x64xf32, #tpu.memory_space<hbm>> -> memref<64xf32, #tpu.memory_space<hbm>>
      %dma_start3A_154 = arith.constant 0 : i32
      %dma_start3A_155 = tpu.memref_slice %arg6[%add3A_147, %dma_start3A_154] : memref<128x64xf32, #tpu.memory_space<vmem>> -> memref<1x64xf32, #tpu.memory_space<vmem>>
      %dma_start3A_156 = tpu.memref_squeeze %dma_start3A_155 : memref<1x64xf32, #tpu.memory_space<vmem>> -> memref<64xf32, #tpu.memory_space<vmem>>
      %dma_start3A_157 = arith.constant 0 : i32
      %dma_start3A_158 = tpu.memref_slice %arg3[%squeeze3A_145, %dma_start3A_157] : memref<1000000x64xf32, #tpu.memory_space<hbm>> -> memref<1x64xf32, #tpu.memory_space<hbm>>
      %dma_start3A_159 = tpu.memref_squeeze %dma_start3A_158 : memref<1x64xf32, #tpu.memory_space<hbm>> -> memref<64xf32, #tpu.memory_space<hbm>>
      tpu.enqueue_dma source(%dma_start3A_159 : memref<64xf32, #tpu.memory_space<hbm>>) target(%dma_start3A_156 : memref<64xf32, #tpu.memory_space<vmem>>) target_semaphore(%arg10 : memref<!tpu.dma_semaphore, #tpu.memory_space<semaphore_mem>>)
      %slice3A_160 = vector.extract_strided_slice %get3A_34 {offsets = [8], sizes = [1], strides = [1]} : vector<16xi32> to vector<1xi32>
      %squeeze3A_161 = vector.extract %slice3A_160[0] : i32 from vector<1xi32>
      %add3A_162 = arith.constant 8 : i32
      %add3A_163 = arith.addi %mul3A_30, %add3A_162 : i32
      %dma_start3A_164 = arith.constant 0 : i32
      %dma_start3A_165 = tpu.memref_slice %arg6[%add3A_163, %dma_start3A_164] : memref<128x64xf32, #tpu.memory_space<vmem>> -> memref<1x64xf32, #tpu.memory_space<vmem>>
      %dma_start3A_166 = tpu.memref_squeeze %dma_start3A_165 : memref<1x64xf32, #tpu.memory_space<vmem>> -> memref<64xf32, #tpu.memory_space<vmem>>
      %dma_start3A_167 = arith.constant 0 : i32
      %dma_start3A_168 = tpu.memref_slice %arg3[%squeeze3A_161, %dma_start3A_167] : memref<1000000x64xf32, #tpu.memory_space<hbm>> -> memref<1x64xf32, #tpu.memory_space<hbm>>
      %dma_start3A_169 = tpu.memref_squeeze %dma_start3A_168 : memref<1x64xf32, #tpu.memory_space<hbm>> -> memref<64xf32, #tpu.memory_space<hbm>>
      %dma_start3A_170 = arith.constant 0 : i32
      %dma_start3A_171 = tpu.memref_slice %arg6[%add3A_163, %dma_start3A_170] : memref<128x64xf32, #tpu.memory_space<vmem>> -> memref<1x64xf32, #tpu.memory_space<vmem>>
      %dma_start3A_172 = tpu.memref_squeeze %dma_start3A_171 : memref<1x64xf32, #tpu.memory_space<vmem>> -> memref<64xf32, #tpu.memory_space<vmem>>
      %dma_start3A_173 = arith.constant 0 : i32
      %dma_start3A_174 = tpu.memref_slice %arg3[%squeeze3A_161, %dma_start3A_173] : memref<1000000x64xf32, #tpu.memory_space<hbm>> -> memref<1x64xf32, #tpu.memory_space<hbm>>
      %dma_start3A_175 = tpu.memref_squeeze %dma_start3A_174 : memref<1x64xf32, #tpu.memory_space<hbm>> -> memref<64xf32, #tpu.memory_space<hbm>>
      tpu.enqueue_dma source(%dma_start3A_175 : memref<64xf32, #tpu.memory_space<hbm>>) target(%dma_start3A_172 : memref<64xf32, #tpu.memory_space<vmem>>) target_semaphore(%arg10 : memref<!tpu.dma_semaphore, #tpu.memory_space<semaphore_mem>>)
      %slice3A_176 = vector.extract_strided_slice %get3A_34 {offsets = [9], sizes = [1], strides = [1]} : vector<16xi32> to vector<1xi32>
      %squeeze3A_177 = vector.extract %slice3A_176[0] : i32 from vector<1xi32>
      %add3A_178 = arith.constant 9 : i32
      %add3A_179 = arith.addi %mul3A_30, %add3A_178 : i32
      %dma_start3A_180 = arith.constant 0 : i32
      %dma_start3A_181 = tpu.memref_slice %arg6[%add3A_179, %dma_start3A_180] : memref<128x64xf32, #tpu.memory_space<vmem>> -> memref<1x64xf32, #tpu.memory_space<vmem>>
      %dma_start3A_182 = tpu.memref_squeeze %dma_start3A_181 : memref<1x64xf32, #tpu.memory_space<vmem>> -> memref<64xf32, #tpu.memory_space<vmem>>
      %dma_start3A_183 = arith.constant 0 : i32
      %dma_start3A_184 = tpu.memref_slice %arg3[%squeeze3A_177, %dma_start3A_183] : memref<1000000x64xf32, #tpu.memory_space<hbm>> -> memref<1x64xf32, #tpu.memory_space<hbm>>
      %dma_start3A_185 = tpu.memref_squeeze %dma_start3A_184 : memref<1x64xf32, #tpu.memory_space<hbm>> -> memref<64xf32, #tpu.memory_space<hbm>>
      %dma_start3A_186 = arith.constant 0 : i32
      %dma_start3A_187 = tpu.memref_slice %arg6[%add3A_179, %dma_start3A_186] : memref<128x64xf32, #tpu.memory_space<vmem>> -> memref<1x64xf32, #tpu.memory_space<vmem>>
      %dma_start3A_188 = tpu.memref_squeeze %dma_start3A_187 : memref<1x64xf32, #tpu.memory_space<vmem>> -> memref<64xf32, #tpu.memory_space<vmem>>
      %dma_start3A_189 = arith.constant 0 : i32
      %dma_start3A_190 = tpu.memref_slice %arg3[%squeeze3A_177, %dma_start3A_189] : memref<1000000x64xf32, #tpu.memory_space<hbm>> -> memref<1x64xf32, #tpu.memory_space<hbm>>
      %dma_start3A_191 = tpu.memref_squeeze %dma_start3A_190 : memref<1x64xf32, #tpu.memory_space<hbm>> -> memref<64xf32, #tpu.memory_space<hbm>>
      tpu.enqueue_dma source(%dma_start3A_191 : memref<64xf32, #tpu.memory_space<hbm>>) target(%dma_start3A_188 : memref<64xf32, #tpu.memory_space<vmem>>) target_semaphore(%arg10 : memref<!tpu.dma_semaphore, #tpu.memory_space<semaphore_mem>>)
      %slice3A_192 = vector.extract_strided_slice %get3A_34 {offsets = [10], sizes = [1], strides = [1]} : vector<16xi32> to vector<1xi32>
      %squeeze3A_193 = vector.extract %slice3A_192[0] : i32 from vector<1xi32>
      %add3A_194 = arith.constant 10 : i32
      %add3A_195 = arith.addi %mul3A_30, %add3A_194 : i32
      %dma_start3A_196 = arith.constant 0 : i32
      %dma_start3A_197 = tpu.memref_slice %arg6[%add3A_195, %dma_start3A_196] : memref<128x64xf32, #tpu.memory_space<vmem>> -> memref<1x64xf32, #tpu.memory_space<vmem>>
      %dma_start3A_198 = tpu.memref_squeeze %dma_start3A_197 : memref<1x64xf32, #tpu.memory_space<vmem>> -> memref<64xf32, #tpu.memory_space<vmem>>
      %dma_start3A_199 = arith.constant 0 : i32
      %dma_start3A_200 = tpu.memref_slice %arg3[%squeeze3A_193, %dma_start3A_199] : memref<1000000x64xf32, #tpu.memory_space<hbm>> -> memref<1x64xf32, #tpu.memory_space<hbm>>
      %dma_start3A_201 = tpu.memref_squeeze %dma_start3A_200 : memref<1x64xf32, #tpu.memory_space<hbm>> -> memref<64xf32, #tpu.memory_space<hbm>>
      %dma_start3A_202 = arith.constant 0 : i32
      %dma_start3A_203 = tpu.memref_slice %arg6[%add3A_195, %dma_start3A_202] : memref<128x64xf32, #tpu.memory_space<vmem>> -> memref<1x64xf32, #tpu.memory_space<vmem>>
      %dma_start3A_204 = tpu.memref_squeeze %dma_start3A_203 : memref<1x64xf32, #tpu.memory_space<vmem>> -> memref<64xf32, #tpu.memory_space<vmem>>
      %dma_start3A_205 = arith.constant 0 : i32
      %dma_start3A_206 = tpu.memref_slice %arg3[%squeeze3A_193, %dma_start3A_205] : memref<1000000x64xf32, #tpu.memory_space<hbm>> -> memref<1x64xf32, #tpu.memory_space<hbm>>
      %dma_start3A_207 = tpu.memref_squeeze %dma_start3A_206 : memref<1x64xf32, #tpu.memory_space<hbm>> -> memref<64xf32, #tpu.memory_space<hbm>>
      tpu.enqueue_dma source(%dma_start3A_207 : memref<64xf32, #tpu.memory_space<hbm>>) target(%dma_start3A_204 : memref<64xf32, #tpu.memory_space<vmem>>) target_semaphore(%arg10 : memref<!tpu.dma_semaphore, #tpu.memory_space<semaphore_mem>>)
      %slice3A_208 = vector.extract_strided_slice %get3A_34 {offsets = [11], sizes = [1], strides = [1]} : vector<16xi32> to vector<1xi32>
      %squeeze3A_209 = vector.extract %slice3A_208[0] : i32 from vector<1xi32>
      %add3A_210 = arith.constant 11 : i32
      %add3A_211 = arith.addi %mul3A_30, %add3A_210 : i32
      %dma_start3A_212 = arith.constant 0 : i32
      %dma_start3A_213 = tpu.memref_slice %arg6[%add3A_211, %dma_start3A_212] : memref<128x64xf32, #tpu.memory_space<vmem>> -> memref<1x64xf32, #tpu.memory_space<vmem>>
      %dma_start3A_214 = tpu.memref_squeeze %dma_start3A_213 : memref<1x64xf32, #tpu.memory_space<vmem>> -> memref<64xf32, #tpu.memory_space<vmem>>
      %dma_start3A_215 = arith.constant 0 : i32
      %dma_start3A_216 = tpu.memref_slice %arg3[%squeeze3A_209, %dma_start3A_215] : memref<1000000x64xf32, #tpu.memory_space<hbm>> -> memref<1x64xf32, #tpu.memory_space<hbm>>
      %dma_start3A_217 = tpu.memref_squeeze %dma_start3A_216 : memref<1x64xf32, #tpu.memory_space<hbm>> -> memref<64xf32, #tpu.memory_space<hbm>>
      %dma_start3A_218 = arith.constant 0 : i32
      %dma_start3A_219 = tpu.memref_slice %arg6[%add3A_211, %dma_start3A_218] : memref<128x64xf32, #tpu.memory_space<vmem>> -> memref<1x64xf32, #tpu.memory_space<vmem>>
      %dma_start3A_220 = tpu.memref_squeeze %dma_start3A_219 : memref<1x64xf32, #tpu.memory_space<vmem>> -> memref<64xf32, #tpu.memory_space<vmem>>
      %dma_start3A_221 = arith.constant 0 : i32
      %dma_start3A_222 = tpu.memref_slice %arg3[%squeeze3A_209, %dma_start3A_221] : memref<1000000x64xf32, #tpu.memory_space<hbm>> -> memref<1x64xf32, #tpu.memory_space<hbm>>
      %dma_start3A_223 = tpu.memref_squeeze %dma_start3A_222 : memref<1x64xf32, #tpu.memory_space<hbm>> -> memref<64xf32, #tpu.memory_space<hbm>>
      tpu.enqueue_dma source(%dma_start3A_223 : memref<64xf32, #tpu.memory_space<hbm>>) target(%dma_start3A_220 : memref<64xf32, #tpu.memory_space<vmem>>) target_semaphore(%arg10 : memref<!tpu.dma_semaphore, #tpu.memory_space<semaphore_mem>>)
      %slice3A_224 = vector.extract_strided_slice %get3A_34 {offsets = [12], sizes = [1], strides = [1]} : vector<16xi32> to vector<1xi32>
      %squeeze3A_225 = vector.extract %slice3A_224[0] : i32 from vector<1xi32>
      %add3A_226 = arith.constant 12 : i32
      %add3A_227 = arith.addi %mul3A_30, %add3A_226 : i32
      %dma_start3A_228 = arith.constant 0 : i32
      %dma_start3A_229 = tpu.memref_slice %arg6[%add3A_227, %dma_start3A_228] : memref<128x64xf32, #tpu.memory_space<vmem>> -> memref<1x64xf32, #tpu.memory_space<vmem>>
      %dma_start3A_230 = tpu.memref_squeeze %dma_start3A_229 : memref<1x64xf32, #tpu.memory_space<vmem>> -> memref<64xf32, #tpu.memory_space<vmem>>
      %dma_start3A_231 = arith.constant 0 : i32
      %dma_start3A_232 = tpu.memref_slice %arg3[%squeeze3A_225, %dma_start3A_231] : memref<1000000x64xf32, #tpu.memory_space<hbm>> -> memref<1x64xf32, #tpu.memory_space<hbm>>
      %dma_start3A_233 = tpu.memref_squeeze %dma_start3A_232 : memref<1x64xf32, #tpu.memory_space<hbm>> -> memref<64xf32, #tpu.memory_space<hbm>>
      %dma_start3A_234 = arith.constant 0 : i32
      %dma_start3A_235 = tpu.memref_slice %arg6[%add3A_227, %dma_start3A_234] : memref<128x64xf32, #tpu.memory_space<vmem>> -> memref<1x64xf32, #tpu.memory_space<vmem>>
      %dma_start3A_236 = tpu.memref_squeeze %dma_start3A_235 : memref<1x64xf32, #tpu.memory_space<vmem>> -> memref<64xf32, #tpu.memory_space<vmem>>
      %dma_start3A_237 = arith.constant 0 : i32
      %dma_start3A_238 = tpu.memref_slice %arg3[%squeeze3A_225, %dma_start3A_237] : memref<1000000x64xf32, #tpu.memory_space<hbm>> -> memref<1x64xf32, #tpu.memory_space<hbm>>
      %dma_start3A_239 = tpu.memref_squeeze %dma_start3A_238 : memref<1x64xf32, #tpu.memory_space<hbm>> -> memref<64xf32, #tpu.memory_space<hbm>>
      tpu.enqueue_dma source(%dma_start3A_239 : memref<64xf32, #tpu.memory_space<hbm>>) target(%dma_start3A_236 : memref<64xf32, #tpu.memory_space<vmem>>) target_semaphore(%arg10 : memref<!tpu.dma_semaphore, #tpu.memory_space<semaphore_mem>>)
      %slice3A_240 = vector.extract_strided_slice %get3A_34 {offsets = [13], sizes = [1], strides = [1]} : vector<16xi32> to vector<1xi32>
      %squeeze3A_241 = vector.extract %slice3A_240[0] : i32 from vector<1xi32>
      %add3A_242 = arith.constant 13 : i32
      %add3A_243 = arith.addi %mul3A_30, %add3A_242 : i32
      %dma_start3A_244 = arith.constant 0 : i32
      %dma_start3A_245 = tpu.memref_slice %arg6[%add3A_243, %dma_start3A_244] : memref<128x64xf32, #tpu.memory_space<vmem>> -> memref<1x64xf32, #tpu.memory_space<vmem>>
      %dma_start3A_246 = tpu.memref_squeeze %dma_start3A_245 : memref<1x64xf32, #tpu.memory_space<vmem>> -> memref<64xf32, #tpu.memory_space<vmem>>
      %dma_start3A_247 = arith.constant 0 : i32
      %dma_start3A_248 = tpu.memref_slice %arg3[%squeeze3A_241, %dma_start3A_247] : memref<1000000x64xf32, #tpu.memory_space<hbm>> -> memref<1x64xf32, #tpu.memory_space<hbm>>
      %dma_start3A_249 = tpu.memref_squeeze %dma_start3A_248 : memref<1x64xf32, #tpu.memory_space<hbm>> -> memref<64xf32, #tpu.memory_space<hbm>>
      %dma_start3A_250 = arith.constant 0 : i32
      %dma_start3A_251 = tpu.memref_slice %arg6[%add3A_243, %dma_start3A_250] : memref<128x64xf32, #tpu.memory_space<vmem>> -> memref<1x64xf32, #tpu.memory_space<vmem>>
      %dma_start3A_252 = tpu.memref_squeeze %dma_start3A_251 : memref<1x64xf32, #tpu.memory_space<vmem>> -> memref<64xf32, #tpu.memory_space<vmem>>
      %dma_start3A_253 = arith.constant 0 : i32
      %dma_start3A_254 = tpu.memref_slice %arg3[%squeeze3A_241, %dma_start3A_253] : memref<1000000x64xf32, #tpu.memory_space<hbm>> -> memref<1x64xf32, #tpu.memory_space<hbm>>
      %dma_start3A_255 = tpu.memref_squeeze %dma_start3A_254 : memref<1x64xf32, #tpu.memory_space<hbm>> -> memref<64xf32, #tpu.memory_space<hbm>>
      tpu.enqueue_dma source(%dma_start3A_255 : memref<64xf32, #tpu.memory_space<hbm>>) target(%dma_start3A_252 : memref<64xf32, #tpu.memory_space<vmem>>) target_semaphore(%arg10 : memref<!tpu.dma_semaphore, #tpu.memory_space<semaphore_mem>>)
      %slice3A_256 = vector.extract_strided_slice %get3A_34 {offsets = [14], sizes = [1], strides = [1]} : vector<16xi32> to vector<1xi32>
      %squeeze3A_257 = vector.extract %slice3A_256[0] : i32 from vector<1xi32>
      %add3A_258 = arith.constant 14 : i32
      %add3A_259 = arith.addi %mul3A_30, %add3A_258 : i32
      %dma_start3A_260 = arith.constant 0 : i32
      %dma_start3A_261 = tpu.memref_slice %arg6[%add3A_259, %dma_start3A_260] : memref<128x64xf32, #tpu.memory_space<vmem>> -> memref<1x64xf32, #tpu.memory_space<vmem>>
      %dma_start3A_262 = tpu.memref_squeeze %dma_start3A_261 : memref<1x64xf32, #tpu.memory_space<vmem>> -> memref<64xf32, #tpu.memory_space<vmem>>
      %dma_start3A_263 = arith.constant 0 : i32
      %dma_start3A_264 = tpu.memref_slice %arg3[%squeeze3A_257, %dma_start3A_263] : memref<1000000x64xf32, #tpu.memory_space<hbm>> -> memref<1x64xf32, #tpu.memory_space<hbm>>
      %dma_start3A_265 = tpu.memref_squeeze %dma_start3A_264 : memref<1x64xf32, #tpu.memory_space<hbm>> -> memref<64xf32, #tpu.memory_space<hbm>>
      %dma_start3A_266 = arith.constant 0 : i32
      %dma_start3A_267 = tpu.memref_slice %arg6[%add3A_259, %dma_start3A_266] : memref<128x64xf32, #tpu.memory_space<vmem>> -> memref<1x64xf32, #tpu.memory_space<vmem>>
      %dma_start3A_268 = tpu.memref_squeeze %dma_start3A_267 : memref<1x64xf32, #tpu.memory_space<vmem>> -> memref<64xf32, #tpu.memory_space<vmem>>
      %dma_start3A_269 = arith.constant 0 : i32
      %dma_start3A_270 = tpu.memref_slice %arg3[%squeeze3A_257, %dma_start3A_269] : memref<1000000x64xf32, #tpu.memory_space<hbm>> -> memref<1x64xf32, #tpu.memory_space<hbm>>
      %dma_start3A_271 = tpu.memref_squeeze %dma_start3A_270 : memref<1x64xf32, #tpu.memory_space<hbm>> -> memref<64xf32, #tpu.memory_space<hbm>>
      tpu.enqueue_dma source(%dma_start3A_271 : memref<64xf32, #tpu.memory_space<hbm>>) target(%dma_start3A_268 : memref<64xf32, #tpu.memory_space<vmem>>) target_semaphore(%arg10 : memref<!tpu.dma_semaphore, #tpu.memory_space<semaphore_mem>>)
      %slice3A_272 = vector.extract_strided_slice %get3A_34 {offsets = [15], sizes = [1], strides = [1]} : vector<16xi32> to vector<1xi32>
      %squeeze3A_273 = vector.extract %slice3A_272[0] : i32 from vector<1xi32>
      %add3A_274 = arith.constant 15 : i32
      %add3A_275 = arith.addi %mul3A_30, %add3A_274 : i32
      %dma_start3A_276 = arith.constant 0 : i32
      %dma_start3A_277 = tpu.memref_slice %arg6[%add3A_275, %dma_start3A_276] : memref<128x64xf32, #tpu.memory_space<vmem>> -> memref<1x64xf32, #tpu.memory_space<vmem>>
      %dma_start3A_278 = tpu.memref_squeeze %dma_start3A_277 : memref<1x64xf32, #tpu.memory_space<vmem>> -> memref<64xf32, #tpu.memory_space<vmem>>
      %dma_start3A_279 = arith.constant 0 : i32
      %dma_start3A_280 = tpu.memref_slice %arg3[%squeeze3A_273, %dma_start3A_279] : memref<1000000x64xf32, #tpu.memory_space<hbm>> -> memref<1x64xf32, #tpu.memory_space<hbm>>
      %dma_start3A_281 = tpu.memref_squeeze %dma_start3A_280 : memref<1x64xf32, #tpu.memory_space<hbm>> -> memref<64xf32, #tpu.memory_space<hbm>>
      %dma_start3A_282 = arith.constant 0 : i32
      %dma_start3A_283 = tpu.memref_slice %arg6[%add3A_275, %dma_start3A_282] : memref<128x64xf32, #tpu.memory_space<vmem>> -> memref<1x64xf32, #tpu.memory_space<vmem>>
      %dma_start3A_284 = tpu.memref_squeeze %dma_start3A_283 : memref<1x64xf32, #tpu.memory_space<vmem>> -> memref<64xf32, #tpu.memory_space<vmem>>
      %dma_start3A_285 = arith.constant 0 : i32
      %dma_start3A_286 = tpu.memref_slice %arg3[%squeeze3A_273, %dma_start3A_285] : memref<1000000x64xf32, #tpu.memory_space<hbm>> -> memref<1x64xf32, #tpu.memory_space<hbm>>
      %dma_start3A_287 = tpu.memref_squeeze %dma_start3A_286 : memref<1x64xf32, #tpu.memory_space<hbm>> -> memref<64xf32, #tpu.memory_space<hbm>>
      tpu.enqueue_dma source(%dma_start3A_287 : memref<64xf32, #tpu.memory_space<hbm>>) target(%dma_start3A_284 : memref<64xf32, #tpu.memory_space<vmem>>) target_semaphore(%arg10 : memref<!tpu.dma_semaphore, #tpu.memory_space<semaphore_mem>>)
      %scan3A_288 = arith.constant 0 : i32
      %scan3A_289 = arith.constant 1 : i32
      %scan3A_290 = arith.addi %scan3A_27, %scan3A_289 : i32
      %mul3A_291 = arith.constant 16 : i32
      %mul3A_292 = arith.muli %scan3A_290, %mul3A_291 : i32
      %add3A_293 = arith.constant 0 : i32
      %add3A_294 = arith.addi %add3A_293, %mul3A_292 : i32
      %get3A_295 = arith.index_cast %add3A_294 : i32 to index
      %get3A_296 = tpu.vector_load %arg5[%get3A_295] {strides = array<i32>} : memref<6400xi32, #tpu.memory_space<vmem>>, vector<16xi32>,
      %get3A_297 = vector.shape_cast %get3A_296 : vector<16xi32> to vector<16xi32>
      %slice3A_298 = vector.extract_strided_slice %get3A_297 {offsets = [0], sizes = [1], strides = [1]} : vector<16xi32> to vector<1xi32>
      %squeeze3A_299 = vector.extract %slice3A_298[0] : i32 from vector<1xi32>
      %add3A_300 = arith.constant 0 : i32
      %add3A_301 = arith.addi %mul3A_292, %add3A_300 : i32
      %dma_start3A_302 = arith.constant 0 : i32
      %dma_start3A_303 = tpu.memref_slice %arg6[%add3A_301, %dma_start3A_302] : memref<128x64xf32, #tpu.memory_space<vmem>> -> memref<1x64xf32, #tpu.memory_space<vmem>>
      %dma_start3A_304 = tpu.memref_squeeze %dma_start3A_303 : memref<1x64xf32, #tpu.memory_space<vmem>> -> memref<64xf32, #tpu.memory_space<vmem>>
      %dma_start3A_305 = arith.constant 0 : i32
      %dma_start3A_306 = tpu.memref_slice %arg3[%squeeze3A_299, %dma_start3A_305] : memref<1000000x64xf32, #tpu.memory_space<hbm>> -> memref<1x64xf32, #tpu.memory_space<hbm>>
      %dma_start3A_307 = tpu.memref_squeeze %dma_start3A_306 : memref<1x64xf32, #tpu.memory_space<hbm>> -> memref<64xf32, #tpu.memory_space<hbm>>
      %dma_start3A_308 = arith.constant 0 : i32
      %dma_start3A_309 = tpu.memref_slice %arg6[%add3A_301, %dma_start3A_308] : memref<128x64xf32, #tpu.memory_space<vmem>> -> memref<1x64xf32, #tpu.memory_space<vmem>>
      %dma_start3A_310 = tpu.memref_squeeze %dma_start3A_309 : memref<1x64xf32, #tpu.memory_space<vmem>> -> memref<64xf32, #tpu.memory_space<vmem>>
      %dma_start3A_311 = arith.constant 0 : i32
      %dma_start3A_312 = tpu.memref_slice %arg3[%squeeze3A_299, %dma_start3A_311] : memref<1000000x64xf32, #tpu.memory_space<hbm>> -> memref<1x64xf32, #tpu.memory_space<hbm>>
      %dma_start3A_313 = tpu.memref_squeeze %dma_start3A_312 : memref<1x64xf32, #tpu.memory_space<hbm>> -> memref<64xf32, #tpu.memory_space<hbm>>
      tpu.enqueue_dma source(%dma_start3A_313 : memref<64xf32, #tpu.memory_space<hbm>>) target(%dma_start3A_310 : memref<64xf32, #tpu.memory_space<vmem>>) target_semaphore(%arg10 : memref<!tpu.dma_semaphore, #tpu.memory_space<semaphore_mem>>)
      %slice3A_314 = vector.extract_strided_slice %get3A_297 {offsets = [1], sizes = [1], strides = [1]} : vector<16xi32> to vector<1xi32>
      %squeeze3A_315 = vector.extract %slice3A_314[0] : i32 from vector<1xi32>
      %add3A_316 = arith.constant 1 : i32
      %add3A_317 = arith.addi %mul3A_292, %add3A_316 : i32
      %dma_start3A_318 = arith.constant 0 : i32
      %dma_start3A_319 = tpu.memref_slice %arg6[%add3A_317, %dma_start3A_318] : memref<128x64xf32, #tpu.memory_space<vmem>> -> memref<1x64xf32, #tpu.memory_space<vmem>>
      %dma_start3A_320 = tpu.memref_squeeze %dma_start3A_319 : memref<1x64xf32, #tpu.memory_space<vmem>> -> memref<64xf32, #tpu.memory_space<vmem>>
      %dma_start3A_321 = arith.constant 0 : i32
      %dma_start3A_322 = tpu.memref_slice %arg3[%squeeze3A_315, %dma_start3A_321] : memref<1000000x64xf32, #tpu.memory_space<hbm>> -> memref<1x64xf32, #tpu.memory_space<hbm>>
      %dma_start3A_323 = tpu.memref_squeeze %dma_start3A_322 : memref<1x64xf32, #tpu.memory_space<hbm>> -> memref<64xf32, #tpu.memory_space<hbm>>
      %dma_start3A_324 = arith.constant 0 : i32
      %dma_start3A_325 = tpu.memref_slice %arg6[%add3A_317, %dma_start3A_324] : memref<128x64xf32, #tpu.memory_space<vmem>> -> memref<1x64xf32, #tpu.memory_space<vmem>>
      %dma_start3A_326 = tpu.memref_squeeze %dma_start3A_325 : memref<1x64xf32, #tpu.memory_space<vmem>> -> memref<64xf32, #tpu.memory_space<vmem>>
      %dma_start3A_327 = arith.constant 0 : i32
      %dma_start3A_328 = tpu.memref_slice %arg3[%squeeze3A_315, %dma_start3A_327] : memref<1000000x64xf32, #tpu.memory_space<hbm>> -> memref<1x64xf32, #tpu.memory_space<hbm>>
      %dma_start3A_329 = tpu.memref_squeeze %dma_start3A_328 : memref<1x64xf32, #tpu.memory_space<hbm>> -> memref<64xf32, #tpu.memory_space<hbm>>
      tpu.enqueue_dma source(%dma_start3A_329 : memref<64xf32, #tpu.memory_space<hbm>>) target(%dma_start3A_326 : memref<64xf32, #tpu.memory_space<vmem>>) target_semaphore(%arg10 : memref<!tpu.dma_semaphore, #tpu.memory_space<semaphore_mem>>)
      %slice3A_330 = vector.extract_strided_slice %get3A_297 {offsets = [2], sizes = [1], strides = [1]} : vector<16xi32> to vector<1xi32>
      %squeeze3A_331 = vector.extract %slice3A_330[0] : i32 from vector<1xi32>
      %add3A_332 = arith.constant 2 : i32
      %add3A_333 = arith.addi %mul3A_292, %add3A_332 : i32
      %dma_start3A_334 = arith.constant 0 : i32
      %dma_start3A_335 = tpu.memref_slice %arg6[%add3A_333, %dma_start3A_334] : memref<128x64xf32, #tpu.memory_space<vmem>> -> memref<1x64xf32, #tpu.memory_space<vmem>>
      %dma_start3A_336 = tpu.memref_squeeze %dma_start3A_335 : memref<1x64xf32, #tpu.memory_space<vmem>> -> memref<64xf32, #tpu.memory_space<vmem>>
      %dma_start3A_337 = arith.constant 0 : i32
      %dma_start3A_338 = tpu.memref_slice %arg3[%squeeze3A_331, %dma_start3A_337] : memref<1000000x64xf32, #tpu.memory_space<hbm>> -> memref<1x64xf32, #tpu.memory_space<hbm>>
      %dma_start3A_339 = tpu.memref_squeeze %dma_start3A_338 : memref<1x64xf32, #tpu.memory_space<hbm>> -> memref<64xf32, #tpu.memory_space<hbm>>
      %dma_start3A_340 = arith.constant 0 : i32
      %dma_start3A_341 = tpu.memref_slice %arg6[%add3A_333, %dma_start3A_340] : memref<128x64xf32, #tpu.memory_space<vmem>> -> memref<1x64xf32, #tpu.memory_space<vmem>>
      %dma_start3A_342 = tpu.memref_squeeze %dma_start3A_341 : memref<1x64xf32, #tpu.memory_space<vmem>> -> memref<64xf32, #tpu.memory_space<vmem>>
      %dma_start3A_343 = arith.constant 0 : i32
      %dma_start3A_344 = tpu.memref_slice %arg3[%squeeze3A_331, %dma_start3A_343] : memref<1000000x64xf32, #tpu.memory_space<hbm>> -> memref<1x64xf32, #tpu.memory_space<hbm>>
      %dma_start3A_345 = tpu.memref_squeeze %dma_start3A_344 : memref<1x64xf32, #tpu.memory_space<hbm>> -> memref<64xf32, #tpu.memory_space<hbm>>
      tpu.enqueue_dma source(%dma_start3A_345 : memref<64xf32, #tpu.memory_space<hbm>>) target(%dma_start3A_342 : memref<64xf32, #tpu.memory_space<vmem>>) target_semaphore(%arg10 : memref<!tpu.dma_semaphore, #tpu.memory_space<semaphore_mem>>)
      %slice3A_346 = vector.extract_strided_slice %get3A_297 {offsets = [3], sizes = [1], strides = [1]} : vector<16xi32> to vector<1xi32>
      %squeeze3A_347 = vector.extract %slice3A_346[0] : i32 from vector<1xi32>
      %add3A_348 = arith.constant 3 : i32
      %add3A_349 = arith.addi %mul3A_292, %add3A_348 : i32
      %dma_start3A_350 = arith.constant 0 : i32
      %dma_start3A_351 = tpu.memref_slice %arg6[%add3A_349, %dma_start3A_350] : memref<128x64xf32, #tpu.memory_space<vmem>> -> memref<1x64xf32, #tpu.memory_space<vmem>>
      %dma_start3A_352 = tpu.memref_squeeze %dma_start3A_351 : memref<1x64xf32, #tpu.memory_space<vmem>> -> memref<64xf32, #tpu.memory_space<vmem>>
      %dma_start3A_353 = arith.constant 0 : i32
      %dma_start3A_354 = tpu.memref_slice %arg3[%squeeze3A_347, %dma_start3A_353] : memref<1000000x64xf32, #tpu.memory_space<hbm>> -> memref<1x64xf32, #tpu.memory_space<hbm>>
      %dma_start3A_355 = tpu.memref_squeeze %dma_start3A_354 : memref<1x64xf32, #tpu.memory_space<hbm>> -> memref<64xf32, #tpu.memory_space<hbm>>
      %dma_start3A_356 = arith.constant 0 : i32
      %dma_start3A_357 = tpu.memref_slice %arg6[%add3A_349, %dma_start3A_356] : memref<128x64xf32, #tpu.memory_space<vmem>> -> memref<1x64xf32, #tpu.memory_space<vmem>>
      %dma_start3A_358 = tpu.memref_squeeze %dma_start3A_357 : memref<1x64xf32, #tpu.memory_space<vmem>> -> memref<64xf32, #tpu.memory_space<vmem>>
      %dma_start3A_359 = arith.constant 0 : i32
      %dma_start3A_360 = tpu.memref_slice %arg3[%squeeze3A_347, %dma_start3A_359] : memref<1000000x64xf32, #tpu.memory_space<hbm>> -> memref<1x64xf32, #tpu.memory_space<hbm>>
      %dma_start3A_361 = tpu.memref_squeeze %dma_start3A_360 : memref<1x64xf32, #tpu.memory_space<hbm>> -> memref<64xf32, #tpu.memory_space<hbm>>
      tpu.enqueue_dma source(%dma_start3A_361 : memref<64xf32, #tpu.memory_space<hbm>>) target(%dma_start3A_358 : memref<64xf32, #tpu.memory_space<vmem>>) target_semaphore(%arg10 : memref<!tpu.dma_semaphore, #tpu.memory_space<semaphore_mem>>)
      %slice3A_362 = vector.extract_strided_slice %get3A_297 {offsets = [4], sizes = [1], strides = [1]} : vector<16xi32> to vector<1xi32>
      %squeeze3A_363 = vector.extract %slice3A_362[0] : i32 from vector<1xi32>
      %add3A_364 = arith.constant 4 : i32
      %add3A_365 = arith.addi %mul3A_292, %add3A_364 : i32
      %dma_start3A_366 = arith.constant 0 : i32
      %dma_start3A_367 = tpu.memref_slice %arg6[%add3A_365, %dma_start3A_366] : memref<128x64xf32, #tpu.memory_space<vmem>> -> memref<1x64xf32, #tpu.memory_space<vmem>>
      %dma_start3A_368 = tpu.memref_squeeze %dma_start3A_367 : memref<1x64xf32, #tpu.memory_space<vmem>> -> memref<64xf32, #tpu.memory_space<vmem>>
      %dma_start3A_369 = arith.constant 0 : i32
      %dma_start3A_370 = tpu.memref_slice %arg3[%squeeze3A_363, %dma_start3A_369] : memref<1000000x64xf32, #tpu.memory_space<hbm>> -> memref<1x64xf32, #tpu.memory_space<hbm>>
      %dma_start3A_371 = tpu.memref_squeeze %dma_start3A_370 : memref<1x64xf32, #tpu.memory_space<hbm>> -> memref<64xf32, #tpu.memory_space<hbm>>
      %dma_start3A_372 = arith.constant 0 : i32
      %dma_start3A_373 = tpu.memref_slice %arg6[%add3A_365, %dma_start3A_372] : memref<128x64xf32, #tpu.memory_space<vmem>> -> memref<1x64xf32, #tpu.memory_space<vmem>>
      %dma_start3A_374 = tpu.memref_squeeze %dma_start3A_373 : memref<1x64xf32, #tpu.memory_space<vmem>> -> memref<64xf32, #tpu.memory_space<vmem>>
      %dma_start3A_375 = arith.constant 0 : i32
      %dma_start3A_376 = tpu.memref_slice %arg3[%squeeze3A_363, %dma_start3A_375] : memref<1000000x64xf32, #tpu.memory_space<hbm>> -> memref<1x64xf32, #tpu.memory_space<hbm>>
      %dma_start3A_377 = tpu.memref_squeeze %dma_start3A_376 : memref<1x64xf32, #tpu.memory_space<hbm>> -> memref<64xf32, #tpu.memory_space<hbm>>
      tpu.enqueue_dma source(%dma_start3A_377 : memref<64xf32, #tpu.memory_space<hbm>>) target(%dma_start3A_374 : memref<64xf32, #tpu.memory_space<vmem>>) target_semaphore(%arg10 : memref<!tpu.dma_semaphore, #tpu.memory_space<semaphore_mem>>)
      %slice3A_378 = vector.extract_strided_slice %get3A_297 {offsets = [5], sizes = [1], strides = [1]} : vector<16xi32> to vector<1xi32>
      %squeeze3A_379 = vector.extract %slice3A_378[0] : i32 from vector<1xi32>
      %add3A_380 = arith.constant 5 : i32
      %add3A_381 = arith.addi %mul3A_292, %add3A_380 : i32
      %dma_start3A_382 = arith.constant 0 : i32
      %dma_start3A_383 = tpu.memref_slice %arg6[%add3A_381, %dma_start3A_382] : memref<128x64xf32, #tpu.memory_space<vmem>> -> memref<1x64xf32, #tpu.memory_space<vmem>>
      %dma_start3A_384 = tpu.memref_squeeze %dma_start3A_383 : memref<1x64xf32, #tpu.memory_space<vmem>> -> memref<64xf32, #tpu.memory_space<vmem>>
      %dma_start3A_385 = arith.constant 0 : i32
      %dma_start3A_386 = tpu.memref_slice %arg3[%squeeze3A_379, %dma_start3A_385] : memref<1000000x64xf32, #tpu.memory_space<hbm>> -> memref<1x64xf32, #tpu.memory_space<hbm>>
      %dma_start3A_387 = tpu.memref_squeeze %dma_start3A_386 : memref<1x64xf32, #tpu.memory_space<hbm>> -> memref<64xf32, #tpu.memory_space<hbm>>
      %dma_start3A_388 = arith.constant 0 : i32
      %dma_start3A_389 = tpu.memref_slice %arg6[%add3A_381, %dma_start3A_388] : memref<128x64xf32, #tpu.memory_space<vmem>> -> memref<1x64xf32, #tpu.memory_space<vmem>>
      %dma_start3A_390 = tpu.memref_squeeze %dma_start3A_389 : memref<1x64xf32, #tpu.memory_space<vmem>> -> memref<64xf32, #tpu.memory_space<vmem>>
      %dma_start3A_391 = arith.constant 0 : i32
      %dma_start3A_392 = tpu.memref_slice %arg3[%squeeze3A_379, %dma_start3A_391] : memref<1000000x64xf32, #tpu.memory_space<hbm>> -> memref<1x64xf32, #tpu.memory_space<hbm>>
      %dma_start3A_393 = tpu.memref_squeeze %dma_start3A_392 : memref<1x64xf32, #tpu.memory_space<hbm>> -> memref<64xf32, #tpu.memory_space<hbm>>
      tpu.enqueue_dma source(%dma_start3A_393 : memref<64xf32, #tpu.memory_space<hbm>>) target(%dma_start3A_390 : memref<64xf32, #tpu.memory_space<vmem>>) target_semaphore(%arg10 : memref<!tpu.dma_semaphore, #tpu.memory_space<semaphore_mem>>)
      %slice3A_394 = vector.extract_strided_slice %get3A_297 {offsets = [6], sizes = [1], strides = [1]} : vector<16xi32> to vector<1xi32>
      %squeeze3A_395 = vector.extract %slice3A_394[0] : i32 from vector<1xi32>
      %add3A_396 = arith.constant 6 : i32
      %add3A_397 = arith.addi %mul3A_292, %add3A_396 : i32
      %dma_start3A_398 = arith.constant 0 : i32
      %dma_start3A_399 = tpu.memref_slice %arg6[%add3A_397, %dma_start3A_398] : memref<128x64xf32, #tpu.memory_space<vmem>> -> memref<1x64xf32, #tpu.memory_space<vmem>>
      %dma_start3A_400 = tpu.memref_squeeze %dma_start3A_399 : memref<1x64xf32, #tpu.memory_space<vmem>> -> memref<64xf32, #tpu.memory_space<vmem>>
      %dma_start3A_401 = arith.constant 0 : i32
      %dma_start3A_402 = tpu.memref_slice %arg3[%squeeze3A_395, %dma_start3A_401] : memref<1000000x64xf32, #tpu.memory_space<hbm>> -> memref<1x64xf32, #tpu.memory_space<hbm>>
      %dma_start3A_403 = tpu.memref_squeeze %dma_start3A_402 : memref<1x64xf32, #tpu.memory_space<hbm>> -> memref<64xf32, #tpu.memory_space<hbm>>
      %dma_start3A_404 = arith.constant 0 : i32
      %dma_start3A_405 = tpu.memref_slice %arg6[%add3A_397, %dma_start3A_404] : memref<128x64xf32, #tpu.memory_space<vmem>> -> memref<1x64xf32, #tpu.memory_space<vmem>>
      %dma_start3A_406 = tpu.memref_squeeze %dma_start3A_405 : memref<1x64xf32, #tpu.memory_space<vmem>> -> memref<64xf32, #tpu.memory_space<vmem>>
      %dma_start3A_407 = arith.constant 0 : i32
      %dma_start3A_408 = tpu.memref_slice %arg3[%squeeze3A_395, %dma_start3A_407] : memref<1000000x64xf32, #tpu.memory_space<hbm>> -> memref<1x64xf32, #tpu.memory_space<hbm>>
      %dma_start3A_409 = tpu.memref_squeeze %dma_start3A_408 : memref<1x64xf32, #tpu.memory_space<hbm>> -> memref<64xf32, #tpu.memory_space<hbm>>
      tpu.enqueue_dma source(%dma_start3A_409 : memref<64xf32, #tpu.memory_space<hbm>>) target(%dma_start3A_406 : memref<64xf32, #tpu.memory_space<vmem>>) target_semaphore(%arg10 : memref<!tpu.dma_semaphore, #tpu.memory_space<semaphore_mem>>)
      %slice3A_410 = vector.extract_strided_slice %get3A_297 {offsets = [7], sizes = [1], strides = [1]} : vector<16xi32> to vector<1xi32>
      %squeeze3A_411 = vector.extract %slice3A_410[0] : i32 from vector<1xi32>
      %add3A_412 = arith.constant 7 : i32
      %add3A_413 = arith.addi %mul3A_292, %add3A_412 : i32
      %dma_start3A_414 = arith.constant 0 : i32
      %dma_start3A_415 = tpu.memref_slice %arg6[%add3A_413, %dma_start3A_414] : memref<128x64xf32, #tpu.memory_space<vmem>> -> memref<1x64xf32, #tpu.memory_space<vmem>>
      %dma_start3A_416 = tpu.memref_squeeze %dma_start3A_415 : memref<1x64xf32, #tpu.memory_space<vmem>> -> memref<64xf32, #tpu.memory_space<vmem>>
      %dma_start3A_417 = arith.constant 0 : i32
      %dma_start3A_418 = tpu.memref_slice %arg3[%squeeze3A_411, %dma_start3A_417] : memref<1000000x64xf32, #tpu.memory_space<hbm>> -> memref<1x64xf32, #tpu.memory_space<hbm>>
      %dma_start3A_419 = tpu.memref_squeeze %dma_start3A_418 : memref<1x64xf32, #tpu.memory_space<hbm>> -> memref<64xf32, #tpu.memory_space<hbm>>
      %dma_start3A_420 = arith.constant 0 : i32
      %dma_start3A_421 = tpu.memref_slice %arg6[%add3A_413, %dma_start3A_420] : memref<128x64xf32, #tpu.memory_space<vmem>> -> memref<1x64xf32, #tpu.memory_space<vmem>>
      %dma_start3A_422 = tpu.memref_squeeze %dma_start3A_421 : memref<1x64xf32, #tpu.memory_space<vmem>> -> memref<64xf32, #tpu.memory_space<vmem>>
      %dma_start3A_423 = arith.constant 0 : i32
      %dma_start3A_424 = tpu.memref_slice %arg3[%squeeze3A_411, %dma_start3A_423] : memref<1000000x64xf32, #tpu.memory_space<hbm>> -> memref<1x64xf32, #tpu.memory_space<hbm>>
      %dma_start3A_425 = tpu.memref_squeeze %dma_start3A_424 : memref<1x64xf32, #tpu.memory_space<hbm>> -> memref<64xf32, #tpu.memory_space<hbm>>
      tpu.enqueue_dma source(%dma_start3A_425 : memref<64xf32, #tpu.memory_space<hbm>>) target(%dma_start3A_422 : memref<64xf32, #tpu.memory_space<vmem>>) target_semaphore(%arg10 : memref<!tpu.dma_semaphore, #tpu.memory_space<semaphore_mem>>)
      %slice3A_426 = vector.extract_strided_slice %get3A_297 {offsets = [8], sizes = [1], strides = [1]} : vector<16xi32> to vector<1xi32>
      %squeeze3A_427 = vector.extract %slice3A_426[0] : i32 from vector<1xi32>
      %add3A_428 = arith.constant 8 : i32
      %add3A_429 = arith.addi %mul3A_292, %add3A_428 : i32
      %dma_start3A_430 = arith.constant 0 : i32
      %dma_start3A_431 = tpu.memref_slice %arg6[%add3A_429, %dma_start3A_430] : memref<128x64xf32, #tpu.memory_space<vmem>> -> memref<1x64xf32, #tpu.memory_space<vmem>>
      %dma_start3A_432 = tpu.memref_squeeze %dma_start3A_431 : memref<1x64xf32, #tpu.memory_space<vmem>> -> memref<64xf32, #tpu.memory_space<vmem>>
      %dma_start3A_433 = arith.constant 0 : i32
      %dma_start3A_434 = tpu.memref_slice %arg3[%squeeze3A_427, %dma_start3A_433] : memref<1000000x64xf32, #tpu.memory_space<hbm>> -> memref<1x64xf32, #tpu.memory_space<hbm>>
      %dma_start3A_435 = tpu.memref_squeeze %dma_start3A_434 : memref<1x64xf32, #tpu.memory_space<hbm>> -> memref<64xf32, #tpu.memory_space<hbm>>
      %dma_start3A_436 = arith.constant 0 : i32
      %dma_start3A_437 = tpu.memref_slice %arg6[%add3A_429, %dma_start3A_436] : memref<128x64xf32, #tpu.memory_space<vmem>> -> memref<1x64xf32, #tpu.memory_space<vmem>>
      %dma_start3A_438 = tpu.memref_squeeze %dma_start3A_437 : memref<1x64xf32, #tpu.memory_space<vmem>> -> memref<64xf32, #tpu.memory_space<vmem>>
      %dma_start3A_439 = arith.constant 0 : i32
      %dma_start3A_440 = tpu.memref_slice %arg3[%squeeze3A_427, %dma_start3A_439] : memref<1000000x64xf32, #tpu.memory_space<hbm>> -> memref<1x64xf32, #tpu.memory_space<hbm>>
      %dma_start3A_441 = tpu.memref_squeeze %dma_start3A_440 : memref<1x64xf32, #tpu.memory_space<hbm>> -> memref<64xf32, #tpu.memory_space<hbm>>
      tpu.enqueue_dma source(%dma_start3A_441 : memref<64xf32, #tpu.memory_space<hbm>>) target(%dma_start3A_438 : memref<64xf32, #tpu.memory_space<vmem>>) target_semaphore(%arg10 : memref<!tpu.dma_semaphore, #tpu.memory_space<semaphore_mem>>)
      %slice3A_442 = vector.extract_strided_slice %get3A_297 {offsets = [9], sizes = [1], strides = [1]} : vector<16xi32> to vector<1xi32>
      %squeeze3A_443 = vector.extract %slice3A_442[0] : i32 from vector<1xi32>
      %add3A_444 = arith.constant 9 : i32
      %add3A_445 = arith.addi %mul3A_292, %add3A_444 : i32
      %dma_start3A_446 = arith.constant 0 : i32
      %dma_start3A_447 = tpu.memref_slice %arg6[%add3A_445, %dma_start3A_446] : memref<128x64xf32, #tpu.memory_space<vmem>> -> memref<1x64xf32, #tpu.memory_space<vmem>>
      %dma_start3A_448 = tpu.memref_squeeze %dma_start3A_447 : memref<1x64xf32, #tpu.memory_space<vmem>> -> memref<64xf32, #tpu.memory_space<vmem>>
      %dma_start3A_449 = arith.constant 0 : i32
      %dma_start3A_450 = tpu.memref_slice %arg3[%squeeze3A_443, %dma_start3A_449] : memref<1000000x64xf32, #tpu.memory_space<hbm>> -> memref<1x64xf32, #tpu.memory_space<hbm>>
      %dma_start3A_451 = tpu.memref_squeeze %dma_start3A_450 : memref<1x64xf32, #tpu.memory_space<hbm>> -> memref<64xf32, #tpu.memory_space<hbm>>
      %dma_start3A_452 = arith.constant 0 : i32
      %dma_start3A_453 = tpu.memref_slice %arg6[%add3A_445, %dma_start3A_452] : memref<128x64xf32, #tpu.memory_space<vmem>> -> memref<1x64xf32, #tpu.memory_space<vmem>>
      %dma_start3A_454 = tpu.memref_squeeze %dma_start3A_453 : memref<1x64xf32, #tpu.memory_space<vmem>> -> memref<64xf32, #tpu.memory_space<vmem>>
      %dma_start3A_455 = arith.constant 0 : i32
      %dma_start3A_456 = tpu.memref_slice %arg3[%squeeze3A_443, %dma_start3A_455] : memref<1000000x64xf32, #tpu.memory_space<hbm>> -> memref<1x64xf32, #tpu.memory_space<hbm>>
      %dma_start3A_457 = tpu.memref_squeeze %dma_start3A_456 : memref<1x64xf32, #tpu.memory_space<hbm>> -> memref<64xf32, #tpu.memory_space<hbm>>
      tpu.enqueue_dma source(%dma_start3A_457 : memref<64xf32, #tpu.memory_space<hbm>>) target(%dma_start3A_454 : memref<64xf32, #tpu.memory_space<vmem>>) target_semaphore(%arg10 : memref<!tpu.dma_semaphore, #tpu.memory_space<semaphore_mem>>)
      %slice3A_458 = vector.extract_strided_slice %get3A_297 {offsets = [10], sizes = [1], strides = [1]} : vector<16xi32> to vector<1xi32>
      %squeeze3A_459 = vector.extract %slice3A_458[0] : i32 from vector<1xi32>
      %add3A_460 = arith.constant 10 : i32
      %add3A_461 = arith.addi %mul3A_292, %add3A_460 : i32
      %dma_start3A_462 = arith.constant 0 : i32
      %dma_start3A_463 = tpu.memref_slice %arg6[%add3A_461, %dma_start3A_462] : memref<128x64xf32, #tpu.memory_space<vmem>> -> memref<1x64xf32, #tpu.memory_space<vmem>>
      %dma_start3A_464 = tpu.memref_squeeze %dma_start3A_463 : memref<1x64xf32, #tpu.memory_space<vmem>> -> memref<64xf32, #tpu.memory_space<vmem>>
      %dma_start3A_465 = arith.constant 0 : i32
      %dma_start3A_466 = tpu.memref_slice %arg3[%squeeze3A_459, %dma_start3A_465] : memref<1000000x64xf32, #tpu.memory_space<hbm>> -> memref<1x64xf32, #tpu.memory_space<hbm>>
      %dma_start3A_467 = tpu.memref_squeeze %dma_start3A_466 : memref<1x64xf32, #tpu.memory_space<hbm>> -> memref<64xf32, #tpu.memory_space<hbm>>
      %dma_start3A_468 = arith.constant 0 : i32
      %dma_start3A_469 = tpu.memref_slice %arg6[%add3A_461, %dma_start3A_468] : memref<128x64xf32, #tpu.memory_space<vmem>> -> memref<1x64xf32, #tpu.memory_space<vmem>>
      %dma_start3A_470 = tpu.memref_squeeze %dma_start3A_469 : memref<1x64xf32, #tpu.memory_space<vmem>> -> memref<64xf32, #tpu.memory_space<vmem>>
      %dma_start3A_471 = arith.constant 0 : i32
      %dma_start3A_472 = tpu.memref_slice %arg3[%squeeze3A_459, %dma_start3A_471] : memref<1000000x64xf32, #tpu.memory_space<hbm>> -> memref<1x64xf32, #tpu.memory_space<hbm>>
      %dma_start3A_473 = tpu.memref_squeeze %dma_start3A_472 : memref<1x64xf32, #tpu.memory_space<hbm>> -> memref<64xf32, #tpu.memory_space<hbm>>
      tpu.enqueue_dma source(%dma_start3A_473 : memref<64xf32, #tpu.memory_space<hbm>>) target(%dma_start3A_470 : memref<64xf32, #tpu.memory_space<vmem>>) target_semaphore(%arg10 : memref<!tpu.dma_semaphore, #tpu.memory_space<semaphore_mem>>)
      %slice3A_474 = vector.extract_strided_slice %get3A_297 {offsets = [11], sizes = [1], strides = [1]} : vector<16xi32> to vector<1xi32>
      %squeeze3A_475 = vector.extract %slice3A_474[0] : i32 from vector<1xi32>
      %add3A_476 = arith.constant 11 : i32
      %add3A_477 = arith.addi %mul3A_292, %add3A_476 : i32
      %dma_start3A_478 = arith.constant 0 : i32
      %dma_start3A_479 = tpu.memref_slice %arg6[%add3A_477, %dma_start3A_478] : memref<128x64xf32, #tpu.memory_space<vmem>> -> memref<1x64xf32, #tpu.memory_space<vmem>>
      %dma_start3A_480 = tpu.memref_squeeze %dma_start3A_479 : memref<1x64xf32, #tpu.memory_space<vmem>> -> memref<64xf32, #tpu.memory_space<vmem>>
      %dma_start3A_481 = arith.constant 0 : i32
      %dma_start3A_482 = tpu.memref_slice %arg3[%squeeze3A_475, %dma_start3A_481] : memref<1000000x64xf32, #tpu.memory_space<hbm>> -> memref<1x64xf32, #tpu.memory_space<hbm>>
      %dma_start3A_483 = tpu.memref_squeeze %dma_start3A_482 : memref<1x64xf32, #tpu.memory_space<hbm>> -> memref<64xf32, #tpu.memory_space<hbm>>
      %dma_start3A_484 = arith.constant 0 : i32
      %dma_start3A_485 = tpu.memref_slice %arg6[%add3A_477, %dma_start3A_484] : memref<128x64xf32, #tpu.memory_space<vmem>> -> memref<1x64xf32, #tpu.memory_space<vmem>>
      %dma_start3A_486 = tpu.memref_squeeze %dma_start3A_485 : memref<1x64xf32, #tpu.memory_space<vmem>> -> memref<64xf32, #tpu.memory_space<vmem>>
      %dma_start3A_487 = arith.constant 0 : i32
      %dma_start3A_488 = tpu.memref_slice %arg3[%squeeze3A_475, %dma_start3A_487] : memref<1000000x64xf32, #tpu.memory_space<hbm>> -> memref<1x64xf32, #tpu.memory_space<hbm>>
      %dma_start3A_489 = tpu.memref_squeeze %dma_start3A_488 : memref<1x64xf32, #tpu.memory_space<hbm>> -> memref<64xf32, #tpu.memory_space<hbm>>
      tpu.enqueue_dma source(%dma_start3A_489 : memref<64xf32, #tpu.memory_space<hbm>>) target(%dma_start3A_486 : memref<64xf32, #tpu.memory_space<vmem>>) target_semaphore(%arg10 : memref<!tpu.dma_semaphore, #tpu.memory_space<semaphore_mem>>)
      %slice3A_490 = vector.extract_strided_slice %get3A_297 {offsets = [12], sizes = [1], strides = [1]} : vector<16xi32> to vector<1xi32>
      %squeeze3A_491 = vector.extract %slice3A_490[0] : i32 from vector<1xi32>
      %add3A_492 = arith.constant 12 : i32
      %add3A_493 = arith.addi %mul3A_292, %add3A_492 : i32
      %dma_start3A_494 = arith.constant 0 : i32
      %dma_start3A_495 = tpu.memref_slice %arg6[%add3A_493, %dma_start3A_494] : memref<128x64xf32, #tpu.memory_space<vmem>> -> memref<1x64xf32, #tpu.memory_space<vmem>>
      %dma_start3A_496 = tpu.memref_squeeze %dma_start3A_495 : memref<1x64xf32, #tpu.memory_space<vmem>> -> memref<64xf32, #tpu.memory_space<vmem>>
      %dma_start3A_497 = arith.constant 0 : i32
      %dma_start3A_498 = tpu.memref_slice %arg3[%squeeze3A_491, %dma_start3A_497] : memref<1000000x64xf32, #tpu.memory_space<hbm>> -> memref<1x64xf32, #tpu.memory_space<hbm>>
      %dma_start3A_499 = tpu.memref_squeeze %dma_start3A_498 : memref<1x64xf32, #tpu.memory_space<hbm>> -> memref<64xf32, #tpu.memory_space<hbm>>
      %dma_start3A_500 = arith.constant 0 : i32
      %dma_start3A_501 = tpu.memref_slice %arg6[%add3A_493, %dma_start3A_500] : memref<128x64xf32, #tpu.memory_space<vmem>> -> memref<1x64xf32, #tpu.memory_space<vmem>>
      %dma_start3A_502 = tpu.memref_squeeze %dma_start3A_501 : memref<1x64xf32, #tpu.memory_space<vmem>> -> memref<64xf32, #tpu.memory_space<vmem>>
      %dma_start3A_503 = arith.constant 0 : i32
      %dma_start3A_504 = tpu.memref_slice %arg3[%squeeze3A_491, %dma_start3A_503] : memref<1000000x64xf32, #tpu.memory_space<hbm>> -> memref<1x64xf32, #tpu.memory_space<hbm>>
      %dma_start3A_505 = tpu.memref_squeeze %dma_start3A_504 : memref<1x64xf32, #tpu.memory_space<hbm>> -> memref<64xf32, #tpu.memory_space<hbm>>
      tpu.enqueue_dma source(%dma_start3A_505 : memref<64xf32, #tpu.memory_space<hbm>>) target(%dma_start3A_502 : memref<64xf32, #tpu.memory_space<vmem>>) target_semaphore(%arg10 : memref<!tpu.dma_semaphore, #tpu.memory_space<semaphore_mem>>)
      %slice3A_506 = vector.extract_strided_slice %get3A_297 {offsets = [13], sizes = [1], strides = [1]} : vector<16xi32> to vector<1xi32>
      %squeeze3A_507 = vector.extract %slice3A_506[0] : i32 from vector<1xi32>
      %add3A_508 = arith.constant 13 : i32
      %add3A_509 = arith.addi %mul3A_292, %add3A_508 : i32
      %dma_start3A_510 = arith.constant 0 : i32
      %dma_start3A_511 = tpu.memref_slice %arg6[%add3A_509, %dma_start3A_510] : memref<128x64xf32, #tpu.memory_space<vmem>> -> memref<1x64xf32, #tpu.memory_space<vmem>>
      %dma_start3A_512 = tpu.memref_squeeze %dma_start3A_511 : memref<1x64xf32, #tpu.memory_space<vmem>> -> memref<64xf32, #tpu.memory_space<vmem>>
      %dma_start3A_513 = arith.constant 0 : i32
      %dma_start3A_514 = tpu.memref_slice %arg3[%squeeze3A_507, %dma_start3A_513] : memref<1000000x64xf32, #tpu.memory_space<hbm>> -> memref<1x64xf32, #tpu.memory_space<hbm>>
      %dma_start3A_515 = tpu.memref_squeeze %dma_start3A_514 : memref<1x64xf32, #tpu.memory_space<hbm>> -> memref<64xf32, #tpu.memory_space<hbm>>
      %dma_start3A_516 = arith.constant 0 : i32
      %dma_start3A_517 = tpu.memref_slice %arg6[%add3A_509, %dma_start3A_516] : memref<128x64xf32, #tpu.memory_space<vmem>> -> memref<1x64xf32, #tpu.memory_space<vmem>>
      %dma_start3A_518 = tpu.memref_squeeze %dma_start3A_517 : memref<1x64xf32, #tpu.memory_space<vmem>> -> memref<64xf32, #tpu.memory_space<vmem>>
      %dma_start3A_519 = arith.constant 0 : i32
      %dma_start3A_520 = tpu.memref_slice %arg3[%squeeze3A_507, %dma_start3A_519] : memref<1000000x64xf32, #tpu.memory_space<hbm>> -> memref<1x64xf32, #tpu.memory_space<hbm>>
      %dma_start3A_521 = tpu.memref_squeeze %dma_start3A_520 : memref<1x64xf32, #tpu.memory_space<hbm>> -> memref<64xf32, #tpu.memory_space<hbm>>
      tpu.enqueue_dma source(%dma_start3A_521 : memref<64xf32, #tpu.memory_space<hbm>>) target(%dma_start3A_518 : memref<64xf32, #tpu.memory_space<vmem>>) target_semaphore(%arg10 : memref<!tpu.dma_semaphore, #tpu.memory_space<semaphore_mem>>)
      %slice3A_522 = vector.extract_strided_slice %get3A_297 {offsets = [14], sizes = [1], strides = [1]} : vector<16xi32> to vector<1xi32>
      %squeeze3A_523 = vector.extract %slice3A_522[0] : i32 from vector<1xi32>
      %add3A_524 = arith.constant 14 : i32
      %add3A_525 = arith.addi %mul3A_292, %add3A_524 : i32
      %dma_start3A_526 = arith.constant 0 : i32
      %dma_start3A_527 = tpu.memref_slice %arg6[%add3A_525, %dma_start3A_526] : memref<128x64xf32, #tpu.memory_space<vmem>> -> memref<1x64xf32, #tpu.memory_space<vmem>>
      %dma_start3A_528 = tpu.memref_squeeze %dma_start3A_527 : memref<1x64xf32, #tpu.memory_space<vmem>> -> memref<64xf32, #tpu.memory_space<vmem>>
      %dma_start3A_529 = arith.constant 0 : i32
      %dma_start3A_530 = tpu.memref_slice %arg3[%squeeze3A_523, %dma_start3A_529] : memref<1000000x64xf32, #tpu.memory_space<hbm>> -> memref<1x64xf32, #tpu.memory_space<hbm>>
      %dma_start3A_531 = tpu.memref_squeeze %dma_start3A_530 : memref<1x64xf32, #tpu.memory_space<hbm>> -> memref<64xf32, #tpu.memory_space<hbm>>
      %dma_start3A_532 = arith.constant 0 : i32
      %dma_start3A_533 = tpu.memref_slice %arg6[%add3A_525, %dma_start3A_532] : memref<128x64xf32, #tpu.memory_space<vmem>> -> memref<1x64xf32, #tpu.memory_space<vmem>>
      %dma_start3A_534 = tpu.memref_squeeze %dma_start3A_533 : memref<1x64xf32, #tpu.memory_space<vmem>> -> memref<64xf32, #tpu.memory_space<vmem>>
      %dma_start3A_535 = arith.constant 0 : i32
      %dma_start3A_536 = tpu.memref_slice %arg3[%squeeze3A_523, %dma_start3A_535] : memref<1000000x64xf32, #tpu.memory_space<hbm>> -> memref<1x64xf32, #tpu.memory_space<hbm>>
      %dma_start3A_537 = tpu.memref_squeeze %dma_start3A_536 : memref<1x64xf32, #tpu.memory_space<hbm>> -> memref<64xf32, #tpu.memory_space<hbm>>
      tpu.enqueue_dma source(%dma_start3A_537 : memref<64xf32, #tpu.memory_space<hbm>>) target(%dma_start3A_534 : memref<64xf32, #tpu.memory_space<vmem>>) target_semaphore(%arg10 : memref<!tpu.dma_semaphore, #tpu.memory_space<semaphore_mem>>)
      %slice3A_538 = vector.extract_strided_slice %get3A_297 {offsets = [15], sizes = [1], strides = [1]} : vector<16xi32> to vector<1xi32>
      %squeeze3A_539 = vector.extract %slice3A_538[0] : i32 from vector<1xi32>
      %add3A_540 = arith.constant 15 : i32
      %add3A_541 = arith.addi %mul3A_292, %add3A_540 : i32
      %dma_start3A_542 = arith.constant 0 : i32
      %dma_start3A_543 = tpu.memref_slice %arg6[%add3A_541, %dma_start3A_542] : memref<128x64xf32, #tpu.memory_space<vmem>> -> memref<1x64xf32, #tpu.memory_space<vmem>>
      %dma_start3A_544 = tpu.memref_squeeze %dma_start3A_543 : memref<1x64xf32, #tpu.memory_space<vmem>> -> memref<64xf32, #tpu.memory_space<vmem>>
      %dma_start3A_545 = arith.constant 0 : i32
      %dma_start3A_546 = tpu.memref_slice %arg3[%squeeze3A_539, %dma_start3A_545] : memref<1000000x64xf32, #tpu.memory_space<hbm>> -> memref<1x64xf32, #tpu.memory_space<hbm>>
      %dma_start3A_547 = tpu.memref_squeeze %dma_start3A_546 : memref<1x64xf32, #tpu.memory_space<hbm>> -> memref<64xf32, #tpu.memory_space<hbm>>
      %dma_start3A_548 = arith.constant 0 : i32
      %dma_start3A_549 = tpu.memref_slice %arg6[%add3A_541, %dma_start3A_548] : memref<128x64xf32, #tpu.memory_space<vmem>> -> memref<1x64xf32, #tpu.memory_space<vmem>>
      %dma_start3A_550 = tpu.memref_squeeze %dma_start3A_549 : memref<1x64xf32, #tpu.memory_space<vmem>> -> memref<64xf32, #tpu.memory_space<vmem>>
      %dma_start3A_551 = arith.constant 0 : i32
      %dma_start3A_552 = tpu.memref_slice %arg3[%squeeze3A_539, %dma_start3A_551] : memref<1000000x64xf32, #tpu.memory_space<hbm>> -> memref<1x64xf32, #tpu.memory_space<hbm>>
      %dma_start3A_553 = tpu.memref_squeeze %dma_start3A_552 : memref<1x64xf32, #tpu.memory_space<hbm>> -> memref<64xf32, #tpu.memory_space<hbm>>
      tpu.enqueue_dma source(%dma_start3A_553 : memref<64xf32, #tpu.memory_space<hbm>>) target(%dma_start3A_550 : memref<64xf32, #tpu.memory_space<vmem>>) target_semaphore(%arg10 : memref<!tpu.dma_semaphore, #tpu.memory_space<semaphore_mem>>)
      %scan3A_554 = arith.constant 0 : i32
      %scan3A_555 = arith.constant 2 : i32
      %scan3A_556 = arith.addi %scan3A_27, %scan3A_555 : i32
      %mul3A_557 = arith.constant 16 : i32
      %mul3A_558 = arith.muli %scan3A_556, %mul3A_557 : i32
      %add3A_559 = arith.constant 0 : i32
      %add3A_560 = arith.addi %add3A_559, %mul3A_558 : i32
      %get3A_561 = arith.index_cast %add3A_560 : i32 to index
      %get3A_562 = tpu.vector_load %arg5[%get3A_561] {strides = array<i32>} : memref<6400xi32, #tpu.memory_space<vmem>>, vector<16xi32>,
      %get3A_563 = vector.shape_cast %get3A_562 : vector<16xi32> to vector<16xi32>
      %slice3A_564 = vector.extract_strided_slice %get3A_563 {offsets = [0], sizes = [1], strides = [1]} : vector<16xi32> to vector<1xi32>
      %squeeze3A_565 = vector.extract %slice3A_564[0] : i32 from vector<1xi32>
      %add3A_566 = arith.constant 0 : i32
      %add3A_567 = arith.addi %mul3A_558, %add3A_566 : i32
      %dma_start3A_568 = arith.constant 0 : i32
      %dma_start3A_569 = tpu.memref_slice %arg6[%add3A_567, %dma_start3A_568] : memref<128x64xf32, #tpu.memory_space<vmem>> -> memref<1x64xf32, #tpu.memory_space<vmem>>
      %dma_start3A_570 = tpu.memref_squeeze %dma_start3A_569 : memref<1x64xf32, #tpu.memory_space<vmem>> -> memref<64xf32, #tpu.memory_space<vmem>>
      %dma_start3A_571 = arith.constant 0 : i32
      %dma_start3A_572 = tpu.memref_slice %arg3[%squeeze3A_565, %dma_start3A_571] : memref<1000000x64xf32, #tpu.memory_space<hbm>> -> memref<1x64xf32, #tpu.memory_space<hbm>>
      %dma_start3A_573 = tpu.memref_squeeze %dma_start3A_572 : memref<1x64xf32, #tpu.memory_space<hbm>> -> memref<64xf32, #tpu.memory_space<hbm>>
      %dma_start3A_574 = arith.constant 0 : i32
      %dma_start3A_575 = tpu.memref_slice %arg6[%add3A_567, %dma_start3A_574] : memref<128x64xf32, #tpu.memory_space<vmem>> -> memref<1x64xf32, #tpu.memory_space<vmem>>
      %dma_start3A_576 = tpu.memref_squeeze %dma_start3A_575 : memref<1x64xf32, #tpu.memory_space<vmem>> -> memref<64xf32, #tpu.memory_space<vmem>>
      %dma_start3A_577 = arith.constant 0 : i32
      %dma_start3A_578 = tpu.memref_slice %arg3[%squeeze3A_565, %dma_start3A_577] : memref<1000000x64xf32, #tpu.memory_space<hbm>> -> memref<1x64xf32, #tpu.memory_space<hbm>>
      %dma_start3A_579 = tpu.memref_squeeze %dma_start3A_578 : memref<1x64xf32, #tpu.memory_space<hbm>> -> memref<64xf32, #tpu.memory_space<hbm>>
      tpu.enqueue_dma source(%dma_start3A_579 : memref<64xf32, #tpu.memory_space<hbm>>) target(%dma_start3A_576 : memref<64xf32, #tpu.memory_space<vmem>>) target_semaphore(%arg10 : memref<!tpu.dma_semaphore, #tpu.memory_space<semaphore_mem>>)
      %slice3A_580 = vector.extract_strided_slice %get3A_563 {offsets = [1], sizes = [1], strides = [1]} : vector<16xi32> to vector<1xi32>
      %squeeze3A_581 = vector.extract %slice3A_580[0] : i32 from vector<1xi32>
      %add3A_582 = arith.constant 1 : i32
      %add3A_583 = arith.addi %mul3A_558, %add3A_582 : i32
      %dma_start3A_584 = arith.constant 0 : i32
      %dma_start3A_585 = tpu.memref_slice %arg6[%add3A_583, %dma_start3A_584] : memref<128x64xf32, #tpu.memory_space<vmem>> -> memref<1x64xf32, #tpu.memory_space<vmem>>
      %dma_start3A_586 = tpu.memref_squeeze %dma_start3A_585 : memref<1x64xf32, #tpu.memory_space<vmem>> -> memref<64xf32, #tpu.memory_space<vmem>>
      %dma_start3A_587 = arith.constant 0 : i32
      %dma_start3A_588 = tpu.memref_slice %arg3[%squeeze3A_581, %dma_start3A_587] : memref<1000000x64xf32, #tpu.memory_space<hbm>> -> memref<1x64xf32, #tpu.memory_space<hbm>>
      %dma_start3A_589 = tpu.memref_squeeze %dma_start3A_588 : memref<1x64xf32, #tpu.memory_space<hbm>> -> memref<64xf32, #tpu.memory_space<hbm>>
      %dma_start3A_590 = arith.constant 0 : i32
      %dma_start3A_591 = tpu.memref_slice %arg6[%add3A_583, %dma_start3A_590] : memref<128x64xf32, #tpu.memory_space<vmem>> -> memref<1x64xf32, #tpu.memory_space<vmem>>
      %dma_start3A_592 = tpu.memref_squeeze %dma_start3A_591 : memref<1x64xf32, #tpu.memory_space<vmem>> -> memref<64xf32, #tpu.memory_space<vmem>>
      %dma_start3A_593 = arith.constant 0 : i32
      %dma_start3A_594 = tpu.memref_slice %arg3[%squeeze3A_581, %dma_start3A_593] : memref<1000000x64xf32, #tpu.memory_space<hbm>> -> memref<1x64xf32, #tpu.memory_space<hbm>>
      %dma_start3A_595 = tpu.memref_squeeze %dma_start3A_594 : memref<1x64xf32, #tpu.memory_space<hbm>> -> memref<64xf32, #tpu.memory_space<hbm>>
      tpu.enqueue_dma source(%dma_start3A_595 : memref<64xf32, #tpu.memory_space<hbm>>) target(%dma_start3A_592 : memref<64xf32, #tpu.memory_space<vmem>>) target_semaphore(%arg10 : memref<!tpu.dma_semaphore, #tpu.memory_space<semaphore_mem>>)
      %slice3A_596 = vector.extract_strided_slice %get3A_563 {offsets = [2], sizes = [1], strides = [1]} : vector<16xi32> to vector<1xi32>
      %squeeze3A_597 = vector.extract %slice3A_596[0] : i32 from vector<1xi32>
      %add3A_598 = arith.constant 2 : i32
      %add3A_599 = arith.addi %mul3A_558, %add3A_598 : i32
      %dma_start3A_600 = arith.constant 0 : i32
      %dma_start3A_601 = tpu.memref_slice %arg6[%add3A_599, %dma_start3A_600] : memref<128x64xf32, #tpu.memory_space<vmem>> -> memref<1x64xf32, #tpu.memory_space<vmem>>
      %dma_start3A_602 = tpu.memref_squeeze %dma_start3A_601 : memref<1x64xf32, #tpu.memory_space<vmem>> -> memref<64xf32, #tpu.memory_space<vmem>>
      %dma_start3A_603 = arith.constant 0 : i32
      %dma_start3A_604 = tpu.memref_slice %arg3[%squeeze3A_597, %dma_start3A_603] : memref<1000000x64xf32, #tpu.memory_space<hbm>> -> memref<1x64xf32, #tpu.memory_space<hbm>>
      %dma_start3A_605 = tpu.memref_squeeze %dma_start3A_604 : memref<1x64xf32, #tpu.memory_space<hbm>> -> memref<64xf32, #tpu.memory_space<hbm>>
      %dma_start3A_606 = arith.constant 0 : i32
      %dma_start3A_607 = tpu.memref_slice %arg6[%add3A_599, %dma_start3A_606] : memref<128x64xf32, #tpu.memory_space<vmem>> -> memref<1x64xf32, #tpu.memory_space<vmem>>
      %dma_start3A_608 = tpu.memref_squeeze %dma_start3A_607 : memref<1x64xf32, #tpu.memory_space<vmem>> -> memref<64xf32, #tpu.memory_space<vmem>>
      %dma_start3A_609 = arith.constant 0 : i32
      %dma_start3A_610 = tpu.memref_slice %arg3[%squeeze3A_597, %dma_start3A_609] : memref<1000000x64xf32, #tpu.memory_space<hbm>> -> memref<1x64xf32, #tpu.memory_space<hbm>>
      %dma_start3A_611 = tpu.memref_squeeze %dma_start3A_610 : memref<1x64xf32, #tpu.memory_space<hbm>> -> memref<64xf32, #tpu.memory_space<hbm>>
      tpu.enqueue_dma source(%dma_start3A_611 : memref<64xf32, #tpu.memory_space<hbm>>) target(%dma_start3A_608 : memref<64xf32, #tpu.memory_space<vmem>>) target_semaphore(%arg10 : memref<!tpu.dma_semaphore, #tpu.memory_space<semaphore_mem>>)
      %slice3A_612 = vector.extract_strided_slice %get3A_563 {offsets = [3], sizes = [1], strides = [1]} : vector<16xi32> to vector<1xi32>
      %squeeze3A_613 = vector.extract %slice3A_612[0] : i32 from vector<1xi32>
      %add3A_614 = arith.constant 3 : i32
      %add3A_615 = arith.addi %mul3A_558, %add3A_614 : i32
      %dma_start3A_616 = arith.constant 0 : i32
      %dma_start3A_617 = tpu.memref_slice %arg6[%add3A_615, %dma_start3A_616] : memref<128x64xf32, #tpu.memory_space<vmem>> -> memref<1x64xf32, #tpu.memory_space<vmem>>
      %dma_start3A_618 = tpu.memref_squeeze %dma_start3A_617 : memref<1x64xf32, #tpu.memory_space<vmem>> -> memref<64xf32, #tpu.memory_space<vmem>>
      %dma_start3A_619 = arith.constant 0 : i32
      %dma_start3A_620 = tpu.memref_slice %arg3[%squeeze3A_613, %dma_start3A_619] : memref<1000000x64xf32, #tpu.memory_space<hbm>> -> memref<1x64xf32, #tpu.memory_space<hbm>>
      %dma_start3A_621 = tpu.memref_squeeze %dma_start3A_620 : memref<1x64xf32, #tpu.memory_space<hbm>> -> memref<64xf32, #tpu.memory_space<hbm>>
      %dma_start3A_622 = arith.constant 0 : i32
      %dma_start3A_623 = tpu.memref_slice %arg6[%add3A_615, %dma_start3A_622] : memref<128x64xf32, #tpu.memory_space<vmem>> -> memref<1x64xf32, #tpu.memory_space<vmem>>
      %dma_start3A_624 = tpu.memref_squeeze %dma_start3A_623 : memref<1x64xf32, #tpu.memory_space<vmem>> -> memref<64xf32, #tpu.memory_space<vmem>>
      %dma_start3A_625 = arith.constant 0 : i32
      %dma_start3A_626 = tpu.memref_slice %arg3[%squeeze3A_613, %dma_start3A_625] : memref<1000000x64xf32, #tpu.memory_space<hbm>> -> memref<1x64xf32, #tpu.memory_space<hbm>>
      %dma_start3A_627 = tpu.memref_squeeze %dma_start3A_626 : memref<1x64xf32, #tpu.memory_space<hbm>> -> memref<64xf32, #tpu.memory_space<hbm>>
      tpu.enqueue_dma source(%dma_start3A_627 : memref<64xf32, #tpu.memory_space<hbm>>) target(%dma_start3A_624 : memref<64xf32, #tpu.memory_space<vmem>>) target_semaphore(%arg10 : memref<!tpu.dma_semaphore, #tpu.memory_space<semaphore_mem>>)
      %slice3A_628 = vector.extract_strided_slice %get3A_563 {offsets = [4], sizes = [1], strides = [1]} : vector<16xi32> to vector<1xi32>
      %squeeze3A_629 = vector.extract %slice3A_628[0] : i32 from vector<1xi32>
      %add3A_630 = arith.constant 4 : i32
      %add3A_631 = arith.addi %mul3A_558, %add3A_630 : i32
      %dma_start3A_632 = arith.constant 0 : i32
      %dma_start3A_633 = tpu.memref_slice %arg6[%add3A_631, %dma_start3A_632] : memref<128x64xf32, #tpu.memory_space<vmem>> -> memref<1x64xf32, #tpu.memory_space<vmem>>
      %dma_start3A_634 = tpu.memref_squeeze %dma_start3A_633 : memref<1x64xf32, #tpu.memory_space<vmem>> -> memref<64xf32, #tpu.memory_space<vmem>>
      %dma_start3A_635 = arith.constant 0 : i32
      %dma_start3A_636 = tpu.memref_slice %arg3[%squeeze3A_629, %dma_start3A_635] : memref<1000000x64xf32, #tpu.memory_space<hbm>> -> memref<1x64xf32, #tpu.memory_space<hbm>>
      %dma_start3A_637 = tpu.memref_squeeze %dma_start3A_636 : memref<1x64xf32, #tpu.memory_space<hbm>> -> memref<64xf32, #tpu.memory_space<hbm>>
      %dma_start3A_638 = arith.constant 0 : i32
      %dma_start3A_639 = tpu.memref_slice %arg6[%add3A_631, %dma_start3A_638] : memref<128x64xf32, #tpu.memory_space<vmem>> -> memref<1x64xf32, #tpu.memory_space<vmem>>
      %dma_start3A_640 = tpu.memref_squeeze %dma_start3A_639 : memref<1x64xf32, #tpu.memory_space<vmem>> -> memref<64xf32, #tpu.memory_space<vmem>>
      %dma_start3A_641 = arith.constant 0 : i32
      %dma_start3A_642 = tpu.memref_slice %arg3[%squeeze3A_629, %dma_start3A_641] : memref<1000000x64xf32, #tpu.memory_space<hbm>> -> memref<1x64xf32, #tpu.memory_space<hbm>>
      %dma_start3A_643 = tpu.memref_squeeze %dma_start3A_642 : memref<1x64xf32, #tpu.memory_space<hbm>> -> memref<64xf32, #tpu.memory_space<hbm>>
      tpu.enqueue_dma source(%dma_start3A_643 : memref<64xf32, #tpu.memory_space<hbm>>) target(%dma_start3A_640 : memref<64xf32, #tpu.memory_space<vmem>>) target_semaphore(%arg10 : memref<!tpu.dma_semaphore, #tpu.memory_space<semaphore_mem>>)
      %slice3A_644 = vector.extract_strided_slice %get3A_563 {offsets = [5], sizes = [1], strides = [1]} : vector<16xi32> to vector<1xi32>
      %squeeze3A_645 = vector.extract %slice3A_644[0] : i32 from vector<1xi32>
      %add3A_646 = arith.constant 5 : i32
      %add3A_647 = arith.addi %mul3A_558, %add3A_646 : i32
      %dma_start3A_648 = arith.constant 0 : i32
      %dma_start3A_649 = tpu.memref_slice %arg6[%add3A_647, %dma_start3A_648] : memref<128x64xf32, #tpu.memory_space<vmem>> -> memref<1x64xf32, #tpu.memory_space<vmem>>
      %dma_start3A_650 = tpu.memref_squeeze %dma_start3A_649 : memref<1x64xf32, #tpu.memory_space<vmem>> -> memref<64xf32, #tpu.memory_space<vmem>>
      %dma_start3A_651 = arith.constant 0 : i32
      %dma_start3A_652 = tpu.memref_slice %arg3[%squeeze3A_645, %dma_start3A_651] : memref<1000000x64xf32, #tpu.memory_space<hbm>> -> memref<1x64xf32, #tpu.memory_space<hbm>>
      %dma_start3A_653 = tpu.memref_squeeze %dma_start3A_652 : memref<1x64xf32, #tpu.memory_space<hbm>> -> memref<64xf32, #tpu.memory_space<hbm>>
      %dma_start3A_654 = arith.constant 0 : i32
      %dma_start3A_655 = tpu.memref_slice %arg6[%add3A_647, %dma_start3A_654] : memref<128x64xf32, #tpu.memory_space<vmem>> -> memref<1x64xf32, #tpu.memory_space<vmem>>
      %dma_start3A_656 = tpu.memref_squeeze %dma_start3A_655 : memref<1x64xf32, #tpu.memory_space<vmem>> -> memref<64xf32, #tpu.memory_space<vmem>>
      %dma_start3A_657 = arith.constant 0 : i32
      %dma_start3A_658 = tpu.memref_slice %arg3[%squeeze3A_645, %dma_start3A_657] : memref<1000000x64xf32, #tpu.memory_space<hbm>> -> memref<1x64xf32, #tpu.memory_space<hbm>>
      %dma_start3A_659 = tpu.memref_squeeze %dma_start3A_658 : memref<1x64xf32, #tpu.memory_space<hbm>> -> memref<64xf32, #tpu.memory_space<hbm>>
      tpu.enqueue_dma source(%dma_start3A_659 : memref<64xf32, #tpu.memory_space<hbm>>) target(%dma_start3A_656 : memref<64xf32, #tpu.memory_space<vmem>>) target_semaphore(%arg10 : memref<!tpu.dma_semaphore, #tpu.memory_space<semaphore_mem>>)
      %slice3A_660 = vector.extract_strided_slice %get3A_563 {offsets = [6], sizes = [1], strides = [1]} : vector<16xi32> to vector<1xi32>
      %squeeze3A_661 = vector.extract %slice3A_660[0] : i32 from vector<1xi32>
      %add3A_662 = arith.constant 6 : i32
      %add3A_663 = arith.addi %mul3A_558, %add3A_662 : i32
      %dma_start3A_664 = arith.constant 0 : i32
      %dma_start3A_665 = tpu.memref_slice %arg6[%add3A_663, %dma_start3A_664] : memref<128x64xf32, #tpu.memory_space<vmem>> -> memref<1x64xf32, #tpu.memory_space<vmem>>
      %dma_start3A_666 = tpu.memref_squeeze %dma_start3A_665 : memref<1x64xf32, #tpu.memory_space<vmem>> -> memref<64xf32, #tpu.memory_space<vmem>>
      %dma_start3A_667 = arith.constant 0 : i32
      %dma_start3A_668 = tpu.memref_slice %arg3[%squeeze3A_661, %dma_start3A_667] : memref<1000000x64xf32, #tpu.memory_space<hbm>> -> memref<1x64xf32, #tpu.memory_space<hbm>>
      %dma_start3A_669 = tpu.memref_squeeze %dma_start3A_668 : memref<1x64xf32, #tpu.memory_space<hbm>> -> memref<64xf32, #tpu.memory_space<hbm>>
      %dma_start3A_670 = arith.constant 0 : i32
      %dma_start3A_671 = tpu.memref_slice %arg6[%add3A_663, %dma_start3A_670] : memref<128x64xf32, #tpu.memory_space<vmem>> -> memref<1x64xf32, #tpu.memory_space<vmem>>
      %dma_start3A_672 = tpu.memref_squeeze %dma_start3A_671 : memref<1x64xf32, #tpu.memory_space<vmem>> -> memref<64xf32, #tpu.memory_space<vmem>>
      %dma_start3A_673 = arith.constant 0 : i32
      %dma_start3A_674 = tpu.memref_slice %arg3[%squeeze3A_661, %dma_start3A_673] : memref<1000000x64xf32, #tpu.memory_space<hbm>> -> memref<1x64xf32, #tpu.memory_space<hbm>>
      %dma_start3A_675 = tpu.memref_squeeze %dma_start3A_674 : memref<1x64xf32, #tpu.memory_space<hbm>> -> memref<64xf32, #tpu.memory_space<hbm>>
      tpu.enqueue_dma source(%dma_start3A_675 : memref<64xf32, #tpu.memory_space<hbm>>) target(%dma_start3A_672 : memref<64xf32, #tpu.memory_space<vmem>>) target_semaphore(%arg10 : memref<!tpu.dma_semaphore, #tpu.memory_space<semaphore_mem>>)
      %slice3A_676 = vector.extract_strided_slice %get3A_563 {offsets = [7], sizes = [1], strides = [1]} : vector<16xi32> to vector<1xi32>
      %squeeze3A_677 = vector.extract %slice3A_676[0] : i32 from vector<1xi32>
      %add3A_678 = arith.constant 7 : i32
      %add3A_679 = arith.addi %mul3A_558, %add3A_678 : i32
      %dma_start3A_680 = arith.constant 0 : i32
      %dma_start3A_681 = tpu.memref_slice %arg6[%add3A_679, %dma_start3A_680] : memref<128x64xf32, #tpu.memory_space<vmem>> -> memref<1x64xf32, #tpu.memory_space<vmem>>
      %dma_start3A_682 = tpu.memref_squeeze %dma_start3A_681 : memref<1x64xf32, #tpu.memory_space<vmem>> -> memref<64xf32, #tpu.memory_space<vmem>>
      %dma_start3A_683 = arith.constant 0 : i32
      %dma_start3A_684 = tpu.memref_slice %arg3[%squeeze3A_677, %dma_start3A_683] : memref<1000000x64xf32, #tpu.memory_space<hbm>> -> memref<1x64xf32, #tpu.memory_space<hbm>>
      %dma_start3A_685 = tpu.memref_squeeze %dma_start3A_684 : memref<1x64xf32, #tpu.memory_space<hbm>> -> memref<64xf32, #tpu.memory_space<hbm>>
      %dma_start3A_686 = arith.constant 0 : i32
      %dma_start3A_687 = tpu.memref_slice %arg6[%add3A_679, %dma_start3A_686] : memref<128x64xf32, #tpu.memory_space<vmem>> -> memref<1x64xf32, #tpu.memory_space<vmem>>
      %dma_start3A_688 = tpu.memref_squeeze %dma_start3A_687 : memref<1x64xf32, #tpu.memory_space<vmem>> -> memref<64xf32, #tpu.memory_space<vmem>>
      %dma_start3A_689 = arith.constant 0 : i32
      %dma_start3A_690 = tpu.memref_slice %arg3[%squeeze3A_677, %dma_start3A_689] : memref<1000000x64xf32, #tpu.memory_space<hbm>> -> memref<1x64xf32, #tpu.memory_space<hbm>>
      %dma_start3A_691 = tpu.memref_squeeze %dma_start3A_690 : memref<1x64xf32, #tpu.memory_space<hbm>> -> memref<64xf32, #tpu.memory_space<hbm>>
      tpu.enqueue_dma source(%dma_start3A_691 : memref<64xf32, #tpu.memory_space<hbm>>) target(%dma_start3A_688 : memref<64xf32, #tpu.memory_space<vmem>>) target_semaphore(%arg10 : memref<!tpu.dma_semaphore, #tpu.memory_space<semaphore_mem>>)
      %slice3A_692 = vector.extract_strided_slice %get3A_563 {offsets = [8], sizes = [1], strides = [1]} : vector<16xi32> to vector<1xi32>
      %squeeze3A_693 = vector.extract %slice3A_692[0] : i32 from vector<1xi32>
      %add3A_694 = arith.constant 8 : i32
      %add3A_695 = arith.addi %mul3A_558, %add3A_694 : i32
      %dma_start3A_696 = arith.constant 0 : i32
      %dma_start3A_697 = tpu.memref_slice %arg6[%add3A_695, %dma_start3A_696] : memref<128x64xf32, #tpu.memory_space<vmem>> -> memref<1x64xf32, #tpu.memory_space<vmem>>
      %dma_start3A_698 = tpu.memref_squeeze %dma_start3A_697 : memref<1x64xf32, #tpu.memory_space<vmem>> -> memref<64xf32, #tpu.memory_space<vmem>>
      %dma_start3A_699 = arith.constant 0 : i32
      %dma_start3A_700 = tpu.memref_slice %arg3[%squeeze3A_693, %dma_start3A_699] : memref<1000000x64xf32, #tpu.memory_space<hbm>> -> memref<1x64xf32, #tpu.memory_space<hbm>>
      %dma_start3A_701 = tpu.memref_squeeze %dma_start3A_700 : memref<1x64xf32, #tpu.memory_space<hbm>> -> memref<64xf32, #tpu.memory_space<hbm>>
      %dma_start3A_702 = arith.constant 0 : i32
      %dma_start3A_703 = tpu.memref_slice %arg6[%add3A_695, %dma_start3A_702] : memref<128x64xf32, #tpu.memory_space<vmem>> -> memref<1x64xf32, #tpu.memory_space<vmem>>
      %dma_start3A_704 = tpu.memref_squeeze %dma_start3A_703 : memref<1x64xf32, #tpu.memory_space<vmem>> -> memref<64xf32, #tpu.memory_space<vmem>>
      %dma_start3A_705 = arith.constant 0 : i32
      %dma_start3A_706 = tpu.memref_slice %arg3[%squeeze3A_693, %dma_start3A_705] : memref<1000000x64xf32, #tpu.memory_space<hbm>> -> memref<1x64xf32, #tpu.memory_space<hbm>>
      %dma_start3A_707 = tpu.memref_squeeze %dma_start3A_706 : memref<1x64xf32, #tpu.memory_space<hbm>> -> memref<64xf32, #tpu.memory_space<hbm>>
      tpu.enqueue_dma source(%dma_start3A_707 : memref<64xf32, #tpu.memory_space<hbm>>) target(%dma_start3A_704 : memref<64xf32, #tpu.memory_space<vmem>>) target_semaphore(%arg10 : memref<!tpu.dma_semaphore, #tpu.memory_space<semaphore_mem>>)
      %slice3A_708 = vector.extract_strided_slice %get3A_563 {offsets = [9], sizes = [1], strides = [1]} : vector<16xi32> to vector<1xi32>
      %squeeze3A_709 = vector.extract %slice3A_708[0] : i32 from vector<1xi32>
      %add3A_710 = arith.constant 9 : i32
      %add3A_711 = arith.addi %mul3A_558, %add3A_710 : i32
      %dma_start3A_712 = arith.constant 0 : i32
      %dma_start3A_713 = tpu.memref_slice %arg6[%add3A_711, %dma_start3A_712] : memref<128x64xf32, #tpu.memory_space<vmem>> -> memref<1x64xf32, #tpu.memory_space<vmem>>
      %dma_start3A_714 = tpu.memref_squeeze %dma_start3A_713 : memref<1x64xf32, #tpu.memory_space<vmem>> -> memref<64xf32, #tpu.memory_space<vmem>>
      %dma_start3A_715 = arith.constant 0 : i32
      %dma_start3A_716 = tpu.memref_slice %arg3[%squeeze3A_709, %dma_start3A_715] : memref<1000000x64xf32, #tpu.memory_space<hbm>> -> memref<1x64xf32, #tpu.memory_space<hbm>>
      %dma_start3A_717 = tpu.memref_squeeze %dma_start3A_716 : memref<1x64xf32, #tpu.memory_space<hbm>> -> memref<64xf32, #tpu.memory_space<hbm>>
      %dma_start3A_718 = arith.constant 0 : i32
      %dma_start3A_719 = tpu.memref_slice %arg6[%add3A_711, %dma_start3A_718] : memref<128x64xf32, #tpu.memory_space<vmem>> -> memref<1x64xf32, #tpu.memory_space<vmem>>
      %dma_start3A_720 = tpu.memref_squeeze %dma_start3A_719 : memref<1x64xf32, #tpu.memory_space<vmem>> -> memref<64xf32, #tpu.memory_space<vmem>>
      %dma_start3A_721 = arith.constant 0 : i32
      %dma_start3A_722 = tpu.memref_slice %arg3[%squeeze3A_709, %dma_start3A_721] : memref<1000000x64xf32, #tpu.memory_space<hbm>> -> memref<1x64xf32, #tpu.memory_space<hbm>>
      %dma_start3A_723 = tpu.memref_squeeze %dma_start3A_722 : memref<1x64xf32, #tpu.memory_space<hbm>> -> memref<64xf32, #tpu.memory_space<hbm>>
      tpu.enqueue_dma source(%dma_start3A_723 : memref<64xf32, #tpu.memory_space<hbm>>) target(%dma_start3A_720 : memref<64xf32, #tpu.memory_space<vmem>>) target_semaphore(%arg10 : memref<!tpu.dma_semaphore, #tpu.memory_space<semaphore_mem>>)
      %slice3A_724 = vector.extract_strided_slice %get3A_563 {offsets = [10], sizes = [1], strides = [1]} : vector<16xi32> to vector<1xi32>
      %squeeze3A_725 = vector.extract %slice3A_724[0] : i32 from vector<1xi32>
      %add3A_726 = arith.constant 10 : i32
      %add3A_727 = arith.addi %mul3A_558, %add3A_726 : i32
      %dma_start3A_728 = arith.constant 0 : i32
      %dma_start3A_729 = tpu.memref_slice %arg6[%add3A_727, %dma_start3A_728] : memref<128x64xf32, #tpu.memory_space<vmem>> -> memref<1x64xf32, #tpu.memory_space<vmem>>
      %dma_start3A_730 = tpu.memref_squeeze %dma_start3A_729 : memref<1x64xf32, #tpu.memory_space<vmem>> -> memref<64xf32, #tpu.memory_space<vmem>>
      %dma_start3A_731 = arith.constant 0 : i32
      %dma_start3A_732 = tpu.memref_slice %arg3[%squeeze3A_725, %dma_start3A_731] : memref<1000000x64xf32, #tpu.memory_space<hbm>> -> memref<1x64xf32, #tpu.memory_space<hbm>>
      %dma_start3A_733 = tpu.memref_squeeze %dma_start3A_732 : memref<1x64xf32, #tpu.memory_space<hbm>> -> memref<64xf32, #tpu.memory_space<hbm>>
      %dma_start3A_734 = arith.constant 0 : i32
      %dma_start3A_735 = tpu.memref_slice %arg6[%add3A_727, %dma_start3A_734] : memref<128x64xf32, #tpu.memory_space<vmem>> -> memref<1x64xf32, #tpu.memory_space<vmem>>
      %dma_start3A_736 = tpu.memref_squeeze %dma_start3A_735 : memref<1x64xf32, #tpu.memory_space<vmem>> -> memref<64xf32, #tpu.memory_space<vmem>>
      %dma_start3A_737 = arith.constant 0 : i32
      %dma_start3A_738 = tpu.memref_slice %arg3[%squeeze3A_725, %dma_start3A_737] : memref<1000000x64xf32, #tpu.memory_space<hbm>> -> memref<1x64xf32, #tpu.memory_space<hbm>>
      %dma_start3A_739 = tpu.memref_squeeze %dma_start3A_738 : memref<1x64xf32, #tpu.memory_space<hbm>> -> memref<64xf32, #tpu.memory_space<hbm>>
      tpu.enqueue_dma source(%dma_start3A_739 : memref<64xf32, #tpu.memory_space<hbm>>) target(%dma_start3A_736 : memref<64xf32, #tpu.memory_space<vmem>>) target_semaphore(%arg10 : memref<!tpu.dma_semaphore, #tpu.memory_space<semaphore_mem>>)
      %slice3A_740 = vector.extract_strided_slice %get3A_563 {offsets = [11], sizes = [1], strides = [1]} : vector<16xi32> to vector<1xi32>
      %squeeze3A_741 = vector.extract %slice3A_740[0] : i32 from vector<1xi32>
      %add3A_742 = arith.constant 11 : i32
      %add3A_743 = arith.addi %mul3A_558, %add3A_742 : i32
      %dma_start3A_744 = arith.constant 0 : i32
      %dma_start3A_745 = tpu.memref_slice %arg6[%add3A_743, %dma_start3A_744] : memref<128x64xf32, #tpu.memory_space<vmem>> -> memref<1x64xf32, #tpu.memory_space<vmem>>
      %dma_start3A_746 = tpu.memref_squeeze %dma_start3A_745 : memref<1x64xf32, #tpu.memory_space<vmem>> -> memref<64xf32, #tpu.memory_space<vmem>>
      %dma_start3A_747 = arith.constant 0 : i32
      %dma_start3A_748 = tpu.memref_slice %arg3[%squeeze3A_741, %dma_start3A_747] : memref<1000000x64xf32, #tpu.memory_space<hbm>> -> memref<1x64xf32, #tpu.memory_space<hbm>>
      %dma_start3A_749 = tpu.memref_squeeze %dma_start3A_748 : memref<1x64xf32, #tpu.memory_space<hbm>> -> memref<64xf32, #tpu.memory_space<hbm>>
      %dma_start3A_750 = arith.constant 0 : i32
      %dma_start3A_751 = tpu.memref_slice %arg6[%add3A_743, %dma_start3A_750] : memref<128x64xf32, #tpu.memory_space<vmem>> -> memref<1x64xf32, #tpu.memory_space<vmem>>
      %dma_start3A_752 = tpu.memref_squeeze %dma_start3A_751 : memref<1x64xf32, #tpu.memory_space<vmem>> -> memref<64xf32, #tpu.memory_space<vmem>>
      %dma_start3A_753 = arith.constant 0 : i32
      %dma_start3A_754 = tpu.memref_slice %arg3[%squeeze3A_741, %dma_start3A_753] : memref<1000000x64xf32, #tpu.memory_space<hbm>> -> memref<1x64xf32, #tpu.memory_space<hbm>>
      %dma_start3A_755 = tpu.memref_squeeze %dma_start3A_754 : memref<1x64xf32, #tpu.memory_space<hbm>> -> memref<64xf32, #tpu.memory_space<hbm>>
      tpu.enqueue_dma source(%dma_start3A_755 : memref<64xf32, #tpu.memory_space<hbm>>) target(%dma_start3A_752 : memref<64xf32, #tpu.memory_space<vmem>>) target_semaphore(%arg10 : memref<!tpu.dma_semaphore, #tpu.memory_space<semaphore_mem>>)
      %slice3A_756 = vector.extract_strided_slice %get3A_563 {offsets = [12], sizes = [1], strides = [1]} : vector<16xi32> to vector<1xi32>
      %squeeze3A_757 = vector.extract %slice3A_756[0] : i32 from vector<1xi32>
      %add3A_758 = arith.constant 12 : i32
      %add3A_759 = arith.addi %mul3A_558, %add3A_758 : i32
      %dma_start3A_760 = arith.constant 0 : i32
      %dma_start3A_761 = tpu.memref_slice %arg6[%add3A_759, %dma_start3A_760] : memref<128x64xf32, #tpu.memory_space<vmem>> -> memref<1x64xf32, #tpu.memory_space<vmem>>
      %dma_start3A_762 = tpu.memref_squeeze %dma_start3A_761 : memref<1x64xf32, #tpu.memory_space<vmem>> -> memref<64xf32, #tpu.memory_space<vmem>>
      %dma_start3A_763 = arith.constant 0 : i32
      %dma_start3A_764 = tpu.memref_slice %arg3[%squeeze3A_757, %dma_start3A_763] : memref<1000000x64xf32, #tpu.memory_space<hbm>> -> memref<1x64xf32, #tpu.memory_space<hbm>>
      %dma_start3A_765 = tpu.memref_squeeze %dma_start3A_764 : memref<1x64xf32, #tpu.memory_space<hbm>> -> memref<64xf32, #tpu.memory_space<hbm>>
      %dma_start3A_766 = arith.constant 0 : i32
      %dma_start3A_767 = tpu.memref_slice %arg6[%add3A_759, %dma_start3A_766] : memref<128x64xf32, #tpu.memory_space<vmem>> -> memref<1x64xf32, #tpu.memory_space<vmem>>
      %dma_start3A_768 = tpu.memref_squeeze %dma_start3A_767 : memref<1x64xf32, #tpu.memory_space<vmem>> -> memref<64xf32, #tpu.memory_space<vmem>>
      %dma_start3A_769 = arith.constant 0 : i32
      %dma_start3A_770 = tpu.memref_slice %arg3[%squeeze3A_757, %dma_start3A_769] : memref<1000000x64xf32, #tpu.memory_space<hbm>> -> memref<1x64xf32, #tpu.memory_space<hbm>>
      %dma_start3A_771 = tpu.memref_squeeze %dma_start3A_770 : memref<1x64xf32, #tpu.memory_space<hbm>> -> memref<64xf32, #tpu.memory_space<hbm>>
      tpu.enqueue_dma source(%dma_start3A_771 : memref<64xf32, #tpu.memory_space<hbm>>) target(%dma_start3A_768 : memref<64xf32, #tpu.memory_space<vmem>>) target_semaphore(%arg10 : memref<!tpu.dma_semaphore, #tpu.memory_space<semaphore_mem>>)
      %slice3A_772 = vector.extract_strided_slice %get3A_563 {offsets = [13], sizes = [1], strides = [1]} : vector<16xi32> to vector<1xi32>
      %squeeze3A_773 = vector.extract %slice3A_772[0] : i32 from vector<1xi32>
      %add3A_774 = arith.constant 13 : i32
      %add3A_775 = arith.addi %mul3A_558, %add3A_774 : i32
      %dma_start3A_776 = arith.constant 0 : i32
      %dma_start3A_777 = tpu.memref_slice %arg6[%add3A_775, %dma_start3A_776] : memref<128x64xf32, #tpu.memory_space<vmem>> -> memref<1x64xf32, #tpu.memory_space<vmem>>
      %dma_start3A_778 = tpu.memref_squeeze %dma_start3A_777 : memref<1x64xf32, #tpu.memory_space<vmem>> -> memref<64xf32, #tpu.memory_space<vmem>>
      %dma_start3A_779 = arith.constant 0 : i32
      %dma_start3A_780 = tpu.memref_slice %arg3[%squeeze3A_773, %dma_start3A_779] : memref<1000000x64xf32, #tpu.memory_space<hbm>> -> memref<1x64xf32, #tpu.memory_space<hbm>>
      %dma_start3A_781 = tpu.memref_squeeze %dma_start3A_780 : memref<1x64xf32, #tpu.memory_space<hbm>> -> memref<64xf32, #tpu.memory_space<hbm>>
      %dma_start3A_782 = arith.constant 0 : i32
      %dma_start3A_783 = tpu.memref_slice %arg6[%add3A_775, %dma_start3A_782] : memref<128x64xf32, #tpu.memory_space<vmem>> -> memref<1x64xf32, #tpu.memory_space<vmem>>
      %dma_start3A_784 = tpu.memref_squeeze %dma_start3A_783 : memref<1x64xf32, #tpu.memory_space<vmem>> -> memref<64xf32, #tpu.memory_space<vmem>>
      %dma_start3A_785 = arith.constant 0 : i32
      %dma_start3A_786 = tpu.memref_slice %arg3[%squeeze3A_773, %dma_start3A_785] : memref<1000000x64xf32, #tpu.memory_space<hbm>> -> memref<1x64xf32, #tpu.memory_space<hbm>>
      %dma_start3A_787 = tpu.memref_squeeze %dma_start3A_786 : memref<1x64xf32, #tpu.memory_space<hbm>> -> memref<64xf32, #tpu.memory_space<hbm>>
      tpu.enqueue_dma source(%dma_start3A_787 : memref<64xf32, #tpu.memory_space<hbm>>) target(%dma_start3A_784 : memref<64xf32, #tpu.memory_space<vmem>>) target_semaphore(%arg10 : memref<!tpu.dma_semaphore, #tpu.memory_space<semaphore_mem>>)
      %slice3A_788 = vector.extract_strided_slice %get3A_563 {offsets = [14], sizes = [1], strides = [1]} : vector<16xi32> to vector<1xi32>
      %squeeze3A_789 = vector.extract %slice3A_788[0] : i32 from vector<1xi32>
      %add3A_790 = arith.constant 14 : i32
      %add3A_791 = arith.addi %mul3A_558, %add3A_790 : i32
      %dma_start3A_792 = arith.constant 0 : i32
      %dma_start3A_793 = tpu.memref_slice %arg6[%add3A_791, %dma_start3A_792] : memref<128x64xf32, #tpu.memory_space<vmem>> -> memref<1x64xf32, #tpu.memory_space<vmem>>
      %dma_start3A_794 = tpu.memref_squeeze %dma_start3A_793 : memref<1x64xf32, #tpu.memory_space<vmem>> -> memref<64xf32, #tpu.memory_space<vmem>>
      %dma_start3A_795 = arith.constant 0 : i32
      %dma_start3A_796 = tpu.memref_slice %arg3[%squeeze3A_789, %dma_start3A_795] : memref<1000000x64xf32, #tpu.memory_space<hbm>> -> memref<1x64xf32, #tpu.memory_space<hbm>>
      %dma_start3A_797 = tpu.memref_squeeze %dma_start3A_796 : memref<1x64xf32, #tpu.memory_space<hbm>> -> memref<64xf32, #tpu.memory_space<hbm>>
      %dma_start3A_798 = arith.constant 0 : i32
      %dma_start3A_799 = tpu.memref_slice %arg6[%add3A_791, %dma_start3A_798] : memref<128x64xf32, #tpu.memory_space<vmem>> -> memref<1x64xf32, #tpu.memory_space<vmem>>
      %dma_start3A_800 = tpu.memref_squeeze %dma_start3A_799 : memref<1x64xf32, #tpu.memory_space<vmem>> -> memref<64xf32, #tpu.memory_space<vmem>>
      %dma_start3A_801 = arith.constant 0 : i32
      %dma_start3A_802 = tpu.memref_slice %arg3[%squeeze3A_789, %dma_start3A_801] : memref<1000000x64xf32, #tpu.memory_space<hbm>> -> memref<1x64xf32, #tpu.memory_space<hbm>>
      %dma_start3A_803 = tpu.memref_squeeze %dma_start3A_802 : memref<1x64xf32, #tpu.memory_space<hbm>> -> memref<64xf32, #tpu.memory_space<hbm>>
      tpu.enqueue_dma source(%dma_start3A_803 : memref<64xf32, #tpu.memory_space<hbm>>) target(%dma_start3A_800 : memref<64xf32, #tpu.memory_space<vmem>>) target_semaphore(%arg10 : memref<!tpu.dma_semaphore, #tpu.memory_space<semaphore_mem>>)
      %slice3A_804 = vector.extract_strided_slice %get3A_563 {offsets = [15], sizes = [1], strides = [1]} : vector<16xi32> to vector<1xi32>
      %squeeze3A_805 = vector.extract %slice3A_804[0] : i32 from vector<1xi32>
      %add3A_806 = arith.constant 15 : i32
      %add3A_807 = arith.addi %mul3A_558, %add3A_806 : i32
      %dma_start3A_808 = arith.constant 0 : i32
      %dma_start3A_809 = tpu.memref_slice %arg6[%add3A_807, %dma_start3A_808] : memref<128x64xf32, #tpu.memory_space<vmem>> -> memref<1x64xf32, #tpu.memory_space<vmem>>
      %dma_start3A_810 = tpu.memref_squeeze %dma_start3A_809 : memref<1x64xf32, #tpu.memory_space<vmem>> -> memref<64xf32, #tpu.memory_space<vmem>>
      %dma_start3A_811 = arith.constant 0 : i32
      %dma_start3A_812 = tpu.memref_slice %arg3[%squeeze3A_805, %dma_start3A_811] : memref<1000000x64xf32, #tpu.memory_space<hbm>> -> memref<1x64xf32, #tpu.memory_space<hbm>>
      %dma_start3A_813 = tpu.memref_squeeze %dma_start3A_812 : memref<1x64xf32, #tpu.memory_space<hbm>> -> memref<64xf32, #tpu.memory_space<hbm>>
      %dma_start3A_814 = arith.constant 0 : i32
      %dma_start3A_815 = tpu.memref_slice %arg6[%add3A_807, %dma_start3A_814] : memref<128x64xf32, #tpu.memory_space<vmem>> -> memref<1x64xf32, #tpu.memory_space<vmem>>
      %dma_start3A_816 = tpu.memref_squeeze %dma_start3A_815 : memref<1x64xf32, #tpu.memory_space<vmem>> -> memref<64xf32, #tpu.memory_space<vmem>>
      %dma_start3A_817 = arith.constant 0 : i32
      %dma_start3A_818 = tpu.memref_slice %arg3[%squeeze3A_805, %dma_start3A_817] : memref<1000000x64xf32, #tpu.memory_space<hbm>> -> memref<1x64xf32, #tpu.memory_space<hbm>>
      %dma_start3A_819 = tpu.memref_squeeze %dma_start3A_818 : memref<1x64xf32, #tpu.memory_space<hbm>> -> memref<64xf32, #tpu.memory_space<hbm>>
      tpu.enqueue_dma source(%dma_start3A_819 : memref<64xf32, #tpu.memory_space<hbm>>) target(%dma_start3A_816 : memref<64xf32, #tpu.memory_space<vmem>>) target_semaphore(%arg10 : memref<!tpu.dma_semaphore, #tpu.memory_space<semaphore_mem>>)
      %scan3A_820 = arith.constant 0 : i32
      %scan3A_821 = arith.constant 3 : i32
      %scan3A_822 = arith.addi %scan3A_27, %scan3A_821 : i32
      %mul3A_823 = arith.constant 16 : i32
      %mul3A_824 = arith.muli %scan3A_822, %mul3A_823 : i32
      %add3A_825 = arith.constant 0 : i32
      %add3A_826 = arith.addi %add3A_825, %mul3A_824 : i32
      %get3A_827 = arith.index_cast %add3A_826 : i32 to index
      %get3A_828 = tpu.vector_load %arg5[%get3A_827] {strides = array<i32>} : memref<6400xi32, #tpu.memory_space<vmem>>, vector<16xi32>,
      %get3A_829 = vector.shape_cast %get3A_828 : vector<16xi32> to vector<16xi32>
      %slice3A_830 = vector.extract_strided_slice %get3A_829 {offsets = [0], sizes = [1], strides = [1]} : vector<16xi32> to vector<1xi32>
      %squeeze3A_831 = vector.extract %slice3A_830[0] : i32 from vector<1xi32>
      %add3A_832 = arith.constant 0 : i32
      %add3A_833 = arith.addi %mul3A_824, %add3A_832 : i32
      %dma_start3A_834 = arith.constant 0 : i32
      %dma_start3A_835 = tpu.memref_slice %arg6[%add3A_833, %dma_start3A_834] : memref<128x64xf32, #tpu.memory_space<vmem>> -> memref<1x64xf32, #tpu.memory_space<vmem>>
      %dma_start3A_836 = tpu.memref_squeeze %dma_start3A_835 : memref<1x64xf32, #tpu.memory_space<vmem>> -> memref<64xf32, #tpu.memory_space<vmem>>
      %dma_start3A_837 = arith.constant 0 : i32
      %dma_start3A_838 = tpu.memref_slice %arg3[%squeeze3A_831, %dma_start3A_837] : memref<1000000x64xf32, #tpu.memory_space<hbm>> -> memref<1x64xf32, #tpu.memory_space<hbm>>
      %dma_start3A_839 = tpu.memref_squeeze %dma_start3A_838 : memref<1x64xf32, #tpu.memory_space<hbm>> -> memref<64xf32, #tpu.memory_space<hbm>>
      %dma_start3A_840 = arith.constant 0 : i32
      %dma_start3A_841 = tpu.memref_slice %arg6[%add3A_833, %dma_start3A_840] : memref<128x64xf32, #tpu.memory_space<vmem>> -> memref<1x64xf32, #tpu.memory_space<vmem>>
      %dma_start3A_842 = tpu.memref_squeeze %dma_start3A_841 : memref<1x64xf32, #tpu.memory_space<vmem>> -> memref<64xf32, #tpu.memory_space<vmem>>
      %dma_start3A_843 = arith.constant 0 : i32
      %dma_start3A_844 = tpu.memref_slice %arg3[%squeeze3A_831, %dma_start3A_843] : memref<1000000x64xf32, #tpu.memory_space<hbm>> -> memref<1x64xf32, #tpu.memory_space<hbm>>
      %dma_start3A_845 = tpu.memref_squeeze %dma_start3A_844 : memref<1x64xf32, #tpu.memory_space<hbm>> -> memref<64xf32, #tpu.memory_space<hbm>>
      tpu.enqueue_dma source(%dma_start3A_845 : memref<64xf32, #tpu.memory_space<hbm>>) target(%dma_start3A_842 : memref<64xf32, #tpu.memory_space<vmem>>) target_semaphore(%arg10 : memref<!tpu.dma_semaphore, #tpu.memory_space<semaphore_mem>>)
      %slice3A_846 = vector.extract_strided_slice %get3A_829 {offsets = [1], sizes = [1], strides = [1]} : vector<16xi32> to vector<1xi32>
      %squeeze3A_847 = vector.extract %slice3A_846[0] : i32 from vector<1xi32>
      %add3A_848 = arith.constant 1 : i32
      %add3A_849 = arith.addi %mul3A_824, %add3A_848 : i32
      %dma_start3A_850 = arith.constant 0 : i32
      %dma_start3A_851 = tpu.memref_slice %arg6[%add3A_849, %dma_start3A_850] : memref<128x64xf32, #tpu.memory_space<vmem>> -> memref<1x64xf32, #tpu.memory_space<vmem>>
      %dma_start3A_852 = tpu.memref_squeeze %dma_start3A_851 : memref<1x64xf32, #tpu.memory_space<vmem>> -> memref<64xf32, #tpu.memory_space<vmem>>
      %dma_start3A_853 = arith.constant 0 : i32
      %dma_start3A_854 = tpu.memref_slice %arg3[%squeeze3A_847, %dma_start3A_853] : memref<1000000x64xf32, #tpu.memory_space<hbm>> -> memref<1x64xf32, #tpu.memory_space<hbm>>
      %dma_start3A_855 = tpu.memref_squeeze %dma_start3A_854 : memref<1x64xf32, #tpu.memory_space<hbm>> -> memref<64xf32, #tpu.memory_space<hbm>>
      %dma_start3A_856 = arith.constant 0 : i32
      %dma_start3A_857 = tpu.memref_slice %arg6[%add3A_849, %dma_start3A_856] : memref<128x64xf32, #tpu.memory_space<vmem>> -> memref<1x64xf32, #tpu.memory_space<vmem>>
      %dma_start3A_858 = tpu.memref_squeeze %dma_start3A_857 : memref<1x64xf32, #tpu.memory_space<vmem>> -> memref<64xf32, #tpu.memory_space<vmem>>
      %dma_start3A_859 = arith.constant 0 : i32
      %dma_start3A_860 = tpu.memref_slice %arg3[%squeeze3A_847, %dma_start3A_859] : memref<1000000x64xf32, #tpu.memory_space<hbm>> -> memref<1x64xf32, #tpu.memory_space<hbm>>
      %dma_start3A_861 = tpu.memref_squeeze %dma_start3A_860 : memref<1x64xf32, #tpu.memory_space<hbm>> -> memref<64xf32, #tpu.memory_space<hbm>>
      tpu.enqueue_dma source(%dma_start3A_861 : memref<64xf32, #tpu.memory_space<hbm>>) target(%dma_start3A_858 : memref<64xf32, #tpu.memory_space<vmem>>) target_semaphore(%arg10 : memref<!tpu.dma_semaphore, #tpu.memory_space<semaphore_mem>>)
      %slice3A_862 = vector.extract_strided_slice %get3A_829 {offsets = [2], sizes = [1], strides = [1]} : vector<16xi32> to vector<1xi32>
      %squeeze3A_863 = vector.extract %slice3A_862[0] : i32 from vector<1xi32>
      %add3A_864 = arith.constant 2 : i32
      %add3A_865 = arith.addi %mul3A_824, %add3A_864 : i32
      %dma_start3A_866 = arith.constant 0 : i32
      %dma_start3A_867 = tpu.memref_slice %arg6[%add3A_865, %dma_start3A_866] : memref<128x64xf32, #tpu.memory_space<vmem>> -> memref<1x64xf32, #tpu.memory_space<vmem>>
      %dma_start3A_868 = tpu.memref_squeeze %dma_start3A_867 : memref<1x64xf32, #tpu.memory_space<vmem>> -> memref<64xf32, #tpu.memory_space<vmem>>
      %dma_start3A_869 = arith.constant 0 : i32
      %dma_start3A_870 = tpu.memref_slice %arg3[%squeeze3A_863, %dma_start3A_869] : memref<1000000x64xf32, #tpu.memory_space<hbm>> -> memref<1x64xf32, #tpu.memory_space<hbm>>
      %dma_start3A_871 = tpu.memref_squeeze %dma_start3A_870 : memref<1x64xf32, #tpu.memory_space<hbm>> -> memref<64xf32, #tpu.memory_space<hbm>>
      %dma_start3A_872 = arith.constant 0 : i32
      %dma_start3A_873 = tpu.memref_slice %arg6[%add3A_865, %dma_start3A_872] : memref<128x64xf32, #tpu.memory_space<vmem>> -> memref<1x64xf32, #tpu.memory_space<vmem>>
      %dma_start3A_874 = tpu.memref_squeeze %dma_start3A_873 : memref<1x64xf32, #tpu.memory_space<vmem>> -> memref<64xf32, #tpu.memory_space<vmem>>
      %dma_start3A_875 = arith.constant 0 : i32
      %dma_start3A_876 = tpu.memref_slice %arg3[%squeeze3A_863, %dma_start3A_875] : memref<1000000x64xf32, #tpu.memory_space<hbm>> -> memref<1x64xf32, #tpu.memory_space<hbm>>
      %dma_start3A_877 = tpu.memref_squeeze %dma_start3A_876 : memref<1x64xf32, #tpu.memory_space<hbm>> -> memref<64xf32, #tpu.memory_space<hbm>>
      tpu.enqueue_dma source(%dma_start3A_877 : memref<64xf32, #tpu.memory_space<hbm>>) target(%dma_start3A_874 : memref<64xf32, #tpu.memory_space<vmem>>) target_semaphore(%arg10 : memref<!tpu.dma_semaphore, #tpu.memory_space<semaphore_mem>>)
      %slice3A_878 = vector.extract_strided_slice %get3A_829 {offsets = [3], sizes = [1], strides = [1]} : vector<16xi32> to vector<1xi32>
      %squeeze3A_879 = vector.extract %slice3A_878[0] : i32 from vector<1xi32>
      %add3A_880 = arith.constant 3 : i32
      %add3A_881 = arith.addi %mul3A_824, %add3A_880 : i32
      %dma_start3A_882 = arith.constant 0 : i32
      %dma_start3A_883 = tpu.memref_slice %arg6[%add3A_881, %dma_start3A_882] : memref<128x64xf32, #tpu.memory_space<vmem>> -> memref<1x64xf32, #tpu.memory_space<vmem>>
      %dma_start3A_884 = tpu.memref_squeeze %dma_start3A_883 : memref<1x64xf32, #tpu.memory_space<vmem>> -> memref<64xf32, #tpu.memory_space<vmem>>
      %dma_start3A_885 = arith.constant 0 : i32
      %dma_start3A_886 = tpu.memref_slice %arg3[%squeeze3A_879, %dma_start3A_885] : memref<1000000x64xf32, #tpu.memory_space<hbm>> -> memref<1x64xf32, #tpu.memory_space<hbm>>
      %dma_start3A_887 = tpu.memref_squeeze %dma_start3A_886 : memref<1x64xf32, #tpu.memory_space<hbm>> -> memref<64xf32, #tpu.memory_space<hbm>>
      %dma_start3A_888 = arith.constant 0 : i32
      %dma_start3A_889 = tpu.memref_slice %arg6[%add3A_881, %dma_start3A_888] : memref<128x64xf32, #tpu.memory_space<vmem>> -> memref<1x64xf32, #tpu.memory_space<vmem>>
      %dma_start3A_890 = tpu.memref_squeeze %dma_start3A_889 : memref<1x64xf32, #tpu.memory_space<vmem>> -> memref<64xf32, #tpu.memory_space<vmem>>
      %dma_start3A_891 = arith.constant 0 : i32
      %dma_start3A_892 = tpu.memref_slice %arg3[%squeeze3A_879, %dma_start3A_891] : memref<1000000x64xf32, #tpu.memory_space<hbm>> -> memref<1x64xf32, #tpu.memory_space<hbm>>
      %dma_start3A_893 = tpu.memref_squeeze %dma_start3A_892 : memref<1x64xf32, #tpu.memory_space<hbm>> -> memref<64xf32, #tpu.memory_space<hbm>>
      tpu.enqueue_dma source(%dma_start3A_893 : memref<64xf32, #tpu.memory_space<hbm>>) target(%dma_start3A_890 : memref<64xf32, #tpu.memory_space<vmem>>) target_semaphore(%arg10 : memref<!tpu.dma_semaphore, #tpu.memory_space<semaphore_mem>>)
      %slice3A_894 = vector.extract_strided_slice %get3A_829 {offsets = [4], sizes = [1], strides = [1]} : vector<16xi32> to vector<1xi32>
      %squeeze3A_895 = vector.extract %slice3A_894[0] : i32 from vector<1xi32>
      %add3A_896 = arith.constant 4 : i32
      %add3A_897 = arith.addi %mul3A_824, %add3A_896 : i32
      %dma_start3A_898 = arith.constant 0 : i32
      %dma_start3A_899 = tpu.memref_slice %arg6[%add3A_897, %dma_start3A_898] : memref<128x64xf32, #tpu.memory_space<vmem>> -> memref<1x64xf32, #tpu.memory_space<vmem>>
      %dma_start3A_900 = tpu.memref_squeeze %dma_start3A_899 : memref<1x64xf32, #tpu.memory_space<vmem>> -> memref<64xf32, #tpu.memory_space<vmem>>
      %dma_start3A_901 = arith.constant 0 : i32
      %dma_start3A_902 = tpu.memref_slice %arg3[%squeeze3A_895, %dma_start3A_901] : memref<1000000x64xf32, #tpu.memory_space<hbm>> -> memref<1x64xf32, #tpu.memory_space<hbm>>
      %dma_start3A_903 = tpu.memref_squeeze %dma_start3A_902 : memref<1x64xf32, #tpu.memory_space<hbm>> -> memref<64xf32, #tpu.memory_space<hbm>>
      %dma_start3A_904 = arith.constant 0 : i32
      %dma_start3A_905 = tpu.memref_slice %arg6[%add3A_897, %dma_start3A_904] : memref<128x64xf32, #tpu.memory_space<vmem>> -> memref<1x64xf32, #tpu.memory_space<vmem>>
      %dma_start3A_906 = tpu.memref_squeeze %dma_start3A_905 : memref<1x64xf32, #tpu.memory_space<vmem>> -> memref<64xf32, #tpu.memory_space<vmem>>
      %dma_start3A_907 = arith.constant 0 : i32
      %dma_start3A_908 = tpu.memref_slice %arg3[%squeeze3A_895, %dma_start3A_907] : memref<1000000x64xf32, #tpu.memory_space<hbm>> -> memref<1x64xf32, #tpu.memory_space<hbm>>
      %dma_start3A_909 = tpu.memref_squeeze %dma_start3A_908 : memref<1x64xf32, #tpu.memory_space<hbm>> -> memref<64xf32, #tpu.memory_space<hbm>>
      tpu.enqueue_dma source(%dma_start3A_909 : memref<64xf32, #tpu.memory_space<hbm>>) target(%dma_start3A_906 : memref<64xf32, #tpu.memory_space<vmem>>) target_semaphore(%arg10 : memref<!tpu.dma_semaphore, #tpu.memory_space<semaphore_mem>>)
      %slice3A_910 = vector.extract_strided_slice %get3A_829 {offsets = [5], sizes = [1], strides = [1]} : vector<16xi32> to vector<1xi32>
      %squeeze3A_911 = vector.extract %slice3A_910[0] : i32 from vector<1xi32>
      %add3A_912 = arith.constant 5 : i32
      %add3A_913 = arith.addi %mul3A_824, %add3A_912 : i32
      %dma_start3A_914 = arith.constant 0 : i32
      %dma_start3A_915 = tpu.memref_slice %arg6[%add3A_913, %dma_start3A_914] : memref<128x64xf32, #tpu.memory_space<vmem>> -> memref<1x64xf32, #tpu.memory_space<vmem>>
      %dma_start3A_916 = tpu.memref_squeeze %dma_start3A_915 : memref<1x64xf32, #tpu.memory_space<vmem>> -> memref<64xf32, #tpu.memory_space<vmem>>
      %dma_start3A_917 = arith.constant 0 : i32
      %dma_start3A_918 = tpu.memref_slice %arg3[%squeeze3A_911, %dma_start3A_917] : memref<1000000x64xf32, #tpu.memory_space<hbm>> -> memref<1x64xf32, #tpu.memory_space<hbm>>
      %dma_start3A_919 = tpu.memref_squeeze %dma_start3A_918 : memref<1x64xf32, #tpu.memory_space<hbm>> -> memref<64xf32, #tpu.memory_space<hbm>>
      %dma_start3A_920 = arith.constant 0 : i32
      %dma_start3A_921 = tpu.memref_slice %arg6[%add3A_913, %dma_start3A_920] : memref<128x64xf32, #tpu.memory_space<vmem>> -> memref<1x64xf32, #tpu.memory_space<vmem>>
      %dma_start3A_922 = tpu.memref_squeeze %dma_start3A_921 : memref<1x64xf32, #tpu.memory_space<vmem>> -> memref<64xf32, #tpu.memory_space<vmem>>
      %dma_start3A_923 = arith.constant 0 : i32
      %dma_start3A_924 = tpu.memref_slice %arg3[%squeeze3A_911, %dma_start3A_923] : memref<1000000x64xf32, #tpu.memory_space<hbm>> -> memref<1x64xf32, #tpu.memory_space<hbm>>
      %dma_start3A_925 = tpu.memref_squeeze %dma_start3A_924 : memref<1x64xf32, #tpu.memory_space<hbm>> -> memref<64xf32, #tpu.memory_space<hbm>>
      tpu.enqueue_dma source(%dma_start3A_925 : memref<64xf32, #tpu.memory_space<hbm>>) target(%dma_start3A_922 : memref<64xf32, #tpu.memory_space<vmem>>) target_semaphore(%arg10 : memref<!tpu.dma_semaphore, #tpu.memory_space<semaphore_mem>>)
      %slice3A_926 = vector.extract_strided_slice %get3A_829 {offsets = [6], sizes = [1], strides = [1]} : vector<16xi32> to vector<1xi32>
      %squeeze3A_927 = vector.extract %slice3A_926[0] : i32 from vector<1xi32>
      %add3A_928 = arith.constant 6 : i32
      %add3A_929 = arith.addi %mul3A_824, %add3A_928 : i32
      %dma_start3A_930 = arith.constant 0 : i32
      %dma_start3A_931 = tpu.memref_slice %arg6[%add3A_929, %dma_start3A_930] : memref<128x64xf32, #tpu.memory_space<vmem>> -> memref<1x64xf32, #tpu.memory_space<vmem>>
      %dma_start3A_932 = tpu.memref_squeeze %dma_start3A_931 : memref<1x64xf32, #tpu.memory_space<vmem>> -> memref<64xf32, #tpu.memory_space<vmem>>
      %dma_start3A_933 = arith.constant 0 : i32
      %dma_start3A_934 = tpu.memref_slice %arg3[%squeeze3A_927, %dma_start3A_933] : memref<1000000x64xf32, #tpu.memory_space<hbm>> -> memref<1x64xf32, #tpu.memory_space<hbm>>
      %dma_start3A_935 = tpu.memref_squeeze %dma_start3A_934 : memref<1x64xf32, #tpu.memory_space<hbm>> -> memref<64xf32, #tpu.memory_space<hbm>>
      %dma_start3A_936 = arith.constant 0 : i32
      %dma_start3A_937 = tpu.memref_slice %arg6[%add3A_929, %dma_start3A_936] : memref<128x64xf32, #tpu.memory_space<vmem>> -> memref<1x64xf32, #tpu.memory_space<vmem>>
      %dma_start3A_938 = tpu.memref_squeeze %dma_start3A_937 : memref<1x64xf32, #tpu.memory_space<vmem>> -> memref<64xf32, #tpu.memory_space<vmem>>
      %dma_start3A_939 = arith.constant 0 : i32
      %dma_start3A_940 = tpu.memref_slice %arg3[%squeeze3A_927, %dma_start3A_939] : memref<1000000x64xf32, #tpu.memory_space<hbm>> -> memref<1x64xf32, #tpu.memory_space<hbm>>
      %dma_start3A_941 = tpu.memref_squeeze %dma_start3A_940 : memref<1x64xf32, #tpu.memory_space<hbm>> -> memref<64xf32, #tpu.memory_space<hbm>>
      tpu.enqueue_dma source(%dma_start3A_941 : memref<64xf32, #tpu.memory_space<hbm>>) target(%dma_start3A_938 : memref<64xf32, #tpu.memory_space<vmem>>) target_semaphore(%arg10 : memref<!tpu.dma_semaphore, #tpu.memory_space<semaphore_mem>>)
      %slice3A_942 = vector.extract_strided_slice %get3A_829 {offsets = [7], sizes = [1], strides = [1]} : vector<16xi32> to vector<1xi32>
      %squeeze3A_943 = vector.extract %slice3A_942[0] : i32 from vector<1xi32>
      %add3A_944 = arith.constant 7 : i32
      %add3A_945 = arith.addi %mul3A_824, %add3A_944 : i32
      %dma_start3A_946 = arith.constant 0 : i32
      %dma_start3A_947 = tpu.memref_slice %arg6[%add3A_945, %dma_start3A_946] : memref<128x64xf32, #tpu.memory_space<vmem>> -> memref<1x64xf32, #tpu.memory_space<vmem>>
      %dma_start3A_948 = tpu.memref_squeeze %dma_start3A_947 : memref<1x64xf32, #tpu.memory_space<vmem>> -> memref<64xf32, #tpu.memory_space<vmem>>
      %dma_start3A_949 = arith.constant 0 : i32
      %dma_start3A_950 = tpu.memref_slice %arg3[%squeeze3A_943, %dma_start3A_949] : memref<1000000x64xf32, #tpu.memory_space<hbm>> -> memref<1x64xf32, #tpu.memory_space<hbm>>
      %dma_start3A_951 = tpu.memref_squeeze %dma_start3A_950 : memref<1x64xf32, #tpu.memory_space<hbm>> -> memref<64xf32, #tpu.memory_space<hbm>>
      %dma_start3A_952 = arith.constant 0 : i32
      %dma_start3A_953 = tpu.memref_slice %arg6[%add3A_945, %dma_start3A_952] : memref<128x64xf32, #tpu.memory_space<vmem>> -> memref<1x64xf32, #tpu.memory_space<vmem>>
      %dma_start3A_954 = tpu.memref_squeeze %dma_start3A_953 : memref<1x64xf32, #tpu.memory_space<vmem>> -> memref<64xf32, #tpu.memory_space<vmem>>
      %dma_start3A_955 = arith.constant 0 : i32
      %dma_start3A_956 = tpu.memref_slice %arg3[%squeeze3A_943, %dma_start3A_955] : memref<1000000x64xf32, #tpu.memory_space<hbm>> -> memref<1x64xf32, #tpu.memory_space<hbm>>
      %dma_start3A_957 = tpu.memref_squeeze %dma_start3A_956 : memref<1x64xf32, #tpu.memory_space<hbm>> -> memref<64xf32, #tpu.memory_space<hbm>>
      tpu.enqueue_dma source(%dma_start3A_957 : memref<64xf32, #tpu.memory_space<hbm>>) target(%dma_start3A_954 : memref<64xf32, #tpu.memory_space<vmem>>) target_semaphore(%arg10 : memref<!tpu.dma_semaphore, #tpu.memory_space<semaphore_mem>>)
      %slice3A_958 = vector.extract_strided_slice %get3A_829 {offsets = [8], sizes = [1], strides = [1]} : vector<16xi32> to vector<1xi32>
      %squeeze3A_959 = vector.extract %slice3A_958[0] : i32 from vector<1xi32>
      %add3A_960 = arith.constant 8 : i32
      %add3A_961 = arith.addi %mul3A_824, %add3A_960 : i32
      %dma_start3A_962 = arith.constant 0 : i32
      %dma_start3A_963 = tpu.memref_slice %arg6[%add3A_961, %dma_start3A_962] : memref<128x64xf32, #tpu.memory_space<vmem>> -> memref<1x64xf32, #tpu.memory_space<vmem>>
      %dma_start3A_964 = tpu.memref_squeeze %dma_start3A_963 : memref<1x64xf32, #tpu.memory_space<vmem>> -> memref<64xf32, #tpu.memory_space<vmem>>
      %dma_start3A_965 = arith.constant 0 : i32
      %dma_start3A_966 = tpu.memref_slice %arg3[%squeeze3A_959, %dma_start3A_965] : memref<1000000x64xf32, #tpu.memory_space<hbm>> -> memref<1x64xf32, #tpu.memory_space<hbm>>
      %dma_start3A_967 = tpu.memref_squeeze %dma_start3A_966 : memref<1x64xf32, #tpu.memory_space<hbm>> -> memref<64xf32, #tpu.memory_space<hbm>>
      %dma_start3A_968 = arith.constant 0 : i32
      %dma_start3A_969 = tpu.memref_slice %arg6[%add3A_961, %dma_start3A_968] : memref<128x64xf32, #tpu.memory_space<vmem>> -> memref<1x64xf32, #tpu.memory_space<vmem>>
      %dma_start3A_970 = tpu.memref_squeeze %dma_start3A_969 : memref<1x64xf32, #tpu.memory_space<vmem>> -> memref<64xf32, #tpu.memory_space<vmem>>
      %dma_start3A_971 = arith.constant 0 : i32
      %dma_start3A_972 = tpu.memref_slice %arg3[%squeeze3A_959, %dma_start3A_971] : memref<1000000x64xf32, #tpu.memory_space<hbm>> -> memref<1x64xf32, #tpu.memory_space<hbm>>
      %dma_start3A_973 = tpu.memref_squeeze %dma_start3A_972 : memref<1x64xf32, #tpu.memory_space<hbm>> -> memref<64xf32, #tpu.memory_space<hbm>>
      tpu.enqueue_dma source(%dma_start3A_973 : memref<64xf32, #tpu.memory_space<hbm>>) target(%dma_start3A_970 : memref<64xf32, #tpu.memory_space<vmem>>) target_semaphore(%arg10 : memref<!tpu.dma_semaphore, #tpu.memory_space<semaphore_mem>>)
      %slice3A_974 = vector.extract_strided_slice %get3A_829 {offsets = [9], sizes = [1], strides = [1]} : vector<16xi32> to vector<1xi32>
      %squeeze3A_975 = vector.extract %slice3A_974[0] : i32 from vector<1xi32>
      %add3A_976 = arith.constant 9 : i32
      %add3A_977 = arith.addi %mul3A_824, %add3A_976 : i32
      %dma_start3A_978 = arith.constant 0 : i32
      %dma_start3A_979 = tpu.memref_slice %arg6[%add3A_977, %dma_start3A_978] : memref<128x64xf32, #tpu.memory_space<vmem>> -> memref<1x64xf32, #tpu.memory_space<vmem>>
      %dma_start3A_980 = tpu.memref_squeeze %dma_start3A_979 : memref<1x64xf32, #tpu.memory_space<vmem>> -> memref<64xf32, #tpu.memory_space<vmem>>
      %dma_start3A_981 = arith.constant 0 : i32
      %dma_start3A_982 = tpu.memref_slice %arg3[%squeeze3A_975, %dma_start3A_981] : memref<1000000x64xf32, #tpu.memory_space<hbm>> -> memref<1x64xf32, #tpu.memory_space<hbm>>
      %dma_start3A_983 = tpu.memref_squeeze %dma_start3A_982 : memref<1x64xf32, #tpu.memory_space<hbm>> -> memref<64xf32, #tpu.memory_space<hbm>>
      %dma_start3A_984 = arith.constant 0 : i32
      %dma_start3A_985 = tpu.memref_slice %arg6[%add3A_977, %dma_start3A_984] : memref<128x64xf32, #tpu.memory_space<vmem>> -> memref<1x64xf32, #tpu.memory_space<vmem>>
      %dma_start3A_986 = tpu.memref_squeeze %dma_start3A_985 : memref<1x64xf32, #tpu.memory_space<vmem>> -> memref<64xf32, #tpu.memory_space<vmem>>
      %dma_start3A_987 = arith.constant 0 : i32
      %dma_start3A_988 = tpu.memref_slice %arg3[%squeeze3A_975, %dma_start3A_987] : memref<1000000x64xf32, #tpu.memory_space<hbm>> -> memref<1x64xf32, #tpu.memory_space<hbm>>
      %dma_start3A_989 = tpu.memref_squeeze %dma_start3A_988 : memref<1x64xf32, #tpu.memory_space<hbm>> -> memref<64xf32, #tpu.memory_space<hbm>>
      tpu.enqueue_dma source(%dma_start3A_989 : memref<64xf32, #tpu.memory_space<hbm>>) target(%dma_start3A_986 : memref<64xf32, #tpu.memory_space<vmem>>) target_semaphore(%arg10 : memref<!tpu.dma_semaphore, #tpu.memory_space<semaphore_mem>>)
      %slice3A_990 = vector.extract_strided_slice %get3A_829 {offsets = [10], sizes = [1], strides = [1]} : vector<16xi32> to vector<1xi32>
      %squeeze3A_991 = vector.extract %slice3A_990[0] : i32 from vector<1xi32>
      %add3A_992 = arith.constant 10 : i32
      %add3A_993 = arith.addi %mul3A_824, %add3A_992 : i32
      %dma_start3A_994 = arith.constant 0 : i32
      %dma_start3A_995 = tpu.memref_slice %arg6[%add3A_993, %dma_start3A_994] : memref<128x64xf32, #tpu.memory_space<vmem>> -> memref<1x64xf32, #tpu.memory_space<vmem>>
      %dma_start3A_996 = tpu.memref_squeeze %dma_start3A_995 : memref<1x64xf32, #tpu.memory_space<vmem>> -> memref<64xf32, #tpu.memory_space<vmem>>
      %dma_start3A_997 = arith.constant 0 : i32
      %dma_start3A_998 = tpu.memref_slice %arg3[%squeeze3A_991, %dma_start3A_997] : memref<1000000x64xf32, #tpu.memory_space<hbm>> -> memref<1x64xf32, #tpu.memory_space<hbm>>
      %dma_start3A_999 = tpu.memref_squeeze %dma_start3A_998 : memref<1x64xf32, #tpu.memory_space<hbm>> -> memref<64xf32, #tpu.memory_space<hbm>>
      %dma_start3A_1000 = arith.constant 0 : i32
      %dma_start3A_1001 = tpu.memref_slice %arg6[%add3A_993, %dma_start3A_1000] : memref<128x64xf32, #tpu.memory_space<vmem>> -> memref<1x64xf32, #tpu.memory_space<vmem>>
      %dma_start3A_1002 = tpu.memref_squeeze %dma_start3A_1001 : memref<1x64xf32, #tpu.memory_space<vmem>> -> memref<64xf32, #tpu.memory_space<vmem>>
      %dma_start3A_1003 = arith.constant 0 : i32
      %dma_start3A_1004 = tpu.memref_slice %arg3[%squeeze3A_991, %dma_start3A_1003] : memref<1000000x64xf32, #tpu.memory_space<hbm>> -> memref<1x64xf32, #tpu.memory_space<hbm>>
      %dma_start3A_1005 = tpu.memref_squeeze %dma_start3A_1004 : memref<1x64xf32, #tpu.memory_space<hbm>> -> memref<64xf32, #tpu.memory_space<hbm>>
      tpu.enqueue_dma source(%dma_start3A_1005 : memref<64xf32, #tpu.memory_space<hbm>>) target(%dma_start3A_1002 : memref<64xf32, #tpu.memory_space<vmem>>) target_semaphore(%arg10 : memref<!tpu.dma_semaphore, #tpu.memory_space<semaphore_mem>>)
      %slice3A_1006 = vector.extract_strided_slice %get3A_829 {offsets = [11], sizes = [1], strides = [1]} : vector<16xi32> to vector<1xi32>
      %squeeze3A_1007 = vector.extract %slice3A_1006[0] : i32 from vector<1xi32>
      %add3A_1008 = arith.constant 11 : i32
      %add3A_1009 = arith.addi %mul3A_824, %add3A_1008 : i32
      %dma_start3A_1010 = arith.constant 0 : i32
      %dma_start3A_1011 = tpu.memref_slice %arg6[%add3A_1009, %dma_start3A_1010] : memref<128x64xf32, #tpu.memory_space<vmem>> -> memref<1x64xf32, #tpu.memory_space<vmem>>
      %dma_start3A_1012 = tpu.memref_squeeze %dma_start3A_1011 : memref<1x64xf32, #tpu.memory_space<vmem>> -> memref<64xf32, #tpu.memory_space<vmem>>
      %dma_start3A_1013 = arith.constant 0 : i32
      %dma_start3A_1014 = tpu.memref_slice %arg3[%squeeze3A_1007, %dma_start3A_1013] : memref<1000000x64xf32, #tpu.memory_space<hbm>> -> memref<1x64xf32, #tpu.memory_space<hbm>>
      %dma_start3A_1015 = tpu.memref_squeeze %dma_start3A_1014 : memref<1x64xf32, #tpu.memory_space<hbm>> -> memref<64xf32, #tpu.memory_space<hbm>>
      %dma_start3A_1016 = arith.constant 0 : i32
      %dma_start3A_1017 = tpu.memref_slice %arg6[%add3A_1009, %dma_start3A_1016] : memref<128x64xf32, #tpu.memory_space<vmem>> -> memref<1x64xf32, #tpu.memory_space<vmem>>
      %dma_start3A_1018 = tpu.memref_squeeze %dma_start3A_1017 : memref<1x64xf32, #tpu.memory_space<vmem>> -> memref<64xf32, #tpu.memory_space<vmem>>
      %dma_start3A_1019 = arith.constant 0 : i32
      %dma_start3A_1020 = tpu.memref_slice %arg3[%squeeze3A_1007, %dma_start3A_1019] : memref<1000000x64xf32, #tpu.memory_space<hbm>> -> memref<1x64xf32, #tpu.memory_space<hbm>>
      %dma_start3A_1021 = tpu.memref_squeeze %dma_start3A_1020 : memref<1x64xf32, #tpu.memory_space<hbm>> -> memref<64xf32, #tpu.memory_space<hbm>>
      tpu.enqueue_dma source(%dma_start3A_1021 : memref<64xf32, #tpu.memory_space<hbm>>) target(%dma_start3A_1018 : memref<64xf32, #tpu.memory_space<vmem>>) target_semaphore(%arg10 : memref<!tpu.dma_semaphore, #tpu.memory_space<semaphore_mem>>)
      %slice3A_1022 = vector.extract_strided_slice %get3A_829 {offsets = [12], sizes = [1], strides = [1]} : vector<16xi32> to vector<1xi32>
      %squeeze3A_1023 = vector.extract %slice3A_1022[0] : i32 from vector<1xi32>
      %add3A_1024 = arith.constant 12 : i32
      %add3A_1025 = arith.addi %mul3A_824, %add3A_1024 : i32
      %dma_start3A_1026 = arith.constant 0 : i32
      %dma_start3A_1027 = tpu.memref_slice %arg6[%add3A_1025, %dma_start3A_1026] : memref<128x64xf32, #tpu.memory_space<vmem>> -> memref<1x64xf32, #tpu.memory_space<vmem>>
      %dma_start3A_1028 = tpu.memref_squeeze %dma_start3A_1027 : memref<1x64xf32, #tpu.memory_space<vmem>> -> memref<64xf32, #tpu.memory_space<vmem>>
      %dma_start3A_1029 = arith.constant 0 : i32
      %dma_start3A_1030 = tpu.memref_slice %arg3[%squeeze3A_1023, %dma_start3A_1029] : memref<1000000x64xf32, #tpu.memory_space<hbm>> -> memref<1x64xf32, #tpu.memory_space<hbm>>
      %dma_start3A_1031 = tpu.memref_squeeze %dma_start3A_1030 : memref<1x64xf32, #tpu.memory_space<hbm>> -> memref<64xf32, #tpu.memory_space<hbm>>
      %dma_start3A_1032 = arith.constant 0 : i32
      %dma_start3A_1033 = tpu.memref_slice %arg6[%add3A_1025, %dma_start3A_1032] : memref<128x64xf32, #tpu.memory_space<vmem>> -> memref<1x64xf32, #tpu.memory_space<vmem>>
      %dma_start3A_1034 = tpu.memref_squeeze %dma_start3A_1033 : memref<1x64xf32, #tpu.memory_space<vmem>> -> memref<64xf32, #tpu.memory_space<vmem>>
      %dma_start3A_1035 = arith.constant 0 : i32
      %dma_start3A_1036 = tpu.memref_slice %arg3[%squeeze3A_1023, %dma_start3A_1035] : memref<1000000x64xf32, #tpu.memory_space<hbm>> -> memref<1x64xf32, #tpu.memory_space<hbm>>
      %dma_start3A_1037 = tpu.memref_squeeze %dma_start3A_1036 : memref<1x64xf32, #tpu.memory_space<hbm>> -> memref<64xf32, #tpu.memory_space<hbm>>
      tpu.enqueue_dma source(%dma_start3A_1037 : memref<64xf32, #tpu.memory_space<hbm>>) target(%dma_start3A_1034 : memref<64xf32, #tpu.memory_space<vmem>>) target_semaphore(%arg10 : memref<!tpu.dma_semaphore, #tpu.memory_space<semaphore_mem>>)
      %slice3A_1038 = vector.extract_strided_slice %get3A_829 {offsets = [13], sizes = [1], strides = [1]} : vector<16xi32> to vector<1xi32>
      %squeeze3A_1039 = vector.extract %slice3A_1038[0] : i32 from vector<1xi32>
      %add3A_1040 = arith.constant 13 : i32
      %add3A_1041 = arith.addi %mul3A_824, %add3A_1040 : i32
      %dma_start3A_1042 = arith.constant 0 : i32
      %dma_start3A_1043 = tpu.memref_slice %arg6[%add3A_1041, %dma_start3A_1042] : memref<128x64xf32, #tpu.memory_space<vmem>> -> memref<1x64xf32, #tpu.memory_space<vmem>>
      %dma_start3A_1044 = tpu.memref_squeeze %dma_start3A_1043 : memref<1x64xf32, #tpu.memory_space<vmem>> -> memref<64xf32, #tpu.memory_space<vmem>>
      %dma_start3A_1045 = arith.constant 0 : i32
      %dma_start3A_1046 = tpu.memref_slice %arg3[%squeeze3A_1039, %dma_start3A_1045] : memref<1000000x64xf32, #tpu.memory_space<hbm>> -> memref<1x64xf32, #tpu.memory_space<hbm>>
      %dma_start3A_1047 = tpu.memref_squeeze %dma_start3A_1046 : memref<1x64xf32, #tpu.memory_space<hbm>> -> memref<64xf32, #tpu.memory_space<hbm>>
      %dma_start3A_1048 = arith.constant 0 : i32
      %dma_start3A_1049 = tpu.memref_slice %arg6[%add3A_1041, %dma_start3A_1048] : memref<128x64xf32, #tpu.memory_space<vmem>> -> memref<1x64xf32, #tpu.memory_space<vmem>>
      %dma_start3A_1050 = tpu.memref_squeeze %dma_start3A_1049 : memref<1x64xf32, #tpu.memory_space<vmem>> -> memref<64xf32, #tpu.memory_space<vmem>>
      %dma_start3A_1051 = arith.constant 0 : i32
      %dma_start3A_1052 = tpu.memref_slice %arg3[%squeeze3A_1039, %dma_start3A_1051] : memref<1000000x64xf32, #tpu.memory_space<hbm>> -> memref<1x64xf32, #tpu.memory_space<hbm>>
      %dma_start3A_1053 = tpu.memref_squeeze %dma_start3A_1052 : memref<1x64xf32, #tpu.memory_space<hbm>> -> memref<64xf32, #tpu.memory_space<hbm>>
      tpu.enqueue_dma source(%dma_start3A_1053 : memref<64xf32, #tpu.memory_space<hbm>>) target(%dma_start3A_1050 : memref<64xf32, #tpu.memory_space<vmem>>) target_semaphore(%arg10 : memref<!tpu.dma_semaphore, #tpu.memory_space<semaphore_mem>>)
      %slice3A_1054 = vector.extract_strided_slice %get3A_829 {offsets = [14], sizes = [1], strides = [1]} : vector<16xi32> to vector<1xi32>
      %squeeze3A_1055 = vector.extract %slice3A_1054[0] : i32 from vector<1xi32>
      %add3A_1056 = arith.constant 14 : i32
      %add3A_1057 = arith.addi %mul3A_824, %add3A_1056 : i32
      %dma_start3A_1058 = arith.constant 0 : i32
      %dma_start3A_1059 = tpu.memref_slice %arg6[%add3A_1057, %dma_start3A_1058] : memref<128x64xf32, #tpu.memory_space<vmem>> -> memref<1x64xf32, #tpu.memory_space<vmem>>
      %dma_start3A_1060 = tpu.memref_squeeze %dma_start3A_1059 : memref<1x64xf32, #tpu.memory_space<vmem>> -> memref<64xf32, #tpu.memory_space<vmem>>
      %dma_start3A_1061 = arith.constant 0 : i32
      %dma_start3A_1062 = tpu.memref_slice %arg3[%squeeze3A_1055, %dma_start3A_1061] : memref<1000000x64xf32, #tpu.memory_space<hbm>> -> memref<1x64xf32, #tpu.memory_space<hbm>>
      %dma_start3A_1063 = tpu.memref_squeeze %dma_start3A_1062 : memref<1x64xf32, #tpu.memory_space<hbm>> -> memref<64xf32, #tpu.memory_space<hbm>>
      %dma_start3A_1064 = arith.constant 0 : i32
      %dma_start3A_1065 = tpu.memref_slice %arg6[%add3A_1057, %dma_start3A_1064] : memref<128x64xf32, #tpu.memory_space<vmem>> -> memref<1x64xf32, #tpu.memory_space<vmem>>
      %dma_start3A_1066 = tpu.memref_squeeze %dma_start3A_1065 : memref<1x64xf32, #tpu.memory_space<vmem>> -> memref<64xf32, #tpu.memory_space<vmem>>
      %dma_start3A_1067 = arith.constant 0 : i32
      %dma_start3A_1068 = tpu.memref_slice %arg3[%squeeze3A_1055, %dma_start3A_1067] : memref<1000000x64xf32, #tpu.memory_space<hbm>> -> memref<1x64xf32, #tpu.memory_space<hbm>>
      %dma_start3A_1069 = tpu.memref_squeeze %dma_start3A_1068 : memref<1x64xf32, #tpu.memory_space<hbm>> -> memref<64xf32, #tpu.memory_space<hbm>>
      tpu.enqueue_dma source(%dma_start3A_1069 : memref<64xf32, #tpu.memory_space<hbm>>) target(%dma_start3A_1066 : memref<64xf32, #tpu.memory_space<vmem>>) target_semaphore(%arg10 : memref<!tpu.dma_semaphore, #tpu.memory_space<semaphore_mem>>)
      %slice3A_1070 = vector.extract_strided_slice %get3A_829 {offsets = [15], sizes = [1], strides = [1]} : vector<16xi32> to vector<1xi32>
      %squeeze3A_1071 = vector.extract %slice3A_1070[0] : i32 from vector<1xi32>
      %add3A_1072 = arith.constant 15 : i32
      %add3A_1073 = arith.addi %mul3A_824, %add3A_1072 : i32
      %dma_start3A_1074 = arith.constant 0 : i32
      %dma_start3A_1075 = tpu.memref_slice %arg6[%add3A_1073, %dma_start3A_1074] : memref<128x64xf32, #tpu.memory_space<vmem>> -> memref<1x64xf32, #tpu.memory_space<vmem>>
      %dma_start3A_1076 = tpu.memref_squeeze %dma_start3A_1075 : memref<1x64xf32, #tpu.memory_space<vmem>> -> memref<64xf32, #tpu.memory_space<vmem>>
      %dma_start3A_1077 = arith.constant 0 : i32
      %dma_start3A_1078 = tpu.memref_slice %arg3[%squeeze3A_1071, %dma_start3A_1077] : memref<1000000x64xf32, #tpu.memory_space<hbm>> -> memref<1x64xf32, #tpu.memory_space<hbm>>
      %dma_start3A_1079 = tpu.memref_squeeze %dma_start3A_1078 : memref<1x64xf32, #tpu.memory_space<hbm>> -> memref<64xf32, #tpu.memory_space<hbm>>
      %dma_start3A_1080 = arith.constant 0 : i32
      %dma_start3A_1081 = tpu.memref_slice %arg6[%add3A_1073, %dma_start3A_1080] : memref<128x64xf32, #tpu.memory_space<vmem>> -> memref<1x64xf32, #tpu.memory_space<vmem>>
      %dma_start3A_1082 = tpu.memref_squeeze %dma_start3A_1081 : memref<1x64xf32, #tpu.memory_space<vmem>> -> memref<64xf32, #tpu.memory_space<vmem>>
      %dma_start3A_1083 = arith.constant 0 : i32
      %dma_start3A_1084 = tpu.memref_slice %arg3[%squeeze3A_1071, %dma_start3A_1083] : memref<1000000x64xf32, #tpu.memory_space<hbm>> -> memref<1x64xf32, #tpu.memory_space<hbm>>
      %dma_start3A_1085 = tpu.memref_squeeze %dma_start3A_1084 : memref<1x64xf32, #tpu.memory_space<hbm>> -> memref<64xf32, #tpu.memory_space<hbm>>
      tpu.enqueue_dma source(%dma_start3A_1085 : memref<64xf32, #tpu.memory_space<hbm>>) target(%dma_start3A_1082 : memref<64xf32, #tpu.memory_space<vmem>>) target_semaphore(%arg10 : memref<!tpu.dma_semaphore, #tpu.memory_space<semaphore_mem>>)
      %scan3A_1086 = arith.constant 0 : i32
      scf.yield %scan3A_1086 : i32
    }
    %scan3A_8 = arith.constant 8 : i32
    %scan3A_9 = arith.constant 0 : i32
    %scan3A_10 = arith.constant 0 : i32
    %scan3A_11 = arith.constant 25 : i32
    %scan3A_12 = arith.addi %scan3A_10, %scan3A_11 : i32
    %scan3A_13 = arith.constant 1 : i32
    %scan3A_14 = scf.for %scan3A_27 = %scan3A_10 to %scan3A_12 step %scan3A_13 iter_args(%scan3A_28 = %scan3A_9) -> (i32)  : i32 {
      %mul3A_29 = arith.constant 2 : i32
      %mul3A_30 = arith.muli %scan3A_27, %mul3A_29 : i32
      %add3A_31 = arith.constant 0 : i32
      %add3A_32 = arith.addi %mul3A_30, %add3A_31 : i32
      %add3A_33 = arith.constant 1 : i32
      %add3A_34 = arith.addi %add3A_32, %add3A_33 : i32
      %lt3A = arith.constant 50 : i32
      %lt3A_35 = arith.cmpi slt, %add3A_34, %lt3A : i32
      %convert_element_type3A = arith.extui %lt3A_35 : i1 to i32
      %cond3A = arith.constant 0 : i32
      %cond3A_36 = arith.cmpi ne, %convert_element_type3A, %cond3A : i32
      scf.if %cond3A_36 {
        %add3A_88 = arith.constant 1 : i32
        %add3A_89 = arith.addi %add3A_32, %add3A_88 : i32
        %scan3A_90 = arith.constant 0 : i32
        %scan3A_91 = arith.constant 0 : i32
        %scan3A_92 = arith.constant 8 : i32
        %scan3A_93 = arith.addi %scan3A_91, %scan3A_92 : i32
        %scan3A_94 = arith.constant 4 : i32
        %scan3A_95 = scf.for %scan3A_97 = %scan3A_91 to %scan3A_93 step %scan3A_94 iter_args(%scan3A_98 = %scan3A_90) -> (i32)  : i32 {
          %mul3A_99 = arith.constant 16 : i32
          %mul3A_100 = arith.muli %scan3A_97, %mul3A_99 : i32
          %mul3A_101 = arith.constant 128 : i32
          %mul3A_102 = arith.muli %add3A_89, %mul3A_101 : i32
          %add3A_103 = arith.addi %mul3A_102, %mul3A_100 : i32
          %get3A = arith.index_cast %add3A_103 : i32 to index
          %get3A_104 = tpu.vector_load %arg5[%get3A] {strides = array<i32>} : memref<6400xi32, #tpu.memory_space<vmem>>, vector<16xi32>,
          %get3A_105 = vector.shape_cast %get3A_104 : vector<16xi32> to vector<16xi32>
          %slice3A = vector.extract_strided_slice %get3A_105 {offsets = [0], sizes = [1], strides = [1]} : vector<16xi32> to vector<1xi32>
          %squeeze3A = vector.extract %slice3A[0] : i32 from vector<1xi32>
          %add3A_106 = arith.constant 0 : i32
          %add3A_107 = arith.addi %mul3A_100, %add3A_106 : i32
          %dma_start3A_108 = arith.constant 0 : i32
          %dma_start3A_109 = tpu.memref_slice %arg7[%add3A_107, %dma_start3A_108] : memref<128x64xf32, #tpu.memory_space<vmem>> -> memref<1x64xf32, #tpu.memory_space<vmem>>
          %dma_start3A_110 = tpu.memref_squeeze %dma_start3A_109 : memref<1x64xf32, #tpu.memory_space<vmem>> -> memref<64xf32, #tpu.memory_space<vmem>>
          %dma_start3A_111 = arith.constant 0 : i32
          %dma_start3A_112 = tpu.memref_slice %arg3[%squeeze3A, %dma_start3A_111] : memref<1000000x64xf32, #tpu.memory_space<hbm>> -> memref<1x64xf32, #tpu.memory_space<hbm>>
          %dma_start3A_113 = tpu.memref_squeeze %dma_start3A_112 : memref<1x64xf32, #tpu.memory_space<hbm>> -> memref<64xf32, #tpu.memory_space<hbm>>
          %dma_start3A_114 = arith.constant 0 : i32
          %dma_start3A_115 = tpu.memref_slice %arg7[%add3A_107, %dma_start3A_114] : memref<128x64xf32, #tpu.memory_space<vmem>> -> memref<1x64xf32, #tpu.memory_space<vmem>>
          %dma_start3A_116 = tpu.memref_squeeze %dma_start3A_115 : memref<1x64xf32, #tpu.memory_space<vmem>> -> memref<64xf32, #tpu.memory_space<vmem>>
          %dma_start3A_117 = arith.constant 0 : i32
          %dma_start3A_118 = tpu.memref_slice %arg3[%squeeze3A, %dma_start3A_117] : memref<1000000x64xf32, #tpu.memory_space<hbm>> -> memref<1x64xf32, #tpu.memory_space<hbm>>
          %dma_start3A_119 = tpu.memref_squeeze %dma_start3A_118 : memref<1x64xf32, #tpu.memory_space<hbm>> -> memref<64xf32, #tpu.memory_space<hbm>>
          tpu.enqueue_dma source(%dma_start3A_119 : memref<64xf32, #tpu.memory_space<hbm>>) target(%dma_start3A_116 : memref<64xf32, #tpu.memory_space<vmem>>) target_semaphore(%arg11 : memref<!tpu.dma_semaphore, #tpu.memory_space<semaphore_mem>>)
          %slice3A_120 = vector.extract_strided_slice %get3A_105 {offsets = [1], sizes = [1], strides = [1]} : vector<16xi32> to vector<1xi32>
          %squeeze3A_121 = vector.extract %slice3A_120[0] : i32 from vector<1xi32>
          %add3A_122 = arith.constant 1 : i32
          %add3A_123 = arith.addi %mul3A_100, %add3A_122 : i32
          %dma_start3A_124 = arith.constant 0 : i32
          %dma_start3A_125 = tpu.memref_slice %arg7[%add3A_123, %dma_start3A_124] : memref<128x64xf32, #tpu.memory_space<vmem>> -> memref<1x64xf32, #tpu.memory_space<vmem>>
          %dma_start3A_126 = tpu.memref_squeeze %dma_start3A_125 : memref<1x64xf32, #tpu.memory_space<vmem>> -> memref<64xf32, #tpu.memory_space<vmem>>
          %dma_start3A_127 = arith.constant 0 : i32
          %dma_start3A_128 = tpu.memref_slice %arg3[%squeeze3A_121, %dma_start3A_127] : memref<1000000x64xf32, #tpu.memory_space<hbm>> -> memref<1x64xf32, #tpu.memory_space<hbm>>
          %dma_start3A_129 = tpu.memref_squeeze %dma_start3A_128 : memref<1x64xf32, #tpu.memory_space<hbm>> -> memref<64xf32, #tpu.memory_space<hbm>>
          %dma_start3A_130 = arith.constant 0 : i32
          %dma_start3A_131 = tpu.memref_slice %arg7[%add3A_123, %dma_start3A_130] : memref<128x64xf32, #tpu.memory_space<vmem>> -> memref<1x64xf32, #tpu.memory_space<vmem>>
          %dma_start3A_132 = tpu.memref_squeeze %dma_start3A_131 : memref<1x64xf32, #tpu.memory_space<vmem>> -> memref<64xf32, #tpu.memory_space<vmem>>
          %dma_start3A_133 = arith.constant 0 : i32
          %dma_start3A_134 = tpu.memref_slice %arg3[%squeeze3A_121, %dma_start3A_133] : memref<1000000x64xf32, #tpu.memory_space<hbm>> -> memref<1x64xf32, #tpu.memory_space<hbm>>
          %dma_start3A_135 = tpu.memref_squeeze %dma_start3A_134 : memref<1x64xf32, #tpu.memory_space<hbm>> -> memref<64xf32, #tpu.memory_space<hbm>>
          tpu.enqueue_dma source(%dma_start3A_135 : memref<64xf32, #tpu.memory_space<hbm>>) target(%dma_start3A_132 : memref<64xf32, #tpu.memory_space<vmem>>) target_semaphore(%arg11 : memref<!tpu.dma_semaphore, #tpu.memory_space<semaphore_mem>>)
          %slice3A_136 = vector.extract_strided_slice %get3A_105 {offsets = [2], sizes = [1], strides = [1]} : vector<16xi32> to vector<1xi32>
          %squeeze3A_137 = vector.extract %slice3A_136[0] : i32 from vector<1xi32>
          %add3A_138 = arith.constant 2 : i32
          %add3A_139 = arith.addi %mul3A_100, %add3A_138 : i32
          %dma_start3A_140 = arith.constant 0 : i32
          %dma_start3A_141 = tpu.memref_slice %arg7[%add3A_139, %dma_start3A_140] : memref<128x64xf32, #tpu.memory_space<vmem>> -> memref<1x64xf32, #tpu.memory_space<vmem>>
          %dma_start3A_142 = tpu.memref_squeeze %dma_start3A_141 : memref<1x64xf32, #tpu.memory_space<vmem>> -> memref<64xf32, #tpu.memory_space<vmem>>
          %dma_start3A_143 = arith.constant 0 : i32
          %dma_start3A_144 = tpu.memref_slice %arg3[%squeeze3A_137, %dma_start3A_143] : memref<1000000x64xf32, #tpu.memory_space<hbm>> -> memref<1x64xf32, #tpu.memory_space<hbm>>
          %dma_start3A_145 = tpu.memref_squeeze %dma_start3A_144 : memref<1x64xf32, #tpu.memory_space<hbm>> -> memref<64xf32, #tpu.memory_space<hbm>>
          %dma_start3A_146 = arith.constant 0 : i32
          %dma_start3A_147 = tpu.memref_slice %arg7[%add3A_139, %dma_start3A_146] : memref<128x64xf32, #tpu.memory_space<vmem>> -> memref<1x64xf32, #tpu.memory_space<vmem>>
          %dma_start3A_148 = tpu.memref_squeeze %dma_start3A_147 : memref<1x64xf32, #tpu.memory_space<vmem>> -> memref<64xf32, #tpu.memory_space<vmem>>
          %dma_start3A_149 = arith.constant 0 : i32
          %dma_start3A_150 = tpu.memref_slice %arg3[%squeeze3A_137, %dma_start3A_149] : memref<1000000x64xf32, #tpu.memory_space<hbm>> -> memref<1x64xf32, #tpu.memory_space<hbm>>
          %dma_start3A_151 = tpu.memref_squeeze %dma_start3A_150 : memref<1x64xf32, #tpu.memory_space<hbm>> -> memref<64xf32, #tpu.memory_space<hbm>>
          tpu.enqueue_dma source(%dma_start3A_151 : memref<64xf32, #tpu.memory_space<hbm>>) target(%dma_start3A_148 : memref<64xf32, #tpu.memory_space<vmem>>) target_semaphore(%arg11 : memref<!tpu.dma_semaphore, #tpu.memory_space<semaphore_mem>>)
          %slice3A_152 = vector.extract_strided_slice %get3A_105 {offsets = [3], sizes = [1], strides = [1]} : vector<16xi32> to vector<1xi32>
          %squeeze3A_153 = vector.extract %slice3A_152[0] : i32 from vector<1xi32>
          %add3A_154 = arith.constant 3 : i32
          %add3A_155 = arith.addi %mul3A_100, %add3A_154 : i32
          %dma_start3A_156 = arith.constant 0 : i32
          %dma_start3A_157 = tpu.memref_slice %arg7[%add3A_155, %dma_start3A_156] : memref<128x64xf32, #tpu.memory_space<vmem>> -> memref<1x64xf32, #tpu.memory_space<vmem>>
          %dma_start3A_158 = tpu.memref_squeeze %dma_start3A_157 : memref<1x64xf32, #tpu.memory_space<vmem>> -> memref<64xf32, #tpu.memory_space<vmem>>
          %dma_start3A_159 = arith.constant 0 : i32
          %dma_start3A_160 = tpu.memref_slice %arg3[%squeeze3A_153, %dma_start3A_159] : memref<1000000x64xf32, #tpu.memory_space<hbm>> -> memref<1x64xf32, #tpu.memory_space<hbm>>
          %dma_start3A_161 = tpu.memref_squeeze %dma_start3A_160 : memref<1x64xf32, #tpu.memory_space<hbm>> -> memref<64xf32, #tpu.memory_space<hbm>>
          %dma_start3A_162 = arith.constant 0 : i32
          %dma_start3A_163 = tpu.memref_slice %arg7[%add3A_155, %dma_start3A_162] : memref<128x64xf32, #tpu.memory_space<vmem>> -> memref<1x64xf32, #tpu.memory_space<vmem>>
          %dma_start3A_164 = tpu.memref_squeeze %dma_start3A_163 : memref<1x64xf32, #tpu.memory_space<vmem>> -> memref<64xf32, #tpu.memory_space<vmem>>
          %dma_start3A_165 = arith.constant 0 : i32
          %dma_start3A_166 = tpu.memref_slice %arg3[%squeeze3A_153, %dma_start3A_165] : memref<1000000x64xf32, #tpu.memory_space<hbm>> -> memref<1x64xf32, #tpu.memory_space<hbm>>
          %dma_start3A_167 = tpu.memref_squeeze %dma_start3A_166 : memref<1x64xf32, #tpu.memory_space<hbm>> -> memref<64xf32, #tpu.memory_space<hbm>>
          tpu.enqueue_dma source(%dma_start3A_167 : memref<64xf32, #tpu.memory_space<hbm>>) target(%dma_start3A_164 : memref<64xf32, #tpu.memory_space<vmem>>) target_semaphore(%arg11 : memref<!tpu.dma_semaphore, #tpu.memory_space<semaphore_mem>>)
          %slice3A_168 = vector.extract_strided_slice %get3A_105 {offsets = [4], sizes = [1], strides = [1]} : vector<16xi32> to vector<1xi32>
          %squeeze3A_169 = vector.extract %slice3A_168[0] : i32 from vector<1xi32>
          %add3A_170 = arith.constant 4 : i32
          %add3A_171 = arith.addi %mul3A_100, %add3A_170 : i32
          %dma_start3A_172 = arith.constant 0 : i32
          %dma_start3A_173 = tpu.memref_slice %arg7[%add3A_171, %dma_start3A_172] : memref<128x64xf32, #tpu.memory_space<vmem>> -> memref<1x64xf32, #tpu.memory_space<vmem>>
          %dma_start3A_174 = tpu.memref_squeeze %dma_start3A_173 : memref<1x64xf32, #tpu.memory_space<vmem>> -> memref<64xf32, #tpu.memory_space<vmem>>
          %dma_start3A_175 = arith.constant 0 : i32
          %dma_start3A_176 = tpu.memref_slice %arg3[%squeeze3A_169, %dma_start3A_175] : memref<1000000x64xf32, #tpu.memory_space<hbm>> -> memref<1x64xf32, #tpu.memory_space<hbm>>
          %dma_start3A_177 = tpu.memref_squeeze %dma_start3A_176 : memref<1x64xf32, #tpu.memory_space<hbm>> -> memref<64xf32, #tpu.memory_space<hbm>>
          %dma_start3A_178 = arith.constant 0 : i32
          %dma_start3A_179 = tpu.memref_slice %arg7[%add3A_171, %dma_start3A_178] : memref<128x64xf32, #tpu.memory_space<vmem>> -> memref<1x64xf32, #tpu.memory_space<vmem>>
          %dma_start3A_180 = tpu.memref_squeeze %dma_start3A_179 : memref<1x64xf32, #tpu.memory_space<vmem>> -> memref<64xf32, #tpu.memory_space<vmem>>
          %dma_start3A_181 = arith.constant 0 : i32
          %dma_start3A_182 = tpu.memref_slice %arg3[%squeeze3A_169, %dma_start3A_181] : memref<1000000x64xf32, #tpu.memory_space<hbm>> -> memref<1x64xf32, #tpu.memory_space<hbm>>
          %dma_start3A_183 = tpu.memref_squeeze %dma_start3A_182 : memref<1x64xf32, #tpu.memory_space<hbm>> -> memref<64xf32, #tpu.memory_space<hbm>>
          tpu.enqueue_dma source(%dma_start3A_183 : memref<64xf32, #tpu.memory_space<hbm>>) target(%dma_start3A_180 : memref<64xf32, #tpu.memory_space<vmem>>) target_semaphore(%arg11 : memref<!tpu.dma_semaphore, #tpu.memory_space<semaphore_mem>>)
          %slice3A_184 = vector.extract_strided_slice %get3A_105 {offsets = [5], sizes = [1], strides = [1]} : vector<16xi32> to vector<1xi32>
          %squeeze3A_185 = vector.extract %slice3A_184[0] : i32 from vector<1xi32>
          %add3A_186 = arith.constant 5 : i32
          %add3A_187 = arith.addi %mul3A_100, %add3A_186 : i32
          %dma_start3A_188 = arith.constant 0 : i32
          %dma_start3A_189 = tpu.memref_slice %arg7[%add3A_187, %dma_start3A_188] : memref<128x64xf32, #tpu.memory_space<vmem>> -> memref<1x64xf32, #tpu.memory_space<vmem>>
          %dma_start3A_190 = tpu.memref_squeeze %dma_start3A_189 : memref<1x64xf32, #tpu.memory_space<vmem>> -> memref<64xf32, #tpu.memory_space<vmem>>
          %dma_start3A_191 = arith.constant 0 : i32
          %dma_start3A_192 = tpu.memref_slice %arg3[%squeeze3A_185, %dma_start3A_191] : memref<1000000x64xf32, #tpu.memory_space<hbm>> -> memref<1x64xf32, #tpu.memory_space<hbm>>
          %dma_start3A_193 = tpu.memref_squeeze %dma_start3A_192 : memref<1x64xf32, #tpu.memory_space<hbm>> -> memref<64xf32, #tpu.memory_space<hbm>>
          %dma_start3A_194 = arith.constant 0 : i32
          %dma_start3A_195 = tpu.memref_slice %arg7[%add3A_187, %dma_start3A_194] : memref<128x64xf32, #tpu.memory_space<vmem>> -> memref<1x64xf32, #tpu.memory_space<vmem>>
          %dma_start3A_196 = tpu.memref_squeeze %dma_start3A_195 : memref<1x64xf32, #tpu.memory_space<vmem>> -> memref<64xf32, #tpu.memory_space<vmem>>
          %dma_start3A_197 = arith.constant 0 : i32
          %dma_start3A_198 = tpu.memref_slice %arg3[%squeeze3A_185, %dma_start3A_197] : memref<1000000x64xf32, #tpu.memory_space<hbm>> -> memref<1x64xf32, #tpu.memory_space<hbm>>
          %dma_start3A_199 = tpu.memref_squeeze %dma_start3A_198 : memref<1x64xf32, #tpu.memory_space<hbm>> -> memref<64xf32, #tpu.memory_space<hbm>>
          tpu.enqueue_dma source(%dma_start3A_199 : memref<64xf32, #tpu.memory_space<hbm>>) target(%dma_start3A_196 : memref<64xf32, #tpu.memory_space<vmem>>) target_semaphore(%arg11 : memref<!tpu.dma_semaphore, #tpu.memory_space<semaphore_mem>>)
          %slice3A_200 = vector.extract_strided_slice %get3A_105 {offsets = [6], sizes = [1], strides = [1]} : vector<16xi32> to vector<1xi32>
          %squeeze3A_201 = vector.extract %slice3A_200[0] : i32 from vector<1xi32>
          %add3A_202 = arith.constant 6 : i32
          %add3A_203 = arith.addi %mul3A_100, %add3A_202 : i32
          %dma_start3A_204 = arith.constant 0 : i32
          %dma_start3A_205 = tpu.memref_slice %arg7[%add3A_203, %dma_start3A_204] : memref<128x64xf32, #tpu.memory_space<vmem>> -> memref<1x64xf32, #tpu.memory_space<vmem>>
          %dma_start3A_206 = tpu.memref_squeeze %dma_start3A_205 : memref<1x64xf32, #tpu.memory_space<vmem>> -> memref<64xf32, #tpu.memory_space<vmem>>
          %dma_start3A_207 = arith.constant 0 : i32
          %dma_start3A_208 = tpu.memref_slice %arg3[%squeeze3A_201, %dma_start3A_207] : memref<1000000x64xf32, #tpu.memory_space<hbm>> -> memref<1x64xf32, #tpu.memory_space<hbm>>
          %dma_start3A_209 = tpu.memref_squeeze %dma_start3A_208 : memref<1x64xf32, #tpu.memory_space<hbm>> -> memref<64xf32, #tpu.memory_space<hbm>>
          %dma_start3A_210 = arith.constant 0 : i32
          %dma_start3A_211 = tpu.memref_slice %arg7[%add3A_203, %dma_start3A_210] : memref<128x64xf32, #tpu.memory_space<vmem>> -> memref<1x64xf32, #tpu.memory_space<vmem>>
          %dma_start3A_212 = tpu.memref_squeeze %dma_start3A_211 : memref<1x64xf32, #tpu.memory_space<vmem>> -> memref<64xf32, #tpu.memory_space<vmem>>
          %dma_start3A_213 = arith.constant 0 : i32
          %dma_start3A_214 = tpu.memref_slice %arg3[%squeeze3A_201, %dma_start3A_213] : memref<1000000x64xf32, #tpu.memory_space<hbm>> -> memref<1x64xf32, #tpu.memory_space<hbm>>
          %dma_start3A_215 = tpu.memref_squeeze %dma_start3A_214 : memref<1x64xf32, #tpu.memory_space<hbm>> -> memref<64xf32, #tpu.memory_space<hbm>>
          tpu.enqueue_dma source(%dma_start3A_215 : memref<64xf32, #tpu.memory_space<hbm>>) target(%dma_start3A_212 : memref<64xf32, #tpu.memory_space<vmem>>) target_semaphore(%arg11 : memref<!tpu.dma_semaphore, #tpu.memory_space<semaphore_mem>>)
          %slice3A_216 = vector.extract_strided_slice %get3A_105 {offsets = [7], sizes = [1], strides = [1]} : vector<16xi32> to vector<1xi32>
          %squeeze3A_217 = vector.extract %slice3A_216[0] : i32 from vector<1xi32>
          %add3A_218 = arith.constant 7 : i32
          %add3A_219 = arith.addi %mul3A_100, %add3A_218 : i32
          %dma_start3A_220 = arith.constant 0 : i32
          %dma_start3A_221 = tpu.memref_slice %arg7[%add3A_219, %dma_start3A_220] : memref<128x64xf32, #tpu.memory_space<vmem>> -> memref<1x64xf32, #tpu.memory_space<vmem>>
          %dma_start3A_222 = tpu.memref_squeeze %dma_start3A_221 : memref<1x64xf32, #tpu.memory_space<vmem>> -> memref<64xf32, #tpu.memory_space<vmem>>
          %dma_start3A_223 = arith.constant 0 : i32
          %dma_start3A_224 = tpu.memref_slice %arg3[%squeeze3A_217, %dma_start3A_223] : memref<1000000x64xf32, #tpu.memory_space<hbm>> -> memref<1x64xf32, #tpu.memory_space<hbm>>
          %dma_start3A_225 = tpu.memref_squeeze %dma_start3A_224 : memref<1x64xf32, #tpu.memory_space<hbm>> -> memref<64xf32, #tpu.memory_space<hbm>>
          %dma_start3A_226 = arith.constant 0 : i32
          %dma_start3A_227 = tpu.memref_slice %arg7[%add3A_219, %dma_start3A_226] : memref<128x64xf32, #tpu.memory_space<vmem>> -> memref<1x64xf32, #tpu.memory_space<vmem>>
          %dma_start3A_228 = tpu.memref_squeeze %dma_start3A_227 : memref<1x64xf32, #tpu.memory_space<vmem>> -> memref<64xf32, #tpu.memory_space<vmem>>
          %dma_start3A_229 = arith.constant 0 : i32
          %dma_start3A_230 = tpu.memref_slice %arg3[%squeeze3A_217, %dma_start3A_229] : memref<1000000x64xf32, #tpu.memory_space<hbm>> -> memref<1x64xf32, #tpu.memory_space<hbm>>
          %dma_start3A_231 = tpu.memref_squeeze %dma_start3A_230 : memref<1x64xf32, #tpu.memory_space<hbm>> -> memref<64xf32, #tpu.memory_space<hbm>>
          tpu.enqueue_dma source(%dma_start3A_231 : memref<64xf32, #tpu.memory_space<hbm>>) target(%dma_start3A_228 : memref<64xf32, #tpu.memory_space<vmem>>) target_semaphore(%arg11 : memref<!tpu.dma_semaphore, #tpu.memory_space<semaphore_mem>>)
          %slice3A_232 = vector.extract_strided_slice %get3A_105 {offsets = [8], sizes = [1], strides = [1]} : vector<16xi32> to vector<1xi32>
          %squeeze3A_233 = vector.extract %slice3A_232[0] : i32 from vector<1xi32>
          %add3A_234 = arith.constant 8 : i32
          %add3A_235 = arith.addi %mul3A_100, %add3A_234 : i32
          %dma_start3A_236 = arith.constant 0 : i32
          %dma_start3A_237 = tpu.memref_slice %arg7[%add3A_235, %dma_start3A_236] : memref<128x64xf32, #tpu.memory_space<vmem>> -> memref<1x64xf32, #tpu.memory_space<vmem>>
          %dma_start3A_238 = tpu.memref_squeeze %dma_start3A_237 : memref<1x64xf32, #tpu.memory_space<vmem>> -> memref<64xf32, #tpu.memory_space<vmem>>
          %dma_start3A_239 = arith.constant 0 : i32
          %dma_start3A_240 = tpu.memref_slice %arg3[%squeeze3A_233, %dma_start3A_239] : memref<1000000x64xf32, #tpu.memory_space<hbm>> -> memref<1x64xf32, #tpu.memory_space<hbm>>
          %dma_start3A_241 = tpu.memref_squeeze %dma_start3A_240 : memref<1x64xf32, #tpu.memory_space<hbm>> -> memref<64xf32, #tpu.memory_space<hbm>>
          %dma_start3A_242 = arith.constant 0 : i32
          %dma_start3A_243 = tpu.memref_slice %arg7[%add3A_235, %dma_start3A_242] : memref<128x64xf32, #tpu.memory_space<vmem>> -> memref<1x64xf32, #tpu.memory_space<vmem>>
          %dma_start3A_244 = tpu.memref_squeeze %dma_start3A_243 : memref<1x64xf32, #tpu.memory_space<vmem>> -> memref<64xf32, #tpu.memory_space<vmem>>
          %dma_start3A_245 = arith.constant 0 : i32
          %dma_start3A_246 = tpu.memref_slice %arg3[%squeeze3A_233, %dma_start3A_245] : memref<1000000x64xf32, #tpu.memory_space<hbm>> -> memref<1x64xf32, #tpu.memory_space<hbm>>
          %dma_start3A_247 = tpu.memref_squeeze %dma_start3A_246 : memref<1x64xf32, #tpu.memory_space<hbm>> -> memref<64xf32, #tpu.memory_space<hbm>>
          tpu.enqueue_dma source(%dma_start3A_247 : memref<64xf32, #tpu.memory_space<hbm>>) target(%dma_start3A_244 : memref<64xf32, #tpu.memory_space<vmem>>) target_semaphore(%arg11 : memref<!tpu.dma_semaphore, #tpu.memory_space<semaphore_mem>>)
          %slice3A_248 = vector.extract_strided_slice %get3A_105 {offsets = [9], sizes = [1], strides = [1]} : vector<16xi32> to vector<1xi32>
          %squeeze3A_249 = vector.extract %slice3A_248[0] : i32 from vector<1xi32>
          %add3A_250 = arith.constant 9 : i32
          %add3A_251 = arith.addi %mul3A_100, %add3A_250 : i32
          %dma_start3A_252 = arith.constant 0 : i32
          %dma_start3A_253 = tpu.memref_slice %arg7[%add3A_251, %dma_start3A_252] : memref<128x64xf32, #tpu.memory_space<vmem>> -> memref<1x64xf32, #tpu.memory_space<vmem>>
          %dma_start3A_254 = tpu.memref_squeeze %dma_start3A_253 : memref<1x64xf32, #tpu.memory_space<vmem>> -> memref<64xf32, #tpu.memory_space<vmem>>
          %dma_start3A_255 = arith.constant 0 : i32
          %dma_start3A_256 = tpu.memref_slice %arg3[%squeeze3A_249, %dma_start3A_255] : memref<1000000x64xf32, #tpu.memory_space<hbm>> -> memref<1x64xf32, #tpu.memory_space<hbm>>
          %dma_start3A_257 = tpu.memref_squeeze %dma_start3A_256 : memref<1x64xf32, #tpu.memory_space<hbm>> -> memref<64xf32, #tpu.memory_space<hbm>>
          %dma_start3A_258 = arith.constant 0 : i32
          %dma_start3A_259 = tpu.memref_slice %arg7[%add3A_251, %dma_start3A_258] : memref<128x64xf32, #tpu.memory_space<vmem>> -> memref<1x64xf32, #tpu.memory_space<vmem>>
          %dma_start3A_260 = tpu.memref_squeeze %dma_start3A_259 : memref<1x64xf32, #tpu.memory_space<vmem>> -> memref<64xf32, #tpu.memory_space<vmem>>
          %dma_start3A_261 = arith.constant 0 : i32
          %dma_start3A_262 = tpu.memref_slice %arg3[%squeeze3A_249, %dma_start3A_261] : memref<1000000x64xf32, #tpu.memory_space<hbm>> -> memref<1x64xf32, #tpu.memory_space<hbm>>
          %dma_start3A_263 = tpu.memref_squeeze %dma_start3A_262 : memref<1x64xf32, #tpu.memory_space<hbm>> -> memref<64xf32, #tpu.memory_space<hbm>>
          tpu.enqueue_dma source(%dma_start3A_263 : memref<64xf32, #tpu.memory_space<hbm>>) target(%dma_start3A_260 : memref<64xf32, #tpu.memory_space<vmem>>) target_semaphore(%arg11 : memref<!tpu.dma_semaphore, #tpu.memory_space<semaphore_mem>>)
          %slice3A_264 = vector.extract_strided_slice %get3A_105 {offsets = [10], sizes = [1], strides = [1]} : vector<16xi32> to vector<1xi32>
          %squeeze3A_265 = vector.extract %slice3A_264[0] : i32 from vector<1xi32>
          %add3A_266 = arith.constant 10 : i32
          %add3A_267 = arith.addi %mul3A_100, %add3A_266 : i32
          %dma_start3A_268 = arith.constant 0 : i32
          %dma_start3A_269 = tpu.memref_slice %arg7[%add3A_267, %dma_start3A_268] : memref<128x64xf32, #tpu.memory_space<vmem>> -> memref<1x64xf32, #tpu.memory_space<vmem>>
          %dma_start3A_270 = tpu.memref_squeeze %dma_start3A_269 : memref<1x64xf32, #tpu.memory_space<vmem>> -> memref<64xf32, #tpu.memory_space<vmem>>
          %dma_start3A_271 = arith.constant 0 : i32
          %dma_start3A_272 = tpu.memref_slice %arg3[%squeeze3A_265, %dma_start3A_271] : memref<1000000x64xf32, #tpu.memory_space<hbm>> -> memref<1x64xf32, #tpu.memory_space<hbm>>
          %dma_start3A_273 = tpu.memref_squeeze %dma_start3A_272 : memref<1x64xf32, #tpu.memory_space<hbm>> -> memref<64xf32, #tpu.memory_space<hbm>>
          %dma_start3A_274 = arith.constant 0 : i32
          %dma_start3A_275 = tpu.memref_slice %arg7[%add3A_267, %dma_start3A_274] : memref<128x64xf32, #tpu.memory_space<vmem>> -> memref<1x64xf32, #tpu.memory_space<vmem>>
          %dma_start3A_276 = tpu.memref_squeeze %dma_start3A_275 : memref<1x64xf32, #tpu.memory_space<vmem>> -> memref<64xf32, #tpu.memory_space<vmem>>
          %dma_start3A_277 = arith.constant 0 : i32
          %dma_start3A_278 = tpu.memref_slice %arg3[%squeeze3A_265, %dma_start3A_277] : memref<1000000x64xf32, #tpu.memory_space<hbm>> -> memref<1x64xf32, #tpu.memory_space<hbm>>
          %dma_start3A_279 = tpu.memref_squeeze %dma_start3A_278 : memref<1x64xf32, #tpu.memory_space<hbm>> -> memref<64xf32, #tpu.memory_space<hbm>>
          tpu.enqueue_dma source(%dma_start3A_279 : memref<64xf32, #tpu.memory_space<hbm>>) target(%dma_start3A_276 : memref<64xf32, #tpu.memory_space<vmem>>) target_semaphore(%arg11 : memref<!tpu.dma_semaphore, #tpu.memory_space<semaphore_mem>>)
          %slice3A_280 = vector.extract_strided_slice %get3A_105 {offsets = [11], sizes = [1], strides = [1]} : vector<16xi32> to vector<1xi32>
          %squeeze3A_281 = vector.extract %slice3A_280[0] : i32 from vector<1xi32>
          %add3A_282 = arith.constant 11 : i32
          %add3A_283 = arith.addi %mul3A_100, %add3A_282 : i32
          %dma_start3A_284 = arith.constant 0 : i32
          %dma_start3A_285 = tpu.memref_slice %arg7[%add3A_283, %dma_start3A_284] : memref<128x64xf32, #tpu.memory_space<vmem>> -> memref<1x64xf32, #tpu.memory_space<vmem>>
          %dma_start3A_286 = tpu.memref_squeeze %dma_start3A_285 : memref<1x64xf32, #tpu.memory_space<vmem>> -> memref<64xf32, #tpu.memory_space<vmem>>
          %dma_start3A_287 = arith.constant 0 : i32
          %dma_start3A_288 = tpu.memref_slice %arg3[%squeeze3A_281, %dma_start3A_287] : memref<1000000x64xf32, #tpu.memory_space<hbm>> -> memref<1x64xf32, #tpu.memory_space<hbm>>
          %dma_start3A_289 = tpu.memref_squeeze %dma_start3A_288 : memref<1x64xf32, #tpu.memory_space<hbm>> -> memref<64xf32, #tpu.memory_space<hbm>>
          %dma_start3A_290 = arith.constant 0 : i32
          %dma_start3A_291 = tpu.memref_slice %arg7[%add3A_283, %dma_start3A_290] : memref<128x64xf32, #tpu.memory_space<vmem>> -> memref<1x64xf32, #tpu.memory_space<vmem>>
          %dma_start3A_292 = tpu.memref_squeeze %dma_start3A_291 : memref<1x64xf32, #tpu.memory_space<vmem>> -> memref<64xf32, #tpu.memory_space<vmem>>
          %dma_start3A_293 = arith.constant 0 : i32
          %dma_start3A_294 = tpu.memref_slice %arg3[%squeeze3A_281, %dma_start3A_293] : memref<1000000x64xf32, #tpu.memory_space<hbm>> -> memref<1x64xf32, #tpu.memory_space<hbm>>
          %dma_start3A_295 = tpu.memref_squeeze %dma_start3A_294 : memref<1x64xf32, #tpu.memory_space<hbm>> -> memref<64xf32, #tpu.memory_space<hbm>>
          tpu.enqueue_dma source(%dma_start3A_295 : memref<64xf32, #tpu.memory_space<hbm>>) target(%dma_start3A_292 : memref<64xf32, #tpu.memory_space<vmem>>) target_semaphore(%arg11 : memref<!tpu.dma_semaphore, #tpu.memory_space<semaphore_mem>>)
          %slice3A_296 = vector.extract_strided_slice %get3A_105 {offsets = [12], sizes = [1], strides = [1]} : vector<16xi32> to vector<1xi32>
          %squeeze3A_297 = vector.extract %slice3A_296[0] : i32 from vector<1xi32>
          %add3A_298 = arith.constant 12 : i32
          %add3A_299 = arith.addi %mul3A_100, %add3A_298 : i32
          %dma_start3A_300 = arith.constant 0 : i32
          %dma_start3A_301 = tpu.memref_slice %arg7[%add3A_299, %dma_start3A_300] : memref<128x64xf32, #tpu.memory_space<vmem>> -> memref<1x64xf32, #tpu.memory_space<vmem>>
          %dma_start3A_302 = tpu.memref_squeeze %dma_start3A_301 : memref<1x64xf32, #tpu.memory_space<vmem>> -> memref<64xf32, #tpu.memory_space<vmem>>
          %dma_start3A_303 = arith.constant 0 : i32
          %dma_start3A_304 = tpu.memref_slice %arg3[%squeeze3A_297, %dma_start3A_303] : memref<1000000x64xf32, #tpu.memory_space<hbm>> -> memref<1x64xf32, #tpu.memory_space<hbm>>
          %dma_start3A_305 = tpu.memref_squeeze %dma_start3A_304 : memref<1x64xf32, #tpu.memory_space<hbm>> -> memref<64xf32, #tpu.memory_space<hbm>>
          %dma_start3A_306 = arith.constant 0 : i32
          %dma_start3A_307 = tpu.memref_slice %arg7[%add3A_299, %dma_start3A_306] : memref<128x64xf32, #tpu.memory_space<vmem>> -> memref<1x64xf32, #tpu.memory_space<vmem>>
          %dma_start3A_308 = tpu.memref_squeeze %dma_start3A_307 : memref<1x64xf32, #tpu.memory_space<vmem>> -> memref<64xf32, #tpu.memory_space<vmem>>
          %dma_start3A_309 = arith.constant 0 : i32
          %dma_start3A_310 = tpu.memref_slice %arg3[%squeeze3A_297, %dma_start3A_309] : memref<1000000x64xf32, #tpu.memory_space<hbm>> -> memref<1x64xf32, #tpu.memory_space<hbm>>
          %dma_start3A_311 = tpu.memref_squeeze %dma_start3A_310 : memref<1x64xf32, #tpu.memory_space<hbm>> -> memref<64xf32, #tpu.memory_space<hbm>>
          tpu.enqueue_dma source(%dma_start3A_311 : memref<64xf32, #tpu.memory_space<hbm>>) target(%dma_start3A_308 : memref<64xf32, #tpu.memory_space<vmem>>) target_semaphore(%arg11 : memref<!tpu.dma_semaphore, #tpu.memory_space<semaphore_mem>>)
          %slice3A_312 = vector.extract_strided_slice %get3A_105 {offsets = [13], sizes = [1], strides = [1]} : vector<16xi32> to vector<1xi32>
          %squeeze3A_313 = vector.extract %slice3A_312[0] : i32 from vector<1xi32>
          %add3A_314 = arith.constant 13 : i32
          %add3A_315 = arith.addi %mul3A_100, %add3A_314 : i32
          %dma_start3A_316 = arith.constant 0 : i32
          %dma_start3A_317 = tpu.memref_slice %arg7[%add3A_315, %dma_start3A_316] : memref<128x64xf32, #tpu.memory_space<vmem>> -> memref<1x64xf32, #tpu.memory_space<vmem>>
          %dma_start3A_318 = tpu.memref_squeeze %dma_start3A_317 : memref<1x64xf32, #tpu.memory_space<vmem>> -> memref<64xf32, #tpu.memory_space<vmem>>
          %dma_start3A_319 = arith.constant 0 : i32
          %dma_start3A_320 = tpu.memref_slice %arg3[%squeeze3A_313, %dma_start3A_319] : memref<1000000x64xf32, #tpu.memory_space<hbm>> -> memref<1x64xf32, #tpu.memory_space<hbm>>
          %dma_start3A_321 = tpu.memref_squeeze %dma_start3A_320 : memref<1x64xf32, #tpu.memory_space<hbm>> -> memref<64xf32, #tpu.memory_space<hbm>>
          %dma_start3A_322 = arith.constant 0 : i32
          %dma_start3A_323 = tpu.memref_slice %arg7[%add3A_315, %dma_start3A_322] : memref<128x64xf32, #tpu.memory_space<vmem>> -> memref<1x64xf32, #tpu.memory_space<vmem>>
          %dma_start3A_324 = tpu.memref_squeeze %dma_start3A_323 : memref<1x64xf32, #tpu.memory_space<vmem>> -> memref<64xf32, #tpu.memory_space<vmem>>
          %dma_start3A_325 = arith.constant 0 : i32
          %dma_start3A_326 = tpu.memref_slice %arg3[%squeeze3A_313, %dma_start3A_325] : memref<1000000x64xf32, #tpu.memory_space<hbm>> -> memref<1x64xf32, #tpu.memory_space<hbm>>
          %dma_start3A_327 = tpu.memref_squeeze %dma_start3A_326 : memref<1x64xf32, #tpu.memory_space<hbm>> -> memref<64xf32, #tpu.memory_space<hbm>>
          tpu.enqueue_dma source(%dma_start3A_327 : memref<64xf32, #tpu.memory_space<hbm>>) target(%dma_start3A_324 : memref<64xf32, #tpu.memory_space<vmem>>) target_semaphore(%arg11 : memref<!tpu.dma_semaphore, #tpu.memory_space<semaphore_mem>>)
          %slice3A_328 = vector.extract_strided_slice %get3A_105 {offsets = [14], sizes = [1], strides = [1]} : vector<16xi32> to vector<1xi32>
          %squeeze3A_329 = vector.extract %slice3A_328[0] : i32 from vector<1xi32>
          %add3A_330 = arith.constant 14 : i32
          %add3A_331 = arith.addi %mul3A_100, %add3A_330 : i32
          %dma_start3A_332 = arith.constant 0 : i32
          %dma_start3A_333 = tpu.memref_slice %arg7[%add3A_331, %dma_start3A_332] : memref<128x64xf32, #tpu.memory_space<vmem>> -> memref<1x64xf32, #tpu.memory_space<vmem>>
          %dma_start3A_334 = tpu.memref_squeeze %dma_start3A_333 : memref<1x64xf32, #tpu.memory_space<vmem>> -> memref<64xf32, #tpu.memory_space<vmem>>
          %dma_start3A_335 = arith.constant 0 : i32
          %dma_start3A_336 = tpu.memref_slice %arg3[%squeeze3A_329, %dma_start3A_335] : memref<1000000x64xf32, #tpu.memory_space<hbm>> -> memref<1x64xf32, #tpu.memory_space<hbm>>
          %dma_start3A_337 = tpu.memref_squeeze %dma_start3A_336 : memref<1x64xf32, #tpu.memory_space<hbm>> -> memref<64xf32, #tpu.memory_space<hbm>>
          %dma_start3A_338 = arith.constant 0 : i32
          %dma_start3A_339 = tpu.memref_slice %arg7[%add3A_331, %dma_start3A_338] : memref<128x64xf32, #tpu.memory_space<vmem>> -> memref<1x64xf32, #tpu.memory_space<vmem>>
          %dma_start3A_340 = tpu.memref_squeeze %dma_start3A_339 : memref<1x64xf32, #tpu.memory_space<vmem>> -> memref<64xf32, #tpu.memory_space<vmem>>
          %dma_start3A_341 = arith.constant 0 : i32
          %dma_start3A_342 = tpu.memref_slice %arg3[%squeeze3A_329, %dma_start3A_341] : memref<1000000x64xf32, #tpu.memory_space<hbm>> -> memref<1x64xf32, #tpu.memory_space<hbm>>
          %dma_start3A_343 = tpu.memref_squeeze %dma_start3A_342 : memref<1x64xf32, #tpu.memory_space<hbm>> -> memref<64xf32, #tpu.memory_space<hbm>>
          tpu.enqueue_dma source(%dma_start3A_343 : memref<64xf32, #tpu.memory_space<hbm>>) target(%dma_start3A_340 : memref<64xf32, #tpu.memory_space<vmem>>) target_semaphore(%arg11 : memref<!tpu.dma_semaphore, #tpu.memory_space<semaphore_mem>>)
          %slice3A_344 = vector.extract_strided_slice %get3A_105 {offsets = [15], sizes = [1], strides = [1]} : vector<16xi32> to vector<1xi32>
          %squeeze3A_345 = vector.extract %slice3A_344[0] : i32 from vector<1xi32>
          %add3A_346 = arith.constant 15 : i32
          %add3A_347 = arith.addi %mul3A_100, %add3A_346 : i32
          %dma_start3A_348 = arith.constant 0 : i32
          %dma_start3A_349 = tpu.memref_slice %arg7[%add3A_347, %dma_start3A_348] : memref<128x64xf32, #tpu.memory_space<vmem>> -> memref<1x64xf32, #tpu.memory_space<vmem>>
          %dma_start3A_350 = tpu.memref_squeeze %dma_start3A_349 : memref<1x64xf32, #tpu.memory_space<vmem>> -> memref<64xf32, #tpu.memory_space<vmem>>
          %dma_start3A_351 = arith.constant 0 : i32
          %dma_start3A_352 = tpu.memref_slice %arg3[%squeeze3A_345, %dma_start3A_351] : memref<1000000x64xf32, #tpu.memory_space<hbm>> -> memref<1x64xf32, #tpu.memory_space<hbm>>
          %dma_start3A_353 = tpu.memref_squeeze %dma_start3A_352 : memref<1x64xf32, #tpu.memory_space<hbm>> -> memref<64xf32, #tpu.memory_space<hbm>>
          %dma_start3A_354 = arith.constant 0 : i32
          %dma_start3A_355 = tpu.memref_slice %arg7[%add3A_347, %dma_start3A_354] : memref<128x64xf32, #tpu.memory_space<vmem>> -> memref<1x64xf32, #tpu.memory_space<vmem>>
          %dma_start3A_356 = tpu.memref_squeeze %dma_start3A_355 : memref<1x64xf32, #tpu.memory_space<vmem>> -> memref<64xf32, #tpu.memory_space<vmem>>
          %dma_start3A_357 = arith.constant 0 : i32
          %dma_start3A_358 = tpu.memref_slice %arg3[%squeeze3A_345, %dma_start3A_357] : memref<1000000x64xf32, #tpu.memory_space<hbm>> -> memref<1x64xf32, #tpu.memory_space<hbm>>
          %dma_start3A_359 = tpu.memref_squeeze %dma_start3A_358 : memref<1x64xf32, #tpu.memory_space<hbm>> -> memref<64xf32, #tpu.memory_space<hbm>>
          tpu.enqueue_dma source(%dma_start3A_359 : memref<64xf32, #tpu.memory_space<hbm>>) target(%dma_start3A_356 : memref<64xf32, #tpu.memory_space<vmem>>) target_semaphore(%arg11 : memref<!tpu.dma_semaphore, #tpu.memory_space<semaphore_mem>>)
          %scan3A_360 = arith.constant 0 : i32
          %scan3A_361 = arith.constant 1 : i32
          %scan3A_362 = arith.addi %scan3A_97, %scan3A_361 : i32
          %mul3A_363 = arith.constant 16 : i32
          %mul3A_364 = arith.muli %scan3A_362, %mul3A_363 : i32
          %mul3A_365 = arith.constant 128 : i32
          %mul3A_366 = arith.muli %add3A_89, %mul3A_365 : i32
          %add3A_367 = arith.addi %mul3A_366, %mul3A_364 : i32
          %get3A_368 = arith.index_cast %add3A_367 : i32 to index
          %get3A_369 = tpu.vector_load %arg5[%get3A_368] {strides = array<i32>} : memref<6400xi32, #tpu.memory_space<vmem>>, vector<16xi32>,
          %get3A_370 = vector.shape_cast %get3A_369 : vector<16xi32> to vector<16xi32>
          %slice3A_371 = vector.extract_strided_slice %get3A_370 {offsets = [0], sizes = [1], strides = [1]} : vector<16xi32> to vector<1xi32>
          %squeeze3A_372 = vector.extract %slice3A_371[0] : i32 from vector<1xi32>
          %add3A_373 = arith.constant 0 : i32
          %add3A_374 = arith.addi %mul3A_364, %add3A_373 : i32
          %dma_start3A_375 = arith.constant 0 : i32
          %dma_start3A_376 = tpu.memref_slice %arg7[%add3A_374, %dma_start3A_375] : memref<128x64xf32, #tpu.memory_space<vmem>> -> memref<1x64xf32, #tpu.memory_space<vmem>>
          %dma_start3A_377 = tpu.memref_squeeze %dma_start3A_376 : memref<1x64xf32, #tpu.memory_space<vmem>> -> memref<64xf32, #tpu.memory_space<vmem>>
          %dma_start3A_378 = arith.constant 0 : i32
          %dma_start3A_379 = tpu.memref_slice %arg3[%squeeze3A_372, %dma_start3A_378] : memref<1000000x64xf32, #tpu.memory_space<hbm>> -> memref<1x64xf32, #tpu.memory_space<hbm>>
          %dma_start3A_380 = tpu.memref_squeeze %dma_start3A_379 : memref<1x64xf32, #tpu.memory_space<hbm>> -> memref<64xf32, #tpu.memory_space<hbm>>
          %dma_start3A_381 = arith.constant 0 : i32
          %dma_start3A_382 = tpu.memref_slice %arg7[%add3A_374, %dma_start3A_381] : memref<128x64xf32, #tpu.memory_space<vmem>> -> memref<1x64xf32, #tpu.memory_space<vmem>>
          %dma_start3A_383 = tpu.memref_squeeze %dma_start3A_382 : memref<1x64xf32, #tpu.memory_space<vmem>> -> memref<64xf32, #tpu.memory_space<vmem>>
          %dma_start3A_384 = arith.constant 0 : i32
          %dma_start3A_385 = tpu.memref_slice %arg3[%squeeze3A_372, %dma_start3A_384] : memref<1000000x64xf32, #tpu.memory_space<hbm>> -> memref<1x64xf32, #tpu.memory_space<hbm>>
          %dma_start3A_386 = tpu.memref_squeeze %dma_start3A_385 : memref<1x64xf32, #tpu.memory_space<hbm>> -> memref<64xf32, #tpu.memory_space<hbm>>
          tpu.enqueue_dma source(%dma_start3A_386 : memref<64xf32, #tpu.memory_space<hbm>>) target(%dma_start3A_383 : memref<64xf32, #tpu.memory_space<vmem>>) target_semaphore(%arg11 : memref<!tpu.dma_semaphore, #tpu.memory_space<semaphore_mem>>)
          %slice3A_387 = vector.extract_strided_slice %get3A_370 {offsets = [1], sizes = [1], strides = [1]} : vector<16xi32> to vector<1xi32>
          %squeeze3A_388 = vector.extract %slice3A_387[0] : i32 from vector<1xi32>
          %add3A_389 = arith.constant 1 : i32
          %add3A_390 = arith.addi %mul3A_364, %add3A_389 : i32
          %dma_start3A_391 = arith.constant 0 : i32
          %dma_start3A_392 = tpu.memref_slice %arg7[%add3A_390, %dma_start3A_391] : memref<128x64xf32, #tpu.memory_space<vmem>> -> memref<1x64xf32, #tpu.memory_space<vmem>>
          %dma_start3A_393 = tpu.memref_squeeze %dma_start3A_392 : memref<1x64xf32, #tpu.memory_space<vmem>> -> memref<64xf32, #tpu.memory_space<vmem>>
          %dma_start3A_394 = arith.constant 0 : i32
          %dma_start3A_395 = tpu.memref_slice %arg3[%squeeze3A_388, %dma_start3A_394] : memref<1000000x64xf32, #tpu.memory_space<hbm>> -> memref<1x64xf32, #tpu.memory_space<hbm>>
          %dma_start3A_396 = tpu.memref_squeeze %dma_start3A_395 : memref<1x64xf32, #tpu.memory_space<hbm>> -> memref<64xf32, #tpu.memory_space<hbm>>
          %dma_start3A_397 = arith.constant 0 : i32
          %dma_start3A_398 = tpu.memref_slice %arg7[%add3A_390, %dma_start3A_397] : memref<128x64xf32, #tpu.memory_space<vmem>> -> memref<1x64xf32, #tpu.memory_space<vmem>>
          %dma_start3A_399 = tpu.memref_squeeze %dma_start3A_398 : memref<1x64xf32, #tpu.memory_space<vmem>> -> memref<64xf32, #tpu.memory_space<vmem>>
          %dma_start3A_400 = arith.constant 0 : i32
          %dma_start3A_401 = tpu.memref_slice %arg3[%squeeze3A_388, %dma_start3A_400] : memref<1000000x64xf32, #tpu.memory_space<hbm>> -> memref<1x64xf32, #tpu.memory_space<hbm>>
          %dma_start3A_402 = tpu.memref_squeeze %dma_start3A_401 : memref<1x64xf32, #tpu.memory_space<hbm>> -> memref<64xf32, #tpu.memory_space<hbm>>
          tpu.enqueue_dma source(%dma_start3A_402 : memref<64xf32, #tpu.memory_space<hbm>>) target(%dma_start3A_399 : memref<64xf32, #tpu.memory_space<vmem>>) target_semaphore(%arg11 : memref<!tpu.dma_semaphore, #tpu.memory_space<semaphore_mem>>)
          %slice3A_403 = vector.extract_strided_slice %get3A_370 {offsets = [2], sizes = [1], strides = [1]} : vector<16xi32> to vector<1xi32>
          %squeeze3A_404 = vector.extract %slice3A_403[0] : i32 from vector<1xi32>
          %add3A_405 = arith.constant 2 : i32
          %add3A_406 = arith.addi %mul3A_364, %add3A_405 : i32
          %dma_start3A_407 = arith.constant 0 : i32
          %dma_start3A_408 = tpu.memref_slice %arg7[%add3A_406, %dma_start3A_407] : memref<128x64xf32, #tpu.memory_space<vmem>> -> memref<1x64xf32, #tpu.memory_space<vmem>>
          %dma_start3A_409 = tpu.memref_squeeze %dma_start3A_408 : memref<1x64xf32, #tpu.memory_space<vmem>> -> memref<64xf32, #tpu.memory_space<vmem>>
          %dma_start3A_410 = arith.constant 0 : i32
          %dma_start3A_411 = tpu.memref_slice %arg3[%squeeze3A_404, %dma_start3A_410] : memref<1000000x64xf32, #tpu.memory_space<hbm>> -> memref<1x64xf32, #tpu.memory_space<hbm>>
          %dma_start3A_412 = tpu.memref_squeeze %dma_start3A_411 : memref<1x64xf32, #tpu.memory_space<hbm>> -> memref<64xf32, #tpu.memory_space<hbm>>
          %dma_start3A_413 = arith.constant 0 : i32
          %dma_start3A_414 = tpu.memref_slice %arg7[%add3A_406, %dma_start3A_413] : memref<128x64xf32, #tpu.memory_space<vmem>> -> memref<1x64xf32, #tpu.memory_space<vmem>>
          %dma_start3A_415 = tpu.memref_squeeze %dma_start3A_414 : memref<1x64xf32, #tpu.memory_space<vmem>> -> memref<64xf32, #tpu.memory_space<vmem>>
          %dma_start3A_416 = arith.constant 0 : i32
          %dma_start3A_417 = tpu.memref_slice %arg3[%squeeze3A_404, %dma_start3A_416] : memref<1000000x64xf32, #tpu.memory_space<hbm>> -> memref<1x64xf32, #tpu.memory_space<hbm>>
          %dma_start3A_418 = tpu.memref_squeeze %dma_start3A_417 : memref<1x64xf32, #tpu.memory_space<hbm>> -> memref<64xf32, #tpu.memory_space<hbm>>
          tpu.enqueue_dma source(%dma_start3A_418 : memref<64xf32, #tpu.memory_space<hbm>>) target(%dma_start3A_415 : memref<64xf32, #tpu.memory_space<vmem>>) target_semaphore(%arg11 : memref<!tpu.dma_semaphore, #tpu.memory_space<semaphore_mem>>)
          %slice3A_419 = vector.extract_strided_slice %get3A_370 {offsets = [3], sizes = [1], strides = [1]} : vector<16xi32> to vector<1xi32>
          %squeeze3A_420 = vector.extract %slice3A_419[0] : i32 from vector<1xi32>
          %add3A_421 = arith.constant 3 : i32
          %add3A_422 = arith.addi %mul3A_364, %add3A_421 : i32
          %dma_start3A_423 = arith.constant 0 : i32
          %dma_start3A_424 = tpu.memref_slice %arg7[%add3A_422, %dma_start3A_423] : memref<128x64xf32, #tpu.memory_space<vmem>> -> memref<1x64xf32, #tpu.memory_space<vmem>>
          %dma_start3A_425 = tpu.memref_squeeze %dma_start3A_424 : memref<1x64xf32, #tpu.memory_space<vmem>> -> memref<64xf32, #tpu.memory_space<vmem>>
          %dma_start3A_426 = arith.constant 0 : i32
          %dma_start3A_427 = tpu.memref_slice %arg3[%squeeze3A_420, %dma_start3A_426] : memref<1000000x64xf32, #tpu.memory_space<hbm>> -> memref<1x64xf32, #tpu.memory_space<hbm>>
          %dma_start3A_428 = tpu.memref_squeeze %dma_start3A_427 : memref<1x64xf32, #tpu.memory_space<hbm>> -> memref<64xf32, #tpu.memory_space<hbm>>
          %dma_start3A_429 = arith.constant 0 : i32
          %dma_start3A_430 = tpu.memref_slice %arg7[%add3A_422, %dma_start3A_429] : memref<128x64xf32, #tpu.memory_space<vmem>> -> memref<1x64xf32, #tpu.memory_space<vmem>>
          %dma_start3A_431 = tpu.memref_squeeze %dma_start3A_430 : memref<1x64xf32, #tpu.memory_space<vmem>> -> memref<64xf32, #tpu.memory_space<vmem>>
          %dma_start3A_432 = arith.constant 0 : i32
          %dma_start3A_433 = tpu.memref_slice %arg3[%squeeze3A_420, %dma_start3A_432] : memref<1000000x64xf32, #tpu.memory_space<hbm>> -> memref<1x64xf32, #tpu.memory_space<hbm>>
          %dma_start3A_434 = tpu.memref_squeeze %dma_start3A_433 : memref<1x64xf32, #tpu.memory_space<hbm>> -> memref<64xf32, #tpu.memory_space<hbm>>
          tpu.enqueue_dma source(%dma_start3A_434 : memref<64xf32, #tpu.memory_space<hbm>>) target(%dma_start3A_431 : memref<64xf32, #tpu.memory_space<vmem>>) target_semaphore(%arg11 : memref<!tpu.dma_semaphore, #tpu.memory_space<semaphore_mem>>)
          %slice3A_435 = vector.extract_strided_slice %get3A_370 {offsets = [4], sizes = [1], strides = [1]} : vector<16xi32> to vector<1xi32>
          %squeeze3A_436 = vector.extract %slice3A_435[0] : i32 from vector<1xi32>
          %add3A_437 = arith.constant 4 : i32
          %add3A_438 = arith.addi %mul3A_364, %add3A_437 : i32
          %dma_start3A_439 = arith.constant 0 : i32
          %dma_start3A_440 = tpu.memref_slice %arg7[%add3A_438, %dma_start3A_439] : memref<128x64xf32, #tpu.memory_space<vmem>> -> memref<1x64xf32, #tpu.memory_space<vmem>>
          %dma_start3A_441 = tpu.memref_squeeze %dma_start3A_440 : memref<1x64xf32, #tpu.memory_space<vmem>> -> memref<64xf32, #tpu.memory_space<vmem>>
          %dma_start3A_442 = arith.constant 0 : i32
          %dma_start3A_443 = tpu.memref_slice %arg3[%squeeze3A_436, %dma_start3A_442] : memref<1000000x64xf32, #tpu.memory_space<hbm>> -> memref<1x64xf32, #tpu.memory_space<hbm>>
          %dma_start3A_444 = tpu.memref_squeeze %dma_start3A_443 : memref<1x64xf32, #tpu.memory_space<hbm>> -> memref<64xf32, #tpu.memory_space<hbm>>
          %dma_start3A_445 = arith.constant 0 : i32
          %dma_start3A_446 = tpu.memref_slice %arg7[%add3A_438, %dma_start3A_445] : memref<128x64xf32, #tpu.memory_space<vmem>> -> memref<1x64xf32, #tpu.memory_space<vmem>>
          %dma_start3A_447 = tpu.memref_squeeze %dma_start3A_446 : memref<1x64xf32, #tpu.memory_space<vmem>> -> memref<64xf32, #tpu.memory_space<vmem>>
          %dma_start3A_448 = arith.constant 0 : i32
          %dma_start3A_449 = tpu.memref_slice %arg3[%squeeze3A_436, %dma_start3A_448] : memref<1000000x64xf32, #tpu.memory_space<hbm>> -> memref<1x64xf32, #tpu.memory_space<hbm>>
          %dma_start3A_450 = tpu.memref_squeeze %dma_start3A_449 : memref<1x64xf32, #tpu.memory_space<hbm>> -> memref<64xf32, #tpu.memory_space<hbm>>
          tpu.enqueue_dma source(%dma_start3A_450 : memref<64xf32, #tpu.memory_space<hbm>>) target(%dma_start3A_447 : memref<64xf32, #tpu.memory_space<vmem>>) target_semaphore(%arg11 : memref<!tpu.dma_semaphore, #tpu.memory_space<semaphore_mem>>)
          %slice3A_451 = vector.extract_strided_slice %get3A_370 {offsets = [5], sizes = [1], strides = [1]} : vector<16xi32> to vector<1xi32>
          %squeeze3A_452 = vector.extract %slice3A_451[0] : i32 from vector<1xi32>
          %add3A_453 = arith.constant 5 : i32
          %add3A_454 = arith.addi %mul3A_364, %add3A_453 : i32
          %dma_start3A_455 = arith.constant 0 : i32
          %dma_start3A_456 = tpu.memref_slice %arg7[%add3A_454, %dma_start3A_455] : memref<128x64xf32, #tpu.memory_space<vmem>> -> memref<1x64xf32, #tpu.memory_space<vmem>>
          %dma_start3A_457 = tpu.memref_squeeze %dma_start3A_456 : memref<1x64xf32, #tpu.memory_space<vmem>> -> memref<64xf32, #tpu.memory_space<vmem>>
          %dma_start3A_458 = arith.constant 0 : i32
          %dma_start3A_459 = tpu.memref_slice %arg3[%squeeze3A_452, %dma_start3A_458] : memref<1000000x64xf32, #tpu.memory_space<hbm>> -> memref<1x64xf32, #tpu.memory_space<hbm>>
          %dma_start3A_460 = tpu.memref_squeeze %dma_start3A_459 : memref<1x64xf32, #tpu.memory_space<hbm>> -> memref<64xf32, #tpu.memory_space<hbm>>
          %dma_start3A_461 = arith.constant 0 : i32
          %dma_start3A_462 = tpu.memref_slice %arg7[%add3A_454, %dma_start3A_461] : memref<128x64xf32, #tpu.memory_space<vmem>> -> memref<1x64xf32, #tpu.memory_space<vmem>>
          %dma_start3A_463 = tpu.memref_squeeze %dma_start3A_462 : memref<1x64xf32, #tpu.memory_space<vmem>> -> memref<64xf32, #tpu.memory_space<vmem>>
          %dma_start3A_464 = arith.constant 0 : i32
          %dma_start3A_465 = tpu.memref_slice %arg3[%squeeze3A_452, %dma_start3A_464] : memref<1000000x64xf32, #tpu.memory_space<hbm>> -> memref<1x64xf32, #tpu.memory_space<hbm>>
          %dma_start3A_466 = tpu.memref_squeeze %dma_start3A_465 : memref<1x64xf32, #tpu.memory_space<hbm>> -> memref<64xf32, #tpu.memory_space<hbm>>
          tpu.enqueue_dma source(%dma_start3A_466 : memref<64xf32, #tpu.memory_space<hbm>>) target(%dma_start3A_463 : memref<64xf32, #tpu.memory_space<vmem>>) target_semaphore(%arg11 : memref<!tpu.dma_semaphore, #tpu.memory_space<semaphore_mem>>)
          %slice3A_467 = vector.extract_strided_slice %get3A_370 {offsets = [6], sizes = [1], strides = [1]} : vector<16xi32> to vector<1xi32>
          %squeeze3A_468 = vector.extract %slice3A_467[0] : i32 from vector<1xi32>
          %add3A_469 = arith.constant 6 : i32
          %add3A_470 = arith.addi %mul3A_364, %add3A_469 : i32
          %dma_start3A_471 = arith.constant 0 : i32
          %dma_start3A_472 = tpu.memref_slice %arg7[%add3A_470, %dma_start3A_471] : memref<128x64xf32, #tpu.memory_space<vmem>> -> memref<1x64xf32, #tpu.memory_space<vmem>>
          %dma_start3A_473 = tpu.memref_squeeze %dma_start3A_472 : memref<1x64xf32, #tpu.memory_space<vmem>> -> memref<64xf32, #tpu.memory_space<vmem>>
          %dma_start3A_474 = arith.constant 0 : i32
          %dma_start3A_475 = tpu.memref_slice %arg3[%squeeze3A_468, %dma_start3A_474] : memref<1000000x64xf32, #tpu.memory_space<hbm>> -> memref<1x64xf32, #tpu.memory_space<hbm>>
          %dma_start3A_476 = tpu.memref_squeeze %dma_start3A_475 : memref<1x64xf32, #tpu.memory_space<hbm>> -> memref<64xf32, #tpu.memory_space<hbm>>
          %dma_start3A_477 = arith.constant 0 : i32
          %dma_start3A_478 = tpu.memref_slice %arg7[%add3A_470, %dma_start3A_477] : memref<128x64xf32, #tpu.memory_space<vmem>> -> memref<1x64xf32, #tpu.memory_space<vmem>>
          %dma_start3A_479 = tpu.memref_squeeze %dma_start3A_478 : memref<1x64xf32, #tpu.memory_space<vmem>> -> memref<64xf32, #tpu.memory_space<vmem>>
          %dma_start3A_480 = arith.constant 0 : i32
          %dma_start3A_481 = tpu.memref_slice %arg3[%squeeze3A_468, %dma_start3A_480] : memref<1000000x64xf32, #tpu.memory_space<hbm>> -> memref<1x64xf32, #tpu.memory_space<hbm>>
          %dma_start3A_482 = tpu.memref_squeeze %dma_start3A_481 : memref<1x64xf32, #tpu.memory_space<hbm>> -> memref<64xf32, #tpu.memory_space<hbm>>
          tpu.enqueue_dma source(%dma_start3A_482 : memref<64xf32, #tpu.memory_space<hbm>>) target(%dma_start3A_479 : memref<64xf32, #tpu.memory_space<vmem>>) target_semaphore(%arg11 : memref<!tpu.dma_semaphore, #tpu.memory_space<semaphore_mem>>)
          %slice3A_483 = vector.extract_strided_slice %get3A_370 {offsets = [7], sizes = [1], strides = [1]} : vector<16xi32> to vector<1xi32>
          %squeeze3A_484 = vector.extract %slice3A_483[0] : i32 from vector<1xi32>
          %add3A_485 = arith.constant 7 : i32
          %add3A_486 = arith.addi %mul3A_364, %add3A_485 : i32
          %dma_start3A_487 = arith.constant 0 : i32
          %dma_start3A_488 = tpu.memref_slice %arg7[%add3A_486, %dma_start3A_487] : memref<128x64xf32, #tpu.memory_space<vmem>> -> memref<1x64xf32, #tpu.memory_space<vmem>>
          %dma_start3A_489 = tpu.memref_squeeze %dma_start3A_488 : memref<1x64xf32, #tpu.memory_space<vmem>> -> memref<64xf32, #tpu.memory_space<vmem>>
          %dma_start3A_490 = arith.constant 0 : i32
          %dma_start3A_491 = tpu.memref_slice %arg3[%squeeze3A_484, %dma_start3A_490] : memref<1000000x64xf32, #tpu.memory_space<hbm>> -> memref<1x64xf32, #tpu.memory_space<hbm>>
          %dma_start3A_492 = tpu.memref_squeeze %dma_start3A_491 : memref<1x64xf32, #tpu.memory_space<hbm>> -> memref<64xf32, #tpu.memory_space<hbm>>
          %dma_start3A_493 = arith.constant 0 : i32
          %dma_start3A_494 = tpu.memref_slice %arg7[%add3A_486, %dma_start3A_493] : memref<128x64xf32, #tpu.memory_space<vmem>> -> memref<1x64xf32, #tpu.memory_space<vmem>>
          %dma_start3A_495 = tpu.memref_squeeze %dma_start3A_494 : memref<1x64xf32, #tpu.memory_space<vmem>> -> memref<64xf32, #tpu.memory_space<vmem>>
          %dma_start3A_496 = arith.constant 0 : i32
          %dma_start3A_497 = tpu.memref_slice %arg3[%squeeze3A_484, %dma_start3A_496] : memref<1000000x64xf32, #tpu.memory_space<hbm>> -> memref<1x64xf32, #tpu.memory_space<hbm>>
          %dma_start3A_498 = tpu.memref_squeeze %dma_start3A_497 : memref<1x64xf32, #tpu.memory_space<hbm>> -> memref<64xf32, #tpu.memory_space<hbm>>
          tpu.enqueue_dma source(%dma_start3A_498 : memref<64xf32, #tpu.memory_space<hbm>>) target(%dma_start3A_495 : memref<64xf32, #tpu.memory_space<vmem>>) target_semaphore(%arg11 : memref<!tpu.dma_semaphore, #tpu.memory_space<semaphore_mem>>)
          %slice3A_499 = vector.extract_strided_slice %get3A_370 {offsets = [8], sizes = [1], strides = [1]} : vector<16xi32> to vector<1xi32>
          %squeeze3A_500 = vector.extract %slice3A_499[0] : i32 from vector<1xi32>
          %add3A_501 = arith.constant 8 : i32
          %add3A_502 = arith.addi %mul3A_364, %add3A_501 : i32
          %dma_start3A_503 = arith.constant 0 : i32
          %dma_start3A_504 = tpu.memref_slice %arg7[%add3A_502, %dma_start3A_503] : memref<128x64xf32, #tpu.memory_space<vmem>> -> memref<1x64xf32, #tpu.memory_space<vmem>>
          %dma_start3A_505 = tpu.memref_squeeze %dma_start3A_504 : memref<1x64xf32, #tpu.memory_space<vmem>> -> memref<64xf32, #tpu.memory_space<vmem>>
          %dma_start3A_506 = arith.constant 0 : i32
          %dma_start3A_507 = tpu.memref_slice %arg3[%squeeze3A_500, %dma_start3A_506] : memref<1000000x64xf32, #tpu.memory_space<hbm>> -> memref<1x64xf32, #tpu.memory_space<hbm>>
          %dma_start3A_508 = tpu.memref_squeeze %dma_start3A_507 : memref<1x64xf32, #tpu.memory_space<hbm>> -> memref<64xf32, #tpu.memory_space<hbm>>
          %dma_start3A_509 = arith.constant 0 : i32
          %dma_start3A_510 = tpu.memref_slice %arg7[%add3A_502, %dma_start3A_509] : memref<128x64xf32, #tpu.memory_space<vmem>> -> memref<1x64xf32, #tpu.memory_space<vmem>>
          %dma_start3A_511 = tpu.memref_squeeze %dma_start3A_510 : memref<1x64xf32, #tpu.memory_space<vmem>> -> memref<64xf32, #tpu.memory_space<vmem>>
          %dma_start3A_512 = arith.constant 0 : i32
          %dma_start3A_513 = tpu.memref_slice %arg3[%squeeze3A_500, %dma_start3A_512] : memref<1000000x64xf32, #tpu.memory_space<hbm>> -> memref<1x64xf32, #tpu.memory_space<hbm>>
          %dma_start3A_514 = tpu.memref_squeeze %dma_start3A_513 : memref<1x64xf32, #tpu.memory_space<hbm>> -> memref<64xf32, #tpu.memory_space<hbm>>
          tpu.enqueue_dma source(%dma_start3A_514 : memref<64xf32, #tpu.memory_space<hbm>>) target(%dma_start3A_511 : memref<64xf32, #tpu.memory_space<vmem>>) target_semaphore(%arg11 : memref<!tpu.dma_semaphore, #tpu.memory_space<semaphore_mem>>)
          %slice3A_515 = vector.extract_strided_slice %get3A_370 {offsets = [9], sizes = [1], strides = [1]} : vector<16xi32> to vector<1xi32>
          %squeeze3A_516 = vector.extract %slice3A_515[0] : i32 from vector<1xi32>
          %add3A_517 = arith.constant 9 : i32
          %add3A_518 = arith.addi %mul3A_364, %add3A_517 : i32
          %dma_start3A_519 = arith.constant 0 : i32
          %dma_start3A_520 = tpu.memref_slice %arg7[%add3A_518, %dma_start3A_519] : memref<128x64xf32, #tpu.memory_space<vmem>> -> memref<1x64xf32, #tpu.memory_space<vmem>>
          %dma_start3A_521 = tpu.memref_squeeze %dma_start3A_520 : memref<1x64xf32, #tpu.memory_space<vmem>> -> memref<64xf32, #tpu.memory_space<vmem>>
          %dma_start3A_522 = arith.constant 0 : i32
          %dma_start3A_523 = tpu.memref_slice %arg3[%squeeze3A_516, %dma_start3A_522] : memref<1000000x64xf32, #tpu.memory_space<hbm>> -> memref<1x64xf32, #tpu.memory_space<hbm>>
          %dma_start3A_524 = tpu.memref_squeeze %dma_start3A_523 : memref<1x64xf32, #tpu.memory_space<hbm>> -> memref<64xf32, #tpu.memory_space<hbm>>
          %dma_start3A_525 = arith.constant 0 : i32
          %dma_start3A_526 = tpu.memref_slice %arg7[%add3A_518, %dma_start3A_525] : memref<128x64xf32, #tpu.memory_space<vmem>> -> memref<1x64xf32, #tpu.memory_space<vmem>>
          %dma_start3A_527 = tpu.memref_squeeze %dma_start3A_526 : memref<1x64xf32, #tpu.memory_space<vmem>> -> memref<64xf32, #tpu.memory_space<vmem>>
          %dma_start3A_528 = arith.constant 0 : i32
          %dma_start3A_529 = tpu.memref_slice %arg3[%squeeze3A_516, %dma_start3A_528] : memref<1000000x64xf32, #tpu.memory_space<hbm>> -> memref<1x64xf32, #tpu.memory_space<hbm>>
          %dma_start3A_530 = tpu.memref_squeeze %dma_start3A_529 : memref<1x64xf32, #tpu.memory_space<hbm>> -> memref<64xf32, #tpu.memory_space<hbm>>
          tpu.enqueue_dma source(%dma_start3A_530 : memref<64xf32, #tpu.memory_space<hbm>>) target(%dma_start3A_527 : memref<64xf32, #tpu.memory_space<vmem>>) target_semaphore(%arg11 : memref<!tpu.dma_semaphore, #tpu.memory_space<semaphore_mem>>)
          %slice3A_531 = vector.extract_strided_slice %get3A_370 {offsets = [10], sizes = [1], strides = [1]} : vector<16xi32> to vector<1xi32>
          %squeeze3A_532 = vector.extract %slice3A_531[0] : i32 from vector<1xi32>
          %add3A_533 = arith.constant 10 : i32
          %add3A_534 = arith.addi %mul3A_364, %add3A_533 : i32
          %dma_start3A_535 = arith.constant 0 : i32
          %dma_start3A_536 = tpu.memref_slice %arg7[%add3A_534, %dma_start3A_535] : memref<128x64xf32, #tpu.memory_space<vmem>> -> memref<1x64xf32, #tpu.memory_space<vmem>>
          %dma_start3A_537 = tpu.memref_squeeze %dma_start3A_536 : memref<1x64xf32, #tpu.memory_space<vmem>> -> memref<64xf32, #tpu.memory_space<vmem>>
          %dma_start3A_538 = arith.constant 0 : i32
          %dma_start3A_539 = tpu.memref_slice %arg3[%squeeze3A_532, %dma_start3A_538] : memref<1000000x64xf32, #tpu.memory_space<hbm>> -> memref<1x64xf32, #tpu.memory_space<hbm>>
          %dma_start3A_540 = tpu.memref_squeeze %dma_start3A_539 : memref<1x64xf32, #tpu.memory_space<hbm>> -> memref<64xf32, #tpu.memory_space<hbm>>
          %dma_start3A_541 = arith.constant 0 : i32
          %dma_start3A_542 = tpu.memref_slice %arg7[%add3A_534, %dma_start3A_541] : memref<128x64xf32, #tpu.memory_space<vmem>> -> memref<1x64xf32, #tpu.memory_space<vmem>>
          %dma_start3A_543 = tpu.memref_squeeze %dma_start3A_542 : memref<1x64xf32, #tpu.memory_space<vmem>> -> memref<64xf32, #tpu.memory_space<vmem>>
          %dma_start3A_544 = arith.constant 0 : i32
          %dma_start3A_545 = tpu.memref_slice %arg3[%squeeze3A_532, %dma_start3A_544] : memref<1000000x64xf32, #tpu.memory_space<hbm>> -> memref<1x64xf32, #tpu.memory_space<hbm>>
          %dma_start3A_546 = tpu.memref_squeeze %dma_start3A_545 : memref<1x64xf32, #tpu.memory_space<hbm>> -> memref<64xf32, #tpu.memory_space<hbm>>
          tpu.enqueue_dma source(%dma_start3A_546 : memref<64xf32, #tpu.memory_space<hbm>>) target(%dma_start3A_543 : memref<64xf32, #tpu.memory_space<vmem>>) target_semaphore(%arg11 : memref<!tpu.dma_semaphore, #tpu.memory_space<semaphore_mem>>)
          %slice3A_547 = vector.extract_strided_slice %get3A_370 {offsets = [11], sizes = [1], strides = [1]} : vector<16xi32> to vector<1xi32>
          %squeeze3A_548 = vector.extract %slice3A_547[0] : i32 from vector<1xi32>
          %add3A_549 = arith.constant 11 : i32
          %add3A_550 = arith.addi %mul3A_364, %add3A_549 : i32
          %dma_start3A_551 = arith.constant 0 : i32
          %dma_start3A_552 = tpu.memref_slice %arg7[%add3A_550, %dma_start3A_551] : memref<128x64xf32, #tpu.memory_space<vmem>> -> memref<1x64xf32, #tpu.memory_space<vmem>>
          %dma_start3A_553 = tpu.memref_squeeze %dma_start3A_552 : memref<1x64xf32, #tpu.memory_space<vmem>> -> memref<64xf32, #tpu.memory_space<vmem>>
          %dma_start3A_554 = arith.constant 0 : i32
          %dma_start3A_555 = tpu.memref_slice %arg3[%squeeze3A_548, %dma_start3A_554] : memref<1000000x64xf32, #tpu.memory_space<hbm>> -> memref<1x64xf32, #tpu.memory_space<hbm>>
          %dma_start3A_556 = tpu.memref_squeeze %dma_start3A_555 : memref<1x64xf32, #tpu.memory_space<hbm>> -> memref<64xf32, #tpu.memory_space<hbm>>
          %dma_start3A_557 = arith.constant 0 : i32
          %dma_start3A_558 = tpu.memref_slice %arg7[%add3A_550, %dma_start3A_557] : memref<128x64xf32, #tpu.memory_space<vmem>> -> memref<1x64xf32, #tpu.memory_space<vmem>>
          %dma_start3A_559 = tpu.memref_squeeze %dma_start3A_558 : memref<1x64xf32, #tpu.memory_space<vmem>> -> memref<64xf32, #tpu.memory_space<vmem>>
          %dma_start3A_560 = arith.constant 0 : i32
          %dma_start3A_561 = tpu.memref_slice %arg3[%squeeze3A_548, %dma_start3A_560] : memref<1000000x64xf32, #tpu.memory_space<hbm>> -> memref<1x64xf32, #tpu.memory_space<hbm>>
          %dma_start3A_562 = tpu.memref_squeeze %dma_start3A_561 : memref<1x64xf32, #tpu.memory_space<hbm>> -> memref<64xf32, #tpu.memory_space<hbm>>
          tpu.enqueue_dma source(%dma_start3A_562 : memref<64xf32, #tpu.memory_space<hbm>>) target(%dma_start3A_559 : memref<64xf32, #tpu.memory_space<vmem>>) target_semaphore(%arg11 : memref<!tpu.dma_semaphore, #tpu.memory_space<semaphore_mem>>)
          %slice3A_563 = vector.extract_strided_slice %get3A_370 {offsets = [12], sizes = [1], strides = [1]} : vector<16xi32> to vector<1xi32>
          %squeeze3A_564 = vector.extract %slice3A_563[0] : i32 from vector<1xi32>
          %add3A_565 = arith.constant 12 : i32
          %add3A_566 = arith.addi %mul3A_364, %add3A_565 : i32
          %dma_start3A_567 = arith.constant 0 : i32
          %dma_start3A_568 = tpu.memref_slice %arg7[%add3A_566, %dma_start3A_567] : memref<128x64xf32, #tpu.memory_space<vmem>> -> memref<1x64xf32, #tpu.memory_space<vmem>>
          %dma_start3A_569 = tpu.memref_squeeze %dma_start3A_568 : memref<1x64xf32, #tpu.memory_space<vmem>> -> memref<64xf32, #tpu.memory_space<vmem>>
          %dma_start3A_570 = arith.constant 0 : i32
          %dma_start3A_571 = tpu.memref_slice %arg3[%squeeze3A_564, %dma_start3A_570] : memref<1000000x64xf32, #tpu.memory_space<hbm>> -> memref<1x64xf32, #tpu.memory_space<hbm>>
          %dma_start3A_572 = tpu.memref_squeeze %dma_start3A_571 : memref<1x64xf32, #tpu.memory_space<hbm>> -> memref<64xf32, #tpu.memory_space<hbm>>
          %dma_start3A_573 = arith.constant 0 : i32
          %dma_start3A_574 = tpu.memref_slice %arg7[%add3A_566, %dma_start3A_573] : memref<128x64xf32, #tpu.memory_space<vmem>> -> memref<1x64xf32, #tpu.memory_space<vmem>>
          %dma_start3A_575 = tpu.memref_squeeze %dma_start3A_574 : memref<1x64xf32, #tpu.memory_space<vmem>> -> memref<64xf32, #tpu.memory_space<vmem>>
          %dma_start3A_576 = arith.constant 0 : i32
          %dma_start3A_577 = tpu.memref_slice %arg3[%squeeze3A_564, %dma_start3A_576] : memref<1000000x64xf32, #tpu.memory_space<hbm>> -> memref<1x64xf32, #tpu.memory_space<hbm>>
          %dma_start3A_578 = tpu.memref_squeeze %dma_start3A_577 : memref<1x64xf32, #tpu.memory_space<hbm>> -> memref<64xf32, #tpu.memory_space<hbm>>
          tpu.enqueue_dma source(%dma_start3A_578 : memref<64xf32, #tpu.memory_space<hbm>>) target(%dma_start3A_575 : memref<64xf32, #tpu.memory_space<vmem>>) target_semaphore(%arg11 : memref<!tpu.dma_semaphore, #tpu.memory_space<semaphore_mem>>)
          %slice3A_579 = vector.extract_strided_slice %get3A_370 {offsets = [13], sizes = [1], strides = [1]} : vector<16xi32> to vector<1xi32>
          %squeeze3A_580 = vector.extract %slice3A_579[0] : i32 from vector<1xi32>
          %add3A_581 = arith.constant 13 : i32
          %add3A_582 = arith.addi %mul3A_364, %add3A_581 : i32
          %dma_start3A_583 = arith.constant 0 : i32
          %dma_start3A_584 = tpu.memref_slice %arg7[%add3A_582, %dma_start3A_583] : memref<128x64xf32, #tpu.memory_space<vmem>> -> memref<1x64xf32, #tpu.memory_space<vmem>>
          %dma_start3A_585 = tpu.memref_squeeze %dma_start3A_584 : memref<1x64xf32, #tpu.memory_space<vmem>> -> memref<64xf32, #tpu.memory_space<vmem>>
          %dma_start3A_586 = arith.constant 0 : i32
          %dma_start3A_587 = tpu.memref_slice %arg3[%squeeze3A_580, %dma_start3A_586] : memref<1000000x64xf32, #tpu.memory_space<hbm>> -> memref<1x64xf32, #tpu.memory_space<hbm>>
          %dma_start3A_588 = tpu.memref_squeeze %dma_start3A_587 : memref<1x64xf32, #tpu.memory_space<hbm>> -> memref<64xf32, #tpu.memory_space<hbm>>
          %dma_start3A_589 = arith.constant 0 : i32
          %dma_start3A_590 = tpu.memref_slice %arg7[%add3A_582, %dma_start3A_589] : memref<128x64xf32, #tpu.memory_space<vmem>> -> memref<1x64xf32, #tpu.memory_space<vmem>>
          %dma_start3A_591 = tpu.memref_squeeze %dma_start3A_590 : memref<1x64xf32, #tpu.memory_space<vmem>> -> memref<64xf32, #tpu.memory_space<vmem>>
          %dma_start3A_592 = arith.constant 0 : i32
          %dma_start3A_593 = tpu.memref_slice %arg3[%squeeze3A_580, %dma_start3A_592] : memref<1000000x64xf32, #tpu.memory_space<hbm>> -> memref<1x64xf32, #tpu.memory_space<hbm>>
          %dma_start3A_594 = tpu.memref_squeeze %dma_start3A_593 : memref<1x64xf32, #tpu.memory_space<hbm>> -> memref<64xf32, #tpu.memory_space<hbm>>
          tpu.enqueue_dma source(%dma_start3A_594 : memref<64xf32, #tpu.memory_space<hbm>>) target(%dma_start3A_591 : memref<64xf32, #tpu.memory_space<vmem>>) target_semaphore(%arg11 : memref<!tpu.dma_semaphore, #tpu.memory_space<semaphore_mem>>)
          %slice3A_595 = vector.extract_strided_slice %get3A_370 {offsets = [14], sizes = [1], strides = [1]} : vector<16xi32> to vector<1xi32>
          %squeeze3A_596 = vector.extract %slice3A_595[0] : i32 from vector<1xi32>
          %add3A_597 = arith.constant 14 : i32
          %add3A_598 = arith.addi %mul3A_364, %add3A_597 : i32
          %dma_start3A_599 = arith.constant 0 : i32
          %dma_start3A_600 = tpu.memref_slice %arg7[%add3A_598, %dma_start3A_599] : memref<128x64xf32, #tpu.memory_space<vmem>> -> memref<1x64xf32, #tpu.memory_space<vmem>>
          %dma_start3A_601 = tpu.memref_squeeze %dma_start3A_600 : memref<1x64xf32, #tpu.memory_space<vmem>> -> memref<64xf32, #tpu.memory_space<vmem>>
          %dma_start3A_602 = arith.constant 0 : i32
          %dma_start3A_603 = tpu.memref_slice %arg3[%squeeze3A_596, %dma_start3A_602] : memref<1000000x64xf32, #tpu.memory_space<hbm>> -> memref<1x64xf32, #tpu.memory_space<hbm>>
          %dma_start3A_604 = tpu.memref_squeeze %dma_start3A_603 : memref<1x64xf32, #tpu.memory_space<hbm>> -> memref<64xf32, #tpu.memory_space<hbm>>
          %dma_start3A_605 = arith.constant 0 : i32
          %dma_start3A_606 = tpu.memref_slice %arg7[%add3A_598, %dma_start3A_605] : memref<128x64xf32, #tpu.memory_space<vmem>> -> memref<1x64xf32, #tpu.memory_space<vmem>>
          %dma_start3A_607 = tpu.memref_squeeze %dma_start3A_606 : memref<1x64xf32, #tpu.memory_space<vmem>> -> memref<64xf32, #tpu.memory_space<vmem>>
          %dma_start3A_608 = arith.constant 0 : i32
          %dma_start3A_609 = tpu.memref_slice %arg3[%squeeze3A_596, %dma_start3A_608] : memref<1000000x64xf32, #tpu.memory_space<hbm>> -> memref<1x64xf32, #tpu.memory_space<hbm>>
          %dma_start3A_610 = tpu.memref_squeeze %dma_start3A_609 : memref<1x64xf32, #tpu.memory_space<hbm>> -> memref<64xf32, #tpu.memory_space<hbm>>
          tpu.enqueue_dma source(%dma_start3A_610 : memref<64xf32, #tpu.memory_space<hbm>>) target(%dma_start3A_607 : memref<64xf32, #tpu.memory_space<vmem>>) target_semaphore(%arg11 : memref<!tpu.dma_semaphore, #tpu.memory_space<semaphore_mem>>)
          %slice3A_611 = vector.extract_strided_slice %get3A_370 {offsets = [15], sizes = [1], strides = [1]} : vector<16xi32> to vector<1xi32>
          %squeeze3A_612 = vector.extract %slice3A_611[0] : i32 from vector<1xi32>
          %add3A_613 = arith.constant 15 : i32
          %add3A_614 = arith.addi %mul3A_364, %add3A_613 : i32
          %dma_start3A_615 = arith.constant 0 : i32
          %dma_start3A_616 = tpu.memref_slice %arg7[%add3A_614, %dma_start3A_615] : memref<128x64xf32, #tpu.memory_space<vmem>> -> memref<1x64xf32, #tpu.memory_space<vmem>>
          %dma_start3A_617 = tpu.memref_squeeze %dma_start3A_616 : memref<1x64xf32, #tpu.memory_space<vmem>> -> memref<64xf32, #tpu.memory_space<vmem>>
          %dma_start3A_618 = arith.constant 0 : i32
          %dma_start3A_619 = tpu.memref_slice %arg3[%squeeze3A_612, %dma_start3A_618] : memref<1000000x64xf32, #tpu.memory_space<hbm>> -> memref<1x64xf32, #tpu.memory_space<hbm>>
          %dma_start3A_620 = tpu.memref_squeeze %dma_start3A_619 : memref<1x64xf32, #tpu.memory_space<hbm>> -> memref<64xf32, #tpu.memory_space<hbm>>
          %dma_start3A_621 = arith.constant 0 : i32
          %dma_start3A_622 = tpu.memref_slice %arg7[%add3A_614, %dma_start3A_621] : memref<128x64xf32, #tpu.memory_space<vmem>> -> memref<1x64xf32, #tpu.memory_space<vmem>>
          %dma_start3A_623 = tpu.memref_squeeze %dma_start3A_622 : memref<1x64xf32, #tpu.memory_space<vmem>> -> memref<64xf32, #tpu.memory_space<vmem>>
          %dma_start3A_624 = arith.constant 0 : i32
          %dma_start3A_625 = tpu.memref_slice %arg3[%squeeze3A_612, %dma_start3A_624] : memref<1000000x64xf32, #tpu.memory_space<hbm>> -> memref<1x64xf32, #tpu.memory_space<hbm>>
          %dma_start3A_626 = tpu.memref_squeeze %dma_start3A_625 : memref<1x64xf32, #tpu.memory_space<hbm>> -> memref<64xf32, #tpu.memory_space<hbm>>
          tpu.enqueue_dma source(%dma_start3A_626 : memref<64xf32, #tpu.memory_space<hbm>>) target(%dma_start3A_623 : memref<64xf32, #tpu.memory_space<vmem>>) target_semaphore(%arg11 : memref<!tpu.dma_semaphore, #tpu.memory_space<semaphore_mem>>)
          %scan3A_627 = arith.constant 0 : i32
          %scan3A_628 = arith.constant 2 : i32
          %scan3A_629 = arith.addi %scan3A_97, %scan3A_628 : i32
          %mul3A_630 = arith.constant 16 : i32
          %mul3A_631 = arith.muli %scan3A_629, %mul3A_630 : i32
          %mul3A_632 = arith.constant 128 : i32
          %mul3A_633 = arith.muli %add3A_89, %mul3A_632 : i32
          %add3A_634 = arith.addi %mul3A_633, %mul3A_631 : i32
          %get3A_635 = arith.index_cast %add3A_634 : i32 to index
          %get3A_636 = tpu.vector_load %arg5[%get3A_635] {strides = array<i32>} : memref<6400xi32, #tpu.memory_space<vmem>>, vector<16xi32>,
          %get3A_637 = vector.shape_cast %get3A_636 : vector<16xi32> to vector<16xi32>
          %slice3A_638 = vector.extract_strided_slice %get3A_637 {offsets = [0], sizes = [1], strides = [1]} : vector<16xi32> to vector<1xi32>
          %squeeze3A_639 = vector.extract %slice3A_638[0] : i32 from vector<1xi32>
          %add3A_640 = arith.constant 0 : i32
          %add3A_641 = arith.addi %mul3A_631, %add3A_640 : i32
          %dma_start3A_642 = arith.constant 0 : i32
          %dma_start3A_643 = tpu.memref_slice %arg7[%add3A_641, %dma_start3A_642] : memref<128x64xf32, #tpu.memory_space<vmem>> -> memref<1x64xf32, #tpu.memory_space<vmem>>
          %dma_start3A_644 = tpu.memref_squeeze %dma_start3A_643 : memref<1x64xf32, #tpu.memory_space<vmem>> -> memref<64xf32, #tpu.memory_space<vmem>>
          %dma_start3A_645 = arith.constant 0 : i32
          %dma_start3A_646 = tpu.memref_slice %arg3[%squeeze3A_639, %dma_start3A_645] : memref<1000000x64xf32, #tpu.memory_space<hbm>> -> memref<1x64xf32, #tpu.memory_space<hbm>>
          %dma_start3A_647 = tpu.memref_squeeze %dma_start3A_646 : memref<1x64xf32, #tpu.memory_space<hbm>> -> memref<64xf32, #tpu.memory_space<hbm>>
          %dma_start3A_648 = arith.constant 0 : i32
          %dma_start3A_649 = tpu.memref_slice %arg7[%add3A_641, %dma_start3A_648] : memref<128x64xf32, #tpu.memory_space<vmem>> -> memref<1x64xf32, #tpu.memory_space<vmem>>
          %dma_start3A_650 = tpu.memref_squeeze %dma_start3A_649 : memref<1x64xf32, #tpu.memory_space<vmem>> -> memref<64xf32, #tpu.memory_space<vmem>>
          %dma_start3A_651 = arith.constant 0 : i32
          %dma_start3A_652 = tpu.memref_slice %arg3[%squeeze3A_639, %dma_start3A_651] : memref<1000000x64xf32, #tpu.memory_space<hbm>> -> memref<1x64xf32, #tpu.memory_space<hbm>>
          %dma_start3A_653 = tpu.memref_squeeze %dma_start3A_652 : memref<1x64xf32, #tpu.memory_space<hbm>> -> memref<64xf32, #tpu.memory_space<hbm>>
          tpu.enqueue_dma source(%dma_start3A_653 : memref<64xf32, #tpu.memory_space<hbm>>) target(%dma_start3A_650 : memref<64xf32, #tpu.memory_space<vmem>>) target_semaphore(%arg11 : memref<!tpu.dma_semaphore, #tpu.memory_space<semaphore_mem>>)
          %slice3A_654 = vector.extract_strided_slice %get3A_637 {offsets = [1], sizes = [1], strides = [1]} : vector<16xi32> to vector<1xi32>
          %squeeze3A_655 = vector.extract %slice3A_654[0] : i32 from vector<1xi32>
          %add3A_656 = arith.constant 1 : i32
          %add3A_657 = arith.addi %mul3A_631, %add3A_656 : i32
          %dma_start3A_658 = arith.constant 0 : i32
          %dma_start3A_659 = tpu.memref_slice %arg7[%add3A_657, %dma_start3A_658] : memref<128x64xf32, #tpu.memory_space<vmem>> -> memref<1x64xf32, #tpu.memory_space<vmem>>
          %dma_start3A_660 = tpu.memref_squeeze %dma_start3A_659 : memref<1x64xf32, #tpu.memory_space<vmem>> -> memref<64xf32, #tpu.memory_space<vmem>>
          %dma_start3A_661 = arith.constant 0 : i32
          %dma_start3A_662 = tpu.memref_slice %arg3[%squeeze3A_655, %dma_start3A_661] : memref<1000000x64xf32, #tpu.memory_space<hbm>> -> memref<1x64xf32, #tpu.memory_space<hbm>>
          %dma_start3A_663 = tpu.memref_squeeze %dma_start3A_662 : memref<1x64xf32, #tpu.memory_space<hbm>> -> memref<64xf32, #tpu.memory_space<hbm>>
          %dma_start3A_664 = arith.constant 0 : i32
          %dma_start3A_665 = tpu.memref_slice %arg7[%add3A_657, %dma_start3A_664] : memref<128x64xf32, #tpu.memory_space<vmem>> -> memref<1x64xf32, #tpu.memory_space<vmem>>
          %dma_start3A_666 = tpu.memref_squeeze %dma_start3A_665 : memref<1x64xf32, #tpu.memory_space<vmem>> -> memref<64xf32, #tpu.memory_space<vmem>>
          %dma_start3A_667 = arith.constant 0 : i32
          %dma_start3A_668 = tpu.memref_slice %arg3[%squeeze3A_655, %dma_start3A_667] : memref<1000000x64xf32, #tpu.memory_space<hbm>> -> memref<1x64xf32, #tpu.memory_space<hbm>>
          %dma_start3A_669 = tpu.memref_squeeze %dma_start3A_668 : memref<1x64xf32, #tpu.memory_space<hbm>> -> memref<64xf32, #tpu.memory_space<hbm>>
          tpu.enqueue_dma source(%dma_start3A_669 : memref<64xf32, #tpu.memory_space<hbm>>) target(%dma_start3A_666 : memref<64xf32, #tpu.memory_space<vmem>>) target_semaphore(%arg11 : memref<!tpu.dma_semaphore, #tpu.memory_space<semaphore_mem>>)
          %slice3A_670 = vector.extract_strided_slice %get3A_637 {offsets = [2], sizes = [1], strides = [1]} : vector<16xi32> to vector<1xi32>
          %squeeze3A_671 = vector.extract %slice3A_670[0] : i32 from vector<1xi32>
          %add3A_672 = arith.constant 2 : i32
          %add3A_673 = arith.addi %mul3A_631, %add3A_672 : i32
          %dma_start3A_674 = arith.constant 0 : i32
          %dma_start3A_675 = tpu.memref_slice %arg7[%add3A_673, %dma_start3A_674] : memref<128x64xf32, #tpu.memory_space<vmem>> -> memref<1x64xf32, #tpu.memory_space<vmem>>
          %dma_start3A_676 = tpu.memref_squeeze %dma_start3A_675 : memref<1x64xf32, #tpu.memory_space<vmem>> -> memref<64xf32, #tpu.memory_space<vmem>>
          %dma_start3A_677 = arith.constant 0 : i32
          %dma_start3A_678 = tpu.memref_slice %arg3[%squeeze3A_671, %dma_start3A_677] : memref<1000000x64xf32, #tpu.memory_space<hbm>> -> memref<1x64xf32, #tpu.memory_space<hbm>>
          %dma_start3A_679 = tpu.memref_squeeze %dma_start3A_678 : memref<1x64xf32, #tpu.memory_space<hbm>> -> memref<64xf32, #tpu.memory_space<hbm>>
          %dma_start3A_680 = arith.constant 0 : i32
          %dma_start3A_681 = tpu.memref_slice %arg7[%add3A_673, %dma_start3A_680] : memref<128x64xf32, #tpu.memory_space<vmem>> -> memref<1x64xf32, #tpu.memory_space<vmem>>
          %dma_start3A_682 = tpu.memref_squeeze %dma_start3A_681 : memref<1x64xf32, #tpu.memory_space<vmem>> -> memref<64xf32, #tpu.memory_space<vmem>>
          %dma_start3A_683 = arith.constant 0 : i32
          %dma_start3A_684 = tpu.memref_slice %arg3[%squeeze3A_671, %dma_start3A_683] : memref<1000000x64xf32, #tpu.memory_space<hbm>> -> memref<1x64xf32, #tpu.memory_space<hbm>>
          %dma_start3A_685 = tpu.memref_squeeze %dma_start3A_684 : memref<1x64xf32, #tpu.memory_space<hbm>> -> memref<64xf32, #tpu.memory_space<hbm>>
          tpu.enqueue_dma source(%dma_start3A_685 : memref<64xf32, #tpu.memory_space<hbm>>) target(%dma_start3A_682 : memref<64xf32, #tpu.memory_space<vmem>>) target_semaphore(%arg11 : memref<!tpu.dma_semaphore, #tpu.memory_space<semaphore_mem>>)
          %slice3A_686 = vector.extract_strided_slice %get3A_637 {offsets = [3], sizes = [1], strides = [1]} : vector<16xi32> to vector<1xi32>
          %squeeze3A_687 = vector.extract %slice3A_686[0] : i32 from vector<1xi32>
          %add3A_688 = arith.constant 3 : i32
          %add3A_689 = arith.addi %mul3A_631, %add3A_688 : i32
          %dma_start3A_690 = arith.constant 0 : i32
          %dma_start3A_691 = tpu.memref_slice %arg7[%add3A_689, %dma_start3A_690] : memref<128x64xf32, #tpu.memory_space<vmem>> -> memref<1x64xf32, #tpu.memory_space<vmem>>
          %dma_start3A_692 = tpu.memref_squeeze %dma_start3A_691 : memref<1x64xf32, #tpu.memory_space<vmem>> -> memref<64xf32, #tpu.memory_space<vmem>>
          %dma_start3A_693 = arith.constant 0 : i32
          %dma_start3A_694 = tpu.memref_slice %arg3[%squeeze3A_687, %dma_start3A_693] : memref<1000000x64xf32, #tpu.memory_space<hbm>> -> memref<1x64xf32, #tpu.memory_space<hbm>>
          %dma_start3A_695 = tpu.memref_squeeze %dma_start3A_694 : memref<1x64xf32, #tpu.memory_space<hbm>> -> memref<64xf32, #tpu.memory_space<hbm>>
          %dma_start3A_696 = arith.constant 0 : i32
          %dma_start3A_697 = tpu.memref_slice %arg7[%add3A_689, %dma_start3A_696] : memref<128x64xf32, #tpu.memory_space<vmem>> -> memref<1x64xf32, #tpu.memory_space<vmem>>
          %dma_start3A_698 = tpu.memref_squeeze %dma_start3A_697 : memref<1x64xf32, #tpu.memory_space<vmem>> -> memref<64xf32, #tpu.memory_space<vmem>>
          %dma_start3A_699 = arith.constant 0 : i32
          %dma_start3A_700 = tpu.memref_slice %arg3[%squeeze3A_687, %dma_start3A_699] : memref<1000000x64xf32, #tpu.memory_space<hbm>> -> memref<1x64xf32, #tpu.memory_space<hbm>>
          %dma_start3A_701 = tpu.memref_squeeze %dma_start3A_700 : memref<1x64xf32, #tpu.memory_space<hbm>> -> memref<64xf32, #tpu.memory_space<hbm>>
          tpu.enqueue_dma source(%dma_start3A_701 : memref<64xf32, #tpu.memory_space<hbm>>) target(%dma_start3A_698 : memref<64xf32, #tpu.memory_space<vmem>>) target_semaphore(%arg11 : memref<!tpu.dma_semaphore, #tpu.memory_space<semaphore_mem>>)
          %slice3A_702 = vector.extract_strided_slice %get3A_637 {offsets = [4], sizes = [1], strides = [1]} : vector<16xi32> to vector<1xi32>
          %squeeze3A_703 = vector.extract %slice3A_702[0] : i32 from vector<1xi32>
          %add3A_704 = arith.constant 4 : i32
          %add3A_705 = arith.addi %mul3A_631, %add3A_704 : i32
          %dma_start3A_706 = arith.constant 0 : i32
          %dma_start3A_707 = tpu.memref_slice %arg7[%add3A_705, %dma_start3A_706] : memref<128x64xf32, #tpu.memory_space<vmem>> -> memref<1x64xf32, #tpu.memory_space<vmem>>
          %dma_start3A_708 = tpu.memref_squeeze %dma_start3A_707 : memref<1x64xf32, #tpu.memory_space<vmem>> -> memref<64xf32, #tpu.memory_space<vmem>>
          %dma_start3A_709 = arith.constant 0 : i32
          %dma_start3A_710 = tpu.memref_slice %arg3[%squeeze3A_703, %dma_start3A_709] : memref<1000000x64xf32, #tpu.memory_space<hbm>> -> memref<1x64xf32, #tpu.memory_space<hbm>>
          %dma_start3A_711 = tpu.memref_squeeze %dma_start3A_710 : memref<1x64xf32, #tpu.memory_space<hbm>> -> memref<64xf32, #tpu.memory_space<hbm>>
          %dma_start3A_712 = arith.constant 0 : i32
          %dma_start3A_713 = tpu.memref_slice %arg7[%add3A_705, %dma_start3A_712] : memref<128x64xf32, #tpu.memory_space<vmem>> -> memref<1x64xf32, #tpu.memory_space<vmem>>
          %dma_start3A_714 = tpu.memref_squeeze %dma_start3A_713 : memref<1x64xf32, #tpu.memory_space<vmem>> -> memref<64xf32, #tpu.memory_space<vmem>>
          %dma_start3A_715 = arith.constant 0 : i32
          %dma_start3A_716 = tpu.memref_slice %arg3[%squeeze3A_703, %dma_start3A_715] : memref<1000000x64xf32, #tpu.memory_space<hbm>> -> memref<1x64xf32, #tpu.memory_space<hbm>>
          %dma_start3A_717 = tpu.memref_squeeze %dma_start3A_716 : memref<1x64xf32, #tpu.memory_space<hbm>> -> memref<64xf32, #tpu.memory_space<hbm>>
          tpu.enqueue_dma source(%dma_start3A_717 : memref<64xf32, #tpu.memory_space<hbm>>) target(%dma_start3A_714 : memref<64xf32, #tpu.memory_space<vmem>>) target_semaphore(%arg11 : memref<!tpu.dma_semaphore, #tpu.memory_space<semaphore_mem>>)
          %slice3A_718 = vector.extract_strided_slice %get3A_637 {offsets = [5], sizes = [1], strides = [1]} : vector<16xi32> to vector<1xi32>
          %squeeze3A_719 = vector.extract %slice3A_718[0] : i32 from vector<1xi32>
          %add3A_720 = arith.constant 5 : i32
          %add3A_721 = arith.addi %mul3A_631, %add3A_720 : i32
          %dma_start3A_722 = arith.constant 0 : i32
          %dma_start3A_723 = tpu.memref_slice %arg7[%add3A_721, %dma_start3A_722] : memref<128x64xf32, #tpu.memory_space<vmem>> -> memref<1x64xf32, #tpu.memory_space<vmem>>
          %dma_start3A_724 = tpu.memref_squeeze %dma_start3A_723 : memref<1x64xf32, #tpu.memory_space<vmem>> -> memref<64xf32, #tpu.memory_space<vmem>>
          %dma_start3A_725 = arith.constant 0 : i32
          %dma_start3A_726 = tpu.memref_slice %arg3[%squeeze3A_719, %dma_start3A_725] : memref<1000000x64xf32, #tpu.memory_space<hbm>> -> memref<1x64xf32, #tpu.memory_space<hbm>>
          %dma_start3A_727 = tpu.memref_squeeze %dma_start3A_726 : memref<1x64xf32, #tpu.memory_space<hbm>> -> memref<64xf32, #tpu.memory_space<hbm>>
          %dma_start3A_728 = arith.constant 0 : i32
          %dma_start3A_729 = tpu.memref_slice %arg7[%add3A_721, %dma_start3A_728] : memref<128x64xf32, #tpu.memory_space<vmem>> -> memref<1x64xf32, #tpu.memory_space<vmem>>
          %dma_start3A_730 = tpu.memref_squeeze %dma_start3A_729 : memref<1x64xf32, #tpu.memory_space<vmem>> -> memref<64xf32, #tpu.memory_space<vmem>>
          %dma_start3A_731 = arith.constant 0 : i32
          %dma_start3A_732 = tpu.memref_slice %arg3[%squeeze3A_719, %dma_start3A_731] : memref<1000000x64xf32, #tpu.memory_space<hbm>> -> memref<1x64xf32, #tpu.memory_space<hbm>>
          %dma_start3A_733 = tpu.memref_squeeze %dma_start3A_732 : memref<1x64xf32, #tpu.memory_space<hbm>> -> memref<64xf32, #tpu.memory_space<hbm>>
          tpu.enqueue_dma source(%dma_start3A_733 : memref<64xf32, #tpu.memory_space<hbm>>) target(%dma_start3A_730 : memref<64xf32, #tpu.memory_space<vmem>>) target_semaphore(%arg11 : memref<!tpu.dma_semaphore, #tpu.memory_space<semaphore_mem>>)
          %slice3A_734 = vector.extract_strided_slice %get3A_637 {offsets = [6], sizes = [1], strides = [1]} : vector<16xi32> to vector<1xi32>
          %squeeze3A_735 = vector.extract %slice3A_734[0] : i32 from vector<1xi32>
          %add3A_736 = arith.constant 6 : i32
          %add3A_737 = arith.addi %mul3A_631, %add3A_736 : i32
          %dma_start3A_738 = arith.constant 0 : i32
          %dma_start3A_739 = tpu.memref_slice %arg7[%add3A_737, %dma_start3A_738] : memref<128x64xf32, #tpu.memory_space<vmem>> -> memref<1x64xf32, #tpu.memory_space<vmem>>
          %dma_start3A_740 = tpu.memref_squeeze %dma_start3A_739 : memref<1x64xf32, #tpu.memory_space<vmem>> -> memref<64xf32, #tpu.memory_space<vmem>>
          %dma_start3A_741 = arith.constant 0 : i32
          %dma_start3A_742 = tpu.memref_slice %arg3[%squeeze3A_735, %dma_start3A_741] : memref<1000000x64xf32, #tpu.memory_space<hbm>> -> memref<1x64xf32, #tpu.memory_space<hbm>>
          %dma_start3A_743 = tpu.memref_squeeze %dma_start3A_742 : memref<1x64xf32, #tpu.memory_space<hbm>> -> memref<64xf32, #tpu.memory_space<hbm>>
          %dma_start3A_744 = arith.constant 0 : i32
          %dma_start3A_745 = tpu.memref_slice %arg7[%add3A_737, %dma_start3A_744] : memref<128x64xf32, #tpu.memory_space<vmem>> -> memref<1x64xf32, #tpu.memory_space<vmem>>
          %dma_start3A_746 = tpu.memref_squeeze %dma_start3A_745 : memref<1x64xf32, #tpu.memory_space<vmem>> -> memref<64xf32, #tpu.memory_space<vmem>>
          %dma_start3A_747 = arith.constant 0 : i32
          %dma_start3A_748 = tpu.memref_slice %arg3[%squeeze3A_735, %dma_start3A_747] : memref<1000000x64xf32, #tpu.memory_space<hbm>> -> memref<1x64xf32, #tpu.memory_space<hbm>>
          %dma_start3A_749 = tpu.memref_squeeze %dma_start3A_748 : memref<1x64xf32, #tpu.memory_space<hbm>> -> memref<64xf32, #tpu.memory_space<hbm>>
          tpu.enqueue_dma source(%dma_start3A_749 : memref<64xf32, #tpu.memory_space<hbm>>) target(%dma_start3A_746 : memref<64xf32, #tpu.memory_space<vmem>>) target_semaphore(%arg11 : memref<!tpu.dma_semaphore, #tpu.memory_space<semaphore_mem>>)
          %slice3A_750 = vector.extract_strided_slice %get3A_637 {offsets = [7], sizes = [1], strides = [1]} : vector<16xi32> to vector<1xi32>
          %squeeze3A_751 = vector.extract %slice3A_750[0] : i32 from vector<1xi32>
          %add3A_752 = arith.constant 7 : i32
          %add3A_753 = arith.addi %mul3A_631, %add3A_752 : i32
          %dma_start3A_754 = arith.constant 0 : i32
          %dma_start3A_755 = tpu.memref_slice %arg7[%add3A_753, %dma_start3A_754] : memref<128x64xf32, #tpu.memory_space<vmem>> -> memref<1x64xf32, #tpu.memory_space<vmem>>
          %dma_start3A_756 = tpu.memref_squeeze %dma_start3A_755 : memref<1x64xf32, #tpu.memory_space<vmem>> -> memref<64xf32, #tpu.memory_space<vmem>>
          %dma_start3A_757 = arith.constant 0 : i32
          %dma_start3A_758 = tpu.memref_slice %arg3[%squeeze3A_751, %dma_start3A_757] : memref<1000000x64xf32, #tpu.memory_space<hbm>> -> memref<1x64xf32, #tpu.memory_space<hbm>>
          %dma_start3A_759 = tpu.memref_squeeze %dma_start3A_758 : memref<1x64xf32, #tpu.memory_space<hbm>> -> memref<64xf32, #tpu.memory_space<hbm>>
          %dma_start3A_760 = arith.constant 0 : i32
          %dma_start3A_761 = tpu.memref_slice %arg7[%add3A_753, %dma_start3A_760] : memref<128x64xf32, #tpu.memory_space<vmem>> -> memref<1x64xf32, #tpu.memory_space<vmem>>
          %dma_start3A_762 = tpu.memref_squeeze %dma_start3A_761 : memref<1x64xf32, #tpu.memory_space<vmem>> -> memref<64xf32, #tpu.memory_space<vmem>>
          %dma_start3A_763 = arith.constant 0 : i32
          %dma_start3A_764 = tpu.memref_slice %arg3[%squeeze3A_751, %dma_start3A_763] : memref<1000000x64xf32, #tpu.memory_space<hbm>> -> memref<1x64xf32, #tpu.memory_space<hbm>>
          %dma_start3A_765 = tpu.memref_squeeze %dma_start3A_764 : memref<1x64xf32, #tpu.memory_space<hbm>> -> memref<64xf32, #tpu.memory_space<hbm>>
          tpu.enqueue_dma source(%dma_start3A_765 : memref<64xf32, #tpu.memory_space<hbm>>) target(%dma_start3A_762 : memref<64xf32, #tpu.memory_space<vmem>>) target_semaphore(%arg11 : memref<!tpu.dma_semaphore, #tpu.memory_space<semaphore_mem>>)
          %slice3A_766 = vector.extract_strided_slice %get3A_637 {offsets = [8], sizes = [1], strides = [1]} : vector<16xi32> to vector<1xi32>
          %squeeze3A_767 = vector.extract %slice3A_766[0] : i32 from vector<1xi32>
          %add3A_768 = arith.constant 8 : i32
          %add3A_769 = arith.addi %mul3A_631, %add3A_768 : i32
          %dma_start3A_770 = arith.constant 0 : i32
          %dma_start3A_771 = tpu.memref_slice %arg7[%add3A_769, %dma_start3A_770] : memref<128x64xf32, #tpu.memory_space<vmem>> -> memref<1x64xf32, #tpu.memory_space<vmem>>
          %dma_start3A_772 = tpu.memref_squeeze %dma_start3A_771 : memref<1x64xf32, #tpu.memory_space<vmem>> -> memref<64xf32, #tpu.memory_space<vmem>>
          %dma_start3A_773 = arith.constant 0 : i32
          %dma_start3A_774 = tpu.memref_slice %arg3[%squeeze3A_767, %dma_start3A_773] : memref<1000000x64xf32, #tpu.memory_space<hbm>> -> memref<1x64xf32, #tpu.memory_space<hbm>>
          %dma_start3A_775 = tpu.memref_squeeze %dma_start3A_774 : memref<1x64xf32, #tpu.memory_space<hbm>> -> memref<64xf32, #tpu.memory_space<hbm>>
          %dma_start3A_776 = arith.constant 0 : i32
          %dma_start3A_777 = tpu.memref_slice %arg7[%add3A_769, %dma_start3A_776] : memref<128x64xf32, #tpu.memory_space<vmem>> -> memref<1x64xf32, #tpu.memory_space<vmem>>
          %dma_start3A_778 = tpu.memref_squeeze %dma_start3A_777 : memref<1x64xf32, #tpu.memory_space<vmem>> -> memref<64xf32, #tpu.memory_space<vmem>>
          %dma_start3A_779 = arith.constant 0 : i32
          %dma_start3A_780 = tpu.memref_slice %arg3[%squeeze3A_767, %dma_start3A_779] : memref<1000000x64xf32, #tpu.memory_space<hbm>> -> memref<1x64xf32, #tpu.memory_space<hbm>>
          %dma_start3A_781 = tpu.memref_squeeze %dma_start3A_780 : memref<1x64xf32, #tpu.memory_space<hbm>> -> memref<64xf32, #tpu.memory_space<hbm>>
          tpu.enqueue_dma source(%dma_start3A_781 : memref<64xf32, #tpu.memory_space<hbm>>) target(%dma_start3A_778 : memref<64xf32, #tpu.memory_space<vmem>>) target_semaphore(%arg11 : memref<!tpu.dma_semaphore, #tpu.memory_space<semaphore_mem>>)
          %slice3A_782 = vector.extract_strided_slice %get3A_637 {offsets = [9], sizes = [1], strides = [1]} : vector<16xi32> to vector<1xi32>
          %squeeze3A_783 = vector.extract %slice3A_782[0] : i32 from vector<1xi32>
          %add3A_784 = arith.constant 9 : i32
          %add3A_785 = arith.addi %mul3A_631, %add3A_784 : i32
          %dma_start3A_786 = arith.constant 0 : i32
          %dma_start3A_787 = tpu.memref_slice %arg7[%add3A_785, %dma_start3A_786] : memref<128x64xf32, #tpu.memory_space<vmem>> -> memref<1x64xf32, #tpu.memory_space<vmem>>
          %dma_start3A_788 = tpu.memref_squeeze %dma_start3A_787 : memref<1x64xf32, #tpu.memory_space<vmem>> -> memref<64xf32, #tpu.memory_space<vmem>>
          %dma_start3A_789 = arith.constant 0 : i32
          %dma_start3A_790 = tpu.memref_slice %arg3[%squeeze3A_783, %dma_start3A_789] : memref<1000000x64xf32, #tpu.memory_space<hbm>> -> memref<1x64xf32, #tpu.memory_space<hbm>>
          %dma_start3A_791 = tpu.memref_squeeze %dma_start3A_790 : memref<1x64xf32, #tpu.memory_space<hbm>> -> memref<64xf32, #tpu.memory_space<hbm>>
          %dma_start3A_792 = arith.constant 0 : i32
          %dma_start3A_793 = tpu.memref_slice %arg7[%add3A_785, %dma_start3A_792] : memref<128x64xf32, #tpu.memory_space<vmem>> -> memref<1x64xf32, #tpu.memory_space<vmem>>
          %dma_start3A_794 = tpu.memref_squeeze %dma_start3A_793 : memref<1x64xf32, #tpu.memory_space<vmem>> -> memref<64xf32, #tpu.memory_space<vmem>>
          %dma_start3A_795 = arith.constant 0 : i32
          %dma_start3A_796 = tpu.memref_slice %arg3[%squeeze3A_783, %dma_start3A_795] : memref<1000000x64xf32, #tpu.memory_space<hbm>> -> memref<1x64xf32, #tpu.memory_space<hbm>>
          %dma_start3A_797 = tpu.memref_squeeze %dma_start3A_796 : memref<1x64xf32, #tpu.memory_space<hbm>> -> memref<64xf32, #tpu.memory_space<hbm>>
          tpu.enqueue_dma source(%dma_start3A_797 : memref<64xf32, #tpu.memory_space<hbm>>) target(%dma_start3A_794 : memref<64xf32, #tpu.memory_space<vmem>>) target_semaphore(%arg11 : memref<!tpu.dma_semaphore, #tpu.memory_space<semaphore_mem>>)
          %slice3A_798 = vector.extract_strided_slice %get3A_637 {offsets = [10], sizes = [1], strides = [1]} : vector<16xi32> to vector<1xi32>
          %squeeze3A_799 = vector.extract %slice3A_798[0] : i32 from vector<1xi32>
          %add3A_800 = arith.constant 10 : i32
          %add3A_801 = arith.addi %mul3A_631, %add3A_800 : i32
          %dma_start3A_802 = arith.constant 0 : i32
          %dma_start3A_803 = tpu.memref_slice %arg7[%add3A_801, %dma_start3A_802] : memref<128x64xf32, #tpu.memory_space<vmem>> -> memref<1x64xf32, #tpu.memory_space<vmem>>
          %dma_start3A_804 = tpu.memref_squeeze %dma_start3A_803 : memref<1x64xf32, #tpu.memory_space<vmem>> -> memref<64xf32, #tpu.memory_space<vmem>>
          %dma_start3A_805 = arith.constant 0 : i32
          %dma_start3A_806 = tpu.memref_slice %arg3[%squeeze3A_799, %dma_start3A_805] : memref<1000000x64xf32, #tpu.memory_space<hbm>> -> memref<1x64xf32, #tpu.memory_space<hbm>>
          %dma_start3A_807 = tpu.memref_squeeze %dma_start3A_806 : memref<1x64xf32, #tpu.memory_space<hbm>> -> memref<64xf32, #tpu.memory_space<hbm>>
          %dma_start3A_808 = arith.constant 0 : i32
          %dma_start3A_809 = tpu.memref_slice %arg7[%add3A_801, %dma_start3A_808] : memref<128x64xf32, #tpu.memory_space<vmem>> -> memref<1x64xf32, #tpu.memory_space<vmem>>
          %dma_start3A_810 = tpu.memref_squeeze %dma_start3A_809 : memref<1x64xf32, #tpu.memory_space<vmem>> -> memref<64xf32, #tpu.memory_space<vmem>>
          %dma_start3A_811 = arith.constant 0 : i32
          %dma_start3A_812 = tpu.memref_slice %arg3[%squeeze3A_799, %dma_start3A_811] : memref<1000000x64xf32, #tpu.memory_space<hbm>> -> memref<1x64xf32, #tpu.memory_space<hbm>>
          %dma_start3A_813 = tpu.memref_squeeze %dma_start3A_812 : memref<1x64xf32, #tpu.memory_space<hbm>> -> memref<64xf32, #tpu.memory_space<hbm>>
          tpu.enqueue_dma source(%dma_start3A_813 : memref<64xf32, #tpu.memory_space<hbm>>) target(%dma_start3A_810 : memref<64xf32, #tpu.memory_space<vmem>>) target_semaphore(%arg11 : memref<!tpu.dma_semaphore, #tpu.memory_space<semaphore_mem>>)
          %slice3A_814 = vector.extract_strided_slice %get3A_637 {offsets = [11], sizes = [1], strides = [1]} : vector<16xi32> to vector<1xi32>
          %squeeze3A_815 = vector.extract %slice3A_814[0] : i32 from vector<1xi32>
          %add3A_816 = arith.constant 11 : i32
          %add3A_817 = arith.addi %mul3A_631, %add3A_816 : i32
          %dma_start3A_818 = arith.constant 0 : i32
          %dma_start3A_819 = tpu.memref_slice %arg7[%add3A_817, %dma_start3A_818] : memref<128x64xf32, #tpu.memory_space<vmem>> -> memref<1x64xf32, #tpu.memory_space<vmem>>
          %dma_start3A_820 = tpu.memref_squeeze %dma_start3A_819 : memref<1x64xf32, #tpu.memory_space<vmem>> -> memref<64xf32, #tpu.memory_space<vmem>>
          %dma_start3A_821 = arith.constant 0 : i32
          %dma_start3A_822 = tpu.memref_slice %arg3[%squeeze3A_815, %dma_start3A_821] : memref<1000000x64xf32, #tpu.memory_space<hbm>> -> memref<1x64xf32, #tpu.memory_space<hbm>>
          %dma_start3A_823 = tpu.memref_squeeze %dma_start3A_822 : memref<1x64xf32, #tpu.memory_space<hbm>> -> memref<64xf32, #tpu.memory_space<hbm>>
          %dma_start3A_824 = arith.constant 0 : i32
          %dma_start3A_825 = tpu.memref_slice %arg7[%add3A_817, %dma_start3A_824] : memref<128x64xf32, #tpu.memory_space<vmem>> -> memref<1x64xf32, #tpu.memory_space<vmem>>
          %dma_start3A_826 = tpu.memref_squeeze %dma_start3A_825 : memref<1x64xf32, #tpu.memory_space<vmem>> -> memref<64xf32, #tpu.memory_space<vmem>>
          %dma_start3A_827 = arith.constant 0 : i32
          %dma_start3A_828 = tpu.memref_slice %arg3[%squeeze3A_815, %dma_start3A_827] : memref<1000000x64xf32, #tpu.memory_space<hbm>> -> memref<1x64xf32, #tpu.memory_space<hbm>>
          %dma_start3A_829 = tpu.memref_squeeze %dma_start3A_828 : memref<1x64xf32, #tpu.memory_space<hbm>> -> memref<64xf32, #tpu.memory_space<hbm>>
          tpu.enqueue_dma source(%dma_start3A_829 : memref<64xf32, #tpu.memory_space<hbm>>) target(%dma_start3A_826 : memref<64xf32, #tpu.memory_space<vmem>>) target_semaphore(%arg11 : memref<!tpu.dma_semaphore, #tpu.memory_space<semaphore_mem>>)
          %slice3A_830 = vector.extract_strided_slice %get3A_637 {offsets = [12], sizes = [1], strides = [1]} : vector<16xi32> to vector<1xi32>
          %squeeze3A_831 = vector.extract %slice3A_830[0] : i32 from vector<1xi32>
          %add3A_832 = arith.constant 12 : i32
          %add3A_833 = arith.addi %mul3A_631, %add3A_832 : i32
          %dma_start3A_834 = arith.constant 0 : i32
          %dma_start3A_835 = tpu.memref_slice %arg7[%add3A_833, %dma_start3A_834] : memref<128x64xf32, #tpu.memory_space<vmem>> -> memref<1x64xf32, #tpu.memory_space<vmem>>
          %dma_start3A_836 = tpu.memref_squeeze %dma_start3A_835 : memref<1x64xf32, #tpu.memory_space<vmem>> -> memref<64xf32, #tpu.memory_space<vmem>>
          %dma_start3A_837 = arith.constant 0 : i32
          %dma_start3A_838 = tpu.memref_slice %arg3[%squeeze3A_831, %dma_start3A_837] : memref<1000000x64xf32, #tpu.memory_space<hbm>> -> memref<1x64xf32, #tpu.memory_space<hbm>>
          %dma_start3A_839 = tpu.memref_squeeze %dma_start3A_838 : memref<1x64xf32, #tpu.memory_space<hbm>> -> memref<64xf32, #tpu.memory_space<hbm>>
          %dma_start3A_840 = arith.constant 0 : i32
          %dma_start3A_841 = tpu.memref_slice %arg7[%add3A_833, %dma_start3A_840] : memref<128x64xf32, #tpu.memory_space<vmem>> -> memref<1x64xf32, #tpu.memory_space<vmem>>
          %dma_start3A_842 = tpu.memref_squeeze %dma_start3A_841 : memref<1x64xf32, #tpu.memory_space<vmem>> -> memref<64xf32, #tpu.memory_space<vmem>>
          %dma_start3A_843 = arith.constant 0 : i32
          %dma_start3A_844 = tpu.memref_slice %arg3[%squeeze3A_831, %dma_start3A_843] : memref<1000000x64xf32, #tpu.memory_space<hbm>> -> memref<1x64xf32, #tpu.memory_space<hbm>>
          %dma_start3A_845 = tpu.memref_squeeze %dma_start3A_844 : memref<1x64xf32, #tpu.memory_space<hbm>> -> memref<64xf32, #tpu.memory_space<hbm>>
          tpu.enqueue_dma source(%dma_start3A_845 : memref<64xf32, #tpu.memory_space<hbm>>) target(%dma_start3A_842 : memref<64xf32, #tpu.memory_space<vmem>>) target_semaphore(%arg11 : memref<!tpu.dma_semaphore, #tpu.memory_space<semaphore_mem>>)
          %slice3A_846 = vector.extract_strided_slice %get3A_637 {offsets = [13], sizes = [1], strides = [1]} : vector<16xi32> to vector<1xi32>
          %squeeze3A_847 = vector.extract %slice3A_846[0] : i32 from vector<1xi32>
          %add3A_848 = arith.constant 13 : i32
          %add3A_849 = arith.addi %mul3A_631, %add3A_848 : i32
          %dma_start3A_850 = arith.constant 0 : i32
          %dma_start3A_851 = tpu.memref_slice %arg7[%add3A_849, %dma_start3A_850] : memref<128x64xf32, #tpu.memory_space<vmem>> -> memref<1x64xf32, #tpu.memory_space<vmem>>
          %dma_start3A_852 = tpu.memref_squeeze %dma_start3A_851 : memref<1x64xf32, #tpu.memory_space<vmem>> -> memref<64xf32, #tpu.memory_space<vmem>>
          %dma_start3A_853 = arith.constant 0 : i32
          %dma_start3A_854 = tpu.memref_slice %arg3[%squeeze3A_847, %dma_start3A_853] : memref<1000000x64xf32, #tpu.memory_space<hbm>> -> memref<1x64xf32, #tpu.memory_space<hbm>>
          %dma_start3A_855 = tpu.memref_squeeze %dma_start3A_854 : memref<1x64xf32, #tpu.memory_space<hbm>> -> memref<64xf32, #tpu.memory_space<hbm>>
          %dma_start3A_856 = arith.constant 0 : i32
          %dma_start3A_857 = tpu.memref_slice %arg7[%add3A_849, %dma_start3A_856] : memref<128x64xf32, #tpu.memory_space<vmem>> -> memref<1x64xf32, #tpu.memory_space<vmem>>
          %dma_start3A_858 = tpu.memref_squeeze %dma_start3A_857 : memref<1x64xf32, #tpu.memory_space<vmem>> -> memref<64xf32, #tpu.memory_space<vmem>>
          %dma_start3A_859 = arith.constant 0 : i32
          %dma_start3A_860 = tpu.memref_slice %arg3[%squeeze3A_847, %dma_start3A_859] : memref<1000000x64xf32, #tpu.memory_space<hbm>> -> memref<1x64xf32, #tpu.memory_space<hbm>>
          %dma_start3A_861 = tpu.memref_squeeze %dma_start3A_860 : memref<1x64xf32, #tpu.memory_space<hbm>> -> memref<64xf32, #tpu.memory_space<hbm>>
          tpu.enqueue_dma source(%dma_start3A_861 : memref<64xf32, #tpu.memory_space<hbm>>) target(%dma_start3A_858 : memref<64xf32, #tpu.memory_space<vmem>>) target_semaphore(%arg11 : memref<!tpu.dma_semaphore, #tpu.memory_space<semaphore_mem>>)
          %slice3A_862 = vector.extract_strided_slice %get3A_637 {offsets = [14], sizes = [1], strides = [1]} : vector<16xi32> to vector<1xi32>
          %squeeze3A_863 = vector.extract %slice3A_862[0] : i32 from vector<1xi32>
          %add3A_864 = arith.constant 14 : i32
          %add3A_865 = arith.addi %mul3A_631, %add3A_864 : i32
          %dma_start3A_866 = arith.constant 0 : i32
          %dma_start3A_867 = tpu.memref_slice %arg7[%add3A_865, %dma_start3A_866] : memref<128x64xf32, #tpu.memory_space<vmem>> -> memref<1x64xf32, #tpu.memory_space<vmem>>
          %dma_start3A_868 = tpu.memref_squeeze %dma_start3A_867 : memref<1x64xf32, #tpu.memory_space<vmem>> -> memref<64xf32, #tpu.memory_space<vmem>>
          %dma_start3A_869 = arith.constant 0 : i32
          %dma_start3A_870 = tpu.memref_slice %arg3[%squeeze3A_863, %dma_start3A_869] : memref<1000000x64xf32, #tpu.memory_space<hbm>> -> memref<1x64xf32, #tpu.memory_space<hbm>>
          %dma_start3A_871 = tpu.memref_squeeze %dma_start3A_870 : memref<1x64xf32, #tpu.memory_space<hbm>> -> memref<64xf32, #tpu.memory_space<hbm>>
          %dma_start3A_872 = arith.constant 0 : i32
          %dma_start3A_873 = tpu.memref_slice %arg7[%add3A_865, %dma_start3A_872] : memref<128x64xf32, #tpu.memory_space<vmem>> -> memref<1x64xf32, #tpu.memory_space<vmem>>
          %dma_start3A_874 = tpu.memref_squeeze %dma_start3A_873 : memref<1x64xf32, #tpu.memory_space<vmem>> -> memref<64xf32, #tpu.memory_space<vmem>>
          %dma_start3A_875 = arith.constant 0 : i32
          %dma_start3A_876 = tpu.memref_slice %arg3[%squeeze3A_863, %dma_start3A_875] : memref<1000000x64xf32, #tpu.memory_space<hbm>> -> memref<1x64xf32, #tpu.memory_space<hbm>>
          %dma_start3A_877 = tpu.memref_squeeze %dma_start3A_876 : memref<1x64xf32, #tpu.memory_space<hbm>> -> memref<64xf32, #tpu.memory_space<hbm>>
          tpu.enqueue_dma source(%dma_start3A_877 : memref<64xf32, #tpu.memory_space<hbm>>) target(%dma_start3A_874 : memref<64xf32, #tpu.memory_space<vmem>>) target_semaphore(%arg11 : memref<!tpu.dma_semaphore, #tpu.memory_space<semaphore_mem>>)
          %slice3A_878 = vector.extract_strided_slice %get3A_637 {offsets = [15], sizes = [1], strides = [1]} : vector<16xi32> to vector<1xi32>
          %squeeze3A_879 = vector.extract %slice3A_878[0] : i32 from vector<1xi32>
          %add3A_880 = arith.constant 15 : i32
          %add3A_881 = arith.addi %mul3A_631, %add3A_880 : i32
          %dma_start3A_882 = arith.constant 0 : i32
          %dma_start3A_883 = tpu.memref_slice %arg7[%add3A_881, %dma_start3A_882] : memref<128x64xf32, #tpu.memory_space<vmem>> -> memref<1x64xf32, #tpu.memory_space<vmem>>
          %dma_start3A_884 = tpu.memref_squeeze %dma_start3A_883 : memref<1x64xf32, #tpu.memory_space<vmem>> -> memref<64xf32, #tpu.memory_space<vmem>>
          %dma_start3A_885 = arith.constant 0 : i32
          %dma_start3A_886 = tpu.memref_slice %arg3[%squeeze3A_879, %dma_start3A_885] : memref<1000000x64xf32, #tpu.memory_space<hbm>> -> memref<1x64xf32, #tpu.memory_space<hbm>>
          %dma_start3A_887 = tpu.memref_squeeze %dma_start3A_886 : memref<1x64xf32, #tpu.memory_space<hbm>> -> memref<64xf32, #tpu.memory_space<hbm>>
          %dma_start3A_888 = arith.constant 0 : i32
          %dma_start3A_889 = tpu.memref_slice %arg7[%add3A_881, %dma_start3A_888] : memref<128x64xf32, #tpu.memory_space<vmem>> -> memref<1x64xf32, #tpu.memory_space<vmem>>
          %dma_start3A_890 = tpu.memref_squeeze %dma_start3A_889 : memref<1x64xf32, #tpu.memory_space<vmem>> -> memref<64xf32, #tpu.memory_space<vmem>>
          %dma_start3A_891 = arith.constant 0 : i32
          %dma_start3A_892 = tpu.memref_slice %arg3[%squeeze3A_879, %dma_start3A_891] : memref<1000000x64xf32, #tpu.memory_space<hbm>> -> memref<1x64xf32, #tpu.memory_space<hbm>>
          %dma_start3A_893 = tpu.memref_squeeze %dma_start3A_892 : memref<1x64xf32, #tpu.memory_space<hbm>> -> memref<64xf32, #tpu.memory_space<hbm>>
          tpu.enqueue_dma source(%dma_start3A_893 : memref<64xf32, #tpu.memory_space<hbm>>) target(%dma_start3A_890 : memref<64xf32, #tpu.memory_space<vmem>>) target_semaphore(%arg11 : memref<!tpu.dma_semaphore, #tpu.memory_space<semaphore_mem>>)
          %scan3A_894 = arith.constant 0 : i32
          %scan3A_895 = arith.constant 3 : i32
          %scan3A_896 = arith.addi %scan3A_97, %scan3A_895 : i32
          %mul3A_897 = arith.constant 16 : i32
          %mul3A_898 = arith.muli %scan3A_896, %mul3A_897 : i32
          %mul3A_899 = arith.constant 128 : i32
          %mul3A_900 = arith.muli %add3A_89, %mul3A_899 : i32
          %add3A_901 = arith.addi %mul3A_900, %mul3A_898 : i32
          %get3A_902 = arith.index_cast %add3A_901 : i32 to index
          %get3A_903 = tpu.vector_load %arg5[%get3A_902] {strides = array<i32>} : memref<6400xi32, #tpu.memory_space<vmem>>, vector<16xi32>,
          %get3A_904 = vector.shape_cast %get3A_903 : vector<16xi32> to vector<16xi32>
          %slice3A_905 = vector.extract_strided_slice %get3A_904 {offsets = [0], sizes = [1], strides = [1]} : vector<16xi32> to vector<1xi32>
          %squeeze3A_906 = vector.extract %slice3A_905[0] : i32 from vector<1xi32>
          %add3A_907 = arith.constant 0 : i32
          %add3A_908 = arith.addi %mul3A_898, %add3A_907 : i32
          %dma_start3A_909 = arith.constant 0 : i32
          %dma_start3A_910 = tpu.memref_slice %arg7[%add3A_908, %dma_start3A_909] : memref<128x64xf32, #tpu.memory_space<vmem>> -> memref<1x64xf32, #tpu.memory_space<vmem>>
          %dma_start3A_911 = tpu.memref_squeeze %dma_start3A_910 : memref<1x64xf32, #tpu.memory_space<vmem>> -> memref<64xf32, #tpu.memory_space<vmem>>
          %dma_start3A_912 = arith.constant 0 : i32
          %dma_start3A_913 = tpu.memref_slice %arg3[%squeeze3A_906, %dma_start3A_912] : memref<1000000x64xf32, #tpu.memory_space<hbm>> -> memref<1x64xf32, #tpu.memory_space<hbm>>
          %dma_start3A_914 = tpu.memref_squeeze %dma_start3A_913 : memref<1x64xf32, #tpu.memory_space<hbm>> -> memref<64xf32, #tpu.memory_space<hbm>>
          %dma_start3A_915 = arith.constant 0 : i32
          %dma_start3A_916 = tpu.memref_slice %arg7[%add3A_908, %dma_start3A_915] : memref<128x64xf32, #tpu.memory_space<vmem>> -> memref<1x64xf32, #tpu.memory_space<vmem>>
          %dma_start3A_917 = tpu.memref_squeeze %dma_start3A_916 : memref<1x64xf32, #tpu.memory_space<vmem>> -> memref<64xf32, #tpu.memory_space<vmem>>
          %dma_start3A_918 = arith.constant 0 : i32
          %dma_start3A_919 = tpu.memref_slice %arg3[%squeeze3A_906, %dma_start3A_918] : memref<1000000x64xf32, #tpu.memory_space<hbm>> -> memref<1x64xf32, #tpu.memory_space<hbm>>
          %dma_start3A_920 = tpu.memref_squeeze %dma_start3A_919 : memref<1x64xf32, #tpu.memory_space<hbm>> -> memref<64xf32, #tpu.memory_space<hbm>>
          tpu.enqueue_dma source(%dma_start3A_920 : memref<64xf32, #tpu.memory_space<hbm>>) target(%dma_start3A_917 : memref<64xf32, #tpu.memory_space<vmem>>) target_semaphore(%arg11 : memref<!tpu.dma_semaphore, #tpu.memory_space<semaphore_mem>>)
          %slice3A_921 = vector.extract_strided_slice %get3A_904 {offsets = [1], sizes = [1], strides = [1]} : vector<16xi32> to vector<1xi32>
          %squeeze3A_922 = vector.extract %slice3A_921[0] : i32 from vector<1xi32>
          %add3A_923 = arith.constant 1 : i32
          %add3A_924 = arith.addi %mul3A_898, %add3A_923 : i32
          %dma_start3A_925 = arith.constant 0 : i32
          %dma_start3A_926 = tpu.memref_slice %arg7[%add3A_924, %dma_start3A_925] : memref<128x64xf32, #tpu.memory_space<vmem>> -> memref<1x64xf32, #tpu.memory_space<vmem>>
          %dma_start3A_927 = tpu.memref_squeeze %dma_start3A_926 : memref<1x64xf32, #tpu.memory_space<vmem>> -> memref<64xf32, #tpu.memory_space<vmem>>
          %dma_start3A_928 = arith.constant 0 : i32
          %dma_start3A_929 = tpu.memref_slice %arg3[%squeeze3A_922, %dma_start3A_928] : memref<1000000x64xf32, #tpu.memory_space<hbm>> -> memref<1x64xf32, #tpu.memory_space<hbm>>
          %dma_start3A_930 = tpu.memref_squeeze %dma_start3A_929 : memref<1x64xf32, #tpu.memory_space<hbm>> -> memref<64xf32, #tpu.memory_space<hbm>>
          %dma_start3A_931 = arith.constant 0 : i32
          %dma_start3A_932 = tpu.memref_slice %arg7[%add3A_924, %dma_start3A_931] : memref<128x64xf32, #tpu.memory_space<vmem>> -> memref<1x64xf32, #tpu.memory_space<vmem>>
          %dma_start3A_933 = tpu.memref_squeeze %dma_start3A_932 : memref<1x64xf32, #tpu.memory_space<vmem>> -> memref<64xf32, #tpu.memory_space<vmem>>
          %dma_start3A_934 = arith.constant 0 : i32
          %dma_start3A_935 = tpu.memref_slice %arg3[%squeeze3A_922, %dma_start3A_934] : memref<1000000x64xf32, #tpu.memory_space<hbm>> -> memref<1x64xf32, #tpu.memory_space<hbm>>
          %dma_start3A_936 = tpu.memref_squeeze %dma_start3A_935 : memref<1x64xf32, #tpu.memory_space<hbm>> -> memref<64xf32, #tpu.memory_space<hbm>>
          tpu.enqueue_dma source(%dma_start3A_936 : memref<64xf32, #tpu.memory_space<hbm>>) target(%dma_start3A_933 : memref<64xf32, #tpu.memory_space<vmem>>) target_semaphore(%arg11 : memref<!tpu.dma_semaphore, #tpu.memory_space<semaphore_mem>>)
          %slice3A_937 = vector.extract_strided_slice %get3A_904 {offsets = [2], sizes = [1], strides = [1]} : vector<16xi32> to vector<1xi32>
          %squeeze3A_938 = vector.extract %slice3A_937[0] : i32 from vector<1xi32>
          %add3A_939 = arith.constant 2 : i32
          %add3A_940 = arith.addi %mul3A_898, %add3A_939 : i32
          %dma_start3A_941 = arith.constant 0 : i32
          %dma_start3A_942 = tpu.memref_slice %arg7[%add3A_940, %dma_start3A_941] : memref<128x64xf32, #tpu.memory_space<vmem>> -> memref<1x64xf32, #tpu.memory_space<vmem>>
          %dma_start3A_943 = tpu.memref_squeeze %dma_start3A_942 : memref<1x64xf32, #tpu.memory_space<vmem>> -> memref<64xf32, #tpu.memory_space<vmem>>
          %dma_start3A_944 = arith.constant 0 : i32
          %dma_start3A_945 = tpu.memref_slice %arg3[%squeeze3A_938, %dma_start3A_944] : memref<1000000x64xf32, #tpu.memory_space<hbm>> -> memref<1x64xf32, #tpu.memory_space<hbm>>
          %dma_start3A_946 = tpu.memref_squeeze %dma_start3A_945 : memref<1x64xf32, #tpu.memory_space<hbm>> -> memref<64xf32, #tpu.memory_space<hbm>>
          %dma_start3A_947 = arith.constant 0 : i32
          %dma_start3A_948 = tpu.memref_slice %arg7[%add3A_940, %dma_start3A_947] : memref<128x64xf32, #tpu.memory_space<vmem>> -> memref<1x64xf32, #tpu.memory_space<vmem>>
          %dma_start3A_949 = tpu.memref_squeeze %dma_start3A_948 : memref<1x64xf32, #tpu.memory_space<vmem>> -> memref<64xf32, #tpu.memory_space<vmem>>
          %dma_start3A_950 = arith.constant 0 : i32
          %dma_start3A_951 = tpu.memref_slice %arg3[%squeeze3A_938, %dma_start3A_950] : memref<1000000x64xf32, #tpu.memory_space<hbm>> -> memref<1x64xf32, #tpu.memory_space<hbm>>
          %dma_start3A_952 = tpu.memref_squeeze %dma_start3A_951 : memref<1x64xf32, #tpu.memory_space<hbm>> -> memref<64xf32, #tpu.memory_space<hbm>>
          tpu.enqueue_dma source(%dma_start3A_952 : memref<64xf32, #tpu.memory_space<hbm>>) target(%dma_start3A_949 : memref<64xf32, #tpu.memory_space<vmem>>) target_semaphore(%arg11 : memref<!tpu.dma_semaphore, #tpu.memory_space<semaphore_mem>>)
          %slice3A_953 = vector.extract_strided_slice %get3A_904 {offsets = [3], sizes = [1], strides = [1]} : vector<16xi32> to vector<1xi32>
          %squeeze3A_954 = vector.extract %slice3A_953[0] : i32 from vector<1xi32>
          %add3A_955 = arith.constant 3 : i32
          %add3A_956 = arith.addi %mul3A_898, %add3A_955 : i32
          %dma_start3A_957 = arith.constant 0 : i32
          %dma_start3A_958 = tpu.memref_slice %arg7[%add3A_956, %dma_start3A_957] : memref<128x64xf32, #tpu.memory_space<vmem>> -> memref<1x64xf32, #tpu.memory_space<vmem>>
          %dma_start3A_959 = tpu.memref_squeeze %dma_start3A_958 : memref<1x64xf32, #tpu.memory_space<vmem>> -> memref<64xf32, #tpu.memory_space<vmem>>
          %dma_start3A_960 = arith.constant 0 : i32
          %dma_start3A_961 = tpu.memref_slice %arg3[%squeeze3A_954, %dma_start3A_960] : memref<1000000x64xf32, #tpu.memory_space<hbm>> -> memref<1x64xf32, #tpu.memory_space<hbm>>
          %dma_start3A_962 = tpu.memref_squeeze %dma_start3A_961 : memref<1x64xf32, #tpu.memory_space<hbm>> -> memref<64xf32, #tpu.memory_space<hbm>>
          %dma_start3A_963 = arith.constant 0 : i32
          %dma_start3A_964 = tpu.memref_slice %arg7[%add3A_956, %dma_start3A_963] : memref<128x64xf32, #tpu.memory_space<vmem>> -> memref<1x64xf32, #tpu.memory_space<vmem>>
          %dma_start3A_965 = tpu.memref_squeeze %dma_start3A_964 : memref<1x64xf32, #tpu.memory_space<vmem>> -> memref<64xf32, #tpu.memory_space<vmem>>
          %dma_start3A_966 = arith.constant 0 : i32
          %dma_start3A_967 = tpu.memref_slice %arg3[%squeeze3A_954, %dma_start3A_966] : memref<1000000x64xf32, #tpu.memory_space<hbm>> -> memref<1x64xf32, #tpu.memory_space<hbm>>
          %dma_start3A_968 = tpu.memref_squeeze %dma_start3A_967 : memref<1x64xf32, #tpu.memory_space<hbm>> -> memref<64xf32, #tpu.memory_space<hbm>>
          tpu.enqueue_dma source(%dma_start3A_968 : memref<64xf32, #tpu.memory_space<hbm>>) target(%dma_start3A_965 : memref<64xf32, #tpu.memory_space<vmem>>) target_semaphore(%arg11 : memref<!tpu.dma_semaphore, #tpu.memory_space<semaphore_mem>>)
          %slice3A_969 = vector.extract_strided_slice %get3A_904 {offsets = [4], sizes = [1], strides = [1]} : vector<16xi32> to vector<1xi32>
          %squeeze3A_970 = vector.extract %slice3A_969[0] : i32 from vector<1xi32>
          %add3A_971 = arith.constant 4 : i32
          %add3A_972 = arith.addi %mul3A_898, %add3A_971 : i32
          %dma_start3A_973 = arith.constant 0 : i32
          %dma_start3A_974 = tpu.memref_slice %arg7[%add3A_972, %dma_start3A_973] : memref<128x64xf32, #tpu.memory_space<vmem>> -> memref<1x64xf32, #tpu.memory_space<vmem>>
          %dma_start3A_975 = tpu.memref_squeeze %dma_start3A_974 : memref<1x64xf32, #tpu.memory_space<vmem>> -> memref<64xf32, #tpu.memory_space<vmem>>
          %dma_start3A_976 = arith.constant 0 : i32
          %dma_start3A_977 = tpu.memref_slice %arg3[%squeeze3A_970, %dma_start3A_976] : memref<1000000x64xf32, #tpu.memory_space<hbm>> -> memref<1x64xf32, #tpu.memory_space<hbm>>
          %dma_start3A_978 = tpu.memref_squeeze %dma_start3A_977 : memref<1x64xf32, #tpu.memory_space<hbm>> -> memref<64xf32, #tpu.memory_space<hbm>>
          %dma_start3A_979 = arith.constant 0 : i32
          %dma_start3A_980 = tpu.memref_slice %arg7[%add3A_972, %dma_start3A_979] : memref<128x64xf32, #tpu.memory_space<vmem>> -> memref<1x64xf32, #tpu.memory_space<vmem>>
          %dma_start3A_981 = tpu.memref_squeeze %dma_start3A_980 : memref<1x64xf32, #tpu.memory_space<vmem>> -> memref<64xf32, #tpu.memory_space<vmem>>
          %dma_start3A_982 = arith.constant 0 : i32
          %dma_start3A_983 = tpu.memref_slice %arg3[%squeeze3A_970, %dma_start3A_982] : memref<1000000x64xf32, #tpu.memory_space<hbm>> -> memref<1x64xf32, #tpu.memory_space<hbm>>
          %dma_start3A_984 = tpu.memref_squeeze %dma_start3A_983 : memref<1x64xf32, #tpu.memory_space<hbm>> -> memref<64xf32, #tpu.memory_space<hbm>>
          tpu.enqueue_dma source(%dma_start3A_984 : memref<64xf32, #tpu.memory_space<hbm>>) target(%dma_start3A_981 : memref<64xf32, #tpu.memory_space<vmem>>) target_semaphore(%arg11 : memref<!tpu.dma_semaphore, #tpu.memory_space<semaphore_mem>>)
          %slice3A_985 = vector.extract_strided_slice %get3A_904 {offsets = [5], sizes = [1], strides = [1]} : vector<16xi32> to vector<1xi32>
          %squeeze3A_986 = vector.extract %slice3A_985[0] : i32 from vector<1xi32>
          %add3A_987 = arith.constant 5 : i32
          %add3A_988 = arith.addi %mul3A_898, %add3A_987 : i32
          %dma_start3A_989 = arith.constant 0 : i32
          %dma_start3A_990 = tpu.memref_slice %arg7[%add3A_988, %dma_start3A_989] : memref<128x64xf32, #tpu.memory_space<vmem>> -> memref<1x64xf32, #tpu.memory_space<vmem>>
          %dma_start3A_991 = tpu.memref_squeeze %dma_start3A_990 : memref<1x64xf32, #tpu.memory_space<vmem>> -> memref<64xf32, #tpu.memory_space<vmem>>
          %dma_start3A_992 = arith.constant 0 : i32
          %dma_start3A_993 = tpu.memref_slice %arg3[%squeeze3A_986, %dma_start3A_992] : memref<1000000x64xf32, #tpu.memory_space<hbm>> -> memref<1x64xf32, #tpu.memory_space<hbm>>
          %dma_start3A_994 = tpu.memref_squeeze %dma_start3A_993 : memref<1x64xf32, #tpu.memory_space<hbm>> -> memref<64xf32, #tpu.memory_space<hbm>>
          %dma_start3A_995 = arith.constant 0 : i32
          %dma_start3A_996 = tpu.memref_slice %arg7[%add3A_988, %dma_start3A_995] : memref<128x64xf32, #tpu.memory_space<vmem>> -> memref<1x64xf32, #tpu.memory_space<vmem>>
          %dma_start3A_997 = tpu.memref_squeeze %dma_start3A_996 : memref<1x64xf32, #tpu.memory_space<vmem>> -> memref<64xf32, #tpu.memory_space<vmem>>
          %dma_start3A_998 = arith.constant 0 : i32
          %dma_start3A_999 = tpu.memref_slice %arg3[%squeeze3A_986, %dma_start3A_998] : memref<1000000x64xf32, #tpu.memory_space<hbm>> -> memref<1x64xf32, #tpu.memory_space<hbm>>
          %dma_start3A_1000 = tpu.memref_squeeze %dma_start3A_999 : memref<1x64xf32, #tpu.memory_space<hbm>> -> memref<64xf32, #tpu.memory_space<hbm>>
          tpu.enqueue_dma source(%dma_start3A_1000 : memref<64xf32, #tpu.memory_space<hbm>>) target(%dma_start3A_997 : memref<64xf32, #tpu.memory_space<vmem>>) target_semaphore(%arg11 : memref<!tpu.dma_semaphore, #tpu.memory_space<semaphore_mem>>)
          %slice3A_1001 = vector.extract_strided_slice %get3A_904 {offsets = [6], sizes = [1], strides = [1]} : vector<16xi32> to vector<1xi32>
          %squeeze3A_1002 = vector.extract %slice3A_1001[0] : i32 from vector<1xi32>
          %add3A_1003 = arith.constant 6 : i32
          %add3A_1004 = arith.addi %mul3A_898, %add3A_1003 : i32
          %dma_start3A_1005 = arith.constant 0 : i32
          %dma_start3A_1006 = tpu.memref_slice %arg7[%add3A_1004, %dma_start3A_1005] : memref<128x64xf32, #tpu.memory_space<vmem>> -> memref<1x64xf32, #tpu.memory_space<vmem>>
          %dma_start3A_1007 = tpu.memref_squeeze %dma_start3A_1006 : memref<1x64xf32, #tpu.memory_space<vmem>> -> memref<64xf32, #tpu.memory_space<vmem>>
          %dma_start3A_1008 = arith.constant 0 : i32
          %dma_start3A_1009 = tpu.memref_slice %arg3[%squeeze3A_1002, %dma_start3A_1008] : memref<1000000x64xf32, #tpu.memory_space<hbm>> -> memref<1x64xf32, #tpu.memory_space<hbm>>
          %dma_start3A_1010 = tpu.memref_squeeze %dma_start3A_1009 : memref<1x64xf32, #tpu.memory_space<hbm>> -> memref<64xf32, #tpu.memory_space<hbm>>
          %dma_start3A_1011 = arith.constant 0 : i32
          %dma_start3A_1012 = tpu.memref_slice %arg7[%add3A_1004, %dma_start3A_1011] : memref<128x64xf32, #tpu.memory_space<vmem>> -> memref<1x64xf32, #tpu.memory_space<vmem>>
          %dma_start3A_1013 = tpu.memref_squeeze %dma_start3A_1012 : memref<1x64xf32, #tpu.memory_space<vmem>> -> memref<64xf32, #tpu.memory_space<vmem>>
          %dma_start3A_1014 = arith.constant 0 : i32
          %dma_start3A_1015 = tpu.memref_slice %arg3[%squeeze3A_1002, %dma_start3A_1014] : memref<1000000x64xf32, #tpu.memory_space<hbm>> -> memref<1x64xf32, #tpu.memory_space<hbm>>
          %dma_start3A_1016 = tpu.memref_squeeze %dma_start3A_1015 : memref<1x64xf32, #tpu.memory_space<hbm>> -> memref<64xf32, #tpu.memory_space<hbm>>
          tpu.enqueue_dma source(%dma_start3A_1016 : memref<64xf32, #tpu.memory_space<hbm>>) target(%dma_start3A_1013 : memref<64xf32, #tpu.memory_space<vmem>>) target_semaphore(%arg11 : memref<!tpu.dma_semaphore, #tpu.memory_space<semaphore_mem>>)
          %slice3A_1017 = vector.extract_strided_slice %get3A_904 {offsets = [7], sizes = [1], strides = [1]} : vector<16xi32> to vector<1xi32>
          %squeeze3A_1018 = vector.extract %slice3A_1017[0] : i32 from vector<1xi32>
          %add3A_1019 = arith.constant 7 : i32
          %add3A_1020 = arith.addi %mul3A_898, %add3A_1019 : i32
          %dma_start3A_1021 = arith.constant 0 : i32
          %dma_start3A_1022 = tpu.memref_slice %arg7[%add3A_1020, %dma_start3A_1021] : memref<128x64xf32, #tpu.memory_space<vmem>> -> memref<1x64xf32, #tpu.memory_space<vmem>>
          %dma_start3A_1023 = tpu.memref_squeeze %dma_start3A_1022 : memref<1x64xf32, #tpu.memory_space<vmem>> -> memref<64xf32, #tpu.memory_space<vmem>>
          %dma_start3A_1024 = arith.constant 0 : i32
          %dma_start3A_1025 = tpu.memref_slice %arg3[%squeeze3A_1018, %dma_start3A_1024] : memref<1000000x64xf32, #tpu.memory_space<hbm>> -> memref<1x64xf32, #tpu.memory_space<hbm>>
          %dma_start3A_1026 = tpu.memref_squeeze %dma_start3A_1025 : memref<1x64xf32, #tpu.memory_space<hbm>> -> memref<64xf32, #tpu.memory_space<hbm>>
          %dma_start3A_1027 = arith.constant 0 : i32
          %dma_start3A_1028 = tpu.memref_slice %arg7[%add3A_1020, %dma_start3A_1027] : memref<128x64xf32, #tpu.memory_space<vmem>> -> memref<1x64xf32, #tpu.memory_space<vmem>>
          %dma_start3A_1029 = tpu.memref_squeeze %dma_start3A_1028 : memref<1x64xf32, #tpu.memory_space<vmem>> -> memref<64xf32, #tpu.memory_space<vmem>>
          %dma_start3A_1030 = arith.constant 0 : i32
          %dma_start3A_1031 = tpu.memref_slice %arg3[%squeeze3A_1018, %dma_start3A_1030] : memref<1000000x64xf32, #tpu.memory_space<hbm>> -> memref<1x64xf32, #tpu.memory_space<hbm>>
          %dma_start3A_1032 = tpu.memref_squeeze %dma_start3A_1031 : memref<1x64xf32, #tpu.memory_space<hbm>> -> memref<64xf32, #tpu.memory_space<hbm>>
          tpu.enqueue_dma source(%dma_start3A_1032 : memref<64xf32, #tpu.memory_space<hbm>>) target(%dma_start3A_1029 : memref<64xf32, #tpu.memory_space<vmem>>) target_semaphore(%arg11 : memref<!tpu.dma_semaphore, #tpu.memory_space<semaphore_mem>>)
          %slice3A_1033 = vector.extract_strided_slice %get3A_904 {offsets = [8], sizes = [1], strides = [1]} : vector<16xi32> to vector<1xi32>
          %squeeze3A_1034 = vector.extract %slice3A_1033[0] : i32 from vector<1xi32>
          %add3A_1035 = arith.constant 8 : i32
          %add3A_1036 = arith.addi %mul3A_898, %add3A_1035 : i32
          %dma_start3A_1037 = arith.constant 0 : i32
          %dma_start3A_1038 = tpu.memref_slice %arg7[%add3A_1036, %dma_start3A_1037] : memref<128x64xf32, #tpu.memory_space<vmem>> -> memref<1x64xf32, #tpu.memory_space<vmem>>
          %dma_start3A_1039 = tpu.memref_squeeze %dma_start3A_1038 : memref<1x64xf32, #tpu.memory_space<vmem>> -> memref<64xf32, #tpu.memory_space<vmem>>
          %dma_start3A_1040 = arith.constant 0 : i32
          %dma_start3A_1041 = tpu.memref_slice %arg3[%squeeze3A_1034, %dma_start3A_1040] : memref<1000000x64xf32, #tpu.memory_space<hbm>> -> memref<1x64xf32, #tpu.memory_space<hbm>>
          %dma_start3A_1042 = tpu.memref_squeeze %dma_start3A_1041 : memref<1x64xf32, #tpu.memory_space<hbm>> -> memref<64xf32, #tpu.memory_space<hbm>>
          %dma_start3A_1043 = arith.constant 0 : i32
          %dma_start3A_1044 = tpu.memref_slice %arg7[%add3A_1036, %dma_start3A_1043] : memref<128x64xf32, #tpu.memory_space<vmem>> -> memref<1x64xf32, #tpu.memory_space<vmem>>
          %dma_start3A_1045 = tpu.memref_squeeze %dma_start3A_1044 : memref<1x64xf32, #tpu.memory_space<vmem>> -> memref<64xf32, #tpu.memory_space<vmem>>
          %dma_start3A_1046 = arith.constant 0 : i32
          %dma_start3A_1047 = tpu.memref_slice %arg3[%squeeze3A_1034, %dma_start3A_1046] : memref<1000000x64xf32, #tpu.memory_space<hbm>> -> memref<1x64xf32, #tpu.memory_space<hbm>>
          %dma_start3A_1048 = tpu.memref_squeeze %dma_start3A_1047 : memref<1x64xf32, #tpu.memory_space<hbm>> -> memref<64xf32, #tpu.memory_space<hbm>>
          tpu.enqueue_dma source(%dma_start3A_1048 : memref<64xf32, #tpu.memory_space<hbm>>) target(%dma_start3A_1045 : memref<64xf32, #tpu.memory_space<vmem>>) target_semaphore(%arg11 : memref<!tpu.dma_semaphore, #tpu.memory_space<semaphore_mem>>)
          %slice3A_1049 = vector.extract_strided_slice %get3A_904 {offsets = [9], sizes = [1], strides = [1]} : vector<16xi32> to vector<1xi32>
          %squeeze3A_1050 = vector.extract %slice3A_1049[0] : i32 from vector<1xi32>
          %add3A_1051 = arith.constant 9 : i32
          %add3A_1052 = arith.addi %mul3A_898, %add3A_1051 : i32
          %dma_start3A_1053 = arith.constant 0 : i32
          %dma_start3A_1054 = tpu.memref_slice %arg7[%add3A_1052, %dma_start3A_1053] : memref<128x64xf32, #tpu.memory_space<vmem>> -> memref<1x64xf32, #tpu.memory_space<vmem>>
          %dma_start3A_1055 = tpu.memref_squeeze %dma_start3A_1054 : memref<1x64xf32, #tpu.memory_space<vmem>> -> memref<64xf32, #tpu.memory_space<vmem>>
          %dma_start3A_1056 = arith.constant 0 : i32
          %dma_start3A_1057 = tpu.memref_slice %arg3[%squeeze3A_1050, %dma_start3A_1056] : memref<1000000x64xf32, #tpu.memory_space<hbm>> -> memref<1x64xf32, #tpu.memory_space<hbm>>
          %dma_start3A_1058 = tpu.memref_squeeze %dma_start3A_1057 : memref<1x64xf32, #tpu.memory_space<hbm>> -> memref<64xf32, #tpu.memory_space<hbm>>
          %dma_start3A_1059 = arith.constant 0 : i32
          %dma_start3A_1060 = tpu.memref_slice %arg7[%add3A_1052, %dma_start3A_1059] : memref<128x64xf32, #tpu.memory_space<vmem>> -> memref<1x64xf32, #tpu.memory_space<vmem>>
          %dma_start3A_1061 = tpu.memref_squeeze %dma_start3A_1060 : memref<1x64xf32, #tpu.memory_space<vmem>> -> memref<64xf32, #tpu.memory_space<vmem>>
          %dma_start3A_1062 = arith.constant 0 : i32
          %dma_start3A_1063 = tpu.memref_slice %arg3[%squeeze3A_1050, %dma_start3A_1062] : memref<1000000x64xf32, #tpu.memory_space<hbm>> -> memref<1x64xf32, #tpu.memory_space<hbm>>
          %dma_start3A_1064 = tpu.memref_squeeze %dma_start3A_1063 : memref<1x64xf32, #tpu.memory_space<hbm>> -> memref<64xf32, #tpu.memory_space<hbm>>
          tpu.enqueue_dma source(%dma_start3A_1064 : memref<64xf32, #tpu.memory_space<hbm>>) target(%dma_start3A_1061 : memref<64xf32, #tpu.memory_space<vmem>>) target_semaphore(%arg11 : memref<!tpu.dma_semaphore, #tpu.memory_space<semaphore_mem>>)
          %slice3A_1065 = vector.extract_strided_slice %get3A_904 {offsets = [10], sizes = [1], strides = [1]} : vector<16xi32> to vector<1xi32>
          %squeeze3A_1066 = vector.extract %slice3A_1065[0] : i32 from vector<1xi32>
          %add3A_1067 = arith.constant 10 : i32
          %add3A_1068 = arith.addi %mul3A_898, %add3A_1067 : i32
          %dma_start3A_1069 = arith.constant 0 : i32
          %dma_start3A_1070 = tpu.memref_slice %arg7[%add3A_1068, %dma_start3A_1069] : memref<128x64xf32, #tpu.memory_space<vmem>> -> memref<1x64xf32, #tpu.memory_space<vmem>>
          %dma_start3A_1071 = tpu.memref_squeeze %dma_start3A_1070 : memref<1x64xf32, #tpu.memory_space<vmem>> -> memref<64xf32, #tpu.memory_space<vmem>>
          %dma_start3A_1072 = arith.constant 0 : i32
          %dma_start3A_1073 = tpu.memref_slice %arg3[%squeeze3A_1066, %dma_start3A_1072] : memref<1000000x64xf32, #tpu.memory_space<hbm>> -> memref<1x64xf32, #tpu.memory_space<hbm>>
          %dma_start3A_1074 = tpu.memref_squeeze %dma_start3A_1073 : memref<1x64xf32, #tpu.memory_space<hbm>> -> memref<64xf32, #tpu.memory_space<hbm>>
          %dma_start3A_1075 = arith.constant 0 : i32
          %dma_start3A_1076 = tpu.memref_slice %arg7[%add3A_1068, %dma_start3A_1075] : memref<128x64xf32, #tpu.memory_space<vmem>> -> memref<1x64xf32, #tpu.memory_space<vmem>>
          %dma_start3A_1077 = tpu.memref_squeeze %dma_start3A_1076 : memref<1x64xf32, #tpu.memory_space<vmem>> -> memref<64xf32, #tpu.memory_space<vmem>>
          %dma_start3A_1078 = arith.constant 0 : i32
          %dma_start3A_1079 = tpu.memref_slice %arg3[%squeeze3A_1066, %dma_start3A_1078] : memref<1000000x64xf32, #tpu.memory_space<hbm>> -> memref<1x64xf32, #tpu.memory_space<hbm>>
          %dma_start3A_1080 = tpu.memref_squeeze %dma_start3A_1079 : memref<1x64xf32, #tpu.memory_space<hbm>> -> memref<64xf32, #tpu.memory_space<hbm>>
          tpu.enqueue_dma source(%dma_start3A_1080 : memref<64xf32, #tpu.memory_space<hbm>>) target(%dma_start3A_1077 : memref<64xf32, #tpu.memory_space<vmem>>) target_semaphore(%arg11 : memref<!tpu.dma_semaphore, #tpu.memory_space<semaphore_mem>>)
          %slice3A_1081 = vector.extract_strided_slice %get3A_904 {offsets = [11], sizes = [1], strides = [1]} : vector<16xi32> to vector<1xi32>
          %squeeze3A_1082 = vector.extract %slice3A_1081[0] : i32 from vector<1xi32>
          %add3A_1083 = arith.constant 11 : i32
          %add3A_1084 = arith.addi %mul3A_898, %add3A_1083 : i32
          %dma_start3A_1085 = arith.constant 0 : i32
          %dma_start3A_1086 = tpu.memref_slice %arg7[%add3A_1084, %dma_start3A_1085] : memref<128x64xf32, #tpu.memory_space<vmem>> -> memref<1x64xf32, #tpu.memory_space<vmem>>
          %dma_start3A_1087 = tpu.memref_squeeze %dma_start3A_1086 : memref<1x64xf32, #tpu.memory_space<vmem>> -> memref<64xf32, #tpu.memory_space<vmem>>
          %dma_start3A_1088 = arith.constant 0 : i32
          %dma_start3A_1089 = tpu.memref_slice %arg3[%squeeze3A_1082, %dma_start3A_1088] : memref<1000000x64xf32, #tpu.memory_space<hbm>> -> memref<1x64xf32, #tpu.memory_space<hbm>>
          %dma_start3A_1090 = tpu.memref_squeeze %dma_start3A_1089 : memref<1x64xf32, #tpu.memory_space<hbm>> -> memref<64xf32, #tpu.memory_space<hbm>>
          %dma_start3A_1091 = arith.constant 0 : i32
          %dma_start3A_1092 = tpu.memref_slice %arg7[%add3A_1084, %dma_start3A_1091] : memref<128x64xf32, #tpu.memory_space<vmem>> -> memref<1x64xf32, #tpu.memory_space<vmem>>
          %dma_start3A_1093 = tpu.memref_squeeze %dma_start3A_1092 : memref<1x64xf32, #tpu.memory_space<vmem>> -> memref<64xf32, #tpu.memory_space<vmem>>
          %dma_start3A_1094 = arith.constant 0 : i32
          %dma_start3A_1095 = tpu.memref_slice %arg3[%squeeze3A_1082, %dma_start3A_1094] : memref<1000000x64xf32, #tpu.memory_space<hbm>> -> memref<1x64xf32, #tpu.memory_space<hbm>>
          %dma_start3A_1096 = tpu.memref_squeeze %dma_start3A_1095 : memref<1x64xf32, #tpu.memory_space<hbm>> -> memref<64xf32, #tpu.memory_space<hbm>>
          tpu.enqueue_dma source(%dma_start3A_1096 : memref<64xf32, #tpu.memory_space<hbm>>) target(%dma_start3A_1093 : memref<64xf32, #tpu.memory_space<vmem>>) target_semaphore(%arg11 : memref<!tpu.dma_semaphore, #tpu.memory_space<semaphore_mem>>)
          %slice3A_1097 = vector.extract_strided_slice %get3A_904 {offsets = [12], sizes = [1], strides = [1]} : vector<16xi32> to vector<1xi32>
          %squeeze3A_1098 = vector.extract %slice3A_1097[0] : i32 from vector<1xi32>
          %add3A_1099 = arith.constant 12 : i32
          %add3A_1100 = arith.addi %mul3A_898, %add3A_1099 : i32
          %dma_start3A_1101 = arith.constant 0 : i32
          %dma_start3A_1102 = tpu.memref_slice %arg7[%add3A_1100, %dma_start3A_1101] : memref<128x64xf32, #tpu.memory_space<vmem>> -> memref<1x64xf32, #tpu.memory_space<vmem>>
          %dma_start3A_1103 = tpu.memref_squeeze %dma_start3A_1102 : memref<1x64xf32, #tpu.memory_space<vmem>> -> memref<64xf32, #tpu.memory_space<vmem>>
          %dma_start3A_1104 = arith.constant 0 : i32
          %dma_start3A_1105 = tpu.memref_slice %arg3[%squeeze3A_1098, %dma_start3A_1104] : memref<1000000x64xf32, #tpu.memory_space<hbm>> -> memref<1x64xf32, #tpu.memory_space<hbm>>
          %dma_start3A_1106 = tpu.memref_squeeze %dma_start3A_1105 : memref<1x64xf32, #tpu.memory_space<hbm>> -> memref<64xf32, #tpu.memory_space<hbm>>
          %dma_start3A_1107 = arith.constant 0 : i32
          %dma_start3A_1108 = tpu.memref_slice %arg7[%add3A_1100, %dma_start3A_1107] : memref<128x64xf32, #tpu.memory_space<vmem>> -> memref<1x64xf32, #tpu.memory_space<vmem>>
          %dma_start3A_1109 = tpu.memref_squeeze %dma_start3A_1108 : memref<1x64xf32, #tpu.memory_space<vmem>> -> memref<64xf32, #tpu.memory_space<vmem>>
          %dma_start3A_1110 = arith.constant 0 : i32
          %dma_start3A_1111 = tpu.memref_slice %arg3[%squeeze3A_1098, %dma_start3A_1110] : memref<1000000x64xf32, #tpu.memory_space<hbm>> -> memref<1x64xf32, #tpu.memory_space<hbm>>
          %dma_start3A_1112 = tpu.memref_squeeze %dma_start3A_1111 : memref<1x64xf32, #tpu.memory_space<hbm>> -> memref<64xf32, #tpu.memory_space<hbm>>
          tpu.enqueue_dma source(%dma_start3A_1112 : memref<64xf32, #tpu.memory_space<hbm>>) target(%dma_start3A_1109 : memref<64xf32, #tpu.memory_space<vmem>>) target_semaphore(%arg11 : memref<!tpu.dma_semaphore, #tpu.memory_space<semaphore_mem>>)
          %slice3A_1113 = vector.extract_strided_slice %get3A_904 {offsets = [13], sizes = [1], strides = [1]} : vector<16xi32> to vector<1xi32>
          %squeeze3A_1114 = vector.extract %slice3A_1113[0] : i32 from vector<1xi32>
          %add3A_1115 = arith.constant 13 : i32
          %add3A_1116 = arith.addi %mul3A_898, %add3A_1115 : i32
          %dma_start3A_1117 = arith.constant 0 : i32
          %dma_start3A_1118 = tpu.memref_slice %arg7[%add3A_1116, %dma_start3A_1117] : memref<128x64xf32, #tpu.memory_space<vmem>> -> memref<1x64xf32, #tpu.memory_space<vmem>>
          %dma_start3A_1119 = tpu.memref_squeeze %dma_start3A_1118 : memref<1x64xf32, #tpu.memory_space<vmem>> -> memref<64xf32, #tpu.memory_space<vmem>>
          %dma_start3A_1120 = arith.constant 0 : i32
          %dma_start3A_1121 = tpu.memref_slice %arg3[%squeeze3A_1114, %dma_start3A_1120] : memref<1000000x64xf32, #tpu.memory_space<hbm>> -> memref<1x64xf32, #tpu.memory_space<hbm>>
          %dma_start3A_1122 = tpu.memref_squeeze %dma_start3A_1121 : memref<1x64xf32, #tpu.memory_space<hbm>> -> memref<64xf32, #tpu.memory_space<hbm>>
          %dma_start3A_1123 = arith.constant 0 : i32
          %dma_start3A_1124 = tpu.memref_slice %arg7[%add3A_1116, %dma_start3A_1123] : memref<128x64xf32, #tpu.memory_space<vmem>> -> memref<1x64xf32, #tpu.memory_space<vmem>>
          %dma_start3A_1125 = tpu.memref_squeeze %dma_start3A_1124 : memref<1x64xf32, #tpu.memory_space<vmem>> -> memref<64xf32, #tpu.memory_space<vmem>>
          %dma_start3A_1126 = arith.constant 0 : i32
          %dma_start3A_1127 = tpu.memref_slice %arg3[%squeeze3A_1114, %dma_start3A_1126] : memref<1000000x64xf32, #tpu.memory_space<hbm>> -> memref<1x64xf32, #tpu.memory_space<hbm>>
          %dma_start3A_1128 = tpu.memref_squeeze %dma_start3A_1127 : memref<1x64xf32, #tpu.memory_space<hbm>> -> memref<64xf32, #tpu.memory_space<hbm>>
          tpu.enqueue_dma source(%dma_start3A_1128 : memref<64xf32, #tpu.memory_space<hbm>>) target(%dma_start3A_1125 : memref<64xf32, #tpu.memory_space<vmem>>) target_semaphore(%arg11 : memref<!tpu.dma_semaphore, #tpu.memory_space<semaphore_mem>>)
          %slice3A_1129 = vector.extract_strided_slice %get3A_904 {offsets = [14], sizes = [1], strides = [1]} : vector<16xi32> to vector<1xi32>
          %squeeze3A_1130 = vector.extract %slice3A_1129[0] : i32 from vector<1xi32>
          %add3A_1131 = arith.constant 14 : i32
          %add3A_1132 = arith.addi %mul3A_898, %add3A_1131 : i32
          %dma_start3A_1133 = arith.constant 0 : i32
          %dma_start3A_1134 = tpu.memref_slice %arg7[%add3A_1132, %dma_start3A_1133] : memref<128x64xf32, #tpu.memory_space<vmem>> -> memref<1x64xf32, #tpu.memory_space<vmem>>
          %dma_start3A_1135 = tpu.memref_squeeze %dma_start3A_1134 : memref<1x64xf32, #tpu.memory_space<vmem>> -> memref<64xf32, #tpu.memory_space<vmem>>
          %dma_start3A_1136 = arith.constant 0 : i32
          %dma_start3A_1137 = tpu.memref_slice %arg3[%squeeze3A_1130, %dma_start3A_1136] : memref<1000000x64xf32, #tpu.memory_space<hbm>> -> memref<1x64xf32, #tpu.memory_space<hbm>>
          %dma_start3A_1138 = tpu.memref_squeeze %dma_start3A_1137 : memref<1x64xf32, #tpu.memory_space<hbm>> -> memref<64xf32, #tpu.memory_space<hbm>>
          %dma_start3A_1139 = arith.constant 0 : i32
          %dma_start3A_1140 = tpu.memref_slice %arg7[%add3A_1132, %dma_start3A_1139] : memref<128x64xf32, #tpu.memory_space<vmem>> -> memref<1x64xf32, #tpu.memory_space<vmem>>
          %dma_start3A_1141 = tpu.memref_squeeze %dma_start3A_1140 : memref<1x64xf32, #tpu.memory_space<vmem>> -> memref<64xf32, #tpu.memory_space<vmem>>
          %dma_start3A_1142 = arith.constant 0 : i32
          %dma_start3A_1143 = tpu.memref_slice %arg3[%squeeze3A_1130, %dma_start3A_1142] : memref<1000000x64xf32, #tpu.memory_space<hbm>> -> memref<1x64xf32, #tpu.memory_space<hbm>>
          %dma_start3A_1144 = tpu.memref_squeeze %dma_start3A_1143 : memref<1x64xf32, #tpu.memory_space<hbm>> -> memref<64xf32, #tpu.memory_space<hbm>>
          tpu.enqueue_dma source(%dma_start3A_1144 : memref<64xf32, #tpu.memory_space<hbm>>) target(%dma_start3A_1141 : memref<64xf32, #tpu.memory_space<vmem>>) target_semaphore(%arg11 : memref<!tpu.dma_semaphore, #tpu.memory_space<semaphore_mem>>)
          %slice3A_1145 = vector.extract_strided_slice %get3A_904 {offsets = [15], sizes = [1], strides = [1]} : vector<16xi32> to vector<1xi32>
          %squeeze3A_1146 = vector.extract %slice3A_1145[0] : i32 from vector<1xi32>
          %add3A_1147 = arith.constant 15 : i32
          %add3A_1148 = arith.addi %mul3A_898, %add3A_1147 : i32
          %dma_start3A_1149 = arith.constant 0 : i32
          %dma_start3A_1150 = tpu.memref_slice %arg7[%add3A_1148, %dma_start3A_1149] : memref<128x64xf32, #tpu.memory_space<vmem>> -> memref<1x64xf32, #tpu.memory_space<vmem>>
          %dma_start3A_1151 = tpu.memref_squeeze %dma_start3A_1150 : memref<1x64xf32, #tpu.memory_space<vmem>> -> memref<64xf32, #tpu.memory_space<vmem>>
          %dma_start3A_1152 = arith.constant 0 : i32
          %dma_start3A_1153 = tpu.memref_slice %arg3[%squeeze3A_1146, %dma_start3A_1152] : memref<1000000x64xf32, #tpu.memory_space<hbm>> -> memref<1x64xf32, #tpu.memory_space<hbm>>
          %dma_start3A_1154 = tpu.memref_squeeze %dma_start3A_1153 : memref<1x64xf32, #tpu.memory_space<hbm>> -> memref<64xf32, #tpu.memory_space<hbm>>
          %dma_start3A_1155 = arith.constant 0 : i32
          %dma_start3A_1156 = tpu.memref_slice %arg7[%add3A_1148, %dma_start3A_1155] : memref<128x64xf32, #tpu.memory_space<vmem>> -> memref<1x64xf32, #tpu.memory_space<vmem>>
          %dma_start3A_1157 = tpu.memref_squeeze %dma_start3A_1156 : memref<1x64xf32, #tpu.memory_space<vmem>> -> memref<64xf32, #tpu.memory_space<vmem>>
          %dma_start3A_1158 = arith.constant 0 : i32
          %dma_start3A_1159 = tpu.memref_slice %arg3[%squeeze3A_1146, %dma_start3A_1158] : memref<1000000x64xf32, #tpu.memory_space<hbm>> -> memref<1x64xf32, #tpu.memory_space<hbm>>
          %dma_start3A_1160 = tpu.memref_squeeze %dma_start3A_1159 : memref<1x64xf32, #tpu.memory_space<hbm>> -> memref<64xf32, #tpu.memory_space<hbm>>
          tpu.enqueue_dma source(%dma_start3A_1160 : memref<64xf32, #tpu.memory_space<hbm>>) target(%dma_start3A_1157 : memref<64xf32, #tpu.memory_space<vmem>>) target_semaphore(%arg11 : memref<!tpu.dma_semaphore, #tpu.memory_space<semaphore_mem>>)
          %scan3A_1161 = arith.constant 0 : i32
          scf.yield %scan3A_1161 : i32
        }
        %scan3A_96 = arith.constant 8 : i32
      } else {
      }
      %dma_wait3A_37 = arith.constant 0 : i32
      %dma_wait3A_38 = arith.constant 0 : i32
      %dma_wait3A_39 = tpu.memref_slice %arg4[%dma_wait3A_37, %dma_wait3A_38] : memref<204800x64xf32, #tpu.memory_space<hbm>> -> memref<128x64xf32, #tpu.memory_space<hbm>>
      %dma_wait3A_40 = arith.constant 0 : i32
      %dma_wait3A_41 = arith.constant 0 : i32
      %dma_wait3A_42 = tpu.memref_slice %arg4[%dma_wait3A_40, %dma_wait3A_41] : memref<204800x64xf32, #tpu.memory_space<hbm>> -> memref<128x64xf32, #tpu.memory_space<hbm>>
      tpu.wait_dma2 semaphore(%arg10 : memref<!tpu.dma_semaphore, #tpu.memory_space<semaphore_mem>>) src(%dma_wait3A_42 : memref<128x64xf32, #tpu.memory_space<hbm>>) dst(%arg6 : memref<128x64xf32, #tpu.memory_space<vmem>>)
      %gt3A = arith.constant 0 : i32
      %gt3A_43 = arith.cmpi sgt, %scan3A_27, %gt3A : i32
      %convert_element_type3A_44 = arith.extui %gt3A_43 : i1 to i32
      %cond3A_45 = arith.constant 0 : i32
      %cond3A_46 = arith.cmpi ne, %convert_element_type3A_44, %cond3A_45 : i32
      scf.if %cond3A_46 {
        %sub3A = arith.constant 2 : i32
        %sub3A_88 = arith.subi %add3A_32, %sub3A : i32
        %mul3A_89 = arith.constant 128 : i32
        %mul3A_90 = arith.muli %sub3A_88, %mul3A_89 : i32
        %add3A_91 = arith.addi %mul3A_2, %mul3A_90 : i32
        %dma_wait3A_92 = arith.constant 0 : i32
        %dma_wait3A_93 = tpu.memref_slice %arg4[%add3A_91, %dma_wait3A_92] : memref<204800x64xf32, #tpu.memory_space<hbm>> -> memref<128x64xf32, #tpu.memory_space<hbm>>
        %dma_wait3A_94 = arith.constant 0 : i32
        %dma_wait3A_95 = tpu.memref_slice %arg4[%add3A_91, %dma_wait3A_94] : memref<204800x64xf32, #tpu.memory_space<hbm>> -> memref<128x64xf32, #tpu.memory_space<hbm>>
        tpu.wait_dma2 semaphore(%arg12 : memref<!tpu.dma_semaphore, #tpu.memory_space<semaphore_mem>>) src(%arg8 : memref<128x64xf32, #tpu.memory_space<vmem>>) dst(%dma_wait3A_95 : memref<128x64xf32, #tpu.memory_space<hbm>>)
      } else {
      }
      %parallel_loop3A = arith.constant 0 : i32
      %parallel_loop3A_47 = arith.constant 128 : i32
      %parallel_loop3A_48 = arith.constant 1 : i32
      scf.for %parallel_loop3A_88 = %parallel_loop3A to %parallel_loop3A_47 step %parallel_loop3A_48  : i32 {
        %parallel_loop3A_89 = arith.index_cast %parallel_loop3A_88 : i32 to index
        %parallel_loop3A_90 = arith.constant 0 : index
        %parallel_loop3A_91 = tpu.vector_load %arg6[%parallel_loop3A_89, %parallel_loop3A_90] {strides = array<i32>} : memref<128x64xf32, #tpu.memory_space<vmem>>, vector<1x16xf32>,
        %parallel_loop3A_92 = vector.shape_cast %parallel_loop3A_91 : vector<1x16xf32> to vector<16xf32>
        %parallel_loop3A_93 = arith.constant 8.000000e+00 : f32
        %parallel_loop3A_94 = vector.broadcast %parallel_loop3A_93 : f32 to vector<16xf32>
        %parallel_loop3A_95 = arith.mulf %parallel_loop3A_92, %parallel_loop3A_94 : vector<16xf32>
        %parallel_loop3A_96 = arith.index_cast %parallel_loop3A_88 : i32 to index
        %parallel_loop3A_97 = arith.constant 0 : index
        %parallel_loop3A_98 = tpu.vector_load %arg8[%parallel_loop3A_96, %parallel_loop3A_97] {strides = array<i32>} : memref<128x64xf32, #tpu.memory_space<vmem>>, vector<1x16xf32>,
        %parallel_loop3A_99 = vector.shape_cast %parallel_loop3A_98 : vector<1x16xf32> to vector<16xf32>
        %parallel_loop3A_100 = vector.shape_cast %parallel_loop3A_95 : vector<16xf32> to vector<1x16xf32>
        tpu.vector_store %arg8[%parallel_loop3A_96, %parallel_loop3A_97], %parallel_loop3A_100 {strides = array<i32>} : memref<128x64xf32, #tpu.memory_space<vmem>>, vector<1x16xf32>,
        %parallel_loop3A_101 = arith.index_cast %parallel_loop3A_88 : i32 to index
        %parallel_loop3A_102 = arith.constant 16 : index
        %parallel_loop3A_103 = tpu.vector_load %arg6[%parallel_loop3A_101, %parallel_loop3A_102] {strides = array<i32>} : memref<128x64xf32, #tpu.memory_space<vmem>>, vector<1x16xf32>,
        %parallel_loop3A_104 = vector.shape_cast %parallel_loop3A_103 : vector<1x16xf32> to vector<16xf32>
        %parallel_loop3A_105 = arith.constant 8.000000e+00 : f32
        %parallel_loop3A_106 = vector.broadcast %parallel_loop3A_105 : f32 to vector<16xf32>
        %parallel_loop3A_107 = arith.mulf %parallel_loop3A_104, %parallel_loop3A_106 : vector<16xf32>
        %parallel_loop3A_108 = arith.index_cast %parallel_loop3A_88 : i32 to index
        %parallel_loop3A_109 = arith.constant 16 : index
        %parallel_loop3A_110 = tpu.vector_load %arg8[%parallel_loop3A_108, %parallel_loop3A_109] {strides = array<i32>} : memref<128x64xf32, #tpu.memory_space<vmem>>, vector<1x16xf32>,
        %parallel_loop3A_111 = vector.shape_cast %parallel_loop3A_110 : vector<1x16xf32> to vector<16xf32>
        %parallel_loop3A_112 = vector.shape_cast %parallel_loop3A_107 : vector<16xf32> to vector<1x16xf32>
        tpu.vector_store %arg8[%parallel_loop3A_108, %parallel_loop3A_109], %parallel_loop3A_112 {strides = array<i32>} : memref<128x64xf32, #tpu.memory_space<vmem>>, vector<1x16xf32>,
        %parallel_loop3A_113 = arith.index_cast %parallel_loop3A_88 : i32 to index
        %parallel_loop3A_114 = arith.constant 32 : index
        %parallel_loop3A_115 = tpu.vector_load %arg6[%parallel_loop3A_113, %parallel_loop3A_114] {strides = array<i32>} : memref<128x64xf32, #tpu.memory_space<vmem>>, vector<1x16xf32>,
        %parallel_loop3A_116 = vector.shape_cast %parallel_loop3A_115 : vector<1x16xf32> to vector<16xf32>
        %parallel_loop3A_117 = arith.constant 8.000000e+00 : f32
        %parallel_loop3A_118 = vector.broadcast %parallel_loop3A_117 : f32 to vector<16xf32>
        %parallel_loop3A_119 = arith.mulf %parallel_loop3A_116, %parallel_loop3A_118 : vector<16xf32>
        %parallel_loop3A_120 = arith.index_cast %parallel_loop3A_88 : i32 to index
        %parallel_loop3A_121 = arith.constant 32 : index
        %parallel_loop3A_122 = tpu.vector_load %arg8[%parallel_loop3A_120, %parallel_loop3A_121] {strides = array<i32>} : memref<128x64xf32, #tpu.memory_space<vmem>>, vector<1x16xf32>,
        %parallel_loop3A_123 = vector.shape_cast %parallel_loop3A_122 : vector<1x16xf32> to vector<16xf32>
        %parallel_loop3A_124 = vector.shape_cast %parallel_loop3A_119 : vector<16xf32> to vector<1x16xf32>
        tpu.vector_store %arg8[%parallel_loop3A_120, %parallel_loop3A_121], %parallel_loop3A_124 {strides = array<i32>} : memref<128x64xf32, #tpu.memory_space<vmem>>, vector<1x16xf32>,
        %parallel_loop3A_125 = arith.index_cast %parallel_loop3A_88 : i32 to index
        %parallel_loop3A_126 = arith.constant 48 : index
        %parallel_loop3A_127 = tpu.vector_load %arg6[%parallel_loop3A_125, %parallel_loop3A_126] {strides = array<i32>} : memref<128x64xf32, #tpu.memory_space<vmem>>, vector<1x16xf32>,
        %parallel_loop3A_128 = vector.shape_cast %parallel_loop3A_127 : vector<1x16xf32> to vector<16xf32>
        %parallel_loop3A_129 = arith.constant 8.000000e+00 : f32
        %parallel_loop3A_130 = vector.broadcast %parallel_loop3A_129 : f32 to vector<16xf32>
        %parallel_loop3A_131 = arith.mulf %parallel_loop3A_128, %parallel_loop3A_130 : vector<16xf32>
        %parallel_loop3A_132 = arith.index_cast %parallel_loop3A_88 : i32 to index
        %parallel_loop3A_133 = arith.constant 48 : index
        %parallel_loop3A_134 = tpu.vector_load %arg8[%parallel_loop3A_132, %parallel_loop3A_133] {strides = array<i32>} : memref<128x64xf32, #tpu.memory_space<vmem>>, vector<1x16xf32>,
        %parallel_loop3A_135 = vector.shape_cast %parallel_loop3A_134 : vector<1x16xf32> to vector<16xf32>
        %parallel_loop3A_136 = vector.shape_cast %parallel_loop3A_131 : vector<16xf32> to vector<1x16xf32>
        tpu.vector_store %arg8[%parallel_loop3A_132, %parallel_loop3A_133], %parallel_loop3A_136 {strides = array<i32>} : memref<128x64xf32, #tpu.memory_space<vmem>>, vector<1x16xf32>,
      } {sc.loop_unroll_factor = 4 : i64, sc.parallel_access}
      %mul3A_49 = arith.constant 128 : i32
      %mul3A_50 = arith.muli %add3A_32, %mul3A_49 : i32
      %add3A_51 = arith.addi %mul3A_2, %mul3A_50 : i32
      %dma_start3A = arith.constant 0 : i32
      %dma_start3A_52 = tpu.memref_slice %arg4[%add3A_51, %dma_start3A] : memref<204800x64xf32, #tpu.memory_space<hbm>> -> memref<128x64xf32, #tpu.memory_space<hbm>>
      %dma_start3A_53 = arith.constant 0 : i32
      %dma_start3A_54 = tpu.memref_slice %arg4[%add3A_51, %dma_start3A_53] : memref<204800x64xf32, #tpu.memory_space<hbm>> -> memref<128x64xf32, #tpu.memory_space<hbm>>
      tpu.enqueue_dma source(%arg8 : memref<128x64xf32, #tpu.memory_space<vmem>>) target(%dma_start3A_54 : memref<128x64xf32, #tpu.memory_space<hbm>>) target_semaphore(%arg12 : memref<!tpu.dma_semaphore, #tpu.memory_space<semaphore_mem>>)
      %mul3A_55 = arith.constant 2 : i32
      %mul3A_56 = arith.muli %scan3A_27, %mul3A_55 : i32
      %add3A_57 = arith.constant 1 : i32
      %add3A_58 = arith.addi %mul3A_56, %add3A_57 : i32
      %add3A_59 = arith.constant 1 : i32
      %add3A_60 = arith.addi %add3A_58, %add3A_59 : i32
      %lt3A_61 = arith.constant 50 : i32
      %lt3A_62 = arith.cmpi slt, %add3A_60, %lt3A_61 : i32
      %convert_element_type3A_63 = arith.extui %lt3A_62 : i1 to i32
      %cond3A_64 = arith.constant 0 : i32
      %cond3A_65 = arith.cmpi ne, %convert_element_type3A_63, %cond3A_64 : i32
      scf.if %cond3A_65 {
        %add3A_88 = arith.constant 1 : i32
        %add3A_89 = arith.addi %add3A_58, %add3A_88 : i32
        %scan3A_90 = arith.constant 0 : i32
        %scan3A_91 = arith.constant 0 : i32
        %scan3A_92 = arith.constant 8 : i32
        %scan3A_93 = arith.addi %scan3A_91, %scan3A_92 : i32
        %scan3A_94 = arith.constant 4 : i32
        %scan3A_95 = scf.for %scan3A_97 = %scan3A_91 to %scan3A_93 step %scan3A_94 iter_args(%scan3A_98 = %scan3A_90) -> (i32)  : i32 {
          %mul3A_99 = arith.constant 16 : i32
          %mul3A_100 = arith.muli %scan3A_97, %mul3A_99 : i32
          %mul3A_101 = arith.constant 128 : i32
          %mul3A_102 = arith.muli %add3A_89, %mul3A_101 : i32
          %add3A_103 = arith.addi %mul3A_102, %mul3A_100 : i32
          %get3A = arith.index_cast %add3A_103 : i32 to index
          %get3A_104 = tpu.vector_load %arg5[%get3A] {strides = array<i32>} : memref<6400xi32, #tpu.memory_space<vmem>>, vector<16xi32>,
          %get3A_105 = vector.shape_cast %get3A_104 : vector<16xi32> to vector<16xi32>
          %slice3A = vector.extract_strided_slice %get3A_105 {offsets = [0], sizes = [1], strides = [1]} : vector<16xi32> to vector<1xi32>
          %squeeze3A = vector.extract %slice3A[0] : i32 from vector<1xi32>
          %add3A_106 = arith.constant 0 : i32
          %add3A_107 = arith.addi %mul3A_100, %add3A_106 : i32
          %dma_start3A_108 = arith.constant 0 : i32
          %dma_start3A_109 = tpu.memref_slice %arg6[%add3A_107, %dma_start3A_108] : memref<128x64xf32, #tpu.memory_space<vmem>> -> memref<1x64xf32, #tpu.memory_space<vmem>>
          %dma_start3A_110 = tpu.memref_squeeze %dma_start3A_109 : memref<1x64xf32, #tpu.memory_space<vmem>> -> memref<64xf32, #tpu.memory_space<vmem>>
          %dma_start3A_111 = arith.constant 0 : i32
          %dma_start3A_112 = tpu.memref_slice %arg3[%squeeze3A, %dma_start3A_111] : memref<1000000x64xf32, #tpu.memory_space<hbm>> -> memref<1x64xf32, #tpu.memory_space<hbm>>
          %dma_start3A_113 = tpu.memref_squeeze %dma_start3A_112 : memref<1x64xf32, #tpu.memory_space<hbm>> -> memref<64xf32, #tpu.memory_space<hbm>>
          %dma_start3A_114 = arith.constant 0 : i32
          %dma_start3A_115 = tpu.memref_slice %arg6[%add3A_107, %dma_start3A_114] : memref<128x64xf32, #tpu.memory_space<vmem>> -> memref<1x64xf32, #tpu.memory_space<vmem>>
          %dma_start3A_116 = tpu.memref_squeeze %dma_start3A_115 : memref<1x64xf32, #tpu.memory_space<vmem>> -> memref<64xf32, #tpu.memory_space<vmem>>
          %dma_start3A_117 = arith.constant 0 : i32
          %dma_start3A_118 = tpu.memref_slice %arg3[%squeeze3A, %dma_start3A_117] : memref<1000000x64xf32, #tpu.memory_space<hbm>> -> memref<1x64xf32, #tpu.memory_space<hbm>>
          %dma_start3A_119 = tpu.memref_squeeze %dma_start3A_118 : memref<1x64xf32, #tpu.memory_space<hbm>> -> memref<64xf32, #tpu.memory_space<hbm>>
          tpu.enqueue_dma source(%dma_start3A_119 : memref<64xf32, #tpu.memory_space<hbm>>) target(%dma_start3A_116 : memref<64xf32, #tpu.memory_space<vmem>>) target_semaphore(%arg10 : memref<!tpu.dma_semaphore, #tpu.memory_space<semaphore_mem>>)
          %slice3A_120 = vector.extract_strided_slice %get3A_105 {offsets = [1], sizes = [1], strides = [1]} : vector<16xi32> to vector<1xi32>
          %squeeze3A_121 = vector.extract %slice3A_120[0] : i32 from vector<1xi32>
          %add3A_122 = arith.constant 1 : i32
          %add3A_123 = arith.addi %mul3A_100, %add3A_122 : i32
          %dma_start3A_124 = arith.constant 0 : i32
          %dma_start3A_125 = tpu.memref_slice %arg6[%add3A_123, %dma_start3A_124] : memref<128x64xf32, #tpu.memory_space<vmem>> -> memref<1x64xf32, #tpu.memory_space<vmem>>
          %dma_start3A_126 = tpu.memref_squeeze %dma_start3A_125 : memref<1x64xf32, #tpu.memory_space<vmem>> -> memref<64xf32, #tpu.memory_space<vmem>>
          %dma_start3A_127 = arith.constant 0 : i32
          %dma_start3A_128 = tpu.memref_slice %arg3[%squeeze3A_121, %dma_start3A_127] : memref<1000000x64xf32, #tpu.memory_space<hbm>> -> memref<1x64xf32, #tpu.memory_space<hbm>>
          %dma_start3A_129 = tpu.memref_squeeze %dma_start3A_128 : memref<1x64xf32, #tpu.memory_space<hbm>> -> memref<64xf32, #tpu.memory_space<hbm>>
          %dma_start3A_130 = arith.constant 0 : i32
          %dma_start3A_131 = tpu.memref_slice %arg6[%add3A_123, %dma_start3A_130] : memref<128x64xf32, #tpu.memory_space<vmem>> -> memref<1x64xf32, #tpu.memory_space<vmem>>
          %dma_start3A_132 = tpu.memref_squeeze %dma_start3A_131 : memref<1x64xf32, #tpu.memory_space<vmem>> -> memref<64xf32, #tpu.memory_space<vmem>>
          %dma_start3A_133 = arith.constant 0 : i32
          %dma_start3A_134 = tpu.memref_slice %arg3[%squeeze3A_121, %dma_start3A_133] : memref<1000000x64xf32, #tpu.memory_space<hbm>> -> memref<1x64xf32, #tpu.memory_space<hbm>>
          %dma_start3A_135 = tpu.memref_squeeze %dma_start3A_134 : memref<1x64xf32, #tpu.memory_space<hbm>> -> memref<64xf32, #tpu.memory_space<hbm>>
          tpu.enqueue_dma source(%dma_start3A_135 : memref<64xf32, #tpu.memory_space<hbm>>) target(%dma_start3A_132 : memref<64xf32, #tpu.memory_space<vmem>>) target_semaphore(%arg10 : memref<!tpu.dma_semaphore, #tpu.memory_space<semaphore_mem>>)
          %slice3A_136 = vector.extract_strided_slice %get3A_105 {offsets = [2], sizes = [1], strides = [1]} : vector<16xi32> to vector<1xi32>
          %squeeze3A_137 = vector.extract %slice3A_136[0] : i32 from vector<1xi32>
          %add3A_138 = arith.constant 2 : i32
          %add3A_139 = arith.addi %mul3A_100, %add3A_138 : i32
          %dma_start3A_140 = arith.constant 0 : i32
          %dma_start3A_141 = tpu.memref_slice %arg6[%add3A_139, %dma_start3A_140] : memref<128x64xf32, #tpu.memory_space<vmem>> -> memref<1x64xf32, #tpu.memory_space<vmem>>
          %dma_start3A_142 = tpu.memref_squeeze %dma_start3A_141 : memref<1x64xf32, #tpu.memory_space<vmem>> -> memref<64xf32, #tpu.memory_space<vmem>>
          %dma_start3A_143 = arith.constant 0 : i32
          %dma_start3A_144 = tpu.memref_slice %arg3[%squeeze3A_137, %dma_start3A_143] : memref<1000000x64xf32, #tpu.memory_space<hbm>> -> memref<1x64xf32, #tpu.memory_space<hbm>>
          %dma_start3A_145 = tpu.memref_squeeze %dma_start3A_144 : memref<1x64xf32, #tpu.memory_space<hbm>> -> memref<64xf32, #tpu.memory_space<hbm>>
          %dma_start3A_146 = arith.constant 0 : i32
          %dma_start3A_147 = tpu.memref_slice %arg6[%add3A_139, %dma_start3A_146] : memref<128x64xf32, #tpu.memory_space<vmem>> -> memref<1x64xf32, #tpu.memory_space<vmem>>
          %dma_start3A_148 = tpu.memref_squeeze %dma_start3A_147 : memref<1x64xf32, #tpu.memory_space<vmem>> -> memref<64xf32, #tpu.memory_space<vmem>>
          %dma_start3A_149 = arith.constant 0 : i32
          %dma_start3A_150 = tpu.memref_slice %arg3[%squeeze3A_137, %dma_start3A_149] : memref<1000000x64xf32, #tpu.memory_space<hbm>> -> memref<1x64xf32, #tpu.memory_space<hbm>>
          %dma_start3A_151 = tpu.memref_squeeze %dma_start3A_150 : memref<1x64xf32, #tpu.memory_space<hbm>> -> memref<64xf32, #tpu.memory_space<hbm>>
          tpu.enqueue_dma source(%dma_start3A_151 : memref<64xf32, #tpu.memory_space<hbm>>) target(%dma_start3A_148 : memref<64xf32, #tpu.memory_space<vmem>>) target_semaphore(%arg10 : memref<!tpu.dma_semaphore, #tpu.memory_space<semaphore_mem>>)
          %slice3A_152 = vector.extract_strided_slice %get3A_105 {offsets = [3], sizes = [1], strides = [1]} : vector<16xi32> to vector<1xi32>
          %squeeze3A_153 = vector.extract %slice3A_152[0] : i32 from vector<1xi32>
          %add3A_154 = arith.constant 3 : i32
          %add3A_155 = arith.addi %mul3A_100, %add3A_154 : i32
          %dma_start3A_156 = arith.constant 0 : i32
          %dma_start3A_157 = tpu.memref_slice %arg6[%add3A_155, %dma_start3A_156] : memref<128x64xf32, #tpu.memory_space<vmem>> -> memref<1x64xf32, #tpu.memory_space<vmem>>
          %dma_start3A_158 = tpu.memref_squeeze %dma_start3A_157 : memref<1x64xf32, #tpu.memory_space<vmem>> -> memref<64xf32, #tpu.memory_space<vmem>>
          %dma_start3A_159 = arith.constant 0 : i32
          %dma_start3A_160 = tpu.memref_slice %arg3[%squeeze3A_153, %dma_start3A_159] : memref<1000000x64xf32, #tpu.memory_space<hbm>> -> memref<1x64xf32, #tpu.memory_space<hbm>>
          %dma_start3A_161 = tpu.memref_squeeze %dma_start3A_160 : memref<1x64xf32, #tpu.memory_space<hbm>> -> memref<64xf32, #tpu.memory_space<hbm>>
          %dma_start3A_162 = arith.constant 0 : i32
          %dma_start3A_163 = tpu.memref_slice %arg6[%add3A_155, %dma_start3A_162] : memref<128x64xf32, #tpu.memory_space<vmem>> -> memref<1x64xf32, #tpu.memory_space<vmem>>
          %dma_start3A_164 = tpu.memref_squeeze %dma_start3A_163 : memref<1x64xf32, #tpu.memory_space<vmem>> -> memref<64xf32, #tpu.memory_space<vmem>>
          %dma_start3A_165 = arith.constant 0 : i32
          %dma_start3A_166 = tpu.memref_slice %arg3[%squeeze3A_153, %dma_start3A_165] : memref<1000000x64xf32, #tpu.memory_space<hbm>> -> memref<1x64xf32, #tpu.memory_space<hbm>>
          %dma_start3A_167 = tpu.memref_squeeze %dma_start3A_166 : memref<1x64xf32, #tpu.memory_space<hbm>> -> memref<64xf32, #tpu.memory_space<hbm>>
          tpu.enqueue_dma source(%dma_start3A_167 : memref<64xf32, #tpu.memory_space<hbm>>) target(%dma_start3A_164 : memref<64xf32, #tpu.memory_space<vmem>>) target_semaphore(%arg10 : memref<!tpu.dma_semaphore, #tpu.memory_space<semaphore_mem>>)
          %slice3A_168 = vector.extract_strided_slice %get3A_105 {offsets = [4], sizes = [1], strides = [1]} : vector<16xi32> to vector<1xi32>
          %squeeze3A_169 = vector.extract %slice3A_168[0] : i32 from vector<1xi32>
          %add3A_170 = arith.constant 4 : i32
          %add3A_171 = arith.addi %mul3A_100, %add3A_170 : i32
          %dma_start3A_172 = arith.constant 0 : i32
          %dma_start3A_173 = tpu.memref_slice %arg6[%add3A_171, %dma_start3A_172] : memref<128x64xf32, #tpu.memory_space<vmem>> -> memref<1x64xf32, #tpu.memory_space<vmem>>
          %dma_start3A_174 = tpu.memref_squeeze %dma_start3A_173 : memref<1x64xf32, #tpu.memory_space<vmem>> -> memref<64xf32, #tpu.memory_space<vmem>>
          %dma_start3A_175 = arith.constant 0 : i32
          %dma_start3A_176 = tpu.memref_slice %arg3[%squeeze3A_169, %dma_start3A_175] : memref<1000000x64xf32, #tpu.memory_space<hbm>> -> memref<1x64xf32, #tpu.memory_space<hbm>>
          %dma_start3A_177 = tpu.memref_squeeze %dma_start3A_176 : memref<1x64xf32, #tpu.memory_space<hbm>> -> memref<64xf32, #tpu.memory_space<hbm>>
          %dma_start3A_178 = arith.constant 0 : i32
          %dma_start3A_179 = tpu.memref_slice %arg6[%add3A_171, %dma_start3A_178] : memref<128x64xf32, #tpu.memory_space<vmem>> -> memref<1x64xf32, #tpu.memory_space<vmem>>
          %dma_start3A_180 = tpu.memref_squeeze %dma_start3A_179 : memref<1x64xf32, #tpu.memory_space<vmem>> -> memref<64xf32, #tpu.memory_space<vmem>>
          %dma_start3A_181 = arith.constant 0 : i32
          %dma_start3A_182 = tpu.memref_slice %arg3[%squeeze3A_169, %dma_start3A_181] : memref<1000000x64xf32, #tpu.memory_space<hbm>> -> memref<1x64xf32, #tpu.memory_space<hbm>>
          %dma_start3A_183 = tpu.memref_squeeze %dma_start3A_182 : memref<1x64xf32, #tpu.memory_space<hbm>> -> memref<64xf32, #tpu.memory_space<hbm>>
          tpu.enqueue_dma source(%dma_start3A_183 : memref<64xf32, #tpu.memory_space<hbm>>) target(%dma_start3A_180 : memref<64xf32, #tpu.memory_space<vmem>>) target_semaphore(%arg10 : memref<!tpu.dma_semaphore, #tpu.memory_space<semaphore_mem>>)
          %slice3A_184 = vector.extract_strided_slice %get3A_105 {offsets = [5], sizes = [1], strides = [1]} : vector<16xi32> to vector<1xi32>
          %squeeze3A_185 = vector.extract %slice3A_184[0] : i32 from vector<1xi32>
          %add3A_186 = arith.constant 5 : i32
          %add3A_187 = arith.addi %mul3A_100, %add3A_186 : i32
          %dma_start3A_188 = arith.constant 0 : i32
          %dma_start3A_189 = tpu.memref_slice %arg6[%add3A_187, %dma_start3A_188] : memref<128x64xf32, #tpu.memory_space<vmem>> -> memref<1x64xf32, #tpu.memory_space<vmem>>
          %dma_start3A_190 = tpu.memref_squeeze %dma_start3A_189 : memref<1x64xf32, #tpu.memory_space<vmem>> -> memref<64xf32, #tpu.memory_space<vmem>>
          %dma_start3A_191 = arith.constant 0 : i32
          %dma_start3A_192 = tpu.memref_slice %arg3[%squeeze3A_185, %dma_start3A_191] : memref<1000000x64xf32, #tpu.memory_space<hbm>> -> memref<1x64xf32, #tpu.memory_space<hbm>>
          %dma_start3A_193 = tpu.memref_squeeze %dma_start3A_192 : memref<1x64xf32, #tpu.memory_space<hbm>> -> memref<64xf32, #tpu.memory_space<hbm>>
          %dma_start3A_194 = arith.constant 0 : i32
          %dma_start3A_195 = tpu.memref_slice %arg6[%add3A_187, %dma_start3A_194] : memref<128x64xf32, #tpu.memory_space<vmem>> -> memref<1x64xf32, #tpu.memory_space<vmem>>
          %dma_start3A_196 = tpu.memref_squeeze %dma_start3A_195 : memref<1x64xf32, #tpu.memory_space<vmem>> -> memref<64xf32, #tpu.memory_space<vmem>>
          %dma_start3A_197 = arith.constant 0 : i32
          %dma_start3A_198 = tpu.memref_slice %arg3[%squeeze3A_185, %dma_start3A_197] : memref<1000000x64xf32, #tpu.memory_space<hbm>> -> memref<1x64xf32, #tpu.memory_space<hbm>>
          %dma_start3A_199 = tpu.memref_squeeze %dma_start3A_198 : memref<1x64xf32, #tpu.memory_space<hbm>> -> memref<64xf32, #tpu.memory_space<hbm>>
          tpu.enqueue_dma source(%dma_start3A_199 : memref<64xf32, #tpu.memory_space<hbm>>) target(%dma_start3A_196 : memref<64xf32, #tpu.memory_space<vmem>>) target_semaphore(%arg10 : memref<!tpu.dma_semaphore, #tpu.memory_space<semaphore_mem>>)
          %slice3A_200 = vector.extract_strided_slice %get3A_105 {offsets = [6], sizes = [1], strides = [1]} : vector<16xi32> to vector<1xi32>
          %squeeze3A_201 = vector.extract %slice3A_200[0] : i32 from vector<1xi32>
          %add3A_202 = arith.constant 6 : i32
          %add3A_203 = arith.addi %mul3A_100, %add3A_202 : i32
          %dma_start3A_204 = arith.constant 0 : i32
          %dma_start3A_205 = tpu.memref_slice %arg6[%add3A_203, %dma_start3A_204] : memref<128x64xf32, #tpu.memory_space<vmem>> -> memref<1x64xf32, #tpu.memory_space<vmem>>
          %dma_start3A_206 = tpu.memref_squeeze %dma_start3A_205 : memref<1x64xf32, #tpu.memory_space<vmem>> -> memref<64xf32, #tpu.memory_space<vmem>>
          %dma_start3A_207 = arith.constant 0 : i32
          %dma_start3A_208 = tpu.memref_slice %arg3[%squeeze3A_201, %dma_start3A_207] : memref<1000000x64xf32, #tpu.memory_space<hbm>> -> memref<1x64xf32, #tpu.memory_space<hbm>>
          %dma_start3A_209 = tpu.memref_squeeze %dma_start3A_208 : memref<1x64xf32, #tpu.memory_space<hbm>> -> memref<64xf32, #tpu.memory_space<hbm>>
          %dma_start3A_210 = arith.constant 0 : i32
          %dma_start3A_211 = tpu.memref_slice %arg6[%add3A_203, %dma_start3A_210] : memref<128x64xf32, #tpu.memory_space<vmem>> -> memref<1x64xf32, #tpu.memory_space<vmem>>
          %dma_start3A_212 = tpu.memref_squeeze %dma_start3A_211 : memref<1x64xf32, #tpu.memory_space<vmem>> -> memref<64xf32, #tpu.memory_space<vmem>>
          %dma_start3A_213 = arith.constant 0 : i32
          %dma_start3A_214 = tpu.memref_slice %arg3[%squeeze3A_201, %dma_start3A_213] : memref<1000000x64xf32, #tpu.memory_space<hbm>> -> memref<1x64xf32, #tpu.memory_space<hbm>>
          %dma_start3A_215 = tpu.memref_squeeze %dma_start3A_214 : memref<1x64xf32, #tpu.memory_space<hbm>> -> memref<64xf32, #tpu.memory_space<hbm>>
          tpu.enqueue_dma source(%dma_start3A_215 : memref<64xf32, #tpu.memory_space<hbm>>) target(%dma_start3A_212 : memref<64xf32, #tpu.memory_space<vmem>>) target_semaphore(%arg10 : memref<!tpu.dma_semaphore, #tpu.memory_space<semaphore_mem>>)
          %slice3A_216 = vector.extract_strided_slice %get3A_105 {offsets = [7], sizes = [1], strides = [1]} : vector<16xi32> to vector<1xi32>
          %squeeze3A_217 = vector.extract %slice3A_216[0] : i32 from vector<1xi32>
          %add3A_218 = arith.constant 7 : i32
          %add3A_219 = arith.addi %mul3A_100, %add3A_218 : i32
          %dma_start3A_220 = arith.constant 0 : i32
          %dma_start3A_221 = tpu.memref_slice %arg6[%add3A_219, %dma_start3A_220] : memref<128x64xf32, #tpu.memory_space<vmem>> -> memref<1x64xf32, #tpu.memory_space<vmem>>
          %dma_start3A_222 = tpu.memref_squeeze %dma_start3A_221 : memref<1x64xf32, #tpu.memory_space<vmem>> -> memref<64xf32, #tpu.memory_space<vmem>>
          %dma_start3A_223 = arith.constant 0 : i32
          %dma_start3A_224 = tpu.memref_slice %arg3[%squeeze3A_217, %dma_start3A_223] : memref<1000000x64xf32, #tpu.memory_space<hbm>> -> memref<1x64xf32, #tpu.memory_space<hbm>>
          %dma_start3A_225 = tpu.memref_squeeze %dma_start3A_224 : memref<1x64xf32, #tpu.memory_space<hbm>> -> memref<64xf32, #tpu.memory_space<hbm>>
          %dma_start3A_226 = arith.constant 0 : i32
          %dma_start3A_227 = tpu.memref_slice %arg6[%add3A_219, %dma_start3A_226] : memref<128x64xf32, #tpu.memory_space<vmem>> -> memref<1x64xf32, #tpu.memory_space<vmem>>
          %dma_start3A_228 = tpu.memref_squeeze %dma_start3A_227 : memref<1x64xf32, #tpu.memory_space<vmem>> -> memref<64xf32, #tpu.memory_space<vmem>>
          %dma_start3A_229 = arith.constant 0 : i32
          %dma_start3A_230 = tpu.memref_slice %arg3[%squeeze3A_217, %dma_start3A_229] : memref<1000000x64xf32, #tpu.memory_space<hbm>> -> memref<1x64xf32, #tpu.memory_space<hbm>>
          %dma_start3A_231 = tpu.memref_squeeze %dma_start3A_230 : memref<1x64xf32, #tpu.memory_space<hbm>> -> memref<64xf32, #tpu.memory_space<hbm>>
          tpu.enqueue_dma source(%dma_start3A_231 : memref<64xf32, #tpu.memory_space<hbm>>) target(%dma_start3A_228 : memref<64xf32, #tpu.memory_space<vmem>>) target_semaphore(%arg10 : memref<!tpu.dma_semaphore, #tpu.memory_space<semaphore_mem>>)
          %slice3A_232 = vector.extract_strided_slice %get3A_105 {offsets = [8], sizes = [1], strides = [1]} : vector<16xi32> to vector<1xi32>
          %squeeze3A_233 = vector.extract %slice3A_232[0] : i32 from vector<1xi32>
          %add3A_234 = arith.constant 8 : i32
          %add3A_235 = arith.addi %mul3A_100, %add3A_234 : i32
          %dma_start3A_236 = arith.constant 0 : i32
          %dma_start3A_237 = tpu.memref_slice %arg6[%add3A_235, %dma_start3A_236] : memref<128x64xf32, #tpu.memory_space<vmem>> -> memref<1x64xf32, #tpu.memory_space<vmem>>
          %dma_start3A_238 = tpu.memref_squeeze %dma_start3A_237 : memref<1x64xf32, #tpu.memory_space<vmem>> -> memref<64xf32, #tpu.memory_space<vmem>>
          %dma_start3A_239 = arith.constant 0 : i32
          %dma_start3A_240 = tpu.memref_slice %arg3[%squeeze3A_233, %dma_start3A_239] : memref<1000000x64xf32, #tpu.memory_space<hbm>> -> memref<1x64xf32, #tpu.memory_space<hbm>>
          %dma_start3A_241 = tpu.memref_squeeze %dma_start3A_240 : memref<1x64xf32, #tpu.memory_space<hbm>> -> memref<64xf32, #tpu.memory_space<hbm>>
          %dma_start3A_242 = arith.constant 0 : i32
          %dma_start3A_243 = tpu.memref_slice %arg6[%add3A_235, %dma_start3A_242] : memref<128x64xf32, #tpu.memory_space<vmem>> -> memref<1x64xf32, #tpu.memory_space<vmem>>
          %dma_start3A_244 = tpu.memref_squeeze %dma_start3A_243 : memref<1x64xf32, #tpu.memory_space<vmem>> -> memref<64xf32, #tpu.memory_space<vmem>>
          %dma_start3A_245 = arith.constant 0 : i32
          %dma_start3A_246 = tpu.memref_slice %arg3[%squeeze3A_233, %dma_start3A_245] : memref<1000000x64xf32, #tpu.memory_space<hbm>> -> memref<1x64xf32, #tpu.memory_space<hbm>>
          %dma_start3A_247 = tpu.memref_squeeze %dma_start3A_246 : memref<1x64xf32, #tpu.memory_space<hbm>> -> memref<64xf32, #tpu.memory_space<hbm>>
          tpu.enqueue_dma source(%dma_start3A_247 : memref<64xf32, #tpu.memory_space<hbm>>) target(%dma_start3A_244 : memref<64xf32, #tpu.memory_space<vmem>>) target_semaphore(%arg10 : memref<!tpu.dma_semaphore, #tpu.memory_space<semaphore_mem>>)
          %slice3A_248 = vector.extract_strided_slice %get3A_105 {offsets = [9], sizes = [1], strides = [1]} : vector<16xi32> to vector<1xi32>
          %squeeze3A_249 = vector.extract %slice3A_248[0] : i32 from vector<1xi32>
          %add3A_250 = arith.constant 9 : i32
          %add3A_251 = arith.addi %mul3A_100, %add3A_250 : i32
          %dma_start3A_252 = arith.constant 0 : i32
          %dma_start3A_253 = tpu.memref_slice %arg6[%add3A_251, %dma_start3A_252] : memref<128x64xf32, #tpu.memory_space<vmem>> -> memref<1x64xf32, #tpu.memory_space<vmem>>
          %dma_start3A_254 = tpu.memref_squeeze %dma_start3A_253 : memref<1x64xf32, #tpu.memory_space<vmem>> -> memref<64xf32, #tpu.memory_space<vmem>>
          %dma_start3A_255 = arith.constant 0 : i32
          %dma_start3A_256 = tpu.memref_slice %arg3[%squeeze3A_249, %dma_start3A_255] : memref<1000000x64xf32, #tpu.memory_space<hbm>> -> memref<1x64xf32, #tpu.memory_space<hbm>>
          %dma_start3A_257 = tpu.memref_squeeze %dma_start3A_256 : memref<1x64xf32, #tpu.memory_space<hbm>> -> memref<64xf32, #tpu.memory_space<hbm>>
          %dma_start3A_258 = arith.constant 0 : i32
          %dma_start3A_259 = tpu.memref_slice %arg6[%add3A_251, %dma_start3A_258] : memref<128x64xf32, #tpu.memory_space<vmem>> -> memref<1x64xf32, #tpu.memory_space<vmem>>
          %dma_start3A_260 = tpu.memref_squeeze %dma_start3A_259 : memref<1x64xf32, #tpu.memory_space<vmem>> -> memref<64xf32, #tpu.memory_space<vmem>>
          %dma_start3A_261 = arith.constant 0 : i32
          %dma_start3A_262 = tpu.memref_slice %arg3[%squeeze3A_249, %dma_start3A_261] : memref<1000000x64xf32, #tpu.memory_space<hbm>> -> memref<1x64xf32, #tpu.memory_space<hbm>>
          %dma_start3A_263 = tpu.memref_squeeze %dma_start3A_262 : memref<1x64xf32, #tpu.memory_space<hbm>> -> memref<64xf32, #tpu.memory_space<hbm>>
          tpu.enqueue_dma source(%dma_start3A_263 : memref<64xf32, #tpu.memory_space<hbm>>) target(%dma_start3A_260 : memref<64xf32, #tpu.memory_space<vmem>>) target_semaphore(%arg10 : memref<!tpu.dma_semaphore, #tpu.memory_space<semaphore_mem>>)
          %slice3A_264 = vector.extract_strided_slice %get3A_105 {offsets = [10], sizes = [1], strides = [1]} : vector<16xi32> to vector<1xi32>
          %squeeze3A_265 = vector.extract %slice3A_264[0] : i32 from vector<1xi32>
          %add3A_266 = arith.constant 10 : i32
          %add3A_267 = arith.addi %mul3A_100, %add3A_266 : i32
          %dma_start3A_268 = arith.constant 0 : i32
          %dma_start3A_269 = tpu.memref_slice %arg6[%add3A_267, %dma_start3A_268] : memref<128x64xf32, #tpu.memory_space<vmem>> -> memref<1x64xf32, #tpu.memory_space<vmem>>
          %dma_start3A_270 = tpu.memref_squeeze %dma_start3A_269 : memref<1x64xf32, #tpu.memory_space<vmem>> -> memref<64xf32, #tpu.memory_space<vmem>>
          %dma_start3A_271 = arith.constant 0 : i32
          %dma_start3A_272 = tpu.memref_slice %arg3[%squeeze3A_265, %dma_start3A_271] : memref<1000000x64xf32, #tpu.memory_space<hbm>> -> memref<1x64xf32, #tpu.memory_space<hbm>>
          %dma_start3A_273 = tpu.memref_squeeze %dma_start3A_272 : memref<1x64xf32, #tpu.memory_space<hbm>> -> memref<64xf32, #tpu.memory_space<hbm>>
          %dma_start3A_274 = arith.constant 0 : i32
          %dma_start3A_275 = tpu.memref_slice %arg6[%add3A_267, %dma_start3A_274] : memref<128x64xf32, #tpu.memory_space<vmem>> -> memref<1x64xf32, #tpu.memory_space<vmem>>
          %dma_start3A_276 = tpu.memref_squeeze %dma_start3A_275 : memref<1x64xf32, #tpu.memory_space<vmem>> -> memref<64xf32, #tpu.memory_space<vmem>>
          %dma_start3A_277 = arith.constant 0 : i32
          %dma_start3A_278 = tpu.memref_slice %arg3[%squeeze3A_265, %dma_start3A_277] : memref<1000000x64xf32, #tpu.memory_space<hbm>> -> memref<1x64xf32, #tpu.memory_space<hbm>>
          %dma_start3A_279 = tpu.memref_squeeze %dma_start3A_278 : memref<1x64xf32, #tpu.memory_space<hbm>> -> memref<64xf32, #tpu.memory_space<hbm>>
          tpu.enqueue_dma source(%dma_start3A_279 : memref<64xf32, #tpu.memory_space<hbm>>) target(%dma_start3A_276 : memref<64xf32, #tpu.memory_space<vmem>>) target_semaphore(%arg10 : memref<!tpu.dma_semaphore, #tpu.memory_space<semaphore_mem>>)
          %slice3A_280 = vector.extract_strided_slice %get3A_105 {offsets = [11], sizes = [1], strides = [1]} : vector<16xi32> to vector<1xi32>
          %squeeze3A_281 = vector.extract %slice3A_280[0] : i32 from vector<1xi32>
          %add3A_282 = arith.constant 11 : i32
          %add3A_283 = arith.addi %mul3A_100, %add3A_282 : i32
          %dma_start3A_284 = arith.constant 0 : i32
          %dma_start3A_285 = tpu.memref_slice %arg6[%add3A_283, %dma_start3A_284] : memref<128x64xf32, #tpu.memory_space<vmem>> -> memref<1x64xf32, #tpu.memory_space<vmem>>
          %dma_start3A_286 = tpu.memref_squeeze %dma_start3A_285 : memref<1x64xf32, #tpu.memory_space<vmem>> -> memref<64xf32, #tpu.memory_space<vmem>>
          %dma_start3A_287 = arith.constant 0 : i32
          %dma_start3A_288 = tpu.memref_slice %arg3[%squeeze3A_281, %dma_start3A_287] : memref<1000000x64xf32, #tpu.memory_space<hbm>> -> memref<1x64xf32, #tpu.memory_space<hbm>>
          %dma_start3A_289 = tpu.memref_squeeze %dma_start3A_288 : memref<1x64xf32, #tpu.memory_space<hbm>> -> memref<64xf32, #tpu.memory_space<hbm>>
          %dma_start3A_290 = arith.constant 0 : i32
          %dma_start3A_291 = tpu.memref_slice %arg6[%add3A_283, %dma_start3A_290] : memref<128x64xf32, #tpu.memory_space<vmem>> -> memref<1x64xf32, #tpu.memory_space<vmem>>
          %dma_start3A_292 = tpu.memref_squeeze %dma_start3A_291 : memref<1x64xf32, #tpu.memory_space<vmem>> -> memref<64xf32, #tpu.memory_space<vmem>>
          %dma_start3A_293 = arith.constant 0 : i32
          %dma_start3A_294 = tpu.memref_slice %arg3[%squeeze3A_281, %dma_start3A_293] : memref<1000000x64xf32, #tpu.memory_space<hbm>> -> memref<1x64xf32, #tpu.memory_space<hbm>>
          %dma_start3A_295 = tpu.memref_squeeze %dma_start3A_294 : memref<1x64xf32, #tpu.memory_space<hbm>> -> memref<64xf32, #tpu.memory_space<hbm>>
          tpu.enqueue_dma source(%dma_start3A_295 : memref<64xf32, #tpu.memory_space<hbm>>) target(%dma_start3A_292 : memref<64xf32, #tpu.memory_space<vmem>>) target_semaphore(%arg10 : memref<!tpu.dma_semaphore, #tpu.memory_space<semaphore_mem>>)
          %slice3A_296 = vector.extract_strided_slice %get3A_105 {offsets = [12], sizes = [1], strides = [1]} : vector<16xi32> to vector<1xi32>
          %squeeze3A_297 = vector.extract %slice3A_296[0] : i32 from vector<1xi32>
          %add3A_298 = arith.constant 12 : i32
          %add3A_299 = arith.addi %mul3A_100, %add3A_298 : i32
          %dma_start3A_300 = arith.constant 0 : i32
          %dma_start3A_301 = tpu.memref_slice %arg6[%add3A_299, %dma_start3A_300] : memref<128x64xf32, #tpu.memory_space<vmem>> -> memref<1x64xf32, #tpu.memory_space<vmem>>
          %dma_start3A_302 = tpu.memref_squeeze %dma_start3A_301 : memref<1x64xf32, #tpu.memory_space<vmem>> -> memref<64xf32, #tpu.memory_space<vmem>>
          %dma_start3A_303 = arith.constant 0 : i32
          %dma_start3A_304 = tpu.memref_slice %arg3[%squeeze3A_297, %dma_start3A_303] : memref<1000000x64xf32, #tpu.memory_space<hbm>> -> memref<1x64xf32, #tpu.memory_space<hbm>>
          %dma_start3A_305 = tpu.memref_squeeze %dma_start3A_304 : memref<1x64xf32, #tpu.memory_space<hbm>> -> memref<64xf32, #tpu.memory_space<hbm>>
          %dma_start3A_306 = arith.constant 0 : i32
          %dma_start3A_307 = tpu.memref_slice %arg6[%add3A_299, %dma_start3A_306] : memref<128x64xf32, #tpu.memory_space<vmem>> -> memref<1x64xf32, #tpu.memory_space<vmem>>
          %dma_start3A_308 = tpu.memref_squeeze %dma_start3A_307 : memref<1x64xf32, #tpu.memory_space<vmem>> -> memref<64xf32, #tpu.memory_space<vmem>>
          %dma_start3A_309 = arith.constant 0 : i32
          %dma_start3A_310 = tpu.memref_slice %arg3[%squeeze3A_297, %dma_start3A_309] : memref<1000000x64xf32, #tpu.memory_space<hbm>> -> memref<1x64xf32, #tpu.memory_space<hbm>>
          %dma_start3A_311 = tpu.memref_squeeze %dma_start3A_310 : memref<1x64xf32, #tpu.memory_space<hbm>> -> memref<64xf32, #tpu.memory_space<hbm>>
          tpu.enqueue_dma source(%dma_start3A_311 : memref<64xf32, #tpu.memory_space<hbm>>) target(%dma_start3A_308 : memref<64xf32, #tpu.memory_space<vmem>>) target_semaphore(%arg10 : memref<!tpu.dma_semaphore, #tpu.memory_space<semaphore_mem>>)
          %slice3A_312 = vector.extract_strided_slice %get3A_105 {offsets = [13], sizes = [1], strides = [1]} : vector<16xi32> to vector<1xi32>
          %squeeze3A_313 = vector.extract %slice3A_312[0] : i32 from vector<1xi32>
          %add3A_314 = arith.constant 13 : i32
          %add3A_315 = arith.addi %mul3A_100, %add3A_314 : i32
          %dma_start3A_316 = arith.constant 0 : i32
          %dma_start3A_317 = tpu.memref_slice %arg6[%add3A_315, %dma_start3A_316] : memref<128x64xf32, #tpu.memory_space<vmem>> -> memref<1x64xf32, #tpu.memory_space<vmem>>
          %dma_start3A_318 = tpu.memref_squeeze %dma_start3A_317 : memref<1x64xf32, #tpu.memory_space<vmem>> -> memref<64xf32, #tpu.memory_space<vmem>>
          %dma_start3A_319 = arith.constant 0 : i32
          %dma_start3A_320 = tpu.memref_slice %arg3[%squeeze3A_313, %dma_start3A_319] : memref<1000000x64xf32, #tpu.memory_space<hbm>> -> memref<1x64xf32, #tpu.memory_space<hbm>>
          %dma_start3A_321 = tpu.memref_squeeze %dma_start3A_320 : memref<1x64xf32, #tpu.memory_space<hbm>> -> memref<64xf32, #tpu.memory_space<hbm>>
          %dma_start3A_322 = arith.constant 0 : i32
          %dma_start3A_323 = tpu.memref_slice %arg6[%add3A_315, %dma_start3A_322] : memref<128x64xf32, #tpu.memory_space<vmem>> -> memref<1x64xf32, #tpu.memory_space<vmem>>
          %dma_start3A_324 = tpu.memref_squeeze %dma_start3A_323 : memref<1x64xf32, #tpu.memory_space<vmem>> -> memref<64xf32, #tpu.memory_space<vmem>>
          %dma_start3A_325 = arith.constant 0 : i32
          %dma_start3A_326 = tpu.memref_slice %arg3[%squeeze3A_313, %dma_start3A_325] : memref<1000000x64xf32, #tpu.memory_space<hbm>> -> memref<1x64xf32, #tpu.memory_space<hbm>>
          %dma_start3A_327 = tpu.memref_squeeze %dma_start3A_326 : memref<1x64xf32, #tpu.memory_space<hbm>> -> memref<64xf32, #tpu.memory_space<hbm>>
          tpu.enqueue_dma source(%dma_start3A_327 : memref<64xf32, #tpu.memory_space<hbm>>) target(%dma_start3A_324 : memref<64xf32, #tpu.memory_space<vmem>>) target_semaphore(%arg10 : memref<!tpu.dma_semaphore, #tpu.memory_space<semaphore_mem>>)
          %slice3A_328 = vector.extract_strided_slice %get3A_105 {offsets = [14], sizes = [1], strides = [1]} : vector<16xi32> to vector<1xi32>
          %squeeze3A_329 = vector.extract %slice3A_328[0] : i32 from vector<1xi32>
          %add3A_330 = arith.constant 14 : i32
          %add3A_331 = arith.addi %mul3A_100, %add3A_330 : i32
          %dma_start3A_332 = arith.constant 0 : i32
          %dma_start3A_333 = tpu.memref_slice %arg6[%add3A_331, %dma_start3A_332] : memref<128x64xf32, #tpu.memory_space<vmem>> -> memref<1x64xf32, #tpu.memory_space<vmem>>
          %dma_start3A_334 = tpu.memref_squeeze %dma_start3A_333 : memref<1x64xf32, #tpu.memory_space<vmem>> -> memref<64xf32, #tpu.memory_space<vmem>>
          %dma_start3A_335 = arith.constant 0 : i32
          %dma_start3A_336 = tpu.memref_slice %arg3[%squeeze3A_329, %dma_start3A_335] : memref<1000000x64xf32, #tpu.memory_space<hbm>> -> memref<1x64xf32, #tpu.memory_space<hbm>>
          %dma_start3A_337 = tpu.memref_squeeze %dma_start3A_336 : memref<1x64xf32, #tpu.memory_space<hbm>> -> memref<64xf32, #tpu.memory_space<hbm>>
          %dma_start3A_338 = arith.constant 0 : i32
          %dma_start3A_339 = tpu.memref_slice %arg6[%add3A_331, %dma_start3A_338] : memref<128x64xf32, #tpu.memory_space<vmem>> -> memref<1x64xf32, #tpu.memory_space<vmem>>
          %dma_start3A_340 = tpu.memref_squeeze %dma_start3A_339 : memref<1x64xf32, #tpu.memory_space<vmem>> -> memref<64xf32, #tpu.memory_space<vmem>>
          %dma_start3A_341 = arith.constant 0 : i32
          %dma_start3A_342 = tpu.memref_slice %arg3[%squeeze3A_329, %dma_start3A_341] : memref<1000000x64xf32, #tpu.memory_space<hbm>> -> memref<1x64xf32, #tpu.memory_space<hbm>>
          %dma_start3A_343 = tpu.memref_squeeze %dma_start3A_342 : memref<1x64xf32, #tpu.memory_space<hbm>> -> memref<64xf32, #tpu.memory_space<hbm>>
          tpu.enqueue_dma source(%dma_start3A_343 : memref<64xf32, #tpu.memory_space<hbm>>) target(%dma_start3A_340 : memref<64xf32, #tpu.memory_space<vmem>>) target_semaphore(%arg10 : memref<!tpu.dma_semaphore, #tpu.memory_space<semaphore_mem>>)
          %slice3A_344 = vector.extract_strided_slice %get3A_105 {offsets = [15], sizes = [1], strides = [1]} : vector<16xi32> to vector<1xi32>
          %squeeze3A_345 = vector.extract %slice3A_344[0] : i32 from vector<1xi32>
          %add3A_346 = arith.constant 15 : i32
          %add3A_347 = arith.addi %mul3A_100, %add3A_346 : i32
          %dma_start3A_348 = arith.constant 0 : i32
          %dma_start3A_349 = tpu.memref_slice %arg6[%add3A_347, %dma_start3A_348] : memref<128x64xf32, #tpu.memory_space<vmem>> -> memref<1x64xf32, #tpu.memory_space<vmem>>
          %dma_start3A_350 = tpu.memref_squeeze %dma_start3A_349 : memref<1x64xf32, #tpu.memory_space<vmem>> -> memref<64xf32, #tpu.memory_space<vmem>>
          %dma_start3A_351 = arith.constant 0 : i32
          %dma_start3A_352 = tpu.memref_slice %arg3[%squeeze3A_345, %dma_start3A_351] : memref<1000000x64xf32, #tpu.memory_space<hbm>> -> memref<1x64xf32, #tpu.memory_space<hbm>>
          %dma_start3A_353 = tpu.memref_squeeze %dma_start3A_352 : memref<1x64xf32, #tpu.memory_space<hbm>> -> memref<64xf32, #tpu.memory_space<hbm>>
          %dma_start3A_354 = arith.constant 0 : i32
          %dma_start3A_355 = tpu.memref_slice %arg6[%add3A_347, %dma_start3A_354] : memref<128x64xf32, #tpu.memory_space<vmem>> -> memref<1x64xf32, #tpu.memory_space<vmem>>
          %dma_start3A_356 = tpu.memref_squeeze %dma_start3A_355 : memref<1x64xf32, #tpu.memory_space<vmem>> -> memref<64xf32, #tpu.memory_space<vmem>>
          %dma_start3A_357 = arith.constant 0 : i32
          %dma_start3A_358 = tpu.memref_slice %arg3[%squeeze3A_345, %dma_start3A_357] : memref<1000000x64xf32, #tpu.memory_space<hbm>> -> memref<1x64xf32, #tpu.memory_space<hbm>>
          %dma_start3A_359 = tpu.memref_squeeze %dma_start3A_358 : memref<1x64xf32, #tpu.memory_space<hbm>> -> memref<64xf32, #tpu.memory_space<hbm>>
          tpu.enqueue_dma source(%dma_start3A_359 : memref<64xf32, #tpu.memory_space<hbm>>) target(%dma_start3A_356 : memref<64xf32, #tpu.memory_space<vmem>>) target_semaphore(%arg10 : memref<!tpu.dma_semaphore, #tpu.memory_space<semaphore_mem>>)
          %scan3A_360 = arith.constant 0 : i32
          %scan3A_361 = arith.constant 1 : i32
          %scan3A_362 = arith.addi %scan3A_97, %scan3A_361 : i32
          %mul3A_363 = arith.constant 16 : i32
          %mul3A_364 = arith.muli %scan3A_362, %mul3A_363 : i32
          %mul3A_365 = arith.constant 128 : i32
          %mul3A_366 = arith.muli %add3A_89, %mul3A_365 : i32
          %add3A_367 = arith.addi %mul3A_366, %mul3A_364 : i32
          %get3A_368 = arith.index_cast %add3A_367 : i32 to index
          %get3A_369 = tpu.vector_load %arg5[%get3A_368] {strides = array<i32>} : memref<6400xi32, #tpu.memory_space<vmem>>, vector<16xi32>,
          %get3A_370 = vector.shape_cast %get3A_369 : vector<16xi32> to vector<16xi32>
          %slice3A_371 = vector.extract_strided_slice %get3A_370 {offsets = [0], sizes = [1], strides = [1]} : vector<16xi32> to vector<1xi32>
          %squeeze3A_372 = vector.extract %slice3A_371[0] : i32 from vector<1xi32>
          %add3A_373 = arith.constant 0 : i32
          %add3A_374 = arith.addi %mul3A_364, %add3A_373 : i32
          %dma_start3A_375 = arith.constant 0 : i32
          %dma_start3A_376 = tpu.memref_slice %arg6[%add3A_374, %dma_start3A_375] : memref<128x64xf32, #tpu.memory_space<vmem>> -> memref<1x64xf32, #tpu.memory_space<vmem>>
          %dma_start3A_377 = tpu.memref_squeeze %dma_start3A_376 : memref<1x64xf32, #tpu.memory_space<vmem>> -> memref<64xf32, #tpu.memory_space<vmem>>
          %dma_start3A_378 = arith.constant 0 : i32
          %dma_start3A_379 = tpu.memref_slice %arg3[%squeeze3A_372, %dma_start3A_378] : memref<1000000x64xf32, #tpu.memory_space<hbm>> -> memref<1x64xf32, #tpu.memory_space<hbm>>
          %dma_start3A_380 = tpu.memref_squeeze %dma_start3A_379 : memref<1x64xf32, #tpu.memory_space<hbm>> -> memref<64xf32, #tpu.memory_space<hbm>>
          %dma_start3A_381 = arith.constant 0 : i32
          %dma_start3A_382 = tpu.memref_slice %arg6[%add3A_374, %dma_start3A_381] : memref<128x64xf32, #tpu.memory_space<vmem>> -> memref<1x64xf32, #tpu.memory_space<vmem>>
          %dma_start3A_383 = tpu.memref_squeeze %dma_start3A_382 : memref<1x64xf32, #tpu.memory_space<vmem>> -> memref<64xf32, #tpu.memory_space<vmem>>
          %dma_start3A_384 = arith.constant 0 : i32
          %dma_start3A_385 = tpu.memref_slice %arg3[%squeeze3A_372, %dma_start3A_384] : memref<1000000x64xf32, #tpu.memory_space<hbm>> -> memref<1x64xf32, #tpu.memory_space<hbm>>
          %dma_start3A_386 = tpu.memref_squeeze %dma_start3A_385 : memref<1x64xf32, #tpu.memory_space<hbm>> -> memref<64xf32, #tpu.memory_space<hbm>>
          tpu.enqueue_dma source(%dma_start3A_386 : memref<64xf32, #tpu.memory_space<hbm>>) target(%dma_start3A_383 : memref<64xf32, #tpu.memory_space<vmem>>) target_semaphore(%arg10 : memref<!tpu.dma_semaphore, #tpu.memory_space<semaphore_mem>>)
          %slice3A_387 = vector.extract_strided_slice %get3A_370 {offsets = [1], sizes = [1], strides = [1]} : vector<16xi32> to vector<1xi32>
          %squeeze3A_388 = vector.extract %slice3A_387[0] : i32 from vector<1xi32>
          %add3A_389 = arith.constant 1 : i32
          %add3A_390 = arith.addi %mul3A_364, %add3A_389 : i32
          %dma_start3A_391 = arith.constant 0 : i32
          %dma_start3A_392 = tpu.memref_slice %arg6[%add3A_390, %dma_start3A_391] : memref<128x64xf32, #tpu.memory_space<vmem>> -> memref<1x64xf32, #tpu.memory_space<vmem>>
          %dma_start3A_393 = tpu.memref_squeeze %dma_start3A_392 : memref<1x64xf32, #tpu.memory_space<vmem>> -> memref<64xf32, #tpu.memory_space<vmem>>
          %dma_start3A_394 = arith.constant 0 : i32
          %dma_start3A_395 = tpu.memref_slice %arg3[%squeeze3A_388, %dma_start3A_394] : memref<1000000x64xf32, #tpu.memory_space<hbm>> -> memref<1x64xf32, #tpu.memory_space<hbm>>
          %dma_start3A_396 = tpu.memref_squeeze %dma_start3A_395 : memref<1x64xf32, #tpu.memory_space<hbm>> -> memref<64xf32, #tpu.memory_space<hbm>>
          %dma_start3A_397 = arith.constant 0 : i32
          %dma_start3A_398 = tpu.memref_slice %arg6[%add3A_390, %dma_start3A_397] : memref<128x64xf32, #tpu.memory_space<vmem>> -> memref<1x64xf32, #tpu.memory_space<vmem>>
          %dma_start3A_399 = tpu.memref_squeeze %dma_start3A_398 : memref<1x64xf32, #tpu.memory_space<vmem>> -> memref<64xf32, #tpu.memory_space<vmem>>
          %dma_start3A_400 = arith.constant 0 : i32
          %dma_start3A_401 = tpu.memref_slice %arg3[%squeeze3A_388, %dma_start3A_400] : memref<1000000x64xf32, #tpu.memory_space<hbm>> -> memref<1x64xf32, #tpu.memory_space<hbm>>
          %dma_start3A_402 = tpu.memref_squeeze %dma_start3A_401 : memref<1x64xf32, #tpu.memory_space<hbm>> -> memref<64xf32, #tpu.memory_space<hbm>>
          tpu.enqueue_dma source(%dma_start3A_402 : memref<64xf32, #tpu.memory_space<hbm>>) target(%dma_start3A_399 : memref<64xf32, #tpu.memory_space<vmem>>) target_semaphore(%arg10 : memref<!tpu.dma_semaphore, #tpu.memory_space<semaphore_mem>>)
          %slice3A_403 = vector.extract_strided_slice %get3A_370 {offsets = [2], sizes = [1], strides = [1]} : vector<16xi32> to vector<1xi32>
          %squeeze3A_404 = vector.extract %slice3A_403[0] : i32 from vector<1xi32>
          %add3A_405 = arith.constant 2 : i32
          %add3A_406 = arith.addi %mul3A_364, %add3A_405 : i32
          %dma_start3A_407 = arith.constant 0 : i32
          %dma_start3A_408 = tpu.memref_slice %arg6[%add3A_406, %dma_start3A_407] : memref<128x64xf32, #tpu.memory_space<vmem>> -> memref<1x64xf32, #tpu.memory_space<vmem>>
          %dma_start3A_409 = tpu.memref_squeeze %dma_start3A_408 : memref<1x64xf32, #tpu.memory_space<vmem>> -> memref<64xf32, #tpu.memory_space<vmem>>
          %dma_start3A_410 = arith.constant 0 : i32
          %dma_start3A_411 = tpu.memref_slice %arg3[%squeeze3A_404, %dma_start3A_410] : memref<1000000x64xf32, #tpu.memory_space<hbm>> -> memref<1x64xf32, #tpu.memory_space<hbm>>
          %dma_start3A_412 = tpu.memref_squeeze %dma_start3A_411 : memref<1x64xf32, #tpu.memory_space<hbm>> -> memref<64xf32, #tpu.memory_space<hbm>>
          %dma_start3A_413 = arith.constant 0 : i32
          %dma_start3A_414 = tpu.memref_slice %arg6[%add3A_406, %dma_start3A_413] : memref<128x64xf32, #tpu.memory_space<vmem>> -> memref<1x64xf32, #tpu.memory_space<vmem>>
          %dma_start3A_415 = tpu.memref_squeeze %dma_start3A_414 : memref<1x64xf32, #tpu.memory_space<vmem>> -> memref<64xf32, #tpu.memory_space<vmem>>
          %dma_start3A_416 = arith.constant 0 : i32
          %dma_start3A_417 = tpu.memref_slice %arg3[%squeeze3A_404, %dma_start3A_416] : memref<1000000x64xf32, #tpu.memory_space<hbm>> -> memref<1x64xf32, #tpu.memory_space<hbm>>
          %dma_start3A_418 = tpu.memref_squeeze %dma_start3A_417 : memref<1x64xf32, #tpu.memory_space<hbm>> -> memref<64xf32, #tpu.memory_space<hbm>>
          tpu.enqueue_dma source(%dma_start3A_418 : memref<64xf32, #tpu.memory_space<hbm>>) target(%dma_start3A_415 : memref<64xf32, #tpu.memory_space<vmem>>) target_semaphore(%arg10 : memref<!tpu.dma_semaphore, #tpu.memory_space<semaphore_mem>>)
          %slice3A_419 = vector.extract_strided_slice %get3A_370 {offsets = [3], sizes = [1], strides = [1]} : vector<16xi32> to vector<1xi32>
          %squeeze3A_420 = vector.extract %slice3A_419[0] : i32 from vector<1xi32>
          %add3A_421 = arith.constant 3 : i32
          %add3A_422 = arith.addi %mul3A_364, %add3A_421 : i32
          %dma_start3A_423 = arith.constant 0 : i32
          %dma_start3A_424 = tpu.memref_slice %arg6[%add3A_422, %dma_start3A_423] : memref<128x64xf32, #tpu.memory_space<vmem>> -> memref<1x64xf32, #tpu.memory_space<vmem>>
          %dma_start3A_425 = tpu.memref_squeeze %dma_start3A_424 : memref<1x64xf32, #tpu.memory_space<vmem>> -> memref<64xf32, #tpu.memory_space<vmem>>
          %dma_start3A_426 = arith.constant 0 : i32
          %dma_start3A_427 = tpu.memref_slice %arg3[%squeeze3A_420, %dma_start3A_426] : memref<1000000x64xf32, #tpu.memory_space<hbm>> -> memref<1x64xf32, #tpu.memory_space<hbm>>
          %dma_start3A_428 = tpu.memref_squeeze %dma_start3A_427 : memref<1x64xf32, #tpu.memory_space<hbm>> -> memref<64xf32, #tpu.memory_space<hbm>>
          %dma_start3A_429 = arith.constant 0 : i32
          %dma_start3A_430 = tpu.memref_slice %arg6[%add3A_422, %dma_start3A_429] : memref<128x64xf32, #tpu.memory_space<vmem>> -> memref<1x64xf32, #tpu.memory_space<vmem>>
          %dma_start3A_431 = tpu.memref_squeeze %dma_start3A_430 : memref<1x64xf32, #tpu.memory_space<vmem>> -> memref<64xf32, #tpu.memory_space<vmem>>
          %dma_start3A_432 = arith.constant 0 : i32
          %dma_start3A_433 = tpu.memref_slice %arg3[%squeeze3A_420, %dma_start3A_432] : memref<1000000x64xf32, #tpu.memory_space<hbm>> -> memref<1x64xf32, #tpu.memory_space<hbm>>
          %dma_start3A_434 = tpu.memref_squeeze %dma_start3A_433 : memref<1x64xf32, #tpu.memory_space<hbm>> -> memref<64xf32, #tpu.memory_space<hbm>>
          tpu.enqueue_dma source(%dma_start3A_434 : memref<64xf32, #tpu.memory_space<hbm>>) target(%dma_start3A_431 : memref<64xf32, #tpu.memory_space<vmem>>) target_semaphore(%arg10 : memref<!tpu.dma_semaphore, #tpu.memory_space<semaphore_mem>>)
          %slice3A_435 = vector.extract_strided_slice %get3A_370 {offsets = [4], sizes = [1], strides = [1]} : vector<16xi32> to vector<1xi32>
          %squeeze3A_436 = vector.extract %slice3A_435[0] : i32 from vector<1xi32>
          %add3A_437 = arith.constant 4 : i32
          %add3A_438 = arith.addi %mul3A_364, %add3A_437 : i32
          %dma_start3A_439 = arith.constant 0 : i32
          %dma_start3A_440 = tpu.memref_slice %arg6[%add3A_438, %dma_start3A_439] : memref<128x64xf32, #tpu.memory_space<vmem>> -> memref<1x64xf32, #tpu.memory_space<vmem>>
          %dma_start3A_441 = tpu.memref_squeeze %dma_start3A_440 : memref<1x64xf32, #tpu.memory_space<vmem>> -> memref<64xf32, #tpu.memory_space<vmem>>
          %dma_start3A_442 = arith.constant 0 : i32
          %dma_start3A_443 = tpu.memref_slice %arg3[%squeeze3A_436, %dma_start3A_442] : memref<1000000x64xf32, #tpu.memory_space<hbm>> -> memref<1x64xf32, #tpu.memory_space<hbm>>
          %dma_start3A_444 = tpu.memref_squeeze %dma_start3A_443 : memref<1x64xf32, #tpu.memory_space<hbm>> -> memref<64xf32, #tpu.memory_space<hbm>>
          %dma_start3A_445 = arith.constant 0 : i32
          %dma_start3A_446 = tpu.memref_slice %arg6[%add3A_438, %dma_start3A_445] : memref<128x64xf32, #tpu.memory_space<vmem>> -> memref<1x64xf32, #tpu.memory_space<vmem>>
          %dma_start3A_447 = tpu.memref_squeeze %dma_start3A_446 : memref<1x64xf32, #tpu.memory_space<vmem>> -> memref<64xf32, #tpu.memory_space<vmem>>
          %dma_start3A_448 = arith.constant 0 : i32
          %dma_start3A_449 = tpu.memref_slice %arg3[%squeeze3A_436, %dma_start3A_448] : memref<1000000x64xf32, #tpu.memory_space<hbm>> -> memref<1x64xf32, #tpu.memory_space<hbm>>
          %dma_start3A_450 = tpu.memref_squeeze %dma_start3A_449 : memref<1x64xf32, #tpu.memory_space<hbm>> -> memref<64xf32, #tpu.memory_space<hbm>>
          tpu.enqueue_dma source(%dma_start3A_450 : memref<64xf32, #tpu.memory_space<hbm>>) target(%dma_start3A_447 : memref<64xf32, #tpu.memory_space<vmem>>) target_semaphore(%arg10 : memref<!tpu.dma_semaphore, #tpu.memory_space<semaphore_mem>>)
          %slice3A_451 = vector.extract_strided_slice %get3A_370 {offsets = [5], sizes = [1], strides = [1]} : vector<16xi32> to vector<1xi32>
          %squeeze3A_452 = vector.extract %slice3A_451[0] : i32 from vector<1xi32>
          %add3A_453 = arith.constant 5 : i32
          %add3A_454 = arith.addi %mul3A_364, %add3A_453 : i32
          %dma_start3A_455 = arith.constant 0 : i32
          %dma_start3A_456 = tpu.memref_slice %arg6[%add3A_454, %dma_start3A_455] : memref<128x64xf32, #tpu.memory_space<vmem>> -> memref<1x64xf32, #tpu.memory_space<vmem>>
          %dma_start3A_457 = tpu.memref_squeeze %dma_start3A_456 : memref<1x64xf32, #tpu.memory_space<vmem>> -> memref<64xf32, #tpu.memory_space<vmem>>
          %dma_start3A_458 = arith.constant 0 : i32
          %dma_start3A_459 = tpu.memref_slice %arg3[%squeeze3A_452, %dma_start3A_458] : memref<1000000x64xf32, #tpu.memory_space<hbm>> -> memref<1x64xf32, #tpu.memory_space<hbm>>
          %dma_start3A_460 = tpu.memref_squeeze %dma_start3A_459 : memref<1x64xf32, #tpu.memory_space<hbm>> -> memref<64xf32, #tpu.memory_space<hbm>>
          %dma_start3A_461 = arith.constant 0 : i32
          %dma_start3A_462 = tpu.memref_slice %arg6[%add3A_454, %dma_start3A_461] : memref<128x64xf32, #tpu.memory_space<vmem>> -> memref<1x64xf32, #tpu.memory_space<vmem>>
          %dma_start3A_463 = tpu.memref_squeeze %dma_start3A_462 : memref<1x64xf32, #tpu.memory_space<vmem>> -> memref<64xf32, #tpu.memory_space<vmem>>
          %dma_start3A_464 = arith.constant 0 : i32
          %dma_start3A_465 = tpu.memref_slice %arg3[%squeeze3A_452, %dma_start3A_464] : memref<1000000x64xf32, #tpu.memory_space<hbm>> -> memref<1x64xf32, #tpu.memory_space<hbm>>
          %dma_start3A_466 = tpu.memref_squeeze %dma_start3A_465 : memref<1x64xf32, #tpu.memory_space<hbm>> -> memref<64xf32, #tpu.memory_space<hbm>>
          tpu.enqueue_dma source(%dma_start3A_466 : memref<64xf32, #tpu.memory_space<hbm>>) target(%dma_start3A_463 : memref<64xf32, #tpu.memory_space<vmem>>) target_semaphore(%arg10 : memref<!tpu.dma_semaphore, #tpu.memory_space<semaphore_mem>>)
          %slice3A_467 = vector.extract_strided_slice %get3A_370 {offsets = [6], sizes = [1], strides = [1]} : vector<16xi32> to vector<1xi32>
          %squeeze3A_468 = vector.extract %slice3A_467[0] : i32 from vector<1xi32>
          %add3A_469 = arith.constant 6 : i32
          %add3A_470 = arith.addi %mul3A_364, %add3A_469 : i32
          %dma_start3A_471 = arith.constant 0 : i32
          %dma_start3A_472 = tpu.memref_slice %arg6[%add3A_470, %dma_start3A_471] : memref<128x64xf32, #tpu.memory_space<vmem>> -> memref<1x64xf32, #tpu.memory_space<vmem>>
          %dma_start3A_473 = tpu.memref_squeeze %dma_start3A_472 : memref<1x64xf32, #tpu.memory_space<vmem>> -> memref<64xf32, #tpu.memory_space<vmem>>
          %dma_start3A_474 = arith.constant 0 : i32
          %dma_start3A_475 = tpu.memref_slice %arg3[%squeeze3A_468, %dma_start3A_474] : memref<1000000x64xf32, #tpu.memory_space<hbm>> -> memref<1x64xf32, #tpu.memory_space<hbm>>
          %dma_start3A_476 = tpu.memref_squeeze %dma_start3A_475 : memref<1x64xf32, #tpu.memory_space<hbm>> -> memref<64xf32, #tpu.memory_space<hbm>>
          %dma_start3A_477 = arith.constant 0 : i32
          %dma_start3A_478 = tpu.memref_slice %arg6[%add3A_470, %dma_start3A_477] : memref<128x64xf32, #tpu.memory_space<vmem>> -> memref<1x64xf32, #tpu.memory_space<vmem>>
          %dma_start3A_479 = tpu.memref_squeeze %dma_start3A_478 : memref<1x64xf32, #tpu.memory_space<vmem>> -> memref<64xf32, #tpu.memory_space<vmem>>
          %dma_start3A_480 = arith.constant 0 : i32
          %dma_start3A_481 = tpu.memref_slice %arg3[%squeeze3A_468, %dma_start3A_480] : memref<1000000x64xf32, #tpu.memory_space<hbm>> -> memref<1x64xf32, #tpu.memory_space<hbm>>
          %dma_start3A_482 = tpu.memref_squeeze %dma_start3A_481 : memref<1x64xf32, #tpu.memory_space<hbm>> -> memref<64xf32, #tpu.memory_space<hbm>>
          tpu.enqueue_dma source(%dma_start3A_482 : memref<64xf32, #tpu.memory_space<hbm>>) target(%dma_start3A_479 : memref<64xf32, #tpu.memory_space<vmem>>) target_semaphore(%arg10 : memref<!tpu.dma_semaphore, #tpu.memory_space<semaphore_mem>>)
          %slice3A_483 = vector.extract_strided_slice %get3A_370 {offsets = [7], sizes = [1], strides = [1]} : vector<16xi32> to vector<1xi32>
          %squeeze3A_484 = vector.extract %slice3A_483[0] : i32 from vector<1xi32>
          %add3A_485 = arith.constant 7 : i32
          %add3A_486 = arith.addi %mul3A_364, %add3A_485 : i32
          %dma_start3A_487 = arith.constant 0 : i32
          %dma_start3A_488 = tpu.memref_slice %arg6[%add3A_486, %dma_start3A_487] : memref<128x64xf32, #tpu.memory_space<vmem>> -> memref<1x64xf32, #tpu.memory_space<vmem>>
          %dma_start3A_489 = tpu.memref_squeeze %dma_start3A_488 : memref<1x64xf32, #tpu.memory_space<vmem>> -> memref<64xf32, #tpu.memory_space<vmem>>
          %dma_start3A_490 = arith.constant 0 : i32
          %dma_start3A_491 = tpu.memref_slice %arg3[%squeeze3A_484, %dma_start3A_490] : memref<1000000x64xf32, #tpu.memory_space<hbm>> -> memref<1x64xf32, #tpu.memory_space<hbm>>
          %dma_start3A_492 = tpu.memref_squeeze %dma_start3A_491 : memref<1x64xf32, #tpu.memory_space<hbm>> -> memref<64xf32, #tpu.memory_space<hbm>>
          %dma_start3A_493 = arith.constant 0 : i32
          %dma_start3A_494 = tpu.memref_slice %arg6[%add3A_486, %dma_start3A_493] : memref<128x64xf32, #tpu.memory_space<vmem>> -> memref<1x64xf32, #tpu.memory_space<vmem>>
          %dma_start3A_495 = tpu.memref_squeeze %dma_start3A_494 : memref<1x64xf32, #tpu.memory_space<vmem>> -> memref<64xf32, #tpu.memory_space<vmem>>
          %dma_start3A_496 = arith.constant 0 : i32
          %dma_start3A_497 = tpu.memref_slice %arg3[%squeeze3A_484, %dma_start3A_496] : memref<1000000x64xf32, #tpu.memory_space<hbm>> -> memref<1x64xf32, #tpu.memory_space<hbm>>
          %dma_start3A_498 = tpu.memref_squeeze %dma_start3A_497 : memref<1x64xf32, #tpu.memory_space<hbm>> -> memref<64xf32, #tpu.memory_space<hbm>>
          tpu.enqueue_dma source(%dma_start3A_498 : memref<64xf32, #tpu.memory_space<hbm>>) target(%dma_start3A_495 : memref<64xf32, #tpu.memory_space<vmem>>) target_semaphore(%arg10 : memref<!tpu.dma_semaphore, #tpu.memory_space<semaphore_mem>>)
          %slice3A_499 = vector.extract_strided_slice %get3A_370 {offsets = [8], sizes = [1], strides = [1]} : vector<16xi32> to vector<1xi32>
          %squeeze3A_500 = vector.extract %slice3A_499[0] : i32 from vector<1xi32>
          %add3A_501 = arith.constant 8 : i32
          %add3A_502 = arith.addi %mul3A_364, %add3A_501 : i32
          %dma_start3A_503 = arith.constant 0 : i32
          %dma_start3A_504 = tpu.memref_slice %arg6[%add3A_502, %dma_start3A_503] : memref<128x64xf32, #tpu.memory_space<vmem>> -> memref<1x64xf32, #tpu.memory_space<vmem>>
          %dma_start3A_505 = tpu.memref_squeeze %dma_start3A_504 : memref<1x64xf32, #tpu.memory_space<vmem>> -> memref<64xf32, #tpu.memory_space<vmem>>
          %dma_start3A_506 = arith.constant 0 : i32
          %dma_start3A_507 = tpu.memref_slice %arg3[%squeeze3A_500, %dma_start3A_506] : memref<1000000x64xf32, #tpu.memory_space<hbm>> -> memref<1x64xf32, #tpu.memory_space<hbm>>
          %dma_start3A_508 = tpu.memref_squeeze %dma_start3A_507 : memref<1x64xf32, #tpu.memory_space<hbm>> -> memref<64xf32, #tpu.memory_space<hbm>>
          %dma_start3A_509 = arith.constant 0 : i32
          %dma_start3A_510 = tpu.memref_slice %arg6[%add3A_502, %dma_start3A_509] : memref<128x64xf32, #tpu.memory_space<vmem>> -> memref<1x64xf32, #tpu.memory_space<vmem>>
          %dma_start3A_511 = tpu.memref_squeeze %dma_start3A_510 : memref<1x64xf32, #tpu.memory_space<vmem>> -> memref<64xf32, #tpu.memory_space<vmem>>
          %dma_start3A_512 = arith.constant 0 : i32
          %dma_start3A_513 = tpu.memref_slice %arg3[%squeeze3A_500, %dma_start3A_512] : memref<1000000x64xf32, #tpu.memory_space<hbm>> -> memref<1x64xf32, #tpu.memory_space<hbm>>
          %dma_start3A_514 = tpu.memref_squeeze %dma_start3A_513 : memref<1x64xf32, #tpu.memory_space<hbm>> -> memref<64xf32, #tpu.memory_space<hbm>>
          tpu.enqueue_dma source(%dma_start3A_514 : memref<64xf32, #tpu.memory_space<hbm>>) target(%dma_start3A_511 : memref<64xf32, #tpu.memory_space<vmem>>) target_semaphore(%arg10 : memref<!tpu.dma_semaphore, #tpu.memory_space<semaphore_mem>>)
          %slice3A_515 = vector.extract_strided_slice %get3A_370 {offsets = [9], sizes = [1], strides = [1]} : vector<16xi32> to vector<1xi32>
          %squeeze3A_516 = vector.extract %slice3A_515[0] : i32 from vector<1xi32>
          %add3A_517 = arith.constant 9 : i32
          %add3A_518 = arith.addi %mul3A_364, %add3A_517 : i32
          %dma_start3A_519 = arith.constant 0 : i32
          %dma_start3A_520 = tpu.memref_slice %arg6[%add3A_518, %dma_start3A_519] : memref<128x64xf32, #tpu.memory_space<vmem>> -> memref<1x64xf32, #tpu.memory_space<vmem>>
          %dma_start3A_521 = tpu.memref_squeeze %dma_start3A_520 : memref<1x64xf32, #tpu.memory_space<vmem>> -> memref<64xf32, #tpu.memory_space<vmem>>
          %dma_start3A_522 = arith.constant 0 : i32
          %dma_start3A_523 = tpu.memref_slice %arg3[%squeeze3A_516, %dma_start3A_522] : memref<1000000x64xf32, #tpu.memory_space<hbm>> -> memref<1x64xf32, #tpu.memory_space<hbm>>
          %dma_start3A_524 = tpu.memref_squeeze %dma_start3A_523 : memref<1x64xf32, #tpu.memory_space<hbm>> -> memref<64xf32, #tpu.memory_space<hbm>>
          %dma_start3A_525 = arith.constant 0 : i32
          %dma_start3A_526 = tpu.memref_slice %arg6[%add3A_518, %dma_start3A_525] : memref<128x64xf32, #tpu.memory_space<vmem>> -> memref<1x64xf32, #tpu.memory_space<vmem>>
          %dma_start3A_527 = tpu.memref_squeeze %dma_start3A_526 : memref<1x64xf32, #tpu.memory_space<vmem>> -> memref<64xf32, #tpu.memory_space<vmem>>
          %dma_start3A_528 = arith.constant 0 : i32
          %dma_start3A_529 = tpu.memref_slice %arg3[%squeeze3A_516, %dma_start3A_528] : memref<1000000x64xf32, #tpu.memory_space<hbm>> -> memref<1x64xf32, #tpu.memory_space<hbm>>
          %dma_start3A_530 = tpu.memref_squeeze %dma_start3A_529 : memref<1x64xf32, #tpu.memory_space<hbm>> -> memref<64xf32, #tpu.memory_space<hbm>>
          tpu.enqueue_dma source(%dma_start3A_530 : memref<64xf32, #tpu.memory_space<hbm>>) target(%dma_start3A_527 : memref<64xf32, #tpu.memory_space<vmem>>) target_semaphore(%arg10 : memref<!tpu.dma_semaphore, #tpu.memory_space<semaphore_mem>>)
          %slice3A_531 = vector.extract_strided_slice %get3A_370 {offsets = [10], sizes = [1], strides = [1]} : vector<16xi32> to vector<1xi32>
          %squeeze3A_532 = vector.extract %slice3A_531[0] : i32 from vector<1xi32>
          %add3A_533 = arith.constant 10 : i32
          %add3A_534 = arith.addi %mul3A_364, %add3A_533 : i32
          %dma_start3A_535 = arith.constant 0 : i32
          %dma_start3A_536 = tpu.memref_slice %arg6[%add3A_534, %dma_start3A_535] : memref<128x64xf32, #tpu.memory_space<vmem>> -> memref<1x64xf32, #tpu.memory_space<vmem>>
          %dma_start3A_537 = tpu.memref_squeeze %dma_start3A_536 : memref<1x64xf32, #tpu.memory_space<vmem>> -> memref<64xf32, #tpu.memory_space<vmem>>
          %dma_start3A_538 = arith.constant 0 : i32
          %dma_start3A_539 = tpu.memref_slice %arg3[%squeeze3A_532, %dma_start3A_538] : memref<1000000x64xf32, #tpu.memory_space<hbm>> -> memref<1x64xf32, #tpu.memory_space<hbm>>
          %dma_start3A_540 = tpu.memref_squeeze %dma_start3A_539 : memref<1x64xf32, #tpu.memory_space<hbm>> -> memref<64xf32, #tpu.memory_space<hbm>>
          %dma_start3A_541 = arith.constant 0 : i32
          %dma_start3A_542 = tpu.memref_slice %arg6[%add3A_534, %dma_start3A_541] : memref<128x64xf32, #tpu.memory_space<vmem>> -> memref<1x64xf32, #tpu.memory_space<vmem>>
          %dma_start3A_543 = tpu.memref_squeeze %dma_start3A_542 : memref<1x64xf32, #tpu.memory_space<vmem>> -> memref<64xf32, #tpu.memory_space<vmem>>
          %dma_start3A_544 = arith.constant 0 : i32
          %dma_start3A_545 = tpu.memref_slice %arg3[%squeeze3A_532, %dma_start3A_544] : memref<1000000x64xf32, #tpu.memory_space<hbm>> -> memref<1x64xf32, #tpu.memory_space<hbm>>
          %dma_start3A_546 = tpu.memref_squeeze %dma_start3A_545 : memref<1x64xf32, #tpu.memory_space<hbm>> -> memref<64xf32, #tpu.memory_space<hbm>>
          tpu.enqueue_dma source(%dma_start3A_546 : memref<64xf32, #tpu.memory_space<hbm>>) target(%dma_start3A_543 : memref<64xf32, #tpu.memory_space<vmem>>) target_semaphore(%arg10 : memref<!tpu.dma_semaphore, #tpu.memory_space<semaphore_mem>>)
          %slice3A_547 = vector.extract_strided_slice %get3A_370 {offsets = [11], sizes = [1], strides = [1]} : vector<16xi32> to vector<1xi32>
          %squeeze3A_548 = vector.extract %slice3A_547[0] : i32 from vector<1xi32>
          %add3A_549 = arith.constant 11 : i32
          %add3A_550 = arith.addi %mul3A_364, %add3A_549 : i32
          %dma_start3A_551 = arith.constant 0 : i32
          %dma_start3A_552 = tpu.memref_slice %arg6[%add3A_550, %dma_start3A_551] : memref<128x64xf32, #tpu.memory_space<vmem>> -> memref<1x64xf32, #tpu.memory_space<vmem>>
          %dma_start3A_553 = tpu.memref_squeeze %dma_start3A_552 : memref<1x64xf32, #tpu.memory_space<vmem>> -> memref<64xf32, #tpu.memory_space<vmem>>
          %dma_start3A_554 = arith.constant 0 : i32
          %dma_start3A_555 = tpu.memref_slice %arg3[%squeeze3A_548, %dma_start3A_554] : memref<1000000x64xf32, #tpu.memory_space<hbm>> -> memref<1x64xf32, #tpu.memory_space<hbm>>
          %dma_start3A_556 = tpu.memref_squeeze %dma_start3A_555 : memref<1x64xf32, #tpu.memory_space<hbm>> -> memref<64xf32, #tpu.memory_space<hbm>>
          %dma_start3A_557 = arith.constant 0 : i32
          %dma_start3A_558 = tpu.memref_slice %arg6[%add3A_550, %dma_start3A_557] : memref<128x64xf32, #tpu.memory_space<vmem>> -> memref<1x64xf32, #tpu.memory_space<vmem>>
          %dma_start3A_559 = tpu.memref_squeeze %dma_start3A_558 : memref<1x64xf32, #tpu.memory_space<vmem>> -> memref<64xf32, #tpu.memory_space<vmem>>
          %dma_start3A_560 = arith.constant 0 : i32
          %dma_start3A_561 = tpu.memref_slice %arg3[%squeeze3A_548, %dma_start3A_560] : memref<1000000x64xf32, #tpu.memory_space<hbm>> -> memref<1x64xf32, #tpu.memory_space<hbm>>
          %dma_start3A_562 = tpu.memref_squeeze %dma_start3A_561 : memref<1x64xf32, #tpu.memory_space<hbm>> -> memref<64xf32, #tpu.memory_space<hbm>>
          tpu.enqueue_dma source(%dma_start3A_562 : memref<64xf32, #tpu.memory_space<hbm>>) target(%dma_start3A_559 : memref<64xf32, #tpu.memory_space<vmem>>) target_semaphore(%arg10 : memref<!tpu.dma_semaphore, #tpu.memory_space<semaphore_mem>>)
          %slice3A_563 = vector.extract_strided_slice %get3A_370 {offsets = [12], sizes = [1], strides = [1]} : vector<16xi32> to vector<1xi32>
          %squeeze3A_564 = vector.extract %slice3A_563[0] : i32 from vector<1xi32>
          %add3A_565 = arith.constant 12 : i32
          %add3A_566 = arith.addi %mul3A_364, %add3A_565 : i32
          %dma_start3A_567 = arith.constant 0 : i32
          %dma_start3A_568 = tpu.memref_slice %arg6[%add3A_566, %dma_start3A_567] : memref<128x64xf32, #tpu.memory_space<vmem>> -> memref<1x64xf32, #tpu.memory_space<vmem>>
          %dma_start3A_569 = tpu.memref_squeeze %dma_start3A_568 : memref<1x64xf32, #tpu.memory_space<vmem>> -> memref<64xf32, #tpu.memory_space<vmem>>
          %dma_start3A_570 = arith.constant 0 : i32
          %dma_start3A_571 = tpu.memref_slice %arg3[%squeeze3A_564, %dma_start3A_570] : memref<1000000x64xf32, #tpu.memory_space<hbm>> -> memref<1x64xf32, #tpu.memory_space<hbm>>
          %dma_start3A_572 = tpu.memref_squeeze %dma_start3A_571 : memref<1x64xf32, #tpu.memory_space<hbm>> -> memref<64xf32, #tpu.memory_space<hbm>>
          %dma_start3A_573 = arith.constant 0 : i32
          %dma_start3A_574 = tpu.memref_slice %arg6[%add3A_566, %dma_start3A_573] : memref<128x64xf32, #tpu.memory_space<vmem>> -> memref<1x64xf32, #tpu.memory_space<vmem>>
          %dma_start3A_575 = tpu.memref_squeeze %dma_start3A_574 : memref<1x64xf32, #tpu.memory_space<vmem>> -> memref<64xf32, #tpu.memory_space<vmem>>
          %dma_start3A_576 = arith.constant 0 : i32
          %dma_start3A_577 = tpu.memref_slice %arg3[%squeeze3A_564, %dma_start3A_576] : memref<1000000x64xf32, #tpu.memory_space<hbm>> -> memref<1x64xf32, #tpu.memory_space<hbm>>
          %dma_start3A_578 = tpu.memref_squeeze %dma_start3A_577 : memref<1x64xf32, #tpu.memory_space<hbm>> -> memref<64xf32, #tpu.memory_space<hbm>>
          tpu.enqueue_dma source(%dma_start3A_578 : memref<64xf32, #tpu.memory_space<hbm>>) target(%dma_start3A_575 : memref<64xf32, #tpu.memory_space<vmem>>) target_semaphore(%arg10 : memref<!tpu.dma_semaphore, #tpu.memory_space<semaphore_mem>>)
          %slice3A_579 = vector.extract_strided_slice %get3A_370 {offsets = [13], sizes = [1], strides = [1]} : vector<16xi32> to vector<1xi32>
          %squeeze3A_580 = vector.extract %slice3A_579[0] : i32 from vector<1xi32>
          %add3A_581 = arith.constant 13 : i32
          %add3A_582 = arith.addi %mul3A_364, %add3A_581 : i32
          %dma_start3A_583 = arith.constant 0 : i32
          %dma_start3A_584 = tpu.memref_slice %arg6[%add3A_582, %dma_start3A_583] : memref<128x64xf32, #tpu.memory_space<vmem>> -> memref<1x64xf32, #tpu.memory_space<vmem>>
          %dma_start3A_585 = tpu.memref_squeeze %dma_start3A_584 : memref<1x64xf32, #tpu.memory_space<vmem>> -> memref<64xf32, #tpu.memory_space<vmem>>
          %dma_start3A_586 = arith.constant 0 : i32
          %dma_start3A_587 = tpu.memref_slice %arg3[%squeeze3A_580, %dma_start3A_586] : memref<1000000x64xf32, #tpu.memory_space<hbm>> -> memref<1x64xf32, #tpu.memory_space<hbm>>
          %dma_start3A_588 = tpu.memref_squeeze %dma_start3A_587 : memref<1x64xf32, #tpu.memory_space<hbm>> -> memref<64xf32, #tpu.memory_space<hbm>>
          %dma_start3A_589 = arith.constant 0 : i32
          %dma_start3A_590 = tpu.memref_slice %arg6[%add3A_582, %dma_start3A_589] : memref<128x64xf32, #tpu.memory_space<vmem>> -> memref<1x64xf32, #tpu.memory_space<vmem>>
          %dma_start3A_591 = tpu.memref_squeeze %dma_start3A_590 : memref<1x64xf32, #tpu.memory_space<vmem>> -> memref<64xf32, #tpu.memory_space<vmem>>
          %dma_start3A_592 = arith.constant 0 : i32
          %dma_start3A_593 = tpu.memref_slice %arg3[%squeeze3A_580, %dma_start3A_592] : memref<1000000x64xf32, #tpu.memory_space<hbm>> -> memref<1x64xf32, #tpu.memory_space<hbm>>
          %dma_start3A_594 = tpu.memref_squeeze %dma_start3A_593 : memref<1x64xf32, #tpu.memory_space<hbm>> -> memref<64xf32, #tpu.memory_space<hbm>>
          tpu.enqueue_dma source(%dma_start3A_594 : memref<64xf32, #tpu.memory_space<hbm>>) target(%dma_start3A_591 : memref<64xf32, #tpu.memory_space<vmem>>) target_semaphore(%arg10 : memref<!tpu.dma_semaphore, #tpu.memory_space<semaphore_mem>>)
          %slice3A_595 = vector.extract_strided_slice %get3A_370 {offsets = [14], sizes = [1], strides = [1]} : vector<16xi32> to vector<1xi32>
          %squeeze3A_596 = vector.extract %slice3A_595[0] : i32 from vector<1xi32>
          %add3A_597 = arith.constant 14 : i32
          %add3A_598 = arith.addi %mul3A_364, %add3A_597 : i32
          %dma_start3A_599 = arith.constant 0 : i32
          %dma_start3A_600 = tpu.memref_slice %arg6[%add3A_598, %dma_start3A_599] : memref<128x64xf32, #tpu.memory_space<vmem>> -> memref<1x64xf32, #tpu.memory_space<vmem>>
          %dma_start3A_601 = tpu.memref_squeeze %dma_start3A_600 : memref<1x64xf32, #tpu.memory_space<vmem>> -> memref<64xf32, #tpu.memory_space<vmem>>
          %dma_start3A_602 = arith.constant 0 : i32
          %dma_start3A_603 = tpu.memref_slice %arg3[%squeeze3A_596, %dma_start3A_602] : memref<1000000x64xf32, #tpu.memory_space<hbm>> -> memref<1x64xf32, #tpu.memory_space<hbm>>
          %dma_start3A_604 = tpu.memref_squeeze %dma_start3A_603 : memref<1x64xf32, #tpu.memory_space<hbm>> -> memref<64xf32, #tpu.memory_space<hbm>>
          %dma_start3A_605 = arith.constant 0 : i32
          %dma_start3A_606 = tpu.memref_slice %arg6[%add3A_598, %dma_start3A_605] : memref<128x64xf32, #tpu.memory_space<vmem>> -> memref<1x64xf32, #tpu.memory_space<vmem>>
          %dma_start3A_607 = tpu.memref_squeeze %dma_start3A_606 : memref<1x64xf32, #tpu.memory_space<vmem>> -> memref<64xf32, #tpu.memory_space<vmem>>
          %dma_start3A_608 = arith.constant 0 : i32
          %dma_start3A_609 = tpu.memref_slice %arg3[%squeeze3A_596, %dma_start3A_608] : memref<1000000x64xf32, #tpu.memory_space<hbm>> -> memref<1x64xf32, #tpu.memory_space<hbm>>
          %dma_start3A_610 = tpu.memref_squeeze %dma_start3A_609 : memref<1x64xf32, #tpu.memory_space<hbm>> -> memref<64xf32, #tpu.memory_space<hbm>>
          tpu.enqueue_dma source(%dma_start3A_610 : memref<64xf32, #tpu.memory_space<hbm>>) target(%dma_start3A_607 : memref<64xf32, #tpu.memory_space<vmem>>) target_semaphore(%arg10 : memref<!tpu.dma_semaphore, #tpu.memory_space<semaphore_mem>>)
          %slice3A_611 = vector.extract_strided_slice %get3A_370 {offsets = [15], sizes = [1], strides = [1]} : vector<16xi32> to vector<1xi32>
          %squeeze3A_612 = vector.extract %slice3A_611[0] : i32 from vector<1xi32>
          %add3A_613 = arith.constant 15 : i32
          %add3A_614 = arith.addi %mul3A_364, %add3A_613 : i32
          %dma_start3A_615 = arith.constant 0 : i32
          %dma_start3A_616 = tpu.memref_slice %arg6[%add3A_614, %dma_start3A_615] : memref<128x64xf32, #tpu.memory_space<vmem>> -> memref<1x64xf32, #tpu.memory_space<vmem>>
          %dma_start3A_617 = tpu.memref_squeeze %dma_start3A_616 : memref<1x64xf32, #tpu.memory_space<vmem>> -> memref<64xf32, #tpu.memory_space<vmem>>
          %dma_start3A_618 = arith.constant 0 : i32
          %dma_start3A_619 = tpu.memref_slice %arg3[%squeeze3A_612, %dma_start3A_618] : memref<1000000x64xf32, #tpu.memory_space<hbm>> -> memref<1x64xf32, #tpu.memory_space<hbm>>
          %dma_start3A_620 = tpu.memref_squeeze %dma_start3A_619 : memref<1x64xf32, #tpu.memory_space<hbm>> -> memref<64xf32, #tpu.memory_space<hbm>>
          %dma_start3A_621 = arith.constant 0 : i32
          %dma_start3A_622 = tpu.memref_slice %arg6[%add3A_614, %dma_start3A_621] : memref<128x64xf32, #tpu.memory_space<vmem>> -> memref<1x64xf32, #tpu.memory_space<vmem>>
          %dma_start3A_623 = tpu.memref_squeeze %dma_start3A_622 : memref<1x64xf32, #tpu.memory_space<vmem>> -> memref<64xf32, #tpu.memory_space<vmem>>
          %dma_start3A_624 = arith.constant 0 : i32
          %dma_start3A_625 = tpu.memref_slice %arg3[%squeeze3A_612, %dma_start3A_624] : memref<1000000x64xf32, #tpu.memory_space<hbm>> -> memref<1x64xf32, #tpu.memory_space<hbm>>
          %dma_start3A_626 = tpu.memref_squeeze %dma_start3A_625 : memref<1x64xf32, #tpu.memory_space<hbm>> -> memref<64xf32, #tpu.memory_space<hbm>>
          tpu.enqueue_dma source(%dma_start3A_626 : memref<64xf32, #tpu.memory_space<hbm>>) target(%dma_start3A_623 : memref<64xf32, #tpu.memory_space<vmem>>) target_semaphore(%arg10 : memref<!tpu.dma_semaphore, #tpu.memory_space<semaphore_mem>>)
          %scan3A_627 = arith.constant 0 : i32
          %scan3A_628 = arith.constant 2 : i32
          %scan3A_629 = arith.addi %scan3A_97, %scan3A_628 : i32
          %mul3A_630 = arith.constant 16 : i32
          %mul3A_631 = arith.muli %scan3A_629, %mul3A_630 : i32
          %mul3A_632 = arith.constant 128 : i32
          %mul3A_633 = arith.muli %add3A_89, %mul3A_632 : i32
          %add3A_634 = arith.addi %mul3A_633, %mul3A_631 : i32
          %get3A_635 = arith.index_cast %add3A_634 : i32 to index
          %get3A_636 = tpu.vector_load %arg5[%get3A_635] {strides = array<i32>} : memref<6400xi32, #tpu.memory_space<vmem>>, vector<16xi32>,
          %get3A_637 = vector.shape_cast %get3A_636 : vector<16xi32> to vector<16xi32>
          %slice3A_638 = vector.extract_strided_slice %get3A_637 {offsets = [0], sizes = [1], strides = [1]} : vector<16xi32> to vector<1xi32>
          %squeeze3A_639 = vector.extract %slice3A_638[0] : i32 from vector<1xi32>
          %add3A_640 = arith.constant 0 : i32
          %add3A_641 = arith.addi %mul3A_631, %add3A_640 : i32
          %dma_start3A_642 = arith.constant 0 : i32
          %dma_start3A_643 = tpu.memref_slice %arg6[%add3A_641, %dma_start3A_642] : memref<128x64xf32, #tpu.memory_space<vmem>> -> memref<1x64xf32, #tpu.memory_space<vmem>>
          %dma_start3A_644 = tpu.memref_squeeze %dma_start3A_643 : memref<1x64xf32, #tpu.memory_space<vmem>> -> memref<64xf32, #tpu.memory_space<vmem>>
          %dma_start3A_645 = arith.constant 0 : i32
          %dma_start3A_646 = tpu.memref_slice %arg3[%squeeze3A_639, %dma_start3A_645] : memref<1000000x64xf32, #tpu.memory_space<hbm>> -> memref<1x64xf32, #tpu.memory_space<hbm>>
          %dma_start3A_647 = tpu.memref_squeeze %dma_start3A_646 : memref<1x64xf32, #tpu.memory_space<hbm>> -> memref<64xf32, #tpu.memory_space<hbm>>
          %dma_start3A_648 = arith.constant 0 : i32
          %dma_start3A_649 = tpu.memref_slice %arg6[%add3A_641, %dma_start3A_648] : memref<128x64xf32, #tpu.memory_space<vmem>> -> memref<1x64xf32, #tpu.memory_space<vmem>>
          %dma_start3A_650 = tpu.memref_squeeze %dma_start3A_649 : memref<1x64xf32, #tpu.memory_space<vmem>> -> memref<64xf32, #tpu.memory_space<vmem>>
          %dma_start3A_651 = arith.constant 0 : i32
          %dma_start3A_652 = tpu.memref_slice %arg3[%squeeze3A_639, %dma_start3A_651] : memref<1000000x64xf32, #tpu.memory_space<hbm>> -> memref<1x64xf32, #tpu.memory_space<hbm>>
          %dma_start3A_653 = tpu.memref_squeeze %dma_start3A_652 : memref<1x64xf32, #tpu.memory_space<hbm>> -> memref<64xf32, #tpu.memory_space<hbm>>
          tpu.enqueue_dma source(%dma_start3A_653 : memref<64xf32, #tpu.memory_space<hbm>>) target(%dma_start3A_650 : memref<64xf32, #tpu.memory_space<vmem>>) target_semaphore(%arg10 : memref<!tpu.dma_semaphore, #tpu.memory_space<semaphore_mem>>)
          %slice3A_654 = vector.extract_strided_slice %get3A_637 {offsets = [1], sizes = [1], strides = [1]} : vector<16xi32> to vector<1xi32>
          %squeeze3A_655 = vector.extract %slice3A_654[0] : i32 from vector<1xi32>
          %add3A_656 = arith.constant 1 : i32
          %add3A_657 = arith.addi %mul3A_631, %add3A_656 : i32
          %dma_start3A_658 = arith.constant 0 : i32
          %dma_start3A_659 = tpu.memref_slice %arg6[%add3A_657, %dma_start3A_658] : memref<128x64xf32, #tpu.memory_space<vmem>> -> memref<1x64xf32, #tpu.memory_space<vmem>>
          %dma_start3A_660 = tpu.memref_squeeze %dma_start3A_659 : memref<1x64xf32, #tpu.memory_space<vmem>> -> memref<64xf32, #tpu.memory_space<vmem>>
          %dma_start3A_661 = arith.constant 0 : i32
          %dma_start3A_662 = tpu.memref_slice %arg3[%squeeze3A_655, %dma_start3A_661] : memref<1000000x64xf32, #tpu.memory_space<hbm>> -> memref<1x64xf32, #tpu.memory_space<hbm>>
          %dma_start3A_663 = tpu.memref_squeeze %dma_start3A_662 : memref<1x64xf32, #tpu.memory_space<hbm>> -> memref<64xf32, #tpu.memory_space<hbm>>
          %dma_start3A_664 = arith.constant 0 : i32
          %dma_start3A_665 = tpu.memref_slice %arg6[%add3A_657, %dma_start3A_664] : memref<128x64xf32, #tpu.memory_space<vmem>> -> memref<1x64xf32, #tpu.memory_space<vmem>>
          %dma_start3A_666 = tpu.memref_squeeze %dma_start3A_665 : memref<1x64xf32, #tpu.memory_space<vmem>> -> memref<64xf32, #tpu.memory_space<vmem>>
          %dma_start3A_667 = arith.constant 0 : i32
          %dma_start3A_668 = tpu.memref_slice %arg3[%squeeze3A_655, %dma_start3A_667] : memref<1000000x64xf32, #tpu.memory_space<hbm>> -> memref<1x64xf32, #tpu.memory_space<hbm>>
          %dma_start3A_669 = tpu.memref_squeeze %dma_start3A_668 : memref<1x64xf32, #tpu.memory_space<hbm>> -> memref<64xf32, #tpu.memory_space<hbm>>
          tpu.enqueue_dma source(%dma_start3A_669 : memref<64xf32, #tpu.memory_space<hbm>>) target(%dma_start3A_666 : memref<64xf32, #tpu.memory_space<vmem>>) target_semaphore(%arg10 : memref<!tpu.dma_semaphore, #tpu.memory_space<semaphore_mem>>)
          %slice3A_670 = vector.extract_strided_slice %get3A_637 {offsets = [2], sizes = [1], strides = [1]} : vector<16xi32> to vector<1xi32>
          %squeeze3A_671 = vector.extract %slice3A_670[0] : i32 from vector<1xi32>
          %add3A_672 = arith.constant 2 : i32
          %add3A_673 = arith.addi %mul3A_631, %add3A_672 : i32
          %dma_start3A_674 = arith.constant 0 : i32
          %dma_start3A_675 = tpu.memref_slice %arg6[%add3A_673, %dma_start3A_674] : memref<128x64xf32, #tpu.memory_space<vmem>> -> memref<1x64xf32, #tpu.memory_space<vmem>>
          %dma_start3A_676 = tpu.memref_squeeze %dma_start3A_675 : memref<1x64xf32, #tpu.memory_space<vmem>> -> memref<64xf32, #tpu.memory_space<vmem>>
          %dma_start3A_677 = arith.constant 0 : i32
          %dma_start3A_678 = tpu.memref_slice %arg3[%squeeze3A_671, %dma_start3A_677] : memref<1000000x64xf32, #tpu.memory_space<hbm>> -> memref<1x64xf32, #tpu.memory_space<hbm>>
          %dma_start3A_679 = tpu.memref_squeeze %dma_start3A_678 : memref<1x64xf32, #tpu.memory_space<hbm>> -> memref<64xf32, #tpu.memory_space<hbm>>
          %dma_start3A_680 = arith.constant 0 : i32
          %dma_start3A_681 = tpu.memref_slice %arg6[%add3A_673, %dma_start3A_680] : memref<128x64xf32, #tpu.memory_space<vmem>> -> memref<1x64xf32, #tpu.memory_space<vmem>>
          %dma_start3A_682 = tpu.memref_squeeze %dma_start3A_681 : memref<1x64xf32, #tpu.memory_space<vmem>> -> memref<64xf32, #tpu.memory_space<vmem>>
          %dma_start3A_683 = arith.constant 0 : i32
          %dma_start3A_684 = tpu.memref_slice %arg3[%squeeze3A_671, %dma_start3A_683] : memref<1000000x64xf32, #tpu.memory_space<hbm>> -> memref<1x64xf32, #tpu.memory_space<hbm>>
          %dma_start3A_685 = tpu.memref_squeeze %dma_start3A_684 : memref<1x64xf32, #tpu.memory_space<hbm>> -> memref<64xf32, #tpu.memory_space<hbm>>
          tpu.enqueue_dma source(%dma_start3A_685 : memref<64xf32, #tpu.memory_space<hbm>>) target(%dma_start3A_682 : memref<64xf32, #tpu.memory_space<vmem>>) target_semaphore(%arg10 : memref<!tpu.dma_semaphore, #tpu.memory_space<semaphore_mem>>)
          %slice3A_686 = vector.extract_strided_slice %get3A_637 {offsets = [3], sizes = [1], strides = [1]} : vector<16xi32> to vector<1xi32>
          %squeeze3A_687 = vector.extract %slice3A_686[0] : i32 from vector<1xi32>
          %add3A_688 = arith.constant 3 : i32
          %add3A_689 = arith.addi %mul3A_631, %add3A_688 : i32
          %dma_start3A_690 = arith.constant 0 : i32
          %dma_start3A_691 = tpu.memref_slice %arg6[%add3A_689, %dma_start3A_690] : memref<128x64xf32, #tpu.memory_space<vmem>> -> memref<1x64xf32, #tpu.memory_space<vmem>>
          %dma_start3A_692 = tpu.memref_squeeze %dma_start3A_691 : memref<1x64xf32, #tpu.memory_space<vmem>> -> memref<64xf32, #tpu.memory_space<vmem>>
          %dma_start3A_693 = arith.constant 0 : i32
          %dma_start3A_694 = tpu.memref_slice %arg3[%squeeze3A_687, %dma_start3A_693] : memref<1000000x64xf32, #tpu.memory_space<hbm>> -> memref<1x64xf32, #tpu.memory_space<hbm>>
          %dma_start3A_695 = tpu.memref_squeeze %dma_start3A_694 : memref<1x64xf32, #tpu.memory_space<hbm>> -> memref<64xf32, #tpu.memory_space<hbm>>
          %dma_start3A_696 = arith.constant 0 : i32
          %dma_start3A_697 = tpu.memref_slice %arg6[%add3A_689, %dma_start3A_696] : memref<128x64xf32, #tpu.memory_space<vmem>> -> memref<1x64xf32, #tpu.memory_space<vmem>>
          %dma_start3A_698 = tpu.memref_squeeze %dma_start3A_697 : memref<1x64xf32, #tpu.memory_space<vmem>> -> memref<64xf32, #tpu.memory_space<vmem>>
          %dma_start3A_699 = arith.constant 0 : i32
          %dma_start3A_700 = tpu.memref_slice %arg3[%squeeze3A_687, %dma_start3A_699] : memref<1000000x64xf32, #tpu.memory_space<hbm>> -> memref<1x64xf32, #tpu.memory_space<hbm>>
          %dma_start3A_701 = tpu.memref_squeeze %dma_start3A_700 : memref<1x64xf32, #tpu.memory_space<hbm>> -> memref<64xf32, #tpu.memory_space<hbm>>
          tpu.enqueue_dma source(%dma_start3A_701 : memref<64xf32, #tpu.memory_space<hbm>>) target(%dma_start3A_698 : memref<64xf32, #tpu.memory_space<vmem>>) target_semaphore(%arg10 : memref<!tpu.dma_semaphore, #tpu.memory_space<semaphore_mem>>)
          %slice3A_702 = vector.extract_strided_slice %get3A_637 {offsets = [4], sizes = [1], strides = [1]} : vector<16xi32> to vector<1xi32>
          %squeeze3A_703 = vector.extract %slice3A_702[0] : i32 from vector<1xi32>
          %add3A_704 = arith.constant 4 : i32
          %add3A_705 = arith.addi %mul3A_631, %add3A_704 : i32
          %dma_start3A_706 = arith.constant 0 : i32
          %dma_start3A_707 = tpu.memref_slice %arg6[%add3A_705, %dma_start3A_706] : memref<128x64xf32, #tpu.memory_space<vmem>> -> memref<1x64xf32, #tpu.memory_space<vmem>>
          %dma_start3A_708 = tpu.memref_squeeze %dma_start3A_707 : memref<1x64xf32, #tpu.memory_space<vmem>> -> memref<64xf32, #tpu.memory_space<vmem>>
          %dma_start3A_709 = arith.constant 0 : i32
          %dma_start3A_710 = tpu.memref_slice %arg3[%squeeze3A_703, %dma_start3A_709] : memref<1000000x64xf32, #tpu.memory_space<hbm>> -> memref<1x64xf32, #tpu.memory_space<hbm>>
          %dma_start3A_711 = tpu.memref_squeeze %dma_start3A_710 : memref<1x64xf32, #tpu.memory_space<hbm>> -> memref<64xf32, #tpu.memory_space<hbm>>
          %dma_start3A_712 = arith.constant 0 : i32
          %dma_start3A_713 = tpu.memref_slice %arg6[%add3A_705, %dma_start3A_712] : memref<128x64xf32, #tpu.memory_space<vmem>> -> memref<1x64xf32, #tpu.memory_space<vmem>>
          %dma_start3A_714 = tpu.memref_squeeze %dma_start3A_713 : memref<1x64xf32, #tpu.memory_space<vmem>> -> memref<64xf32, #tpu.memory_space<vmem>>
          %dma_start3A_715 = arith.constant 0 : i32
          %dma_start3A_716 = tpu.memref_slice %arg3[%squeeze3A_703, %dma_start3A_715] : memref<1000000x64xf32, #tpu.memory_space<hbm>> -> memref<1x64xf32, #tpu.memory_space<hbm>>
          %dma_start3A_717 = tpu.memref_squeeze %dma_start3A_716 : memref<1x64xf32, #tpu.memory_space<hbm>> -> memref<64xf32, #tpu.memory_space<hbm>>
          tpu.enqueue_dma source(%dma_start3A_717 : memref<64xf32, #tpu.memory_space<hbm>>) target(%dma_start3A_714 : memref<64xf32, #tpu.memory_space<vmem>>) target_semaphore(%arg10 : memref<!tpu.dma_semaphore, #tpu.memory_space<semaphore_mem>>)
          %slice3A_718 = vector.extract_strided_slice %get3A_637 {offsets = [5], sizes = [1], strides = [1]} : vector<16xi32> to vector<1xi32>
          %squeeze3A_719 = vector.extract %slice3A_718[0] : i32 from vector<1xi32>
          %add3A_720 = arith.constant 5 : i32
          %add3A_721 = arith.addi %mul3A_631, %add3A_720 : i32
          %dma_start3A_722 = arith.constant 0 : i32
          %dma_start3A_723 = tpu.memref_slice %arg6[%add3A_721, %dma_start3A_722] : memref<128x64xf32, #tpu.memory_space<vmem>> -> memref<1x64xf32, #tpu.memory_space<vmem>>
          %dma_start3A_724 = tpu.memref_squeeze %dma_start3A_723 : memref<1x64xf32, #tpu.memory_space<vmem>> -> memref<64xf32, #tpu.memory_space<vmem>>
          %dma_start3A_725 = arith.constant 0 : i32
          %dma_start3A_726 = tpu.memref_slice %arg3[%squeeze3A_719, %dma_start3A_725] : memref<1000000x64xf32, #tpu.memory_space<hbm>> -> memref<1x64xf32, #tpu.memory_space<hbm>>
          %dma_start3A_727 = tpu.memref_squeeze %dma_start3A_726 : memref<1x64xf32, #tpu.memory_space<hbm>> -> memref<64xf32, #tpu.memory_space<hbm>>
          %dma_start3A_728 = arith.constant 0 : i32
          %dma_start3A_729 = tpu.memref_slice %arg6[%add3A_721, %dma_start3A_728] : memref<128x64xf32, #tpu.memory_space<vmem>> -> memref<1x64xf32, #tpu.memory_space<vmem>>
          %dma_start3A_730 = tpu.memref_squeeze %dma_start3A_729 : memref<1x64xf32, #tpu.memory_space<vmem>> -> memref<64xf32, #tpu.memory_space<vmem>>
          %dma_start3A_731 = arith.constant 0 : i32
          %dma_start3A_732 = tpu.memref_slice %arg3[%squeeze3A_719, %dma_start3A_731] : memref<1000000x64xf32, #tpu.memory_space<hbm>> -> memref<1x64xf32, #tpu.memory_space<hbm>>
          %dma_start3A_733 = tpu.memref_squeeze %dma_start3A_732 : memref<1x64xf32, #tpu.memory_space<hbm>> -> memref<64xf32, #tpu.memory_space<hbm>>
          tpu.enqueue_dma source(%dma_start3A_733 : memref<64xf32, #tpu.memory_space<hbm>>) target(%dma_start3A_730 : memref<64xf32, #tpu.memory_space<vmem>>) target_semaphore(%arg10 : memref<!tpu.dma_semaphore, #tpu.memory_space<semaphore_mem>>)
          %slice3A_734 = vector.extract_strided_slice %get3A_637 {offsets = [6], sizes = [1], strides = [1]} : vector<16xi32> to vector<1xi32>
          %squeeze3A_735 = vector.extract %slice3A_734[0] : i32 from vector<1xi32>
          %add3A_736 = arith.constant 6 : i32
          %add3A_737 = arith.addi %mul3A_631, %add3A_736 : i32
          %dma_start3A_738 = arith.constant 0 : i32
          %dma_start3A_739 = tpu.memref_slice %arg6[%add3A_737, %dma_start3A_738] : memref<128x64xf32, #tpu.memory_space<vmem>> -> memref<1x64xf32, #tpu.memory_space<vmem>>
          %dma_start3A_740 = tpu.memref_squeeze %dma_start3A_739 : memref<1x64xf32, #tpu.memory_space<vmem>> -> memref<64xf32, #tpu.memory_space<vmem>>
          %dma_start3A_741 = arith.constant 0 : i32
          %dma_start3A_742 = tpu.memref_slice %arg3[%squeeze3A_735, %dma_start3A_741] : memref<1000000x64xf32, #tpu.memory_space<hbm>> -> memref<1x64xf32, #tpu.memory_space<hbm>>
          %dma_start3A_743 = tpu.memref_squeeze %dma_start3A_742 : memref<1x64xf32, #tpu.memory_space<hbm>> -> memref<64xf32, #tpu.memory_space<hbm>>
          %dma_start3A_744 = arith.constant 0 : i32
          %dma_start3A_745 = tpu.memref_slice %arg6[%add3A_737, %dma_start3A_744] : memref<128x64xf32, #tpu.memory_space<vmem>> -> memref<1x64xf32, #tpu.memory_space<vmem>>
          %dma_start3A_746 = tpu.memref_squeeze %dma_start3A_745 : memref<1x64xf32, #tpu.memory_space<vmem>> -> memref<64xf32, #tpu.memory_space<vmem>>
          %dma_start3A_747 = arith.constant 0 : i32
          %dma_start3A_748 = tpu.memref_slice %arg3[%squeeze3A_735, %dma_start3A_747] : memref<1000000x64xf32, #tpu.memory_space<hbm>> -> memref<1x64xf32, #tpu.memory_space<hbm>>
          %dma_start3A_749 = tpu.memref_squeeze %dma_start3A_748 : memref<1x64xf32, #tpu.memory_space<hbm>> -> memref<64xf32, #tpu.memory_space<hbm>>
          tpu.enqueue_dma source(%dma_start3A_749 : memref<64xf32, #tpu.memory_space<hbm>>) target(%dma_start3A_746 : memref<64xf32, #tpu.memory_space<vmem>>) target_semaphore(%arg10 : memref<!tpu.dma_semaphore, #tpu.memory_space<semaphore_mem>>)
          %slice3A_750 = vector.extract_strided_slice %get3A_637 {offsets = [7], sizes = [1], strides = [1]} : vector<16xi32> to vector<1xi32>
          %squeeze3A_751 = vector.extract %slice3A_750[0] : i32 from vector<1xi32>
          %add3A_752 = arith.constant 7 : i32
          %add3A_753 = arith.addi %mul3A_631, %add3A_752 : i32
          %dma_start3A_754 = arith.constant 0 : i32
          %dma_start3A_755 = tpu.memref_slice %arg6[%add3A_753, %dma_start3A_754] : memref<128x64xf32, #tpu.memory_space<vmem>> -> memref<1x64xf32, #tpu.memory_space<vmem>>
          %dma_start3A_756 = tpu.memref_squeeze %dma_start3A_755 : memref<1x64xf32, #tpu.memory_space<vmem>> -> memref<64xf32, #tpu.memory_space<vmem>>
          %dma_start3A_757 = arith.constant 0 : i32
          %dma_start3A_758 = tpu.memref_slice %arg3[%squeeze3A_751, %dma_start3A_757] : memref<1000000x64xf32, #tpu.memory_space<hbm>> -> memref<1x64xf32, #tpu.memory_space<hbm>>
          %dma_start3A_759 = tpu.memref_squeeze %dma_start3A_758 : memref<1x64xf32, #tpu.memory_space<hbm>> -> memref<64xf32, #tpu.memory_space<hbm>>
          %dma_start3A_760 = arith.constant 0 : i32
          %dma_start3A_761 = tpu.memref_slice %arg6[%add3A_753, %dma_start3A_760] : memref<128x64xf32, #tpu.memory_space<vmem>> -> memref<1x64xf32, #tpu.memory_space<vmem>>
          %dma_start3A_762 = tpu.memref_squeeze %dma_start3A_761 : memref<1x64xf32, #tpu.memory_space<vmem>> -> memref<64xf32, #tpu.memory_space<vmem>>
          %dma_start3A_763 = arith.constant 0 : i32
          %dma_start3A_764 = tpu.memref_slice %arg3[%squeeze3A_751, %dma_start3A_763] : memref<1000000x64xf32, #tpu.memory_space<hbm>> -> memref<1x64xf32, #tpu.memory_space<hbm>>
          %dma_start3A_765 = tpu.memref_squeeze %dma_start3A_764 : memref<1x64xf32, #tpu.memory_space<hbm>> -> memref<64xf32, #tpu.memory_space<hbm>>
          tpu.enqueue_dma source(%dma_start3A_765 : memref<64xf32, #tpu.memory_space<hbm>>) target(%dma_start3A_762 : memref<64xf32, #tpu.memory_space<vmem>>) target_semaphore(%arg10 : memref<!tpu.dma_semaphore, #tpu.memory_space<semaphore_mem>>)
          %slice3A_766 = vector.extract_strided_slice %get3A_637 {offsets = [8], sizes = [1], strides = [1]} : vector<16xi32> to vector<1xi32>
          %squeeze3A_767 = vector.extract %slice3A_766[0] : i32 from vector<1xi32>
          %add3A_768 = arith.constant 8 : i32
          %add3A_769 = arith.addi %mul3A_631, %add3A_768 : i32
          %dma_start3A_770 = arith.constant 0 : i32
          %dma_start3A_771 = tpu.memref_slice %arg6[%add3A_769, %dma_start3A_770] : memref<128x64xf32, #tpu.memory_space<vmem>> -> memref<1x64xf32, #tpu.memory_space<vmem>>
          %dma_start3A_772 = tpu.memref_squeeze %dma_start3A_771 : memref<1x64xf32, #tpu.memory_space<vmem>> -> memref<64xf32, #tpu.memory_space<vmem>>
          %dma_start3A_773 = arith.constant 0 : i32
          %dma_start3A_774 = tpu.memref_slice %arg3[%squeeze3A_767, %dma_start3A_773] : memref<1000000x64xf32, #tpu.memory_space<hbm>> -> memref<1x64xf32, #tpu.memory_space<hbm>>
          %dma_start3A_775 = tpu.memref_squeeze %dma_start3A_774 : memref<1x64xf32, #tpu.memory_space<hbm>> -> memref<64xf32, #tpu.memory_space<hbm>>
          %dma_start3A_776 = arith.constant 0 : i32
          %dma_start3A_777 = tpu.memref_slice %arg6[%add3A_769, %dma_start3A_776] : memref<128x64xf32, #tpu.memory_space<vmem>> -> memref<1x64xf32, #tpu.memory_space<vmem>>
          %dma_start3A_778 = tpu.memref_squeeze %dma_start3A_777 : memref<1x64xf32, #tpu.memory_space<vmem>> -> memref<64xf32, #tpu.memory_space<vmem>>
          %dma_start3A_779 = arith.constant 0 : i32
          %dma_start3A_780 = tpu.memref_slice %arg3[%squeeze3A_767, %dma_start3A_779] : memref<1000000x64xf32, #tpu.memory_space<hbm>> -> memref<1x64xf32, #tpu.memory_space<hbm>>
          %dma_start3A_781 = tpu.memref_squeeze %dma_start3A_780 : memref<1x64xf32, #tpu.memory_space<hbm>> -> memref<64xf32, #tpu.memory_space<hbm>>
          tpu.enqueue_dma source(%dma_start3A_781 : memref<64xf32, #tpu.memory_space<hbm>>) target(%dma_start3A_778 : memref<64xf32, #tpu.memory_space<vmem>>) target_semaphore(%arg10 : memref<!tpu.dma_semaphore, #tpu.memory_space<semaphore_mem>>)
          %slice3A_782 = vector.extract_strided_slice %get3A_637 {offsets = [9], sizes = [1], strides = [1]} : vector<16xi32> to vector<1xi32>
          %squeeze3A_783 = vector.extract %slice3A_782[0] : i32 from vector<1xi32>
          %add3A_784 = arith.constant 9 : i32
          %add3A_785 = arith.addi %mul3A_631, %add3A_784 : i32
          %dma_start3A_786 = arith.constant 0 : i32
          %dma_start3A_787 = tpu.memref_slice %arg6[%add3A_785, %dma_start3A_786] : memref<128x64xf32, #tpu.memory_space<vmem>> -> memref<1x64xf32, #tpu.memory_space<vmem>>
          %dma_start3A_788 = tpu.memref_squeeze %dma_start3A_787 : memref<1x64xf32, #tpu.memory_space<vmem>> -> memref<64xf32, #tpu.memory_space<vmem>>
          %dma_start3A_789 = arith.constant 0 : i32
          %dma_start3A_790 = tpu.memref_slice %arg3[%squeeze3A_783, %dma_start3A_789] : memref<1000000x64xf32, #tpu.memory_space<hbm>> -> memref<1x64xf32, #tpu.memory_space<hbm>>
          %dma_start3A_791 = tpu.memref_squeeze %dma_start3A_790 : memref<1x64xf32, #tpu.memory_space<hbm>> -> memref<64xf32, #tpu.memory_space<hbm>>
          %dma_start3A_792 = arith.constant 0 : i32
          %dma_start3A_793 = tpu.memref_slice %arg6[%add3A_785, %dma_start3A_792] : memref<128x64xf32, #tpu.memory_space<vmem>> -> memref<1x64xf32, #tpu.memory_space<vmem>>
          %dma_start3A_794 = tpu.memref_squeeze %dma_start3A_793 : memref<1x64xf32, #tpu.memory_space<vmem>> -> memref<64xf32, #tpu.memory_space<vmem>>
          %dma_start3A_795 = arith.constant 0 : i32
          %dma_start3A_796 = tpu.memref_slice %arg3[%squeeze3A_783, %dma_start3A_795] : memref<1000000x64xf32, #tpu.memory_space<hbm>> -> memref<1x64xf32, #tpu.memory_space<hbm>>
          %dma_start3A_797 = tpu.memref_squeeze %dma_start3A_796 : memref<1x64xf32, #tpu.memory_space<hbm>> -> memref<64xf32, #tpu.memory_space<hbm>>
          tpu.enqueue_dma source(%dma_start3A_797 : memref<64xf32, #tpu.memory_space<hbm>>) target(%dma_start3A_794 : memref<64xf32, #tpu.memory_space<vmem>>) target_semaphore(%arg10 : memref<!tpu.dma_semaphore, #tpu.memory_space<semaphore_mem>>)
          %slice3A_798 = vector.extract_strided_slice %get3A_637 {offsets = [10], sizes = [1], strides = [1]} : vector<16xi32> to vector<1xi32>
          %squeeze3A_799 = vector.extract %slice3A_798[0] : i32 from vector<1xi32>
          %add3A_800 = arith.constant 10 : i32
          %add3A_801 = arith.addi %mul3A_631, %add3A_800 : i32
          %dma_start3A_802 = arith.constant 0 : i32
          %dma_start3A_803 = tpu.memref_slice %arg6[%add3A_801, %dma_start3A_802] : memref<128x64xf32, #tpu.memory_space<vmem>> -> memref<1x64xf32, #tpu.memory_space<vmem>>
          %dma_start3A_804 = tpu.memref_squeeze %dma_start3A_803 : memref<1x64xf32, #tpu.memory_space<vmem>> -> memref<64xf32, #tpu.memory_space<vmem>>
          %dma_start3A_805 = arith.constant 0 : i32
          %dma_start3A_806 = tpu.memref_slice %arg3[%squeeze3A_799, %dma_start3A_805] : memref<1000000x64xf32, #tpu.memory_space<hbm>> -> memref<1x64xf32, #tpu.memory_space<hbm>>
          %dma_start3A_807 = tpu.memref_squeeze %dma_start3A_806 : memref<1x64xf32, #tpu.memory_space<hbm>> -> memref<64xf32, #tpu.memory_space<hbm>>
          %dma_start3A_808 = arith.constant 0 : i32
          %dma_start3A_809 = tpu.memref_slice %arg6[%add3A_801, %dma_start3A_808] : memref<128x64xf32, #tpu.memory_space<vmem>> -> memref<1x64xf32, #tpu.memory_space<vmem>>
          %dma_start3A_810 = tpu.memref_squeeze %dma_start3A_809 : memref<1x64xf32, #tpu.memory_space<vmem>> -> memref<64xf32, #tpu.memory_space<vmem>>
          %dma_start3A_811 = arith.constant 0 : i32
          %dma_start3A_812 = tpu.memref_slice %arg3[%squeeze3A_799, %dma_start3A_811] : memref<1000000x64xf32, #tpu.memory_space<hbm>> -> memref<1x64xf32, #tpu.memory_space<hbm>>
          %dma_start3A_813 = tpu.memref_squeeze %dma_start3A_812 : memref<1x64xf32, #tpu.memory_space<hbm>> -> memref<64xf32, #tpu.memory_space<hbm>>
          tpu.enqueue_dma source(%dma_start3A_813 : memref<64xf32, #tpu.memory_space<hbm>>) target(%dma_start3A_810 : memref<64xf32, #tpu.memory_space<vmem>>) target_semaphore(%arg10 : memref<!tpu.dma_semaphore, #tpu.memory_space<semaphore_mem>>)
          %slice3A_814 = vector.extract_strided_slice %get3A_637 {offsets = [11], sizes = [1], strides = [1]} : vector<16xi32> to vector<1xi32>
          %squeeze3A_815 = vector.extract %slice3A_814[0] : i32 from vector<1xi32>
          %add3A_816 = arith.constant 11 : i32
          %add3A_817 = arith.addi %mul3A_631, %add3A_816 : i32
          %dma_start3A_818 = arith.constant 0 : i32
          %dma_start3A_819 = tpu.memref_slice %arg6[%add3A_817, %dma_start3A_818] : memref<128x64xf32, #tpu.memory_space<vmem>> -> memref<1x64xf32, #tpu.memory_space<vmem>>
          %dma_start3A_820 = tpu.memref_squeeze %dma_start3A_819 : memref<1x64xf32, #tpu.memory_space<vmem>> -> memref<64xf32, #tpu.memory_space<vmem>>
          %dma_start3A_821 = arith.constant 0 : i32
          %dma_start3A_822 = tpu.memref_slice %arg3[%squeeze3A_815, %dma_start3A_821] : memref<1000000x64xf32, #tpu.memory_space<hbm>> -> memref<1x64xf32, #tpu.memory_space<hbm>>
          %dma_start3A_823 = tpu.memref_squeeze %dma_start3A_822 : memref<1x64xf32, #tpu.memory_space<hbm>> -> memref<64xf32, #tpu.memory_space<hbm>>
          %dma_start3A_824 = arith.constant 0 : i32
          %dma_start3A_825 = tpu.memref_slice %arg6[%add3A_817, %dma_start3A_824] : memref<128x64xf32, #tpu.memory_space<vmem>> -> memref<1x64xf32, #tpu.memory_space<vmem>>
          %dma_start3A_826 = tpu.memref_squeeze %dma_start3A_825 : memref<1x64xf32, #tpu.memory_space<vmem>> -> memref<64xf32, #tpu.memory_space<vmem>>
          %dma_start3A_827 = arith.constant 0 : i32
          %dma_start3A_828 = tpu.memref_slice %arg3[%squeeze3A_815, %dma_start3A_827] : memref<1000000x64xf32, #tpu.memory_space<hbm>> -> memref<1x64xf32, #tpu.memory_space<hbm>>
          %dma_start3A_829 = tpu.memref_squeeze %dma_start3A_828 : memref<1x64xf32, #tpu.memory_space<hbm>> -> memref<64xf32, #tpu.memory_space<hbm>>
          tpu.enqueue_dma source(%dma_start3A_829 : memref<64xf32, #tpu.memory_space<hbm>>) target(%dma_start3A_826 : memref<64xf32, #tpu.memory_space<vmem>>) target_semaphore(%arg10 : memref<!tpu.dma_semaphore, #tpu.memory_space<semaphore_mem>>)
          %slice3A_830 = vector.extract_strided_slice %get3A_637 {offsets = [12], sizes = [1], strides = [1]} : vector<16xi32> to vector<1xi32>
          %squeeze3A_831 = vector.extract %slice3A_830[0] : i32 from vector<1xi32>
          %add3A_832 = arith.constant 12 : i32
          %add3A_833 = arith.addi %mul3A_631, %add3A_832 : i32
          %dma_start3A_834 = arith.constant 0 : i32
          %dma_start3A_835 = tpu.memref_slice %arg6[%add3A_833, %dma_start3A_834] : memref<128x64xf32, #tpu.memory_space<vmem>> -> memref<1x64xf32, #tpu.memory_space<vmem>>
          %dma_start3A_836 = tpu.memref_squeeze %dma_start3A_835 : memref<1x64xf32, #tpu.memory_space<vmem>> -> memref<64xf32, #tpu.memory_space<vmem>>
          %dma_start3A_837 = arith.constant 0 : i32
          %dma_start3A_838 = tpu.memref_slice %arg3[%squeeze3A_831, %dma_start3A_837] : memref<1000000x64xf32, #tpu.memory_space<hbm>> -> memref<1x64xf32, #tpu.memory_space<hbm>>
          %dma_start3A_839 = tpu.memref_squeeze %dma_start3A_838 : memref<1x64xf32, #tpu.memory_space<hbm>> -> memref<64xf32, #tpu.memory_space<hbm>>
          %dma_start3A_840 = arith.constant 0 : i32
          %dma_start3A_841 = tpu.memref_slice %arg6[%add3A_833, %dma_start3A_840] : memref<128x64xf32, #tpu.memory_space<vmem>> -> memref<1x64xf32, #tpu.memory_space<vmem>>
          %dma_start3A_842 = tpu.memref_squeeze %dma_start3A_841 : memref<1x64xf32, #tpu.memory_space<vmem>> -> memref<64xf32, #tpu.memory_space<vmem>>
          %dma_start3A_843 = arith.constant 0 : i32
          %dma_start3A_844 = tpu.memref_slice %arg3[%squeeze3A_831, %dma_start3A_843] : memref<1000000x64xf32, #tpu.memory_space<hbm>> -> memref<1x64xf32, #tpu.memory_space<hbm>>
          %dma_start3A_845 = tpu.memref_squeeze %dma_start3A_844 : memref<1x64xf32, #tpu.memory_space<hbm>> -> memref<64xf32, #tpu.memory_space<hbm>>
          tpu.enqueue_dma source(%dma_start3A_845 : memref<64xf32, #tpu.memory_space<hbm>>) target(%dma_start3A_842 : memref<64xf32, #tpu.memory_space<vmem>>) target_semaphore(%arg10 : memref<!tpu.dma_semaphore, #tpu.memory_space<semaphore_mem>>)
          %slice3A_846 = vector.extract_strided_slice %get3A_637 {offsets = [13], sizes = [1], strides = [1]} : vector<16xi32> to vector<1xi32>
          %squeeze3A_847 = vector.extract %slice3A_846[0] : i32 from vector<1xi32>
          %add3A_848 = arith.constant 13 : i32
          %add3A_849 = arith.addi %mul3A_631, %add3A_848 : i32
          %dma_start3A_850 = arith.constant 0 : i32
          %dma_start3A_851 = tpu.memref_slice %arg6[%add3A_849, %dma_start3A_850] : memref<128x64xf32, #tpu.memory_space<vmem>> -> memref<1x64xf32, #tpu.memory_space<vmem>>
          %dma_start3A_852 = tpu.memref_squeeze %dma_start3A_851 : memref<1x64xf32, #tpu.memory_space<vmem>> -> memref<64xf32, #tpu.memory_space<vmem>>
          %dma_start3A_853 = arith.constant 0 : i32
          %dma_start3A_854 = tpu.memref_slice %arg3[%squeeze3A_847, %dma_start3A_853] : memref<1000000x64xf32, #tpu.memory_space<hbm>> -> memref<1x64xf32, #tpu.memory_space<hbm>>
          %dma_start3A_855 = tpu.memref_squeeze %dma_start3A_854 : memref<1x64xf32, #tpu.memory_space<hbm>> -> memref<64xf32, #tpu.memory_space<hbm>>
          %dma_start3A_856 = arith.constant 0 : i32
          %dma_start3A_857 = tpu.memref_slice %arg6[%add3A_849, %dma_start3A_856] : memref<128x64xf32, #tpu.memory_space<vmem>> -> memref<1x64xf32, #tpu.memory_space<vmem>>
          %dma_start3A_858 = tpu.memref_squeeze %dma_start3A_857 : memref<1x64xf32, #tpu.memory_space<vmem>> -> memref<64xf32, #tpu.memory_space<vmem>>
          %dma_start3A_859 = arith.constant 0 : i32
          %dma_start3A_860 = tpu.memref_slice %arg3[%squeeze3A_847, %dma_start3A_859] : memref<1000000x64xf32, #tpu.memory_space<hbm>> -> memref<1x64xf32, #tpu.memory_space<hbm>>
          %dma_start3A_861 = tpu.memref_squeeze %dma_start3A_860 : memref<1x64xf32, #tpu.memory_space<hbm>> -> memref<64xf32, #tpu.memory_space<hbm>>
          tpu.enqueue_dma source(%dma_start3A_861 : memref<64xf32, #tpu.memory_space<hbm>>) target(%dma_start3A_858 : memref<64xf32, #tpu.memory_space<vmem>>) target_semaphore(%arg10 : memref<!tpu.dma_semaphore, #tpu.memory_space<semaphore_mem>>)
          %slice3A_862 = vector.extract_strided_slice %get3A_637 {offsets = [14], sizes = [1], strides = [1]} : vector<16xi32> to vector<1xi32>
          %squeeze3A_863 = vector.extract %slice3A_862[0] : i32 from vector<1xi32>
          %add3A_864 = arith.constant 14 : i32
          %add3A_865 = arith.addi %mul3A_631, %add3A_864 : i32
          %dma_start3A_866 = arith.constant 0 : i32
          %dma_start3A_867 = tpu.memref_slice %arg6[%add3A_865, %dma_start3A_866] : memref<128x64xf32, #tpu.memory_space<vmem>> -> memref<1x64xf32, #tpu.memory_space<vmem>>
          %dma_start3A_868 = tpu.memref_squeeze %dma_start3A_867 : memref<1x64xf32, #tpu.memory_space<vmem>> -> memref<64xf32, #tpu.memory_space<vmem>>
          %dma_start3A_869 = arith.constant 0 : i32
          %dma_start3A_870 = tpu.memref_slice %arg3[%squeeze3A_863, %dma_start3A_869] : memref<1000000x64xf32, #tpu.memory_space<hbm>> -> memref<1x64xf32, #tpu.memory_space<hbm>>
          %dma_start3A_871 = tpu.memref_squeeze %dma_start3A_870 : memref<1x64xf32, #tpu.memory_space<hbm>> -> memref<64xf32, #tpu.memory_space<hbm>>
          %dma_start3A_872 = arith.constant 0 : i32
          %dma_start3A_873 = tpu.memref_slice %arg6[%add3A_865, %dma_start3A_872] : memref<128x64xf32, #tpu.memory_space<vmem>> -> memref<1x64xf32, #tpu.memory_space<vmem>>
          %dma_start3A_874 = tpu.memref_squeeze %dma_start3A_873 : memref<1x64xf32, #tpu.memory_space<vmem>> -> memref<64xf32, #tpu.memory_space<vmem>>
          %dma_start3A_875 = arith.constant 0 : i32
          %dma_start3A_876 = tpu.memref_slice %arg3[%squeeze3A_863, %dma_start3A_875] : memref<1000000x64xf32, #tpu.memory_space<hbm>> -> memref<1x64xf32, #tpu.memory_space<hbm>>
          %dma_start3A_877 = tpu.memref_squeeze %dma_start3A_876 : memref<1x64xf32, #tpu.memory_space<hbm>> -> memref<64xf32, #tpu.memory_space<hbm>>
          tpu.enqueue_dma source(%dma_start3A_877 : memref<64xf32, #tpu.memory_space<hbm>>) target(%dma_start3A_874 : memref<64xf32, #tpu.memory_space<vmem>>) target_semaphore(%arg10 : memref<!tpu.dma_semaphore, #tpu.memory_space<semaphore_mem>>)
          %slice3A_878 = vector.extract_strided_slice %get3A_637 {offsets = [15], sizes = [1], strides = [1]} : vector<16xi32> to vector<1xi32>
          %squeeze3A_879 = vector.extract %slice3A_878[0] : i32 from vector<1xi32>
          %add3A_880 = arith.constant 15 : i32
          %add3A_881 = arith.addi %mul3A_631, %add3A_880 : i32
          %dma_start3A_882 = arith.constant 0 : i32
          %dma_start3A_883 = tpu.memref_slice %arg6[%add3A_881, %dma_start3A_882] : memref<128x64xf32, #tpu.memory_space<vmem>> -> memref<1x64xf32, #tpu.memory_space<vmem>>
          %dma_start3A_884 = tpu.memref_squeeze %dma_start3A_883 : memref<1x64xf32, #tpu.memory_space<vmem>> -> memref<64xf32, #tpu.memory_space<vmem>>
          %dma_start3A_885 = arith.constant 0 : i32
          %dma_start3A_886 = tpu.memref_slice %arg3[%squeeze3A_879, %dma_start3A_885] : memref<1000000x64xf32, #tpu.memory_space<hbm>> -> memref<1x64xf32, #tpu.memory_space<hbm>>
          %dma_start3A_887 = tpu.memref_squeeze %dma_start3A_886 : memref<1x64xf32, #tpu.memory_space<hbm>> -> memref<64xf32, #tpu.memory_space<hbm>>
          %dma_start3A_888 = arith.constant 0 : i32
          %dma_start3A_889 = tpu.memref_slice %arg6[%add3A_881, %dma_start3A_888] : memref<128x64xf32, #tpu.memory_space<vmem>> -> memref<1x64xf32, #tpu.memory_space<vmem>>
          %dma_start3A_890 = tpu.memref_squeeze %dma_start3A_889 : memref<1x64xf32, #tpu.memory_space<vmem>> -> memref<64xf32, #tpu.memory_space<vmem>>
          %dma_start3A_891 = arith.constant 0 : i32
          %dma_start3A_892 = tpu.memref_slice %arg3[%squeeze3A_879, %dma_start3A_891] : memref<1000000x64xf32, #tpu.memory_space<hbm>> -> memref<1x64xf32, #tpu.memory_space<hbm>>
          %dma_start3A_893 = tpu.memref_squeeze %dma_start3A_892 : memref<1x64xf32, #tpu.memory_space<hbm>> -> memref<64xf32, #tpu.memory_space<hbm>>
          tpu.enqueue_dma source(%dma_start3A_893 : memref<64xf32, #tpu.memory_space<hbm>>) target(%dma_start3A_890 : memref<64xf32, #tpu.memory_space<vmem>>) target_semaphore(%arg10 : memref<!tpu.dma_semaphore, #tpu.memory_space<semaphore_mem>>)
          %scan3A_894 = arith.constant 0 : i32
          %scan3A_895 = arith.constant 3 : i32
          %scan3A_896 = arith.addi %scan3A_97, %scan3A_895 : i32
          %mul3A_897 = arith.constant 16 : i32
          %mul3A_898 = arith.muli %scan3A_896, %mul3A_897 : i32
          %mul3A_899 = arith.constant 128 : i32
          %mul3A_900 = arith.muli %add3A_89, %mul3A_899 : i32
          %add3A_901 = arith.addi %mul3A_900, %mul3A_898 : i32
          %get3A_902 = arith.index_cast %add3A_901 : i32 to index
          %get3A_903 = tpu.vector_load %arg5[%get3A_902] {strides = array<i32>} : memref<6400xi32, #tpu.memory_space<vmem>>, vector<16xi32>,
          %get3A_904 = vector.shape_cast %get3A_903 : vector<16xi32> to vector<16xi32>
          %slice3A_905 = vector.extract_strided_slice %get3A_904 {offsets = [0], sizes = [1], strides = [1]} : vector<16xi32> to vector<1xi32>
          %squeeze3A_906 = vector.extract %slice3A_905[0] : i32 from vector<1xi32>
          %add3A_907 = arith.constant 0 : i32
          %add3A_908 = arith.addi %mul3A_898, %add3A_907 : i32
          %dma_start3A_909 = arith.constant 0 : i32
          %dma_start3A_910 = tpu.memref_slice %arg6[%add3A_908, %dma_start3A_909] : memref<128x64xf32, #tpu.memory_space<vmem>> -> memref<1x64xf32, #tpu.memory_space<vmem>>
          %dma_start3A_911 = tpu.memref_squeeze %dma_start3A_910 : memref<1x64xf32, #tpu.memory_space<vmem>> -> memref<64xf32, #tpu.memory_space<vmem>>
          %dma_start3A_912 = arith.constant 0 : i32
          %dma_start3A_913 = tpu.memref_slice %arg3[%squeeze3A_906, %dma_start3A_912] : memref<1000000x64xf32, #tpu.memory_space<hbm>> -> memref<1x64xf32, #tpu.memory_space<hbm>>
          %dma_start3A_914 = tpu.memref_squeeze %dma_start3A_913 : memref<1x64xf32, #tpu.memory_space<hbm>> -> memref<64xf32, #tpu.memory_space<hbm>>
          %dma_start3A_915 = arith.constant 0 : i32
          %dma_start3A_916 = tpu.memref_slice %arg6[%add3A_908, %dma_start3A_915] : memref<128x64xf32, #tpu.memory_space<vmem>> -> memref<1x64xf32, #tpu.memory_space<vmem>>
          %dma_start3A_917 = tpu.memref_squeeze %dma_start3A_916 : memref<1x64xf32, #tpu.memory_space<vmem>> -> memref<64xf32, #tpu.memory_space<vmem>>
          %dma_start3A_918 = arith.constant 0 : i32
          %dma_start3A_919 = tpu.memref_slice %arg3[%squeeze3A_906, %dma_start3A_918] : memref<1000000x64xf32, #tpu.memory_space<hbm>> -> memref<1x64xf32, #tpu.memory_space<hbm>>
          %dma_start3A_920 = tpu.memref_squeeze %dma_start3A_919 : memref<1x64xf32, #tpu.memory_space<hbm>> -> memref<64xf32, #tpu.memory_space<hbm>>
          tpu.enqueue_dma source(%dma_start3A_920 : memref<64xf32, #tpu.memory_space<hbm>>) target(%dma_start3A_917 : memref<64xf32, #tpu.memory_space<vmem>>) target_semaphore(%arg10 : memref<!tpu.dma_semaphore, #tpu.memory_space<semaphore_mem>>)
          %slice3A_921 = vector.extract_strided_slice %get3A_904 {offsets = [1], sizes = [1], strides = [1]} : vector<16xi32> to vector<1xi32>
          %squeeze3A_922 = vector.extract %slice3A_921[0] : i32 from vector<1xi32>
          %add3A_923 = arith.constant 1 : i32
          %add3A_924 = arith.addi %mul3A_898, %add3A_923 : i32
          %dma_start3A_925 = arith.constant 0 : i32
          %dma_start3A_926 = tpu.memref_slice %arg6[%add3A_924, %dma_start3A_925] : memref<128x64xf32, #tpu.memory_space<vmem>> -> memref<1x64xf32, #tpu.memory_space<vmem>>
          %dma_start3A_927 = tpu.memref_squeeze %dma_start3A_926 : memref<1x64xf32, #tpu.memory_space<vmem>> -> memref<64xf32, #tpu.memory_space<vmem>>
          %dma_start3A_928 = arith.constant 0 : i32
          %dma_start3A_929 = tpu.memref_slice %arg3[%squeeze3A_922, %dma_start3A_928] : memref<1000000x64xf32, #tpu.memory_space<hbm>> -> memref<1x64xf32, #tpu.memory_space<hbm>>
          %dma_start3A_930 = tpu.memref_squeeze %dma_start3A_929 : memref<1x64xf32, #tpu.memory_space<hbm>> -> memref<64xf32, #tpu.memory_space<hbm>>
          %dma_start3A_931 = arith.constant 0 : i32
          %dma_start3A_932 = tpu.memref_slice %arg6[%add3A_924, %dma_start3A_931] : memref<128x64xf32, #tpu.memory_space<vmem>> -> memref<1x64xf32, #tpu.memory_space<vmem>>
          %dma_start3A_933 = tpu.memref_squeeze %dma_start3A_932 : memref<1x64xf32, #tpu.memory_space<vmem>> -> memref<64xf32, #tpu.memory_space<vmem>>
          %dma_start3A_934 = arith.constant 0 : i32
          %dma_start3A_935 = tpu.memref_slice %arg3[%squeeze3A_922, %dma_start3A_934] : memref<1000000x64xf32, #tpu.memory_space<hbm>> -> memref<1x64xf32, #tpu.memory_space<hbm>>
          %dma_start3A_936 = tpu.memref_squeeze %dma_start3A_935 : memref<1x64xf32, #tpu.memory_space<hbm>> -> memref<64xf32, #tpu.memory_space<hbm>>
          tpu.enqueue_dma source(%dma_start3A_936 : memref<64xf32, #tpu.memory_space<hbm>>) target(%dma_start3A_933 : memref<64xf32, #tpu.memory_space<vmem>>) target_semaphore(%arg10 : memref<!tpu.dma_semaphore, #tpu.memory_space<semaphore_mem>>)
          %slice3A_937 = vector.extract_strided_slice %get3A_904 {offsets = [2], sizes = [1], strides = [1]} : vector<16xi32> to vector<1xi32>
          %squeeze3A_938 = vector.extract %slice3A_937[0] : i32 from vector<1xi32>
          %add3A_939 = arith.constant 2 : i32
          %add3A_940 = arith.addi %mul3A_898, %add3A_939 : i32
          %dma_start3A_941 = arith.constant 0 : i32
          %dma_start3A_942 = tpu.memref_slice %arg6[%add3A_940, %dma_start3A_941] : memref<128x64xf32, #tpu.memory_space<vmem>> -> memref<1x64xf32, #tpu.memory_space<vmem>>
          %dma_start3A_943 = tpu.memref_squeeze %dma_start3A_942 : memref<1x64xf32, #tpu.memory_space<vmem>> -> memref<64xf32, #tpu.memory_space<vmem>>
          %dma_start3A_944 = arith.constant 0 : i32
          %dma_start3A_945 = tpu.memref_slice %arg3[%squeeze3A_938, %dma_start3A_944] : memref<1000000x64xf32, #tpu.memory_space<hbm>> -> memref<1x64xf32, #tpu.memory_space<hbm>>
          %dma_start3A_946 = tpu.memref_squeeze %dma_start3A_945 : memref<1x64xf32, #tpu.memory_space<hbm>> -> memref<64xf32, #tpu.memory_space<hbm>>
          %dma_start3A_947 = arith.constant 0 : i32
          %dma_start3A_948 = tpu.memref_slice %arg6[%add3A_940, %dma_start3A_947] : memref<128x64xf32, #tpu.memory_space<vmem>> -> memref<1x64xf32, #tpu.memory_space<vmem>>
          %dma_start3A_949 = tpu.memref_squeeze %dma_start3A_948 : memref<1x64xf32, #tpu.memory_space<vmem>> -> memref<64xf32, #tpu.memory_space<vmem>>
          %dma_start3A_950 = arith.constant 0 : i32
          %dma_start3A_951 = tpu.memref_slice %arg3[%squeeze3A_938, %dma_start3A_950] : memref<1000000x64xf32, #tpu.memory_space<hbm>> -> memref<1x64xf32, #tpu.memory_space<hbm>>
          %dma_start3A_952 = tpu.memref_squeeze %dma_start3A_951 : memref<1x64xf32, #tpu.memory_space<hbm>> -> memref<64xf32, #tpu.memory_space<hbm>>
          tpu.enqueue_dma source(%dma_start3A_952 : memref<64xf32, #tpu.memory_space<hbm>>) target(%dma_start3A_949 : memref<64xf32, #tpu.memory_space<vmem>>) target_semaphore(%arg10 : memref<!tpu.dma_semaphore, #tpu.memory_space<semaphore_mem>>)
          %slice3A_953 = vector.extract_strided_slice %get3A_904 {offsets = [3], sizes = [1], strides = [1]} : vector<16xi32> to vector<1xi32>
          %squeeze3A_954 = vector.extract %slice3A_953[0] : i32 from vector<1xi32>
          %add3A_955 = arith.constant 3 : i32
          %add3A_956 = arith.addi %mul3A_898, %add3A_955 : i32
          %dma_start3A_957 = arith.constant 0 : i32
          %dma_start3A_958 = tpu.memref_slice %arg6[%add3A_956, %dma_start3A_957] : memref<128x64xf32, #tpu.memory_space<vmem>> -> memref<1x64xf32, #tpu.memory_space<vmem>>
          %dma_start3A_959 = tpu.memref_squeeze %dma_start3A_958 : memref<1x64xf32, #tpu.memory_space<vmem>> -> memref<64xf32, #tpu.memory_space<vmem>>
          %dma_start3A_960 = arith.constant 0 : i32
          %dma_start3A_961 = tpu.memref_slice %arg3[%squeeze3A_954, %dma_start3A_960] : memref<1000000x64xf32, #tpu.memory_space<hbm>> -> memref<1x64xf32, #tpu.memory_space<hbm>>
          %dma_start3A_962 = tpu.memref_squeeze %dma_start3A_961 : memref<1x64xf32, #tpu.memory_space<hbm>> -> memref<64xf32, #tpu.memory_space<hbm>>
          %dma_start3A_963 = arith.constant 0 : i32
          %dma_start3A_964 = tpu.memref_slice %arg6[%add3A_956, %dma_start3A_963] : memref<128x64xf32, #tpu.memory_space<vmem>> -> memref<1x64xf32, #tpu.memory_space<vmem>>
          %dma_start3A_965 = tpu.memref_squeeze %dma_start3A_964 : memref<1x64xf32, #tpu.memory_space<vmem>> -> memref<64xf32, #tpu.memory_space<vmem>>
          %dma_start3A_966 = arith.constant 0 : i32
          %dma_start3A_967 = tpu.memref_slice %arg3[%squeeze3A_954, %dma_start3A_966] : memref<1000000x64xf32, #tpu.memory_space<hbm>> -> memref<1x64xf32, #tpu.memory_space<hbm>>
          %dma_start3A_968 = tpu.memref_squeeze %dma_start3A_967 : memref<1x64xf32, #tpu.memory_space<hbm>> -> memref<64xf32, #tpu.memory_space<hbm>>
          tpu.enqueue_dma source(%dma_start3A_968 : memref<64xf32, #tpu.memory_space<hbm>>) target(%dma_start3A_965 : memref<64xf32, #tpu.memory_space<vmem>>) target_semaphore(%arg10 : memref<!tpu.dma_semaphore, #tpu.memory_space<semaphore_mem>>)
          %slice3A_969 = vector.extract_strided_slice %get3A_904 {offsets = [4], sizes = [1], strides = [1]} : vector<16xi32> to vector<1xi32>
          %squeeze3A_970 = vector.extract %slice3A_969[0] : i32 from vector<1xi32>
          %add3A_971 = arith.constant 4 : i32
          %add3A_972 = arith.addi %mul3A_898, %add3A_971 : i32
          %dma_start3A_973 = arith.constant 0 : i32
          %dma_start3A_974 = tpu.memref_slice %arg6[%add3A_972, %dma_start3A_973] : memref<128x64xf32, #tpu.memory_space<vmem>> -> memref<1x64xf32, #tpu.memory_space<vmem>>
          %dma_start3A_975 = tpu.memref_squeeze %dma_start3A_974 : memref<1x64xf32, #tpu.memory_space<vmem>> -> memref<64xf32, #tpu.memory_space<vmem>>
          %dma_start3A_976 = arith.constant 0 : i32
          %dma_start3A_977 = tpu.memref_slice %arg3[%squeeze3A_970, %dma_start3A_976] : memref<1000000x64xf32, #tpu.memory_space<hbm>> -> memref<1x64xf32, #tpu.memory_space<hbm>>
          %dma_start3A_978 = tpu.memref_squeeze %dma_start3A_977 : memref<1x64xf32, #tpu.memory_space<hbm>> -> memref<64xf32, #tpu.memory_space<hbm>>
          %dma_start3A_979 = arith.constant 0 : i32
          %dma_start3A_980 = tpu.memref_slice %arg6[%add3A_972, %dma_start3A_979] : memref<128x64xf32, #tpu.memory_space<vmem>> -> memref<1x64xf32, #tpu.memory_space<vmem>>
          %dma_start3A_981 = tpu.memref_squeeze %dma_start3A_980 : memref<1x64xf32, #tpu.memory_space<vmem>> -> memref<64xf32, #tpu.memory_space<vmem>>
          %dma_start3A_982 = arith.constant 0 : i32
          %dma_start3A_983 = tpu.memref_slice %arg3[%squeeze3A_970, %dma_start3A_982] : memref<1000000x64xf32, #tpu.memory_space<hbm>> -> memref<1x64xf32, #tpu.memory_space<hbm>>
          %dma_start3A_984 = tpu.memref_squeeze %dma_start3A_983 : memref<1x64xf32, #tpu.memory_space<hbm>> -> memref<64xf32, #tpu.memory_space<hbm>>
          tpu.enqueue_dma source(%dma_start3A_984 : memref<64xf32, #tpu.memory_space<hbm>>) target(%dma_start3A_981 : memref<64xf32, #tpu.memory_space<vmem>>) target_semaphore(%arg10 : memref<!tpu.dma_semaphore, #tpu.memory_space<semaphore_mem>>)
          %slice3A_985 = vector.extract_strided_slice %get3A_904 {offsets = [5], sizes = [1], strides = [1]} : vector<16xi32> to vector<1xi32>
          %squeeze3A_986 = vector.extract %slice3A_985[0] : i32 from vector<1xi32>
          %add3A_987 = arith.constant 5 : i32
          %add3A_988 = arith.addi %mul3A_898, %add3A_987 : i32
          %dma_start3A_989 = arith.constant 0 : i32
          %dma_start3A_990 = tpu.memref_slice %arg6[%add3A_988, %dma_start3A_989] : memref<128x64xf32, #tpu.memory_space<vmem>> -> memref<1x64xf32, #tpu.memory_space<vmem>>
          %dma_start3A_991 = tpu.memref_squeeze %dma_start3A_990 : memref<1x64xf32, #tpu.memory_space<vmem>> -> memref<64xf32, #tpu.memory_space<vmem>>
          %dma_start3A_992 = arith.constant 0 : i32
          %dma_start3A_993 = tpu.memref_slice %arg3[%squeeze3A_986, %dma_start3A_992] : memref<1000000x64xf32, #tpu.memory_space<hbm>> -> memref<1x64xf32, #tpu.memory_space<hbm>>
          %dma_start3A_994 = tpu.memref_squeeze %dma_start3A_993 : memref<1x64xf32, #tpu.memory_space<hbm>> -> memref<64xf32, #tpu.memory_space<hbm>>
          %dma_start3A_995 = arith.constant 0 : i32
          %dma_start3A_996 = tpu.memref_slice %arg6[%add3A_988, %dma_start3A_995] : memref<128x64xf32, #tpu.memory_space<vmem>> -> memref<1x64xf32, #tpu.memory_space<vmem>>
          %dma_start3A_997 = tpu.memref_squeeze %dma_start3A_996 : memref<1x64xf32, #tpu.memory_space<vmem>> -> memref<64xf32, #tpu.memory_space<vmem>>
          %dma_start3A_998 = arith.constant 0 : i32
          %dma_start3A_999 = tpu.memref_slice %arg3[%squeeze3A_986, %dma_start3A_998] : memref<1000000x64xf32, #tpu.memory_space<hbm>> -> memref<1x64xf32, #tpu.memory_space<hbm>>
          %dma_start3A_1000 = tpu.memref_squeeze %dma_start3A_999 : memref<1x64xf32, #tpu.memory_space<hbm>> -> memref<64xf32, #tpu.memory_space<hbm>>
          tpu.enqueue_dma source(%dma_start3A_1000 : memref<64xf32, #tpu.memory_space<hbm>>) target(%dma_start3A_997 : memref<64xf32, #tpu.memory_space<vmem>>) target_semaphore(%arg10 : memref<!tpu.dma_semaphore, #tpu.memory_space<semaphore_mem>>)
          %slice3A_1001 = vector.extract_strided_slice %get3A_904 {offsets = [6], sizes = [1], strides = [1]} : vector<16xi32> to vector<1xi32>
          %squeeze3A_1002 = vector.extract %slice3A_1001[0] : i32 from vector<1xi32>
          %add3A_1003 = arith.constant 6 : i32
          %add3A_1004 = arith.addi %mul3A_898, %add3A_1003 : i32
          %dma_start3A_1005 = arith.constant 0 : i32
          %dma_start3A_1006 = tpu.memref_slice %arg6[%add3A_1004, %dma_start3A_1005] : memref<128x64xf32, #tpu.memory_space<vmem>> -> memref<1x64xf32, #tpu.memory_space<vmem>>
          %dma_start3A_1007 = tpu.memref_squeeze %dma_start3A_1006 : memref<1x64xf32, #tpu.memory_space<vmem>> -> memref<64xf32, #tpu.memory_space<vmem>>
          %dma_start3A_1008 = arith.constant 0 : i32
          %dma_start3A_1009 = tpu.memref_slice %arg3[%squeeze3A_1002, %dma_start3A_1008] : memref<1000000x64xf32, #tpu.memory_space<hbm>> -> memref<1x64xf32, #tpu.memory_space<hbm>>
          %dma_start3A_1010 = tpu.memref_squeeze %dma_start3A_1009 : memref<1x64xf32, #tpu.memory_space<hbm>> -> memref<64xf32, #tpu.memory_space<hbm>>
          %dma_start3A_1011 = arith.constant 0 : i32
          %dma_start3A_1012 = tpu.memref_slice %arg6[%add3A_1004, %dma_start3A_1011] : memref<128x64xf32, #tpu.memory_space<vmem>> -> memref<1x64xf32, #tpu.memory_space<vmem>>
          %dma_start3A_1013 = tpu.memref_squeeze %dma_start3A_1012 : memref<1x64xf32, #tpu.memory_space<vmem>> -> memref<64xf32, #tpu.memory_space<vmem>>
          %dma_start3A_1014 = arith.constant 0 : i32
          %dma_start3A_1015 = tpu.memref_slice %arg3[%squeeze3A_1002, %dma_start3A_1014] : memref<1000000x64xf32, #tpu.memory_space<hbm>> -> memref<1x64xf32, #tpu.memory_space<hbm>>
          %dma_start3A_1016 = tpu.memref_squeeze %dma_start3A_1015 : memref<1x64xf32, #tpu.memory_space<hbm>> -> memref<64xf32, #tpu.memory_space<hbm>>
          tpu.enqueue_dma source(%dma_start3A_1016 : memref<64xf32, #tpu.memory_space<hbm>>) target(%dma_start3A_1013 : memref<64xf32, #tpu.memory_space<vmem>>) target_semaphore(%arg10 : memref<!tpu.dma_semaphore, #tpu.memory_space<semaphore_mem>>)
          %slice3A_1017 = vector.extract_strided_slice %get3A_904 {offsets = [7], sizes = [1], strides = [1]} : vector<16xi32> to vector<1xi32>
          %squeeze3A_1018 = vector.extract %slice3A_1017[0] : i32 from vector<1xi32>
          %add3A_1019 = arith.constant 7 : i32
          %add3A_1020 = arith.addi %mul3A_898, %add3A_1019 : i32
          %dma_start3A_1021 = arith.constant 0 : i32
          %dma_start3A_1022 = tpu.memref_slice %arg6[%add3A_1020, %dma_start3A_1021] : memref<128x64xf32, #tpu.memory_space<vmem>> -> memref<1x64xf32, #tpu.memory_space<vmem>>
          %dma_start3A_1023 = tpu.memref_squeeze %dma_start3A_1022 : memref<1x64xf32, #tpu.memory_space<vmem>> -> memref<64xf32, #tpu.memory_space<vmem>>
          %dma_start3A_1024 = arith.constant 0 : i32
          %dma_start3A_1025 = tpu.memref_slice %arg3[%squeeze3A_1018, %dma_start3A_1024] : memref<1000000x64xf32, #tpu.memory_space<hbm>> -> memref<1x64xf32, #tpu.memory_space<hbm>>
          %dma_start3A_1026 = tpu.memref_squeeze %dma_start3A_1025 : memref<1x64xf32, #tpu.memory_space<hbm>> -> memref<64xf32, #tpu.memory_space<hbm>>
          %dma_start3A_1027 = arith.constant 0 : i32
          %dma_start3A_1028 = tpu.memref_slice %arg6[%add3A_1020, %dma_start3A_1027] : memref<128x64xf32, #tpu.memory_space<vmem>> -> memref<1x64xf32, #tpu.memory_space<vmem>>
          %dma_start3A_1029 = tpu.memref_squeeze %dma_start3A_1028 : memref<1x64xf32, #tpu.memory_space<vmem>> -> memref<64xf32, #tpu.memory_space<vmem>>
          %dma_start3A_1030 = arith.constant 0 : i32
          %dma_start3A_1031 = tpu.memref_slice %arg3[%squeeze3A_1018, %dma_start3A_1030] : memref<1000000x64xf32, #tpu.memory_space<hbm>> -> memref<1x64xf32, #tpu.memory_space<hbm>>
          %dma_start3A_1032 = tpu.memref_squeeze %dma_start3A_1031 : memref<1x64xf32, #tpu.memory_space<hbm>> -> memref<64xf32, #tpu.memory_space<hbm>>
          tpu.enqueue_dma source(%dma_start3A_1032 : memref<64xf32, #tpu.memory_space<hbm>>) target(%dma_start3A_1029 : memref<64xf32, #tpu.memory_space<vmem>>) target_semaphore(%arg10 : memref<!tpu.dma_semaphore, #tpu.memory_space<semaphore_mem>>)
          %slice3A_1033 = vector.extract_strided_slice %get3A_904 {offsets = [8], sizes = [1], strides = [1]} : vector<16xi32> to vector<1xi32>
          %squeeze3A_1034 = vector.extract %slice3A_1033[0] : i32 from vector<1xi32>
          %add3A_1035 = arith.constant 8 : i32
          %add3A_1036 = arith.addi %mul3A_898, %add3A_1035 : i32
          %dma_start3A_1037 = arith.constant 0 : i32
          %dma_start3A_1038 = tpu.memref_slice %arg6[%add3A_1036, %dma_start3A_1037] : memref<128x64xf32, #tpu.memory_space<vmem>> -> memref<1x64xf32, #tpu.memory_space<vmem>>
          %dma_start3A_1039 = tpu.memref_squeeze %dma_start3A_1038 : memref<1x64xf32, #tpu.memory_space<vmem>> -> memref<64xf32, #tpu.memory_space<vmem>>
          %dma_start3A_1040 = arith.constant 0 : i32
          %dma_start3A_1041 = tpu.memref_slice %arg3[%squeeze3A_1034, %dma_start3A_1040] : memref<1000000x64xf32, #tpu.memory_space<hbm>> -> memref<1x64xf32, #tpu.memory_space<hbm>>
          %dma_start3A_1042 = tpu.memref_squeeze %dma_start3A_1041 : memref<1x64xf32, #tpu.memory_space<hbm>> -> memref<64xf32, #tpu.memory_space<hbm>>
          %dma_start3A_1043 = arith.constant 0 : i32
          %dma_start3A_1044 = tpu.memref_slice %arg6[%add3A_1036, %dma_start3A_1043] : memref<128x64xf32, #tpu.memory_space<vmem>> -> memref<1x64xf32, #tpu.memory_space<vmem>>
          %dma_start3A_1045 = tpu.memref_squeeze %dma_start3A_1044 : memref<1x64xf32, #tpu.memory_space<vmem>> -> memref<64xf32, #tpu.memory_space<vmem>>
          %dma_start3A_1046 = arith.constant 0 : i32
          %dma_start3A_1047 = tpu.memref_slice %arg3[%squeeze3A_1034, %dma_start3A_1046] : memref<1000000x64xf32, #tpu.memory_space<hbm>> -> memref<1x64xf32, #tpu.memory_space<hbm>>
          %dma_start3A_1048 = tpu.memref_squeeze %dma_start3A_1047 : memref<1x64xf32, #tpu.memory_space<hbm>> -> memref<64xf32, #tpu.memory_space<hbm>>
          tpu.enqueue_dma source(%dma_start3A_1048 : memref<64xf32, #tpu.memory_space<hbm>>) target(%dma_start3A_1045 : memref<64xf32, #tpu.memory_space<vmem>>) target_semaphore(%arg10 : memref<!tpu.dma_semaphore, #tpu.memory_space<semaphore_mem>>)
          %slice3A_1049 = vector.extract_strided_slice %get3A_904 {offsets = [9], sizes = [1], strides = [1]} : vector<16xi32> to vector<1xi32>
          %squeeze3A_1050 = vector.extract %slice3A_1049[0] : i32 from vector<1xi32>
          %add3A_1051 = arith.constant 9 : i32
          %add3A_1052 = arith.addi %mul3A_898, %add3A_1051 : i32
          %dma_start3A_1053 = arith.constant 0 : i32
          %dma_start3A_1054 = tpu.memref_slice %arg6[%add3A_1052, %dma_start3A_1053] : memref<128x64xf32, #tpu.memory_space<vmem>> -> memref<1x64xf32, #tpu.memory_space<vmem>>
          %dma_start3A_1055 = tpu.memref_squeeze %dma_start3A_1054 : memref<1x64xf32, #tpu.memory_space<vmem>> -> memref<64xf32, #tpu.memory_space<vmem>>
          %dma_start3A_1056 = arith.constant 0 : i32
          %dma_start3A_1057 = tpu.memref_slice %arg3[%squeeze3A_1050, %dma_start3A_1056] : memref<1000000x64xf32, #tpu.memory_space<hbm>> -> memref<1x64xf32, #tpu.memory_space<hbm>>
          %dma_start3A_1058 = tpu.memref_squeeze %dma_start3A_1057 : memref<1x64xf32, #tpu.memory_space<hbm>> -> memref<64xf32, #tpu.memory_space<hbm>>
          %dma_start3A_1059 = arith.constant 0 : i32
          %dma_start3A_1060 = tpu.memref_slice %arg6[%add3A_1052, %dma_start3A_1059] : memref<128x64xf32, #tpu.memory_space<vmem>> -> memref<1x64xf32, #tpu.memory_space<vmem>>
          %dma_start3A_1061 = tpu.memref_squeeze %dma_start3A_1060 : memref<1x64xf32, #tpu.memory_space<vmem>> -> memref<64xf32, #tpu.memory_space<vmem>>
          %dma_start3A_1062 = arith.constant 0 : i32
          %dma_start3A_1063 = tpu.memref_slice %arg3[%squeeze3A_1050, %dma_start3A_1062] : memref<1000000x64xf32, #tpu.memory_space<hbm>> -> memref<1x64xf32, #tpu.memory_space<hbm>>
          %dma_start3A_1064 = tpu.memref_squeeze %dma_start3A_1063 : memref<1x64xf32, #tpu.memory_space<hbm>> -> memref<64xf32, #tpu.memory_space<hbm>>
          tpu.enqueue_dma source(%dma_start3A_1064 : memref<64xf32, #tpu.memory_space<hbm>>) target(%dma_start3A_1061 : memref<64xf32, #tpu.memory_space<vmem>>) target_semaphore(%arg10 : memref<!tpu.dma_semaphore, #tpu.memory_space<semaphore_mem>>)
          %slice3A_1065 = vector.extract_strided_slice %get3A_904 {offsets = [10], sizes = [1], strides = [1]} : vector<16xi32> to vector<1xi32>
          %squeeze3A_1066 = vector.extract %slice3A_1065[0] : i32 from vector<1xi32>
          %add3A_1067 = arith.constant 10 : i32
          %add3A_1068 = arith.addi %mul3A_898, %add3A_1067 : i32
          %dma_start3A_1069 = arith.constant 0 : i32
          %dma_start3A_1070 = tpu.memref_slice %arg6[%add3A_1068, %dma_start3A_1069] : memref<128x64xf32, #tpu.memory_space<vmem>> -> memref<1x64xf32, #tpu.memory_space<vmem>>
          %dma_start3A_1071 = tpu.memref_squeeze %dma_start3A_1070 : memref<1x64xf32, #tpu.memory_space<vmem>> -> memref<64xf32, #tpu.memory_space<vmem>>
          %dma_start3A_1072 = arith.constant 0 : i32
          %dma_start3A_1073 = tpu.memref_slice %arg3[%squeeze3A_1066, %dma_start3A_1072] : memref<1000000x64xf32, #tpu.memory_space<hbm>> -> memref<1x64xf32, #tpu.memory_space<hbm>>
          %dma_start3A_1074 = tpu.memref_squeeze %dma_start3A_1073 : memref<1x64xf32, #tpu.memory_space<hbm>> -> memref<64xf32, #tpu.memory_space<hbm>>
          %dma_start3A_1075 = arith.constant 0 : i32
          %dma_start3A_1076 = tpu.memref_slice %arg6[%add3A_1068, %dma_start3A_1075] : memref<128x64xf32, #tpu.memory_space<vmem>> -> memref<1x64xf32, #tpu.memory_space<vmem>>
          %dma_start3A_1077 = tpu.memref_squeeze %dma_start3A_1076 : memref<1x64xf32, #tpu.memory_space<vmem>> -> memref<64xf32, #tpu.memory_space<vmem>>
          %dma_start3A_1078 = arith.constant 0 : i32
          %dma_start3A_1079 = tpu.memref_slice %arg3[%squeeze3A_1066, %dma_start3A_1078] : memref<1000000x64xf32, #tpu.memory_space<hbm>> -> memref<1x64xf32, #tpu.memory_space<hbm>>
          %dma_start3A_1080 = tpu.memref_squeeze %dma_start3A_1079 : memref<1x64xf32, #tpu.memory_space<hbm>> -> memref<64xf32, #tpu.memory_space<hbm>>
          tpu.enqueue_dma source(%dma_start3A_1080 : memref<64xf32, #tpu.memory_space<hbm>>) target(%dma_start3A_1077 : memref<64xf32, #tpu.memory_space<vmem>>) target_semaphore(%arg10 : memref<!tpu.dma_semaphore, #tpu.memory_space<semaphore_mem>>)
          %slice3A_1081 = vector.extract_strided_slice %get3A_904 {offsets = [11], sizes = [1], strides = [1]} : vector<16xi32> to vector<1xi32>
          %squeeze3A_1082 = vector.extract %slice3A_1081[0] : i32 from vector<1xi32>
          %add3A_1083 = arith.constant 11 : i32
          %add3A_1084 = arith.addi %mul3A_898, %add3A_1083 : i32
          %dma_start3A_1085 = arith.constant 0 : i32
          %dma_start3A_1086 = tpu.memref_slice %arg6[%add3A_1084, %dma_start3A_1085] : memref<128x64xf32, #tpu.memory_space<vmem>> -> memref<1x64xf32, #tpu.memory_space<vmem>>
          %dma_start3A_1087 = tpu.memref_squeeze %dma_start3A_1086 : memref<1x64xf32, #tpu.memory_space<vmem>> -> memref<64xf32, #tpu.memory_space<vmem>>
          %dma_start3A_1088 = arith.constant 0 : i32
          %dma_start3A_1089 = tpu.memref_slice %arg3[%squeeze3A_1082, %dma_start3A_1088] : memref<1000000x64xf32, #tpu.memory_space<hbm>> -> memref<1x64xf32, #tpu.memory_space<hbm>>
          %dma_start3A_1090 = tpu.memref_squeeze %dma_start3A_1089 : memref<1x64xf32, #tpu.memory_space<hbm>> -> memref<64xf32, #tpu.memory_space<hbm>>
          %dma_start3A_1091 = arith.constant 0 : i32
          %dma_start3A_1092 = tpu.memref_slice %arg6[%add3A_1084, %dma_start3A_1091] : memref<128x64xf32, #tpu.memory_space<vmem>> -> memref<1x64xf32, #tpu.memory_space<vmem>>
          %dma_start3A_1093 = tpu.memref_squeeze %dma_start3A_1092 : memref<1x64xf32, #tpu.memory_space<vmem>> -> memref<64xf32, #tpu.memory_space<vmem>>
          %dma_start3A_1094 = arith.constant 0 : i32
          %dma_start3A_1095 = tpu.memref_slice %arg3[%squeeze3A_1082, %dma_start3A_1094] : memref<1000000x64xf32, #tpu.memory_space<hbm>> -> memref<1x64xf32, #tpu.memory_space<hbm>>
          %dma_start3A_1096 = tpu.memref_squeeze %dma_start3A_1095 : memref<1x64xf32, #tpu.memory_space<hbm>> -> memref<64xf32, #tpu.memory_space<hbm>>
          tpu.enqueue_dma source(%dma_start3A_1096 : memref<64xf32, #tpu.memory_space<hbm>>) target(%dma_start3A_1093 : memref<64xf32, #tpu.memory_space<vmem>>) target_semaphore(%arg10 : memref<!tpu.dma_semaphore, #tpu.memory_space<semaphore_mem>>)
          %slice3A_1097 = vector.extract_strided_slice %get3A_904 {offsets = [12], sizes = [1], strides = [1]} : vector<16xi32> to vector<1xi32>
          %squeeze3A_1098 = vector.extract %slice3A_1097[0] : i32 from vector<1xi32>
          %add3A_1099 = arith.constant 12 : i32
          %add3A_1100 = arith.addi %mul3A_898, %add3A_1099 : i32
          %dma_start3A_1101 = arith.constant 0 : i32
          %dma_start3A_1102 = tpu.memref_slice %arg6[%add3A_1100, %dma_start3A_1101] : memref<128x64xf32, #tpu.memory_space<vmem>> -> memref<1x64xf32, #tpu.memory_space<vmem>>
          %dma_start3A_1103 = tpu.memref_squeeze %dma_start3A_1102 : memref<1x64xf32, #tpu.memory_space<vmem>> -> memref<64xf32, #tpu.memory_space<vmem>>
          %dma_start3A_1104 = arith.constant 0 : i32
          %dma_start3A_1105 = tpu.memref_slice %arg3[%squeeze3A_1098, %dma_start3A_1104] : memref<1000000x64xf32, #tpu.memory_space<hbm>> -> memref<1x64xf32, #tpu.memory_space<hbm>>
          %dma_start3A_1106 = tpu.memref_squeeze %dma_start3A_1105 : memref<1x64xf32, #tpu.memory_space<hbm>> -> memref<64xf32, #tpu.memory_space<hbm>>
          %dma_start3A_1107 = arith.constant 0 : i32
          %dma_start3A_1108 = tpu.memref_slice %arg6[%add3A_1100, %dma_start3A_1107] : memref<128x64xf32, #tpu.memory_space<vmem>> -> memref<1x64xf32, #tpu.memory_space<vmem>>
          %dma_start3A_1109 = tpu.memref_squeeze %dma_start3A_1108 : memref<1x64xf32, #tpu.memory_space<vmem>> -> memref<64xf32, #tpu.memory_space<vmem>>
          %dma_start3A_1110 = arith.constant 0 : i32
          %dma_start3A_1111 = tpu.memref_slice %arg3[%squeeze3A_1098, %dma_start3A_1110] : memref<1000000x64xf32, #tpu.memory_space<hbm>> -> memref<1x64xf32, #tpu.memory_space<hbm>>
          %dma_start3A_1112 = tpu.memref_squeeze %dma_start3A_1111 : memref<1x64xf32, #tpu.memory_space<hbm>> -> memref<64xf32, #tpu.memory_space<hbm>>
          tpu.enqueue_dma source(%dma_start3A_1112 : memref<64xf32, #tpu.memory_space<hbm>>) target(%dma_start3A_1109 : memref<64xf32, #tpu.memory_space<vmem>>) target_semaphore(%arg10 : memref<!tpu.dma_semaphore, #tpu.memory_space<semaphore_mem>>)
          %slice3A_1113 = vector.extract_strided_slice %get3A_904 {offsets = [13], sizes = [1], strides = [1]} : vector<16xi32> to vector<1xi32>
          %squeeze3A_1114 = vector.extract %slice3A_1113[0] : i32 from vector<1xi32>
          %add3A_1115 = arith.constant 13 : i32
          %add3A_1116 = arith.addi %mul3A_898, %add3A_1115 : i32
          %dma_start3A_1117 = arith.constant 0 : i32
          %dma_start3A_1118 = tpu.memref_slice %arg6[%add3A_1116, %dma_start3A_1117] : memref<128x64xf32, #tpu.memory_space<vmem>> -> memref<1x64xf32, #tpu.memory_space<vmem>>
          %dma_start3A_1119 = tpu.memref_squeeze %dma_start3A_1118 : memref<1x64xf32, #tpu.memory_space<vmem>> -> memref<64xf32, #tpu.memory_space<vmem>>
          %dma_start3A_1120 = arith.constant 0 : i32
          %dma_start3A_1121 = tpu.memref_slice %arg3[%squeeze3A_1114, %dma_start3A_1120] : memref<1000000x64xf32, #tpu.memory_space<hbm>> -> memref<1x64xf32, #tpu.memory_space<hbm>>
          %dma_start3A_1122 = tpu.memref_squeeze %dma_start3A_1121 : memref<1x64xf32, #tpu.memory_space<hbm>> -> memref<64xf32, #tpu.memory_space<hbm>>
          %dma_start3A_1123 = arith.constant 0 : i32
          %dma_start3A_1124 = tpu.memref_slice %arg6[%add3A_1116, %dma_start3A_1123] : memref<128x64xf32, #tpu.memory_space<vmem>> -> memref<1x64xf32, #tpu.memory_space<vmem>>
          %dma_start3A_1125 = tpu.memref_squeeze %dma_start3A_1124 : memref<1x64xf32, #tpu.memory_space<vmem>> -> memref<64xf32, #tpu.memory_space<vmem>>
          %dma_start3A_1126 = arith.constant 0 : i32
          %dma_start3A_1127 = tpu.memref_slice %arg3[%squeeze3A_1114, %dma_start3A_1126] : memref<1000000x64xf32, #tpu.memory_space<hbm>> -> memref<1x64xf32, #tpu.memory_space<hbm>>
          %dma_start3A_1128 = tpu.memref_squeeze %dma_start3A_1127 : memref<1x64xf32, #tpu.memory_space<hbm>> -> memref<64xf32, #tpu.memory_space<hbm>>
          tpu.enqueue_dma source(%dma_start3A_1128 : memref<64xf32, #tpu.memory_space<hbm>>) target(%dma_start3A_1125 : memref<64xf32, #tpu.memory_space<vmem>>) target_semaphore(%arg10 : memref<!tpu.dma_semaphore, #tpu.memory_space<semaphore_mem>>)
          %slice3A_1129 = vector.extract_strided_slice %get3A_904 {offsets = [14], sizes = [1], strides = [1]} : vector<16xi32> to vector<1xi32>
          %squeeze3A_1130 = vector.extract %slice3A_1129[0] : i32 from vector<1xi32>
          %add3A_1131 = arith.constant 14 : i32
          %add3A_1132 = arith.addi %mul3A_898, %add3A_1131 : i32
          %dma_start3A_1133 = arith.constant 0 : i32
          %dma_start3A_1134 = tpu.memref_slice %arg6[%add3A_1132, %dma_start3A_1133] : memref<128x64xf32, #tpu.memory_space<vmem>> -> memref<1x64xf32, #tpu.memory_space<vmem>>
          %dma_start3A_1135 = tpu.memref_squeeze %dma_start3A_1134 : memref<1x64xf32, #tpu.memory_space<vmem>> -> memref<64xf32, #tpu.memory_space<vmem>>
          %dma_start3A_1136 = arith.constant 0 : i32
          %dma_start3A_1137 = tpu.memref_slice %arg3[%squeeze3A_1130, %dma_start3A_1136] : memref<1000000x64xf32, #tpu.memory_space<hbm>> -> memref<1x64xf32, #tpu.memory_space<hbm>>
          %dma_start3A_1138 = tpu.memref_squeeze %dma_start3A_1137 : memref<1x64xf32, #tpu.memory_space<hbm>> -> memref<64xf32, #tpu.memory_space<hbm>>
          %dma_start3A_1139 = arith.constant 0 : i32
          %dma_start3A_1140 = tpu.memref_slice %arg6[%add3A_1132, %dma_start3A_1139] : memref<128x64xf32, #tpu.memory_space<vmem>> -> memref<1x64xf32, #tpu.memory_space<vmem>>
          %dma_start3A_1141 = tpu.memref_squeeze %dma_start3A_1140 : memref<1x64xf32, #tpu.memory_space<vmem>> -> memref<64xf32, #tpu.memory_space<vmem>>
          %dma_start3A_1142 = arith.constant 0 : i32
          %dma_start3A_1143 = tpu.memref_slice %arg3[%squeeze3A_1130, %dma_start3A_1142] : memref<1000000x64xf32, #tpu.memory_space<hbm>> -> memref<1x64xf32, #tpu.memory_space<hbm>>
          %dma_start3A_1144 = tpu.memref_squeeze %dma_start3A_1143 : memref<1x64xf32, #tpu.memory_space<hbm>> -> memref<64xf32, #tpu.memory_space<hbm>>
          tpu.enqueue_dma source(%dma_start3A_1144 : memref<64xf32, #tpu.memory_space<hbm>>) target(%dma_start3A_1141 : memref<64xf32, #tpu.memory_space<vmem>>) target_semaphore(%arg10 : memref<!tpu.dma_semaphore, #tpu.memory_space<semaphore_mem>>)
          %slice3A_1145 = vector.extract_strided_slice %get3A_904 {offsets = [15], sizes = [1], strides = [1]} : vector<16xi32> to vector<1xi32>
          %squeeze3A_1146 = vector.extract %slice3A_1145[0] : i32 from vector<1xi32>
          %add3A_1147 = arith.constant 15 : i32
          %add3A_1148 = arith.addi %mul3A_898, %add3A_1147 : i32
          %dma_start3A_1149 = arith.constant 0 : i32
          %dma_start3A_1150 = tpu.memref_slice %arg6[%add3A_1148, %dma_start3A_1149] : memref<128x64xf32, #tpu.memory_space<vmem>> -> memref<1x64xf32, #tpu.memory_space<vmem>>
          %dma_start3A_1151 = tpu.memref_squeeze %dma_start3A_1150 : memref<1x64xf32, #tpu.memory_space<vmem>> -> memref<64xf32, #tpu.memory_space<vmem>>
          %dma_start3A_1152 = arith.constant 0 : i32
          %dma_start3A_1153 = tpu.memref_slice %arg3[%squeeze3A_1146, %dma_start3A_1152] : memref<1000000x64xf32, #tpu.memory_space<hbm>> -> memref<1x64xf32, #tpu.memory_space<hbm>>
          %dma_start3A_1154 = tpu.memref_squeeze %dma_start3A_1153 : memref<1x64xf32, #tpu.memory_space<hbm>> -> memref<64xf32, #tpu.memory_space<hbm>>
          %dma_start3A_1155 = arith.constant 0 : i32
          %dma_start3A_1156 = tpu.memref_slice %arg6[%add3A_1148, %dma_start3A_1155] : memref<128x64xf32, #tpu.memory_space<vmem>> -> memref<1x64xf32, #tpu.memory_space<vmem>>
          %dma_start3A_1157 = tpu.memref_squeeze %dma_start3A_1156 : memref<1x64xf32, #tpu.memory_space<vmem>> -> memref<64xf32, #tpu.memory_space<vmem>>
          %dma_start3A_1158 = arith.constant 0 : i32
          %dma_start3A_1159 = tpu.memref_slice %arg3[%squeeze3A_1146, %dma_start3A_1158] : memref<1000000x64xf32, #tpu.memory_space<hbm>> -> memref<1x64xf32, #tpu.memory_space<hbm>>
          %dma_start3A_1160 = tpu.memref_squeeze %dma_start3A_1159 : memref<1x64xf32, #tpu.memory_space<hbm>> -> memref<64xf32, #tpu.memory_space<hbm>>
          tpu.enqueue_dma source(%dma_start3A_1160 : memref<64xf32, #tpu.memory_space<hbm>>) target(%dma_start3A_1157 : memref<64xf32, #tpu.memory_space<vmem>>) target_semaphore(%arg10 : memref<!tpu.dma_semaphore, #tpu.memory_space<semaphore_mem>>)
          %scan3A_1161 = arith.constant 0 : i32
          scf.yield %scan3A_1161 : i32
        }
        %scan3A_96 = arith.constant 8 : i32
      } else {
      }
      %dma_wait3A_66 = arith.constant 0 : i32
      %dma_wait3A_67 = arith.constant 0 : i32
      %dma_wait3A_68 = tpu.memref_slice %arg4[%dma_wait3A_66, %dma_wait3A_67] : memref<204800x64xf32, #tpu.memory_space<hbm>> -> memref<128x64xf32, #tpu.memory_space<hbm>>
      %dma_wait3A_69 = arith.constant 0 : i32
      %dma_wait3A_70 = arith.constant 0 : i32
      %dma_wait3A_71 = tpu.memref_slice %arg4[%dma_wait3A_69, %dma_wait3A_70] : memref<204800x64xf32, #tpu.memory_space<hbm>> -> memref<128x64xf32, #tpu.memory_space<hbm>>
      tpu.wait_dma2 semaphore(%arg11 : memref<!tpu.dma_semaphore, #tpu.memory_space<semaphore_mem>>) src(%dma_wait3A_71 : memref<128x64xf32, #tpu.memory_space<hbm>>) dst(%arg7 : memref<128x64xf32, #tpu.memory_space<vmem>>)
      %gt3A_72 = arith.constant 0 : i32
      %gt3A_73 = arith.cmpi sgt, %scan3A_27, %gt3A_72 : i32
      %convert_element_type3A_74 = arith.extui %gt3A_73 : i1 to i32
      %cond3A_75 = arith.constant 0 : i32
      %cond3A_76 = arith.cmpi ne, %convert_element_type3A_74, %cond3A_75 : i32
      scf.if %cond3A_76 {
        %sub3A = arith.constant 2 : i32
        %sub3A_88 = arith.subi %add3A_58, %sub3A : i32
        %mul3A_89 = arith.constant 128 : i32
        %mul3A_90 = arith.muli %sub3A_88, %mul3A_89 : i32
        %add3A_91 = arith.addi %mul3A_2, %mul3A_90 : i32
        %dma_wait3A_92 = arith.constant 0 : i32
        %dma_wait3A_93 = tpu.memref_slice %arg4[%add3A_91, %dma_wait3A_92] : memref<204800x64xf32, #tpu.memory_space<hbm>> -> memref<128x64xf32, #tpu.memory_space<hbm>>
        %dma_wait3A_94 = arith.constant 0 : i32
        %dma_wait3A_95 = tpu.memref_slice %arg4[%add3A_91, %dma_wait3A_94] : memref<204800x64xf32, #tpu.memory_space<hbm>> -> memref<128x64xf32, #tpu.memory_space<hbm>>
        tpu.wait_dma2 semaphore(%arg13 : memref<!tpu.dma_semaphore, #tpu.memory_space<semaphore_mem>>) src(%arg9 : memref<128x64xf32, #tpu.memory_space<vmem>>) dst(%dma_wait3A_95 : memref<128x64xf32, #tpu.memory_space<hbm>>)
      } else {
      }
      %parallel_loop3A_77 = arith.constant 0 : i32
      %parallel_loop3A_78 = arith.constant 128 : i32
      %parallel_loop3A_79 = arith.constant 1 : i32
      scf.for %parallel_loop3A_88 = %parallel_loop3A_77 to %parallel_loop3A_78 step %parallel_loop3A_79  : i32 {
        %parallel_loop3A_89 = arith.index_cast %parallel_loop3A_88 : i32 to index
        %parallel_loop3A_90 = arith.constant 0 : index
        %parallel_loop3A_91 = tpu.vector_load %arg7[%parallel_loop3A_89, %parallel_loop3A_90] {strides = array<i32>} : memref<128x64xf32, #tpu.memory_space<vmem>>, vector<1x16xf32>,
        %parallel_loop3A_92 = vector.shape_cast %parallel_loop3A_91 : vector<1x16xf32> to vector<16xf32>
        %parallel_loop3A_93 = arith.constant 8.000000e+00 : f32
        %parallel_loop3A_94 = vector.broadcast %parallel_loop3A_93 : f32 to vector<16xf32>
        %parallel_loop3A_95 = arith.mulf %parallel_loop3A_92, %parallel_loop3A_94 : vector<16xf32>
        %parallel_loop3A_96 = arith.index_cast %parallel_loop3A_88 : i32 to index
        %parallel_loop3A_97 = arith.constant 0 : index
        %parallel_loop3A_98 = tpu.vector_load %arg9[%parallel_loop3A_96, %parallel_loop3A_97] {strides = array<i32>} : memref<128x64xf32, #tpu.memory_space<vmem>>, vector<1x16xf32>,
        %parallel_loop3A_99 = vector.shape_cast %parallel_loop3A_98 : vector<1x16xf32> to vector<16xf32>
        %parallel_loop3A_100 = vector.shape_cast %parallel_loop3A_95 : vector<16xf32> to vector<1x16xf32>
        tpu.vector_store %arg9[%parallel_loop3A_96, %parallel_loop3A_97], %parallel_loop3A_100 {strides = array<i32>} : memref<128x64xf32, #tpu.memory_space<vmem>>, vector<1x16xf32>,
        %parallel_loop3A_101 = arith.index_cast %parallel_loop3A_88 : i32 to index
        %parallel_loop3A_102 = arith.constant 16 : index
        %parallel_loop3A_103 = tpu.vector_load %arg7[%parallel_loop3A_101, %parallel_loop3A_102] {strides = array<i32>} : memref<128x64xf32, #tpu.memory_space<vmem>>, vector<1x16xf32>,
        %parallel_loop3A_104 = vector.shape_cast %parallel_loop3A_103 : vector<1x16xf32> to vector<16xf32>
        %parallel_loop3A_105 = arith.constant 8.000000e+00 : f32
        %parallel_loop3A_106 = vector.broadcast %parallel_loop3A_105 : f32 to vector<16xf32>
        %parallel_loop3A_107 = arith.mulf %parallel_loop3A_104, %parallel_loop3A_106 : vector<16xf32>
        %parallel_loop3A_108 = arith.index_cast %parallel_loop3A_88 : i32 to index
        %parallel_loop3A_109 = arith.constant 16 : index
        %parallel_loop3A_110 = tpu.vector_load %arg9[%parallel_loop3A_108, %parallel_loop3A_109] {strides = array<i32>} : memref<128x64xf32, #tpu.memory_space<vmem>>, vector<1x16xf32>,
        %parallel_loop3A_111 = vector.shape_cast %parallel_loop3A_110 : vector<1x16xf32> to vector<16xf32>
        %parallel_loop3A_112 = vector.shape_cast %parallel_loop3A_107 : vector<16xf32> to vector<1x16xf32>
        tpu.vector_store %arg9[%parallel_loop3A_108, %parallel_loop3A_109], %parallel_loop3A_112 {strides = array<i32>} : memref<128x64xf32, #tpu.memory_space<vmem>>, vector<1x16xf32>,
        %parallel_loop3A_113 = arith.index_cast %parallel_loop3A_88 : i32 to index
        %parallel_loop3A_114 = arith.constant 32 : index
        %parallel_loop3A_115 = tpu.vector_load %arg7[%parallel_loop3A_113, %parallel_loop3A_114] {strides = array<i32>} : memref<128x64xf32, #tpu.memory_space<vmem>>, vector<1x16xf32>,
        %parallel_loop3A_116 = vector.shape_cast %parallel_loop3A_115 : vector<1x16xf32> to vector<16xf32>
        %parallel_loop3A_117 = arith.constant 8.000000e+00 : f32
        %parallel_loop3A_118 = vector.broadcast %parallel_loop3A_117 : f32 to vector<16xf32>
        %parallel_loop3A_119 = arith.mulf %parallel_loop3A_116, %parallel_loop3A_118 : vector<16xf32>
        %parallel_loop3A_120 = arith.index_cast %parallel_loop3A_88 : i32 to index
        %parallel_loop3A_121 = arith.constant 32 : index
        %parallel_loop3A_122 = tpu.vector_load %arg9[%parallel_loop3A_120, %parallel_loop3A_121] {strides = array<i32>} : memref<128x64xf32, #tpu.memory_space<vmem>>, vector<1x16xf32>,
        %parallel_loop3A_123 = vector.shape_cast %parallel_loop3A_122 : vector<1x16xf32> to vector<16xf32>
        %parallel_loop3A_124 = vector.shape_cast %parallel_loop3A_119 : vector<16xf32> to vector<1x16xf32>
        tpu.vector_store %arg9[%parallel_loop3A_120, %parallel_loop3A_121], %parallel_loop3A_124 {strides = array<i32>} : memref<128x64xf32, #tpu.memory_space<vmem>>, vector<1x16xf32>,
        %parallel_loop3A_125 = arith.index_cast %parallel_loop3A_88 : i32 to index
        %parallel_loop3A_126 = arith.constant 48 : index
        %parallel_loop3A_127 = tpu.vector_load %arg7[%parallel_loop3A_125, %parallel_loop3A_126] {strides = array<i32>} : memref<128x64xf32, #tpu.memory_space<vmem>>, vector<1x16xf32>,
        %parallel_loop3A_128 = vector.shape_cast %parallel_loop3A_127 : vector<1x16xf32> to vector<16xf32>
        %parallel_loop3A_129 = arith.constant 8.000000e+00 : f32
        %parallel_loop3A_130 = vector.broadcast %parallel_loop3A_129 : f32 to vector<16xf32>
        %parallel_loop3A_131 = arith.mulf %parallel_loop3A_128, %parallel_loop3A_130 : vector<16xf32>
        %parallel_loop3A_132 = arith.index_cast %parallel_loop3A_88 : i32 to index
        %parallel_loop3A_133 = arith.constant 48 : index
        %parallel_loop3A_134 = tpu.vector_load %arg9[%parallel_loop3A_132, %parallel_loop3A_133] {strides = array<i32>} : memref<128x64xf32, #tpu.memory_space<vmem>>, vector<1x16xf32>,
        %parallel_loop3A_135 = vector.shape_cast %parallel_loop3A_134 : vector<1x16xf32> to vector<16xf32>
        %parallel_loop3A_136 = vector.shape_cast %parallel_loop3A_131 : vector<16xf32> to vector<1x16xf32>
        tpu.vector_store %arg9[%parallel_loop3A_132, %parallel_loop3A_133], %parallel_loop3A_136 {strides = array<i32>} : memref<128x64xf32, #tpu.memory_space<vmem>>, vector<1x16xf32>,
      } {sc.loop_unroll_factor = 4 : i64, sc.parallel_access}
      %mul3A_80 = arith.constant 128 : i32
      %mul3A_81 = arith.muli %add3A_58, %mul3A_80 : i32
      %add3A_82 = arith.addi %mul3A_2, %mul3A_81 : i32
      %dma_start3A_83 = arith.constant 0 : i32
      %dma_start3A_84 = tpu.memref_slice %arg4[%add3A_82, %dma_start3A_83] : memref<204800x64xf32, #tpu.memory_space<hbm>> -> memref<128x64xf32, #tpu.memory_space<hbm>>
      %dma_start3A_85 = arith.constant 0 : i32
      %dma_start3A_86 = tpu.memref_slice %arg4[%add3A_82, %dma_start3A_85] : memref<204800x64xf32, #tpu.memory_space<hbm>> -> memref<128x64xf32, #tpu.memory_space<hbm>>
      tpu.enqueue_dma source(%arg9 : memref<128x64xf32, #tpu.memory_space<vmem>>) target(%dma_start3A_86 : memref<128x64xf32, #tpu.memory_space<hbm>>) target_semaphore(%arg13 : memref<!tpu.dma_semaphore, #tpu.memory_space<semaphore_mem>>)
      %scan3A_87 = arith.constant 0 : i32
      scf.yield %scan3A_87 : i32
    }
    %scan3A_15 = arith.constant 25 : i32
    %add3A_16 = arith.constant 6144 : i32
    %add3A_17 = arith.addi %mul3A_2, %add3A_16 : i32
    %dma_wait3A = arith.constant 0 : i32
    %dma_wait3A_18 = tpu.memref_slice %arg4[%add3A_17, %dma_wait3A] : memref<204800x64xf32, #tpu.memory_space<hbm>> -> memref<128x64xf32, #tpu.memory_space<hbm>>
    %dma_wait3A_19 = arith.constant 0 : i32
    %dma_wait3A_20 = tpu.memref_slice %arg4[%add3A_17, %dma_wait3A_19] : memref<204800x64xf32, #tpu.memory_space<hbm>> -> memref<128x64xf32, #tpu.memory_space<hbm>>
    tpu.wait_dma2 semaphore(%arg12 : memref<!tpu.dma_semaphore, #tpu.memory_space<semaphore_mem>>) src(%arg8 : memref<128x64xf32, #tpu.memory_space<vmem>>) dst(%dma_wait3A_20 : memref<128x64xf32, #tpu.memory_space<hbm>>)
    %add3A_21 = arith.constant 6272 : i32
    %add3A_22 = arith.addi %mul3A_2, %add3A_21 : i32
    %dma_wait3A_23 = arith.constant 0 : i32
    %dma_wait3A_24 = tpu.memref_slice %arg4[%add3A_22, %dma_wait3A_23] : memref<204800x64xf32, #tpu.memory_space<hbm>> -> memref<128x64xf32, #tpu.memory_space<hbm>>
    %dma_wait3A_25 = arith.constant 0 : i32
    %dma_wait3A_26 = tpu.memref_slice %arg4[%add3A_22, %dma_wait3A_25] : memref<204800x64xf32, #tpu.memory_space<hbm>> -> memref<128x64xf32, #tpu.memory_space<hbm>>
    tpu.wait_dma2 semaphore(%arg13 : memref<!tpu.dma_semaphore, #tpu.memory_space<semaphore_mem>>) src(%arg9 : memref<128x64xf32, #tpu.memory_space<vmem>>) dst(%dma_wait3A_26 : memref<128x64xf32, #tpu.memory_space<hbm>>)
    return
  }
}

</mosaic_0001>

<sc_bundles>
// kernel: kernel.3.cloned.1.call-start
scs
__scs_entry_jumppad:
0x0: {  	(pc) =	sbr.rel $0x88, $3  }
0x1: {  	(tag) =	ssettag $0x0;
	lr =	simm.s32 $0x1  }
0x2: {  	[smem:$0x3F9F] =	sst lr;
	_ =	strace $0xD0000000  }
0x3: {  	_ = 	snop  }
0x4: {  	_ = 	snop  }
0x5: {  	_ = 	snop  }
0x6: {  	_ = 	snop  }
0x7: {  	_ = 	snop  }
__scs_overlays_trampoline_lowered:
0x8: {  	[smem:$0x3FAE] =	sst s0  }
0x9: {  	[smem:$0x3FAF] =	sst s1  }
0xa: {  	[smem:$0x3FB0] =	sst s2  }
0xb: {  	[smem:$0x3FB1] =	sst s3  }
0xc: {  	[smem:$0x3FB2] =	sst s4  }
0xd: {  	[smem:$0x3FB3] =	sst s5  }
0xe: {  	[smem:$0x3FB4] =	sst s6  }
0xf: {  	[smem:$0x3FB5] =	sst s7  }
0x10: {  	[smem:$0x3FB6] =	sst s8  }
0x11: {  	[smem:$0x3FB7] =	sst s9;
	s0 =	simm.s32 @!p0 $0x0  }
0x12: {  	s1 =	sld [smem:$0x3F9D];
	s0 =	simm.s32 @p0 $0x1  }
0x13: {  	[smem:$0x3FB8] =	sst s0;
	s0 =	simm.s32 @!p1 $0x0  }
0x14: {  	s2 =	sld [smem:$0x3F9C];
	s0 =	simm.s32 @p1 $0x1  }
0x15: {  	[smem:$0x3FB9] =	sst s0;
	s0 =	simm.s32 @!p2 $0x0  }
0x16: {  	s3 =	sld [smem:$0x3FDB];
	s0 =	simm.s32 @p2 $0x1  }
0x17: {  	s4 =	simm.s32 $0x1BF5;
	[smem:$0x3FBB] =	sst s0  }
0x18: {  	s0 =	sld [smem:$0x3F9E];
	_ =	swait.ge [sflag:s4], $0x0  }
0x19: {  	s7 =	sld [smem:$0x3F9F]  }
0x1a: {  	s8 =	sadd.s32 $0xFFFFE003, lr  }
0x1b: {  	s9 =	sadd.s32 $0xFFFFFEF7, lr;
	s5 =	simm.s32 $0xFFFFFFFF;
	p2 =	slt.u32 s8, $0xFFFFF086  }
0x1c: {  	p1 =	slt.u32 s9, $0xF7A;
	s5 =	simm.s32 @!p2 $0x0  }
0x1d: {  	s5 =	simm.s32 @p1 $0x1;
	p0 =	seq.s32 s7, s2  }
0x1e: {  	s7 =	smul.u32 @!p0 $0xF7A, s2;
	p2 =	seq.s32 @!p0 s5, $0x0  }
0x1f: {  	s9 =	smul.u32 $0xF7A, s1;
	s8 =	simm.s32 @!p0 $0x1BF5;
	p2 =	por !p2, p0  }
0x20: {  	[sflag:s8] =	ssyncset.s32 @!p0 $0xFFFFF086;
	s6 =	sadd.s32 @!p0 s3, s7;
	s7 =	simm.s32 @!p0 $0x108  }
0x21: {  	s3 =	sadd.s32 s3, s9;
	s6 =	sadd.s32 @!p0 $0x88, s6;
	s7 =	simm.s32 @p2 $0x1082  }
0x22: {  	[simem:s7], [sflag:s8] =	dma.local @!p0 [hbm:s6], $0xF7A  }
0x23: {  	s9 =	sor.u32 $0xD0000000, s2;
	s6 =	simm.s32 $0x108;
	_ =	swait.ge @!p0 [sflag:s8], $0x0  }
0x24: {  	s3 =	sadd.s32 $0x88, s3;
	s6 =	simm.s32 @!p1 $0x1082;
	[sflag:s4] =	ssyncset.s32 $0xFFFFF086  }
0x25: {  	[simem:s6], [sflag:s4] =	dma.local [hbm:s3], $0xF7A  }
0x26: {  	[smem:$0x3F9F] =	sst s1;
	(tag) =	ssettag s2;
	_ =	strace s9  }
0x27: {  	s1 =	sld [smem:$0x3FAF]  }
0x28: {  	s2 =	sld [smem:$0x3FB0]  }
0x29: {  	s4 =	sld [smem:$0x3FB2]  }
0x2a: {  	p0 =	seq.s32 s5, $0x0;
	s5 =	sld [smem:$0x3FB3]  }
0x2b: {  	s6 =	sld [smem:$0x3FB4]  }
0x2c: {  	s7 =	sld [smem:$0x3FB5]  }
0x2d: {  	s3 =	simm.s32 $0x108;
	s8 =	sld [smem:$0x3FB6]  }
0x2e: {  	s3 =	simm.s32 @!p0 $0x1082;
	s9 =	sld [smem:$0x3FB7]  }
0x2f: {  	lr =	sadd.s32 s0, s3;
	s0 =	sld [smem:$0x3FAE]  }
0x30: {  	s3 =	sld [smem:$0x3FB1]  }
0x31: {  	[smem:$0x3FBA] =	sst s10  }
0x32: {  	s10 =	sld [smem:$0x3FB8];
	_ =	sdelay $0x3  }
0x33: {  	p0 =	seq.s32 s10, $0x1;
	s10 =	sld [smem:$0x3FBA];
	_ =	sdelay $0x3  }
0x34: {  	[smem:$0x3FBA] =	sst s10  }
0x35: {  	s10 =	sld [smem:$0x3FB9];
	_ =	sdelay $0x3  }
0x36: {  	p1 =	seq.s32 s10, $0x1;
	s10 =	sld [smem:$0x3FBA];
	_ =	sdelay $0x3  }
0x37: {  	[smem:$0x3FBA] =	sst s10  }
0x38: {  	s10 =	sld [smem:$0x3FBB]  }
0x39: {  	_ = 	snop;
	(pc) =	sbr.ind lr, $3  }
0x3a: {  	_ = 	snop  }
0x3b: {  	_ = 	snop  }
0x3c: {  	p2 =	seq.s32 s10, $0x1;
	s10 =	sld [smem:$0x3FBA]  }
0x3d: {  	_ =	shalt  }
0x3e: {  	_ =	shalt  }
0x3f: {  	_ =	shalt  }
0x40: {  	_ =	shalt  }
0x41: {  	_ =	shalt  }
0x42: {  	_ =	shalt  }
0x43: {  	_ =	shalt  }
0x44: {  	_ =	shalt  }
0x45: {  	_ =	shalt  }
0x46: {  	_ =	shalt  }
0x47: {  	_ =	shalt  }
0x48: {  	_ =	shalt  }
0x49: {  	_ =	shalt  }
0x4a: {  	_ =	shalt  }
0x4b: {  	_ =	shalt  }
0x4c: {  	_ =	shalt  }
0x4d: {  	_ =	shalt  }
0x4e: {  	_ =	shalt  }
0x4f: {  	_ =	shalt  }
0x50: {  	_ =	shalt  }
0x51: {  	_ =	shalt  }
0x52: {  	_ =	shalt  }
0x53: {  	_ =	shalt  }
0x54: {  	_ =	shalt  }
0x55: {  	_ =	shalt  }
0x56: {  	_ =	shalt  }
0x57: {  	_ =	shalt  }
0x58: {  	_ =	shalt  }
0x59: {  	_ =	shalt  }
0x5a: {  	_ =	shalt  }
0x5b: {  	_ =	shalt  }
0x5c: {  	_ =	shalt  }
0x5d: {  	_ =	shalt  }
0x5e: {  	_ =	shalt  }
0x5f: {  	_ =	shalt  }
0x60: {  	_ =	shalt  }
0x61: {  	_ =	shalt  }
0x62: {  	_ =	shalt  }
0x63: {  	_ =	shalt  }
0x64: {  	_ =	shalt  }
0x65: {  	_ =	shalt  }
0x66: {  	_ =	shalt  }
0x67: {  	_ =	shalt  }
0x68: {  	_ =	shalt  }
0x69: {  	_ =	shalt  }
0x6a: {  	_ =	shalt  }
0x6b: {  	_ =	shalt  }
0x6c: {  	_ =	shalt  }
0x6d: {  	_ =	shalt  }
0x6e: {  	_ =	shalt  }
0x6f: {  	_ =	shalt  }
0x70: {  	_ =	shalt  }
0x71: {  	_ =	shalt  }
0x72: {  	_ =	shalt  }
0x73: {  	_ =	shalt  }
0x74: {  	_ =	shalt  }
0x75: {  	_ =	shalt  }
0x76: {  	_ =	shalt  }
0x77: {  	_ =	shalt  }
0x78: {  	_ =	shalt  }
0x79: {  	_ =	shalt  }
0x7a: {  	_ =	shalt  }
0x7b: {  	_ =	shalt  }
0x7c: {  	_ =	shalt  }
0x7d: {  	_ =	shalt  }
0x7e: {  	_ =	shalt  }
0x7f: {  	_ =	shalt  }
0x80: {  	_ =	shalt  }
0x81: {  	_ =	shalt  }
0x82: {  	_ =	shalt  }
0x83: {  	_ =	shalt  }
0x84: {  	_ =	shalt  }
0x85: {  	_ =	shalt  }
0x86: {  	_ =	shalt  }
0x87: {  	_ =	shalt  }
.Lfunc_end0:
.L_simem_size_0:
called_computation.1_lowered:
.L_overlay_start_0:
0x88: {  	s2 =	sld [smem:$0x3FD9]  }
0x89: {  	s3 =	sld [smem:$0x3FFE];
	_ =	sdelay $0x1  }
0x8a: {  	s1 =	srdreg.scid  }
0x8b: {  	s0 =	sand.u32 $0x1, s1  }
0x8c: {  	s17 =	sshll.u32 s0, $0xA;
	s2 =	sadd.s32 s3, s2  }
0x8d: {  	s2 =	sadd.s32 s2, s17  }
0x8e: {  	[smem:$0x3FC6] =	sst s2  }
0x8f: {  	_ = 	snop  }
0x90: {  	s2 =	sld [smem:$0x3FD0];
	(tm) =	ssettm $0x1  }
0x91: {  	s18 =	sld [smem:$0x3FFB];
	_ =	sdelay $0x3  }
0x92: {  	_ =	strace s18  }
0x93: {  	s3 =	sld [smem:$0x3FFC];
	_ =	sdelay $0x3  }
0x94: {  	_ =	strace s3  }
0x95: {  	s3 =	sld [smem:$0x3FFD];
	_ =	sdelay $0x3  }
0x96: {  	_ =	strace s3  }
0x97: {  	_ =	strace $0x8FFFFFFF  }
0x98: {  	s19 =	sld [smem:$0x3FDB];
	_ =	sdelay $0x1  }
0x99: {  	s4 =	simm.s32 $_scs_section_size  }
0x9a: {  	s5 =	simm.s32 $_size__tile_overlayer_lowered;
	s6 =	simm.s32 $_tile_overlayer_lowered  }
0x9b: {  	s22 =	simm.s32 $0x1BFF;
	s21 =	sshll.u32 s6, $0x1;
	s3 =	sadd.s32 s4, s19  }
0x9c: {  	s7 =	simm.s32 $0x0;
	s20 =	sshll.u32 s5, $0x1;
	s5 =	sadd.s32 s21, s3  }
0x9d: {  	[timem:s7], [sflag:s22] =	dma.local [hbm:s5], s20  }
0x9e: {  	_ =	swait.ge [sflag:s22], s20  }
0x9f: {  	s4 =	ssub.s32 $0x0, s20;
	[sflag:s22] =	ssyncset.done $0x0  }
0xa0: {  	[sflag:s22] =	ssyncadd.s32 s4;
	_ =	sdelay $0x1  }
0xa1: {  	s23 =	simm.s32 $0x1B8B  }
0xa2: {  	_ =	swait.ge [sflag:s23], $0x1  }
0xa3: {  	[sflag:s23] =	ssyncset.done $0x0  }
0xa4: {  	s25 =	simm.s32 $0x1B8E;
	s24 =	sld [smem:$0x3FFE];
	[sflag:s23] =	ssyncadd.s32 $0xFFFFFFFF  }
0xa5: {  	s26 =	simm.s32 $execute0_lowered;
	[smem:$0x3FD2] =	sst s25  }
0xa6: {  	s5 =	sshll.u32 s26, $0x1;
	_ =	strace $0x80000046;
	[dreg:$0x1] =	wrdreg $0xFFFFFFFF  }
0xa7: {  	s28 =	simm.s32 $_size_execute0_lowered;
	s3 =	sadd.s32 s3, s5;
	[dreg:$0x0] =	wrdreg $0x0  }
0xa8: {  	s5 =	sshll.u32 s28, $0x1;
	[dreg:$0x2] =	wrdreg s3  }
0xa9: {  	[dreg:$0x3] =	wrdreg s5  }
0xaa: {  	[dreg:$0x4] =	wrdreg $0xC0  }
0xab: {  	_ =	task [dreg:s7], $0x5FFFF  }
0xac: {  	[dreg:$0x1] =	wrdreg $0xFFFFFFFF  }
0xad: {  	[dreg:$0x0] =	wrdreg $0x60  }
0xae: {  	[dreg:$0x2] =	wrdreg s2  }
0xaf: {  	[dreg:$0x3] =	wrdreg s24  }
0xb0: {  	[dreg:$0x4] =	wrdreg $0x9  }
0xb1: {  	_ =	task.clear_ibuf [dreg:s7], $0x5FFFF;
	_ =	strace $0x90000046  }
0xb2: {  	s29 =	simm.s32 $0x9;
	_ =	strace $0x80000048  }
0xb3: {  	_ =	swait.ge [sflag:s29], $0x1  }
0xb4: {  	[sflag:s29] =	ssyncadd.s32 $0xFFFFFFFF  }
0xb5: {  	_ =	strace $0x90000048  }
0xb6: {  	_ =	sfence  }
0xb7: {  	s30 =	sld [smem:$0x0];
	_ =	sdelay $0x2  }
0xb8: {  	s31 =	sshll.u32 s1, $0xD;
	s1 =	sshrl.u32 s1, $0x2  }
0xb9: {  	s3 =	sand.u32 $0x4000, s31;
	s1 =	sadd.s32 s1, s30  }
0xba: {  	s0 =	sor.u32 s3, s0;
	s1 =	sshll.u32 s1, $0x11  }
0xbb: {  	s0 =	sor.u32 s1, s0  }
0xbc: {  	s0 =	sadd.s32 $0x8F2B, s0  }
0xbd: {  	[sflag:s0] =	ssyncadd.remote.s32 $0x1  }
0xbe: {  	_ =	sfence.sel $0xFFFF  }
0xbf: {  	[dreg:$0x0] =	wrdreg $0xFFFFFFFF;
	(pc) =	sbr.abs _section_cstart, $3  }
0xc0: {  	[dreg:$0x1] =	wrdreg $0xFFFFFFFF  }
0xc1: {  	_ =	task.clear_ibuf [dreg:s7], $0x2FFFF;
	_ =	strace $0x9FFFFFFF  }
0xc2: {  	(tm) =	ssettm $0x7FFFFFFF  }
0xc3: {  	_ =	shalt  }
tec
execute0_lowered:
.L_overlay_start_1:
0x0: {  	(tag) =	ssettag $0x1  }
0x1: {  	s5 =	rddreg [dreg:$0x0]  }
0x2: {  	s4 =	rddreg [dreg:$0x1]  }
0x3: {  	s0 =	rddreg [dreg:$0x2];
	s3 =	srdreg.scid  }
0x4: {  	s1 =	stileid.u32;
	s2 =	simm.s32 $0x0;
	s10 =	simm.s32 $0x9900  }
0x5: {  	s11 =	simm.s32 $0x2;
	s12 =	simm.s32 $0x4;
	s13 =	simm.s32 $0xD900  }
0x6: {  	s14 =	simm.s32 $0x3;
	s3 =	sand.u32 $0x1, s3;
	s6 =	sshll.u32 s1, $0x1  }
0x7: {  	s15 =	simm.s32 $0x0;
	[smem:$0x7FF] =	sst s2;
	s6 =	sor.u32 s3, s6  }
0x8: {  	_ =	strace $0x80000047;
	s7 =	ssub.s32 $0x2, s3;
	s3 =	sadd.s32 $0x800, s4  }
0x9: {  	s4 =	sadd.s32 $0xF42C00, s4;
	s8 =	smul.u32 $0x320, s6;
	s9 =	sshrl.u32 s7, $0x1  }
0xa: {  	s6 =	smul.u32 $0xC8000, s6;
	s7 =	ssub.s32 s7, s9;
	s9 =	simm.s32 $0x1  }
0xb: {  	s5 =	sadd.s32 s5, s8;
	s7 =	smax.u32 s7, $0x1;
	s8 =	simm.s32 $0x5  }
.LBB2_1:
0xc: {  	[tilespmem:s2], [sflag:$0x5] =	stream.linear.gather [hbm4b:s5+s2], $0x1900, $0x38;
	[tilespmem:$0x11900] =	vst v63  }
0xd: {  	_ =	swait.ge [sflag:s8], $0x1900  }
0xe: {  	[sflag:s8] =	ssyncset.done $0x0  }
0xf: {  	p0 =	por $0x1, $0x1;
	s17 =	simm.s32 $0x0;
	[sflag:s8] =	ssyncadd.s32 $0xFFFFE700  }
.LBB2_2:
0x10: {  	s18 =	sshll.u32 s17, $0x4  }
0x11: {  	s16 =	sand.u32 $0x3FFFFFF0, s18  }
0x12: {  	v0 =	vld [tilespmem:s16+$0x0];
	_ =	sdelay $0x4  }
0x13: {  	v0 =	vshll.u32 v0, $0x4  }
0x14: {  	(v2sf) =	vpush v0, $0x0;
	_ =	sdelay $0x1  }
0x15: {  	(v2sf) =	vpush v0, $0x1;
	_ =	sdelay $0x1  }
0x16: {  	(v2sf) =	vpush v0, $0x2;
	_ =	sdelay $0x8  }
0x17: {  	(v2sf) =	vpush v0, $0x3;
	_ =	sdelay $0x1  }
0x18: {  	s19 =	spop (v2sf);
	(v2sf) =	vpush v0, $0x4;
	_ =	sdelay $0x1  }
0x19: {  	s28 =	spop (v2sf);
	(v2sf) =	vpush v0, $0x5;
	_ =	sdelay $0x1  }
0x1a: {  	s30 =	spop (v2sf);
	(v2sf) =	vpush v0, $0x6  }
0x1b: {  	s24 =	sshll.u32 s17, $0xB  }
0x1c: {  	s17 =	sand.u32 $0x3FFFF800, s24  }
0x1d: {  	s26 =	sadd.s32 $0x1900, s17;
	s25 =	sand.u32 $0x1FFFFFF0, s19;
	(v2sf) =	vpush v0, $0x7  }
0x1e: {  	s16 =	simm.s32 $0x0;
	s20 =	sadd.s32 s3, s25;
	s19 =	sand.u32 $0x1FFFFFF0, s28  }
0x1f: {  	[tilespmem:s26], [sflag:$0x1] =	stream.linear.gather [hbm4b:s20+s16], $0x80, $0x38;
	[tilespmem:$0x11900] =	vst v63  }
0x20: {  	s29 =	sadd.s32 $0x1980, s17;
	s19 =	sadd.s32 s3, s19  }
0x21: {  	[tilespmem:s29], [sflag:$0x1] =	stream.linear.gather [hbm4b:s19+s16], $0x80, $0x38;
	[tilespmem:$0x11900] =	vst v63  }
0x22: {  	s19 =	sand.u32 $0x1FFFFFF0, s30  }
0x23: {  	s31 =	sadd.s32 $0x1A00, s17;
	s21 =	spop (v2sf);
	s19 =	sadd.s32 s3, s19  }
0x24: {  	[tilespmem:s31], [sflag:$0x1] =	stream.linear.gather [hbm4b:s19+s16], $0x80, $0x38;
	[tilespmem:$0x11900] =	vst v63  }
0x25: {  	s23 =	spop (v2sf);
	(v2sf) =	vpush v0, $0x8  }
0x26: {  	s19 =	sand.u32 $0x1FFFFFF0, s21  }
0x27: {  	s22 =	sadd.s32 $0x1A80, s17;
	s19 =	sadd.s32 s3, s19;
	s25 =	spop (v2sf);
	(v2sf) =	vpush v0, $0x9  }
0x28: {  	[tilespmem:s22], [sflag:$0x1] =	stream.linear.gather [hbm4b:s19+s16], $0x80, $0x38;
	[tilespmem:$0x11900] =	vst v63  }
0x29: {  	s19 =	sand.u32 $0x1FFFFFF0, s23;
	s28 =	spop (v2sf);
	(v2sf) =	vpush v0, $0xA  }
0x2a: {  	s24 =	sadd.s32 $0x1B00, s17;
	s19 =	sadd.s32 s3, s19  }
0x2b: {  	[tilespmem:s24], [sflag:$0x1] =	stream.linear.gather [hbm4b:s19+s16], $0x80, $0x38;
	[tilespmem:$0x11900] =	vst v63  }
0x2c: {  	s30 =	spop (v2sf);
	(v2sf) =	vpush v0, $0xB  }
0x2d: {  	s19 =	sand.u32 $0x1FFFFFF0, s25  }
0x2e: {  	s26 =	sadd.s32 $0x1B80, s17;
	s19 =	sadd.s32 s3, s19  }
0x2f: {  	[tilespmem:s26], [sflag:$0x1] =	stream.linear.gather [hbm4b:s19+s16], $0x80, $0x38;
	[tilespmem:$0x11900] =	vst v63  }
0x30: {  	s19 =	sand.u32 $0x1FFFFFF0, s28  }
0x31: {  	s29 =	sadd.s32 $0x1C00, s17;
	s19 =	sadd.s32 s3, s19  }
0x32: {  	[tilespmem:s29], [sflag:$0x1] =	stream.linear.gather [hbm4b:s19+s16], $0x80, $0x38;
	[tilespmem:$0x11900] =	vst v63  }
0x33: {  	s19 =	sand.u32 $0x1FFFFFF0, s30  }
0x34: {  	s31 =	sadd.s32 $0x1C80, s17;
	s19 =	sadd.s32 s3, s19;
	s21 =	spop (v2sf);
	(v2sf) =	vpush v0, $0xC  }
0x35: {  	[tilespmem:s31], [sflag:$0x1] =	stream.linear.gather [hbm4b:s19+s16], $0x80, $0x38;
	[tilespmem:$0x11900] =	vst v63  }
0x36: {  	s23 =	spop (v2sf);
	(v2sf) =	vpush v0, $0xD  }
0x37: {  	s19 =	sand.u32 $0x1FFFFFF0, s21  }
0x38: {  	s22 =	sadd.s32 $0x1D00, s17;
	s19 =	sadd.s32 s3, s19;
	s25 =	spop (v2sf)  }
0x39: {  	(v2sf) =	vpush v0, $0xE;
	[tilespmem:s22], [sflag:$0x1] =	stream.linear.gather [hbm4b:s19+s16], $0x80, $0x38;
	[tilespmem:$0x11900] =	vst v63  }
0x3a: {  	s19 =	sand.u32 $0x1FFFFFF0, s23  }
0x3b: {  	s24 =	sadd.s32 $0x1D80, s17;
	s28 =	spop (v2sf);
	s19 =	sadd.s32 s3, s19  }
0x3c: {  	(v2sf) =	vpush v0, $0xF;
	[tilespmem:s24], [sflag:$0x1] =	stream.linear.gather [hbm4b:s19+s16], $0x80, $0x38;
	[tilespmem:$0x11900] =	vst v63  }
0x3d: {  	s19 =	sand.u32 $0x1FFFFFF0, s25  }
0x3e: {  	s26 =	sadd.s32 $0x1E00, s17;
	s19 =	sadd.s32 s3, s19  }
0x3f: {  	[tilespmem:s26], [sflag:$0x1] =	stream.linear.gather [hbm4b:s19+s16], $0x80, $0x38;
	[tilespmem:$0x11900] =	vst v63  }
0x40: {  	s19 =	sand.u32 $0x1FFFFFF0, s28  }
0x41: {  	s29 =	sadd.s32 $0x1E80, s17;
	s19 =	sadd.s32 s3, s19  }
0x42: {  	[tilespmem:s29], [sflag:$0x1] =	stream.linear.gather [hbm4b:s19+s16], $0x80, $0x38;
	[tilespmem:$0x11900] =	vst v63  }
0x43: {  	s30 =	spop (v2sf)  }
0x44: {  	s19 =	sand.u32 $0x1FFFFFF0, s30  }
0x45: {  	s31 =	sadd.s32 $0x1F00, s17;
	s21 =	spop (v2sf);
	s19 =	sadd.s32 s3, s19  }
0x46: {  	[tilespmem:s31], [sflag:$0x1] =	stream.linear.gather [hbm4b:s19+s16], $0x80, $0x38;
	[tilespmem:$0x11900] =	vst v63  }
0x47: {  	s19 =	sand.u32 $0x1FFFFFF0, s21  }
0x48: {  	s22 =	sadd.s32 $0x1F80, s17;
	s23 =	spop (v2sf);
	s19 =	sadd.s32 s3, s19  }
0x49: {  	[tilespmem:s22], [sflag:$0x1] =	stream.linear.gather [hbm4b:s19+s16], $0x80, $0x38;
	[tilespmem:$0x11900] =	vst v63  }
0x4a: {  	s19 =	sand.u32 $0x1FFFFFF0, s23  }
0x4b: {  	s24 =	sadd.s32 $0x2000, s17;
	s25 =	spop (v2sf);
	s19 =	sadd.s32 s3, s19  }
0x4c: {  	[tilespmem:s24], [sflag:$0x1] =	stream.linear.gather [hbm4b:s19+s16], $0x80, $0x38;
	[tilespmem:$0x11900] =	vst v63  }
0x4d: {  	s19 =	sand.u32 $0x1FFFFFF0, s25  }
0x4e: {  	s26 =	sadd.s32 $0x2080, s17;
	s28 =	sor.u32 $0x10, s18;
	s19 =	sadd.s32 s3, s19  }
0x4f: {  	[tilespmem:s26], [sflag:$0x1] =	stream.linear.gather [hbm4b:s19+s16], $0x80, $0x38;
	[tilespmem:$0x11900] =	vst v63  }
0x50: {  	v61 =	vld [tilespmem:s28+$0x0];
	_ =	sdelay $0x4  }
0x51: {  	v0 =	vshll.u32 v61, $0x4  }
0x52: {  	(v2sf) =	vpush v0, $0x0;
	_ =	sdelay $0x1  }
0x53: {  	(v2sf) =	vpush v0, $0x1;
	_ =	sdelay $0x1  }
0x54: {  	(v2sf) =	vpush v0, $0x2  }
0x55: {  	(v2sf) =	vpush v0, $0x3;
	_ =	sdelay $0x3  }
0x56: {  	(v2sf) =	vpush v0, $0x4;
	_ =	sdelay $0x5  }
0x57: {  	s29 =	spop (v2sf);
	(v2sf) =	vpush v0, $0x5;
	_ =	sdelay $0x1  }
0x58: {  	s30 =	spop (v2sf);
	(v2sf) =	vpush v0, $0x6;
	_ =	sdelay $0x1  }
0x59: {  	s19 =	sshll.u32 s28, $0x7;
	s21 =	spop (v2sf)  }
0x5a: {  	s19 =	sand.u32 $0x3FFFF800, s19;
	s20 =	sand.u32 $0x1FFFFFF0, s29;
	s23 =	spop (v2sf);
	(v2sf) =	vpush v0, $0x7  }
0x5b: {  	s19 =	sadd.s32 $0x1900, s19;
	s20 =	sadd.s32 s3, s20  }
0x5c: {  	[tilespmem:s19], [sflag:$0x1] =	stream.linear.gather [hbm4b:s20+s16], $0x80, $0x38;
	[tilespmem:$0x11900] =	vst v63  }
0x5d: {  	s19 =	sand.u32 $0x1FFFFFF0, s30  }
0x5e: {  	s31 =	sadd.s32 $0x2180, s17;
	s19 =	sadd.s32 s3, s19;
	s25 =	spop (v2sf);
	(v2sf) =	vpush v0, $0x8  }
0x5f: {  	[tilespmem:s31], [sflag:$0x1] =	stream.linear.gather [hbm4b:s19+s16], $0x80, $0x38;
	[tilespmem:$0x11900] =	vst v63  }
0x60: {  	s19 =	sand.u32 $0x1FFFFFF0, s21  }
0x61: {  	s22 =	sadd.s32 $0x2200, s17;
	s19 =	sadd.s32 s3, s19  }
0x62: {  	[tilespmem:s22], [sflag:$0x1] =	stream.linear.gather [hbm4b:s19+s16], $0x80, $0x38;
	[tilespmem:$0x11900] =	vst v63  }
0x63: {  	s19 =	sand.u32 $0x1FFFFFF0, s23  }
0x64: {  	s24 =	sadd.s32 $0x2280, s17;
	s19 =	sadd.s32 s3, s19;
	s28 =	spop (v2sf);
	(v2sf) =	vpush v0, $0x9  }
0x65: {  	[tilespmem:s24], [sflag:$0x1] =	stream.linear.gather [hbm4b:s19+s16], $0x80, $0x38;
	[tilespmem:$0x11900] =	vst v63  }
0x66: {  	s19 =	sand.u32 $0x1FFFFFF0, s25;
	s30 =	spop (v2sf);
	(v2sf) =	vpush v0, $0xA  }
0x67: {  	s26 =	sadd.s32 $0x2300, s17;
	s19 =	sadd.s32 s3, s19  }
0x68: {  	[tilespmem:s26], [sflag:$0x1] =	stream.linear.gather [hbm4b:s19+s16], $0x80, $0x38;
	[tilespmem:$0x11900] =	vst v63  }
0x69: {  	s19 =	sand.u32 $0x1FFFFFF0, s28;
	s21 =	spop (v2sf);
	(v2sf) =	vpush v0, $0xB  }
0x6a: {  	s29 =	sadd.s32 $0x2380, s17;
	s19 =	sadd.s32 s3, s19  }
0x6b: {  	[tilespmem:s29], [sflag:$0x1] =	stream.linear.gather [hbm4b:s19+s16], $0x80, $0x38;
	[tilespmem:$0x11900] =	vst v63  }
0x6c: {  	s19 =	sand.u32 $0x1FFFFFF0, s30  }
0x6d: {  	s31 =	sadd.s32 $0x2400, s17;
	s19 =	sadd.s32 s3, s19;
	s23 =	spop (v2sf)  }
0x6e: {  	(v2sf) =	vpush v0, $0xC;
	[tilespmem:s31], [sflag:$0x1] =	stream.linear.gather [hbm4b:s19+s16], $0x80, $0x38;
	[tilespmem:$0x11900] =	vst v63  }
0x6f: {  	s19 =	sand.u32 $0x1FFFFFF0, s21  }
0x70: {  	s22 =	sadd.s32 $0x2480, s17;
	s19 =	sadd.s32 s3, s19  }
0x71: {  	[tilespmem:s22], [sflag:$0x1] =	stream.linear.gather [hbm4b:s19+s16], $0x80, $0x38;
	[tilespmem:$0x11900] =	vst v63  }
0x72: {  	s19 =	sand.u32 $0x1FFFFFF0, s23  }
0x73: {  	s24 =	sadd.s32 $0x2500, s17;
	s19 =	sadd.s32 s3, s19;
	s25 =	spop (v2sf);
	(v2sf) =	vpush v0, $0xD  }
0x74: {  	[tilespmem:s24], [sflag:$0x1] =	stream.linear.gather [hbm4b:s19+s16], $0x80, $0x38;
	[tilespmem:$0x11900] =	vst v63  }
0x75: {  	s19 =	sand.u32 $0x1FFFFFF0, s25;
	s28 =	spop (v2sf);
	(v2sf) =	vpush v0, $0xE  }
0x76: {  	s26 =	sadd.s32 $0x2580, s17;
	s19 =	sadd.s32 s3, s19  }
0x77: {  	[tilespmem:s26], [sflag:$0x1] =	stream.linear.gather [hbm4b:s19+s16], $0x80, $0x38;
	[tilespmem:$0x11900] =	vst v63  }
0x78: {  	s30 =	spop (v2sf);
	(v2sf) =	vpush v0, $0xF  }
0x79: {  	s19 =	sand.u32 $0x1FFFFFF0, s28  }
0x7a: {  	s29 =	sadd.s32 $0x2600, s17;
	s19 =	sadd.s32 s3, s19  }
0x7b: {  	[tilespmem:s29], [sflag:$0x1] =	stream.linear.gather [hbm4b:s19+s16], $0x80, $0x38;
	[tilespmem:$0x11900] =	vst v63  }
0x7c: {  	s19 =	sand.u32 $0x1FFFFFF0, s30  }
0x7d: {  	s31 =	sadd.s32 $0x2680, s17;
	s21 =	spop (v2sf);
	s19 =	sadd.s32 s3, s19  }
0x7e: {  	[tilespmem:s31], [sflag:$0x1] =	stream.linear.gather [hbm4b:s19+s16], $0x80, $0x38;
	[tilespmem:$0x11900] =	vst v63  }
0x7f: {  	s19 =	sand.u32 $0x1FFFFFF0, s21  }
0x80: {  	s22 =	sadd.s32 $0x2700, s17;
	s19 =	sadd.s32 s3, s19  }
0x81: {  	[tilespmem:s22], [sflag:$0x1] =	stream.linear.gather [hbm4b:s19+s16], $0x80, $0x38;
	[tilespmem:$0x11900] =	vst v63  }
0x82: {  	s23 =	spop (v2sf)  }
0x83: {  	s19 =	sand.u32 $0x1FFFFFF0, s23  }
0x84: {  	s24 =	sadd.s32 $0x2780, s17;
	s25 =	spop (v2sf);
	s19 =	sadd.s32 s3, s19  }
0x85: {  	[tilespmem:s24], [sflag:$0x1] =	stream.linear.gather [hbm4b:s19+s16], $0x80, $0x38;
	[tilespmem:$0x11900] =	vst v63  }
0x86: {  	s19 =	sand.u32 $0x1FFFFFF0, s25  }
0x87: {  	s26 =	sadd.s32 $0x2800, s17;
	s28 =	spop (v2sf);
	s19 =	sadd.s32 s3, s19  }
0x88: {  	[tilespmem:s26], [sflag:$0x1] =	stream.linear.gather [hbm4b:s19+s16], $0x80, $0x38;
	[tilespmem:$0x11900] =	vst v63  }
0x89: {  	s19 =	sand.u32 $0x1FFFFFF0, s28  }
0x8a: {  	s29 =	sadd.s32 $0x2880, s17;
	s30 =	sor.u32 $0x20, s18;
	s19 =	sadd.s32 s3, s19  }
0x8b: {  	[tilespmem:s29], [sflag:$0x1] =	stream.linear.gather [hbm4b:s19+s16], $0x80, $0x38;
	[tilespmem:$0x11900] =	vst v63  }
0x8c: {  	v62 =	vld [tilespmem:s30+$0x0];
	_ =	sdelay $0x4  }
0x8d: {  	v0 =	vshll.u32 v62, $0x4  }
0x8e: {  	(v2sf) =	vpush v0, $0x0;
	_ =	sdelay $0x1  }
0x8f: {  	(v2sf) =	vpush v0, $0x1;
	_ =	sdelay $0x1  }
0x90: {  	(v2sf) =	vpush v0, $0x2  }
0x91: {  	(v2sf) =	vpush v0, $0x3;
	_ =	sdelay $0x3  }
0x92: {  	(v2sf) =	vpush v0, $0x4;
	_ =	sdelay $0x5  }
0x93: {  	s31 =	spop (v2sf);
	(v2sf) =	vpush v0, $0x5;
	_ =	sdelay $0x1  }
0x94: {  	s21 =	spop (v2sf);
	(v2sf) =	vpush v0, $0x6;
	_ =	sdelay $0x1  }
0x95: {  	s19 =	sshll.u32 s30, $0x7;
	s23 =	spop (v2sf)  }
0x96: {  	s19 =	sand.u32 $0x3FFFF800, s19;
	s20 =	sand.u32 $0x1FFFFFF0, s31;
	s25 =	spop (v2sf);
	(v2sf) =	vpush v0, $0x7  }
0x97: {  	s19 =	sadd.s32 $0x1900, s19;
	s20 =	sadd.s32 s3, s20  }
0x98: {  	[tilespmem:s19], [sflag:$0x1] =	stream.linear.gather [hbm4b:s20+s16], $0x80, $0x38;
	[tilespmem:$0x11900] =	vst v63  }
0x99: {  	s19 =	sand.u32 $0x1FFFFFF0, s21  }
0x9a: {  	s22 =	sadd.s32 $0x2980, s17;
	s19 =	sadd.s32 s3, s19;
	s28 =	spop (v2sf);
	(v2sf) =	vpush v0, $0x8  }
0x9b: {  	[tilespmem:s22], [sflag:$0x1] =	stream.linear.gather [hbm4b:s19+s16], $0x80, $0x38;
	[tilespmem:$0x11900] =	vst v63  }
0x9c: {  	s19 =	sand.u32 $0x1FFFFFF0, s23  }
0x9d: {  	s24 =	sadd.s32 $0x2A00, s17;
	s19 =	sadd.s32 s3, s19  }
0x9e: {  	[tilespmem:s24], [sflag:$0x1] =	stream.linear.gather [hbm4b:s19+s16], $0x80, $0x38;
	[tilespmem:$0x11900] =	vst v63  }
0x9f: {  	s19 =	sand.u32 $0x1FFFFFF0, s25  }
0xa0: {  	s26 =	sadd.s32 $0x2A80, s17;
	s19 =	sadd.s32 s3, s19;
	s30 =	spop (v2sf);
	(v2sf) =	vpush v0, $0x9  }
0xa1: {  	[tilespmem:s26], [sflag:$0x1] =	stream.linear.gather [hbm4b:s19+s16], $0x80, $0x38;
	[tilespmem:$0x11900] =	vst v63  }
0xa2: {  	s19 =	sand.u32 $0x1FFFFFF0, s28;
	s21 =	spop (v2sf);
	(v2sf) =	vpush v0, $0xA  }
0xa3: {  	s29 =	sadd.s32 $0x2B00, s17;
	s19 =	sadd.s32 s3, s19  }
0xa4: {  	[tilespmem:s29], [sflag:$0x1] =	stream.linear.gather [hbm4b:s19+s16], $0x80, $0x38;
	[tilespmem:$0x11900] =	vst v63  }
0xa5: {  	s19 =	sand.u32 $0x1FFFFFF0, s30;
	s23 =	spop (v2sf);
	(v2sf) =	vpush v0, $0xB  }
0xa6: {  	s31 =	sadd.s32 $0x2B80, s17;
	s19 =	sadd.s32 s3, s19  }
0xa7: {  	[tilespmem:s31], [sflag:$0x1] =	stream.linear.gather [hbm4b:s19+s16], $0x80, $0x38;
	[tilespmem:$0x11900] =	vst v63  }
0xa8: {  	s19 =	sand.u32 $0x1FFFFFF0, s21  }
0xa9: {  	s22 =	sadd.s32 $0x2C00, s17;
	s19 =	sadd.s32 s3, s19;
	s25 =	spop (v2sf)  }
0xaa: {  	(v2sf) =	vpush v0, $0xC;
	[tilespmem:s22], [sflag:$0x1] =	stream.linear.gather [hbm4b:s19+s16], $0x80, $0x38;
	[tilespmem:$0x11900] =	vst v63  }
0xab: {  	s19 =	sand.u32 $0x1FFFFFF0, s23  }
0xac: {  	s24 =	sadd.s32 $0x2C80, s17;
	s19 =	sadd.s32 s3, s19  }
0xad: {  	[tilespmem:s24], [sflag:$0x1] =	stream.linear.gather [hbm4b:s19+s16], $0x80, $0x38;
	[tilespmem:$0x11900] =	vst v63  }
0xae: {  	s19 =	sand.u32 $0x1FFFFFF0, s25  }
0xaf: {  	s26 =	sadd.s32 $0x2D00, s17;
	s19 =	sadd.s32 s3, s19;
	s28 =	spop (v2sf);
	(v2sf) =	vpush v0, $0xD  }
0xb0: {  	[tilespmem:s26], [sflag:$0x1] =	stream.linear.gather [hbm4b:s19+s16], $0x80, $0x38;
	[tilespmem:$0x11900] =	vst v63  }
0xb1: {  	s19 =	sand.u32 $0x1FFFFFF0, s28;
	s30 =	spop (v2sf);
	(v2sf) =	vpush v0, $0xE  }
0xb2: {  	s29 =	sadd.s32 $0x2D80, s17;
	s19 =	sadd.s32 s3, s19  }
0xb3: {  	[tilespmem:s29], [sflag:$0x1] =	stream.linear.gather [hbm4b:s19+s16], $0x80, $0x38;
	[tilespmem:$0x11900] =	vst v63  }
0xb4: {  	s20 =	spop (v2sf);
	(v2sf) =	vpush v0, $0xF  }
0xb5: {  	s19 =	sand.u32 $0x1FFFFFF0, s30  }
0xb6: {  	s31 =	sadd.s32 $0x2E00, s17;
	s19 =	sadd.s32 s3, s19  }
0xb7: {  	[tilespmem:s31], [sflag:$0x1] =	stream.linear.gather [hbm4b:s19+s16], $0x80, $0x38;
	[tilespmem:$0x11900] =	vst v63  }
0xb8: {  	s19 =	sand.u32 $0x1FFFFFF0, s20  }
0xb9: {  	s21 =	sadd.s32 $0x2E80, s17;
	s22 =	spop (v2sf);
	s19 =	sadd.s32 s3, s19  }
0xba: {  	[tilespmem:s21], [sflag:$0x1] =	stream.linear.gather [hbm4b:s19+s16], $0x80, $0x38;
	[tilespmem:$0x11900] =	vst v63  }
0xbb: {  	s19 =	sand.u32 $0x1FFFFFF0, s22  }
0xbc: {  	s23 =	sadd.s32 $0x2F00, s17;
	s19 =	sadd.s32 s3, s19  }
0xbd: {  	[tilespmem:s23], [sflag:$0x1] =	stream.linear.gather [hbm4b:s19+s16], $0x80, $0x38;
	[tilespmem:$0x11900] =	vst v63  }
0xbe: {  	s24 =	spop (v2sf)  }
0xbf: {  	s19 =	sand.u32 $0x1FFFFFF0, s24  }
0xc0: {  	s25 =	sadd.s32 $0x2F80, s17;
	s26 =	spop (v2sf);
	s19 =	sadd.s32 s3, s19  }
0xc1: {  	[tilespmem:s25], [sflag:$0x1] =	stream.linear.gather [hbm4b:s19+s16], $0x80, $0x38;
	[tilespmem:$0x11900] =	vst v63  }
0xc2: {  	s19 =	sand.u32 $0x1FFFFFF0, s26  }
0xc3: {  	s28 =	sadd.s32 $0x3000, s17;
	s29 =	spop (v2sf);
	s19 =	sadd.s32 s3, s19  }
0xc4: {  	[tilespmem:s28], [sflag:$0x1] =	stream.linear.gather [hbm4b:s19+s16], $0x80, $0x38;
	[tilespmem:$0x11900] =	vst v63  }
0xc5: {  	s19 =	sand.u32 $0x1FFFFFF0, s29  }
0xc6: {  	s18 =	sor.u32 $0x30, s18;
	s30 =	sadd.s32 $0x3080, s17;
	s19 =	sadd.s32 s3, s19  }
0xc7: {  	[tilespmem:s30], [sflag:$0x1] =	stream.linear.gather [hbm4b:s19+s16], $0x80, $0x38;
	[tilespmem:$0x11900] =	vst v63  }
0xc8: {  	v63 =	vld [tilespmem:s18+$0x0];
	_ =	sdelay $0x4  }
0xc9: {  	v0 =	vshll.u32 v63, $0x4  }
0xca: {  	(v2sf) =	vpush v0, $0x0;
	_ =	sdelay $0x4  }
0xcb: {  	(v2sf) =	vpush v0, $0x1  }
0xcc: {  	(v2sf) =	vpush v0, $0x2;
	_ =	sdelay $0x1  }
0xcd: {  	(v2sf) =	vpush v0, $0x3  }
0xce: {  	(v2sf) =	vpush v0, $0x4;
	_ =	sdelay $0x5  }
0xcf: {  	s31 =	spop (v2sf);
	(v2sf) =	vpush v0, $0x5  }
0xd0: {  	s18 =	sshll.u32 s18, $0x7  }
0xd1: {  	s18 =	sand.u32 $0x3FFFF800, s18;
	s19 =	sand.u32 $0x1FFFFFF0, s31  }
0xd2: {  	s18 =	sadd.s32 $0x1900, s18;
	s19 =	sadd.s32 s3, s19  }
0xd3: {  	[tilespmem:s18], [sflag:$0x1] =	stream.linear.gather [hbm4b:s19+s16], $0x80, $0x38;
	[tilespmem:$0x11900] =	vst v63  }
0xd4: {  	s19 =	spop (v2sf)  }
0xd5: {  	s21 =	spop (v2sf);
	(v2sf) =	vpush v0, $0x6;
	_ =	sdelay $0x1  }
0xd6: {  	s18 =	sand.u32 $0x1FFFFFF0, s19;
	s23 =	spop (v2sf);
	(v2sf) =	vpush v0, $0x7  }
0xd7: {  	s20 =	sadd.s32 $0x3180, s17;
	s18 =	sadd.s32 s3, s18;
	s25 =	spop (v2sf);
	(v2sf) =	vpush v0, $0x8  }
0xd8: {  	[tilespmem:s20], [sflag:$0x1] =	stream.linear.gather [hbm4b:s18+s16], $0x80, $0x38;
	[tilespmem:$0x11900] =	vst v63  }
0xd9: {  	s18 =	sand.u32 $0x1FFFFFF0, s21  }
0xda: {  	s22 =	sadd.s32 $0x3200, s17;
	s18 =	sadd.s32 s3, s18  }
0xdb: {  	[tilespmem:s22], [sflag:$0x1] =	stream.linear.gather [hbm4b:s18+s16], $0x80, $0x38;
	[tilespmem:$0x11900] =	vst v63  }
0xdc: {  	s18 =	sand.u32 $0x1FFFFFF0, s23  }
0xdd: {  	s24 =	sadd.s32 $0x3280, s17;
	s18 =	sadd.s32 s3, s18;
	s28 =	spop (v2sf);
	(v2sf) =	vpush v0, $0x9  }
0xde: {  	[tilespmem:s24], [sflag:$0x1] =	stream.linear.gather [hbm4b:s18+s16], $0x80, $0x38;
	[tilespmem:$0x11900] =	vst v63  }
0xdf: {  	s18 =	sand.u32 $0x1FFFFFF0, s25  }
0xe0: {  	s26 =	sadd.s32 $0x3300, s17;
	s18 =	sadd.s32 s3, s18;
	(v2sf) =	vpush v0, $0xA  }
0xe1: {  	[tilespmem:s26], [sflag:$0x1] =	stream.linear.gather [hbm4b:s18+s16], $0x80, $0x38;
	[tilespmem:$0x11900] =	vst v63  }
0xe2: {  	s18 =	sand.u32 $0x1FFFFFF0, s28  }
0xe3: {  	s29 =	sadd.s32 $0x3380, s17;
	s18 =	sadd.s32 s3, s18;
	s30 =	spop (v2sf);
	(v2sf) =	vpush v0, $0xB  }
0xe4: {  	[tilespmem:s29], [sflag:$0x1] =	stream.linear.gather [hbm4b:s18+s16], $0x80, $0x38;
	[tilespmem:$0x11900] =	vst v63  }
0xe5: {  	s18 =	sand.u32 $0x1FFFFFF0, s30;
	s20 =	spop (v2sf);
	(v2sf) =	vpush v0, $0xC  }
0xe6: {  	s31 =	sadd.s32 $0x3400, s17;
	s18 =	sadd.s32 s3, s18;
	s22 =	spop (v2sf);
	(v2sf) =	vpush v0, $0xD  }
0xe7: {  	[tilespmem:s31], [sflag:$0x1] =	stream.linear.gather [hbm4b:s18+s16], $0x80, $0x38;
	[tilespmem:$0x11900] =	vst v63  }
0xe8: {  	s18 =	sand.u32 $0x1FFFFFF0, s20  }
0xe9: {  	s21 =	sadd.s32 $0x3480, s17;
	s18 =	sadd.s32 s3, s18  }
0xea: {  	[tilespmem:s21], [sflag:$0x1] =	stream.linear.gather [hbm4b:s18+s16], $0x80, $0x38;
	[tilespmem:$0x11900] =	vst v63  }
0xeb: {  	s18 =	sand.u32 $0x1FFFFFF0, s22  }
0xec: {  	s23 =	sadd.s32 $0x3500, s17;
	s18 =	sadd.s32 s3, s18;
	s24 =	spop (v2sf);
	(v2sf) =	vpush v0, $0xE  }
0xed: {  	[tilespmem:s23], [sflag:$0x1] =	stream.linear.gather [hbm4b:s18+s16], $0x80, $0x38;
	[tilespmem:$0x11900] =	vst v63  }
0xee: {  	s18 =	sand.u32 $0x1FFFFFF0, s24  }
0xef: {  	s25 =	sadd.s32 $0x3580, s17;
	s26 =	spop (v2sf);
	s18 =	sadd.s32 s3, s18  }
0xf0: {  	(v2sf) =	vpush v0, $0xF;
	[tilespmem:s25], [sflag:$0x1] =	stream.linear.gather [hbm4b:s18+s16], $0x80, $0x38;
	[tilespmem:$0x11900] =	vst v63  }
0xf1: {  	s18 =	sand.u32 $0x1FFFFFF0, s26  }
0xf2: {  	s29 =	sadd.s32 $0x3600, s17;
	s28 =	spop (v2sf);
	s18 =	sadd.s32 s3, s18  }
0xf3: {  	[tilespmem:s29], [sflag:$0x1] =	stream.linear.gather [hbm4b:s18+s16], $0x80, $0x38;
	[tilespmem:$0x11900] =	vst v63  }
0xf4: {  	s21 =	sadd.s32 $0x3680, s17;
	s30 =	sand.u32 $0x1FFFFFF0, s28;
	s31 =	spop (v2sf)  }
0xf5: {  	s18 =	sadd.s32 s3, s30;
	s22 =	sand.u32 $0x1FFFFFF0, s31;
	s23 =	spop (v2sf)  }
0xf6: {  	[tilespmem:s21], [sflag:$0x1] =	stream.linear.gather [hbm4b:s18+s16], $0x80, $0x38;
	[tilespmem:$0x11900] =	vst v63  }
0xf7: {  	s24 =	sadd.s32 $0x3700, s17;
	s18 =	sadd.s32 s3, s22;
	s25 =	sand.u32 $0x1FFFFFF0, s23  }
0xf8: {  	[tilespmem:s24], [sflag:$0x1] =	stream.linear.gather [hbm4b:s18+s16], $0x80, $0x38;
	[tilespmem:$0x11900] =	vst v63  }
0xf9: {  	s28 =	sadd.s32 $0x3780, s17;
	s18 =	sadd.s32 s3, s25  }
0xfa: {  	[tilespmem:s28], [sflag:$0x1] =	stream.linear.gather [hbm4b:s18+s16], $0x80, $0x38;
	[tilespmem:$0x11900] =	vst v63  }
0xfb: {  	s26 =	spop (v2sf)  }
0xfc: {  	s29 =	sand.u32 $0x1FFFFFF0, s26  }
0xfd: {  	p1 =	por p0, p0;
	s30 =	sadd.s32 $0x3800, s17;
	s18 =	sadd.s32 s3, s29  }
0xfe: {  	[tilespmem:s30], [sflag:$0x1] =	stream.linear.gather [hbm4b:s18+s16], $0x80, $0x38;
	[tilespmem:$0x11900] =	vst v63  }
.Ltmp0:
0xff: {  	s31 =	spop (v2sf);
	(pc) =	sbr.rel @p1 .LBB2_2-.Ltmp0, $4  }
0x100: {  	s18 =	sand.u32 $0x1FFFFFF0, s31  }
0x101: {  	s17 =	sadd.s32 $0x3880, s17;
	s18 =	sadd.s32 s3, s18  }
0x102: {  	[tilespmem:s17], [sflag:$0x1] =	stream.linear.gather [hbm4b:s18+s16], $0x80, $0x38;
	[tilespmem:$0x11900] =	vst v63  }
0x103: {  	p0 =	por $0x0, $0x0;
	s17 =	simm.s32 $0x4  }
.LBB2_3:
0x104: {  	s17 =	sshllo.u32 s16, $0x1  }
0x105: {  	s18 =	sshll.u32 s17, $0x7  }
0x106: {  	s18 =	sand.u32 $0x3FFFFF80, s18  }
0x107: {  	v0 =	vmov s18;
	_ =	sdelay $0x1  }
0x108: {  	p0 =	por $0x1, $0x1;
	s18 =	simm.s32 $0x0  }
.LBB2_4:
0x109: {  	s19 =	sshll.u32 s18, $0x4  }
0x10a: {  	s20 =	sand.u32 $0x3FFFFFF0, s19  }
0x10b: {  	v1 =	vld.idx.msk [tilespmem:v0+s20+$0x0 ss:$0x1], $0xffff;
	_ =	sdelay $0x4  }
0x10c: {  	v1 =	vshll.u32 v1, $0x4  }
0x10d: {  	(v2sf) =	vpush v1, $0x0;
	_ =	sdelay $0x3  }
0x10e: {  	(v2sf) =	vpush v1, $0x1;
	_ =	sdelay $0x1  }
0x10f: {  	(v2sf) =	vpush v1, $0x2;
	_ =	sdelay $0x6  }
0x110: {  	(v2sf) =	vpush v1, $0x3;
	_ =	sdelay $0x1  }
0x111: {  	s30 =	sshll.u32 s18, $0xB;
	s31 =	spop (v2sf);
	(v2sf) =	vpush v1, $0x4  }
0x112: {  	s18 =	sand.u32 $0x3FFFF800, s30;
	s20 =	sand.u32 $0x1FFFFFF0, s31  }
0x113: {  	s21 =	sadd.s32 $0x5900, s18;
	s20 =	sadd.s32 s3, s20  }
0x114: {  	[tilespmem:s21], [sflag:$0x2] =	stream.linear.gather [hbm4b:s20+s2], $0x80, $0x38;
	[tilespmem:$0x11900] =	vst v63  }
0x115: {  	s21 =	spop (v2sf);
	(v2sf) =	vpush v1, $0x5;
	_ =	sdelay $0x1  }
0x116: {  	s23 =	spop (v2sf);
	(v2sf) =	vpush v1, $0x6;
	_ =	sdelay $0x2  }
0x117: {  	(v2sf) =	vpush v1, $0x7;
	_ =	sdelay $0x2  }
0x118: {  	s20 =	sand.u32 $0x1FFFFFF0, s21  }
0x119: {  	s22 =	sadd.s32 $0x5980, s18;
	s20 =	sadd.s32 s3, s20;
	s25 =	spop (v2sf)  }
0x11a: {  	[tilespmem:s22], [sflag:$0x2] =	stream.linear.gather [hbm4b:s20+s2], $0x80, $0x38;
	[tilespmem:$0x11900] =	vst v63  }
0x11b: {  	s20 =	sand.u32 $0x1FFFFFF0, s23;
	s28 =	spop (v2sf);
	(v2sf) =	vpush v1, $0x8  }
0x11c: {  	s24 =	sadd.s32 $0x5A00, s18;
	s20 =	sadd.s32 s3, s20  }
0x11d: {  	[tilespmem:s24], [sflag:$0x2] =	stream.linear.gather [hbm4b:s20+s2], $0x80, $0x38;
	[tilespmem:$0x11900] =	vst v63  }
0x11e: {  	s20 =	sand.u32 $0x1FFFFFF0, s25  }
0x11f: {  	s26 =	sadd.s32 $0x5A80, s18;
	s20 =	sadd.s32 s3, s20;
	s30 =	spop (v2sf);
	(v2sf) =	vpush v1, $0x9  }
0x120: {  	[tilespmem:s26], [sflag:$0x2] =	stream.linear.gather [hbm4b:s20+s2], $0x80, $0x38;
	[tilespmem:$0x11900] =	vst v63  }
0x121: {  	s20 =	sand.u32 $0x1FFFFFF0, s28;
	s21 =	spop (v2sf);
	(v2sf) =	vpush v1, $0xA  }
0x122: {  	s29 =	sadd.s32 $0x5B00, s18;
	s20 =	sadd.s32 s3, s20  }
0x123: {  	[tilespmem:s29], [sflag:$0x2] =	stream.linear.gather [hbm4b:s20+s2], $0x80, $0x38;
	[tilespmem:$0x11900] =	vst v63  }
0x124: {  	s20 =	sand.u32 $0x1FFFFFF0, s30;
	s23 =	spop (v2sf);
	(v2sf) =	vpush v1, $0xB  }
0x125: {  	s31 =	sadd.s32 $0x5B80, s18;
	s20 =	sadd.s32 s3, s20  }
0x126: {  	[tilespmem:s31], [sflag:$0x2] =	stream.linear.gather [hbm4b:s20+s2], $0x80, $0x38;
	[tilespmem:$0x11900] =	vst v63  }
0x127: {  	s20 =	sand.u32 $0x1FFFFFF0, s21  }
0x128: {  	s22 =	sadd.s32 $0x5C00, s18;
	s20 =	sadd.s32 s3, s20  }
0x129: {  	[tilespmem:s22], [sflag:$0x2] =	stream.linear.gather [hbm4b:s20+s2], $0x80, $0x38;
	[tilespmem:$0x11900] =	vst v63  }
0x12a: {  	s20 =	sand.u32 $0x1FFFFFF0, s23;
	s25 =	spop (v2sf);
	(v2sf) =	vpush v1, $0xC  }
0x12b: {  	s24 =	sadd.s32 $0x5C80, s18;
	s20 =	sadd.s32 s3, s20  }
0x12c: {  	[tilespmem:s24], [sflag:$0x2] =	stream.linear.gather [hbm4b:s20+s2], $0x80, $0x38;
	[tilespmem:$0x11900] =	vst v63  }
0x12d: {  	s20 =	sand.u32 $0x1FFFFFF0, s25  }
0x12e: {  	s26 =	sadd.s32 $0x5D00, s18;
	s20 =	sadd.s32 s3, s20;
	s28 =	spop (v2sf);
	(v2sf) =	vpush v1, $0xD  }
0x12f: {  	[tilespmem:s26], [sflag:$0x2] =	stream.linear.gather [hbm4b:s20+s2], $0x80, $0x38;
	[tilespmem:$0x11900] =	vst v63  }
0x130: {  	s20 =	sand.u32 $0x1FFFFFF0, s28;
	s30 =	spop (v2sf);
	(v2sf) =	vpush v1, $0xE  }
0x131: {  	s29 =	sadd.s32 $0x5D80, s18;
	s20 =	sadd.s32 s3, s20  }
0x132: {  	[tilespmem:s29], [sflag:$0x2] =	stream.linear.gather [hbm4b:s20+s2], $0x80, $0x38;
	[tilespmem:$0x11900] =	vst v63  }
0x133: {  	s21 =	spop (v2sf);
	(v2sf) =	vpush v1, $0xF;
	s20 =	sand.u32 $0x1FFFFFF0, s30  }
0x134: {  	s31 =	sadd.s32 $0x5E00, s18;
	s20 =	sadd.s32 s3, s20  }
0x135: {  	[tilespmem:s31], [sflag:$0x2] =	stream.linear.gather [hbm4b:s20+s2], $0x80, $0x38;
	[tilespmem:$0x11900] =	vst v63  }
0x136: {  	s20 =	sand.u32 $0x1FFFFFF0, s21  }
0x137: {  	s22 =	sadd.s32 $0x5E80, s18;
	s20 =	sadd.s32 s3, s20  }
0x138: {  	[tilespmem:s22], [sflag:$0x2] =	stream.linear.gather [hbm4b:s20+s2], $0x80, $0x38;
	[tilespmem:$0x11900] =	vst v63  }
0x139: {  	s23 =	spop (v2sf)  }
0x13a: {  	s20 =	sand.u32 $0x1FFFFFF0, s23  }
0x13b: {  	s24 =	sadd.s32 $0x5F00, s18;
	s20 =	sadd.s32 s3, s20  }
0x13c: {  	[tilespmem:s24], [sflag:$0x2] =	stream.linear.gather [hbm4b:s20+s2], $0x80, $0x38;
	[tilespmem:$0x11900] =	vst v63  }
0x13d: {  	s25 =	spop (v2sf)  }
0x13e: {  	s20 =	sand.u32 $0x1FFFFFF0, s25  }
0x13f: {  	s26 =	sadd.s32 $0x5F80, s18;
	s28 =	spop (v2sf);
	s20 =	sadd.s32 s3, s20  }
0x140: {  	[tilespmem:s26], [sflag:$0x2] =	stream.linear.gather [hbm4b:s20+s2], $0x80, $0x38;
	[tilespmem:$0x11900] =	vst v63  }
0x141: {  	s20 =	sand.u32 $0x1FFFFFF0, s28  }
0x142: {  	s29 =	sadd.s32 $0x6000, s18;
	s30 =	spop (v2sf);
	s20 =	sadd.s32 s3, s20  }
0x143: {  	[tilespmem:s29], [sflag:$0x2] =	stream.linear.gather [hbm4b:s20+s2], $0x80, $0x38;
	[tilespmem:$0x11900] =	vst v63  }
0x144: {  	s20 =	sand.u32 $0x1FFFFFF0, s30  }
0x145: {  	s31 =	sadd.s32 $0x6080, s18;
	s21 =	sor.u32 $0x10, s19;
	s20 =	sadd.s32 s3, s20  }
0x146: {  	[tilespmem:s31], [sflag:$0x2] =	stream.linear.gather [hbm4b:s20+s2], $0x80, $0x38;
	[tilespmem:$0x11900] =	vst v63  }
0x147: {  	v1 =	vld.idx.msk [tilespmem:v0+s21+$0x0 ss:$0x1], $0xffff;
	_ =	sdelay $0x4  }
0x148: {  	v1 =	vshll.u32 v1, $0x4  }
0x149: {  	(v2sf) =	vpush v1, $0x0;
	_ =	sdelay $0x1  }
0x14a: {  	(v2sf) =	vpush v1, $0x1;
	_ =	sdelay $0x1  }
0x14b: {  	(v2sf) =	vpush v1, $0x2  }
0x14c: {  	(v2sf) =	vpush v1, $0x3;
	_ =	sdelay $0x3  }
0x14d: {  	(v2sf) =	vpush v1, $0x4;
	_ =	sdelay $0x5  }
0x14e: {  	s22 =	spop (v2sf);
	(v2sf) =	vpush v1, $0x5;
	_ =	sdelay $0x1  }
0x14f: {  	s23 =	spop (v2sf);
	(v2sf) =	vpush v1, $0x6;
	_ =	sdelay $0x1  }
0x150: {  	s20 =	sshll.u32 s21, $0x7;
	s25 =	spop (v2sf)  }
0x151: {  	s20 =	sand.u32 $0x3FFFF800, s20;
	s21 =	sand.u32 $0x1FFFFFF0, s22;
	s28 =	spop (v2sf);
	(v2sf) =	vpush v1, $0x7  }
0x152: {  	s20 =	sadd.s32 $0x5900, s20;
	s21 =	sadd.s32 s3, s21  }
0x153: {  	[tilespmem:s20], [sflag:$0x2] =	stream.linear.gather [hbm4b:s21+s2], $0x80, $0x38;
	[tilespmem:$0x11900] =	vst v63  }
0x154: {  	s20 =	sand.u32 $0x1FFFFFF0, s23  }
0x155: {  	s24 =	sadd.s32 $0x6180, s18;
	s20 =	sadd.s32 s3, s20;
	s30 =	spop (v2sf);
	(v2sf) =	vpush v1, $0x8  }
0x156: {  	[tilespmem:s24], [sflag:$0x2] =	stream.linear.gather [hbm4b:s20+s2], $0x80, $0x38;
	[tilespmem:$0x11900] =	vst v63  }
0x157: {  	s20 =	sand.u32 $0x1FFFFFF0, s25  }
0x158: {  	s26 =	sadd.s32 $0x6200, s18;
	s20 =	sadd.s32 s3, s20  }
0x159: {  	[tilespmem:s26], [sflag:$0x2] =	stream.linear.gather [hbm4b:s20+s2], $0x80, $0x38;
	[tilespmem:$0x11900] =	vst v63  }
0x15a: {  	s20 =	sand.u32 $0x1FFFFFF0, s28  }
0x15b: {  	s29 =	sadd.s32 $0x6280, s18;
	s20 =	sadd.s32 s3, s20;
	s21 =	spop (v2sf);
	(v2sf) =	vpush v1, $0x9  }
0x15c: {  	[tilespmem:s29], [sflag:$0x2] =	stream.linear.gather [hbm4b:s20+s2], $0x80, $0x38;
	[tilespmem:$0x11900] =	vst v63  }
0x15d: {  	s20 =	sand.u32 $0x1FFFFFF0, s30;
	s23 =	spop (v2sf);
	(v2sf) =	vpush v1, $0xA  }
0x15e: {  	s31 =	sadd.s32 $0x6300, s18;
	s20 =	sadd.s32 s3, s20  }
0x15f: {  	[tilespmem:s31], [sflag:$0x2] =	stream.linear.gather [hbm4b:s20+s2], $0x80, $0x38;
	[tilespmem:$0x11900] =	vst v63  }
0x160: {  	s20 =	sand.u32 $0x1FFFFFF0, s21;
	s25 =	spop (v2sf);
	(v2sf) =	vpush v1, $0xB  }
0x161: {  	s22 =	sadd.s32 $0x6380, s18;
	s20 =	sadd.s32 s3, s20  }
0x162: {  	[tilespmem:s22], [sflag:$0x2] =	stream.linear.gather [hbm4b:s20+s2], $0x80, $0x38;
	[tilespmem:$0x11900] =	vst v63  }
0x163: {  	s20 =	sand.u32 $0x1FFFFFF0, s23  }
0x164: {  	s24 =	sadd.s32 $0x6400, s18;
	s20 =	sadd.s32 s3, s20;
	s28 =	spop (v2sf)  }
0x165: {  	(v2sf) =	vpush v1, $0xC;
	[tilespmem:s24], [sflag:$0x2] =	stream.linear.gather [hbm4b:s20+s2], $0x80, $0x38;
	[tilespmem:$0x11900] =	vst v63  }
0x166: {  	s20 =	sand.u32 $0x1FFFFFF0, s25  }
0x167: {  	s26 =	sadd.s32 $0x6480, s18;
	s20 =	sadd.s32 s3, s20  }
0x168: {  	[tilespmem:s26], [sflag:$0x2] =	stream.linear.gather [hbm4b:s20+s2], $0x80, $0x38;
	[tilespmem:$0x11900] =	vst v63  }
0x169: {  	s20 =	sand.u32 $0x1FFFFFF0, s28  }
0x16a: {  	s29 =	sadd.s32 $0x6500, s18;
	s20 =	sadd.s32 s3, s20;
	s30 =	spop (v2sf);
	(v2sf) =	vpush v1, $0xD  }
0x16b: {  	[tilespmem:s29], [sflag:$0x2] =	stream.linear.gather [hbm4b:s20+s2], $0x80, $0x38;
	[tilespmem:$0x11900] =	vst v63  }
0x16c: {  	s20 =	sand.u32 $0x1FFFFFF0, s30;
	s21 =	spop (v2sf);
	(v2sf) =	vpush v1, $0xE  }
0x16d: {  	s31 =	sadd.s32 $0x6580, s18;
	s20 =	sadd.s32 s3, s20  }
0x16e: {  	[tilespmem:s31], [sflag:$0x2] =	stream.linear.gather [hbm4b:s20+s2], $0x80, $0x38;
	[tilespmem:$0x11900] =	vst v63  }
0x16f: {  	s23 =	spop (v2sf);
	(v2sf) =	vpush v1, $0xF  }
0x170: {  	s20 =	sand.u32 $0x1FFFFFF0, s21  }
0x171: {  	s22 =	sadd.s32 $0x6600, s18;
	s20 =	sadd.s32 s3, s20  }
0x172: {  	[tilespmem:s22], [sflag:$0x2] =	stream.linear.gather [hbm4b:s20+s2], $0x80, $0x38;
	[tilespmem:$0x11900] =	vst v63  }
0x173: {  	s20 =	sand.u32 $0x1FFFFFF0, s23  }
0x174: {  	s24 =	sadd.s32 $0x6680, s18;
	s25 =	spop (v2sf);
	s20 =	sadd.s32 s3, s20  }
0x175: {  	[tilespmem:s24], [sflag:$0x2] =	stream.linear.gather [hbm4b:s20+s2], $0x80, $0x38;
	[tilespmem:$0x11900] =	vst v63  }
0x176: {  	s20 =	sand.u32 $0x1FFFFFF0, s25  }
0x177: {  	s26 =	sadd.s32 $0x6700, s18;
	s20 =	sadd.s32 s3, s20  }
0x178: {  	[tilespmem:s26], [sflag:$0x2] =	stream.linear.gather [hbm4b:s20+s2], $0x80, $0x38;
	[tilespmem:$0x11900] =	vst v63  }
0x179: {  	s28 =	spop (v2sf)  }
0x17a: {  	s20 =	sand.u32 $0x1FFFFFF0, s28  }
0x17b: {  	s29 =	sadd.s32 $0x6780, s18;
	s30 =	spop (v2sf);
	s20 =	sadd.s32 s3, s20  }
0x17c: {  	[tilespmem:s29], [sflag:$0x2] =	stream.linear.gather [hbm4b:s20+s2], $0x80, $0x38;
	[tilespmem:$0x11900] =	vst v63  }
0x17d: {  	s20 =	sand.u32 $0x1FFFFFF0, s30  }
0x17e: {  	s31 =	sadd.s32 $0x6800, s18;
	s21 =	spop (v2sf);
	s20 =	sadd.s32 s3, s20  }
0x17f: {  	[tilespmem:s31], [sflag:$0x2] =	stream.linear.gather [hbm4b:s20+s2], $0x80, $0x38;
	[tilespmem:$0x11900] =	vst v63  }
0x180: {  	s20 =	sand.u32 $0x1FFFFFF0, s21  }
0x181: {  	s22 =	sadd.s32 $0x6880, s18;
	s23 =	sor.u32 $0x20, s19;
	s20 =	sadd.s32 s3, s20  }
0x182: {  	[tilespmem:s22], [sflag:$0x2] =	stream.linear.gather [hbm4b:s20+s2], $0x80, $0x38;
	[tilespmem:$0x11900] =	vst v63  }
0x183: {  	v1 =	vld.idx.msk [tilespmem:v0+s23+$0x0 ss:$0x1], $0xffff;
	_ =	sdelay $0x4  }
0x184: {  	v1 =	vshll.u32 v1, $0x4  }
0x185: {  	(v2sf) =	vpush v1, $0x0;
	_ =	sdelay $0x1  }
0x186: {  	(v2sf) =	vpush v1, $0x1;
	_ =	sdelay $0x1  }
0x187: {  	(v2sf) =	vpush v1, $0x2  }
0x188: {  	(v2sf) =	vpush v1, $0x3;
	_ =	sdelay $0x3  }
0x189: {  	(v2sf) =	vpush v1, $0x4;
	_ =	sdelay $0x5  }
0x18a: {  	s24 =	spop (v2sf);
	(v2sf) =	vpush v1, $0x5;
	_ =	sdelay $0x1  }
0x18b: {  	s25 =	spop (v2sf);
	(v2sf) =	vpush v1, $0x6;
	_ =	sdelay $0x1  }
0x18c: {  	s20 =	sshll.u32 s23, $0x7;
	s28 =	spop (v2sf)  }
0x18d: {  	s20 =	sand.u32 $0x3FFFF800, s20;
	s21 =	sand.u32 $0x1FFFFFF0, s24;
	s30 =	spop (v2sf);
	(v2sf) =	vpush v1, $0x7  }
0x18e: {  	s20 =	sadd.s32 $0x5900, s20;
	s21 =	sadd.s32 s3, s21  }
0x18f: {  	[tilespmem:s20], [sflag:$0x2] =	stream.linear.gather [hbm4b:s21+s2], $0x80, $0x38;
	[tilespmem:$0x11900] =	vst v63  }
0x190: {  	s20 =	sand.u32 $0x1FFFFFF0, s25  }
0x191: {  	s26 =	sadd.s32 $0x6980, s18;
	s20 =	sadd.s32 s3, s20;
	s21 =	spop (v2sf);
	(v2sf) =	vpush v1, $0x8  }
0x192: {  	[tilespmem:s26], [sflag:$0x2] =	stream.linear.gather [hbm4b:s20+s2], $0x80, $0x38;
	[tilespmem:$0x11900] =	vst v63  }
0x193: {  	s20 =	sand.u32 $0x1FFFFFF0, s28  }
0x194: {  	s29 =	sadd.s32 $0x6A00, s18;
	s20 =	sadd.s32 s3, s20  }
0x195: {  	[tilespmem:s29], [sflag:$0x2] =	stream.linear.gather [hbm4b:s20+s2], $0x80, $0x38;
	[tilespmem:$0x11900] =	vst v63  }
0x196: {  	s20 =	sand.u32 $0x1FFFFFF0, s30  }
0x197: {  	s31 =	sadd.s32 $0x6A80, s18;
	s20 =	sadd.s32 s3, s20;
	s23 =	spop (v2sf);
	(v2sf) =	vpush v1, $0x9  }
0x198: {  	[tilespmem:s31], [sflag:$0x2] =	stream.linear.gather [hbm4b:s20+s2], $0x80, $0x38;
	[tilespmem:$0x11900] =	vst v63  }
0x199: {  	s20 =	sand.u32 $0x1FFFFFF0, s21;
	s25 =	spop (v2sf);
	(v2sf) =	vpush v1, $0xA  }
0x19a: {  	s22 =	sadd.s32 $0x6B00, s18;
	s20 =	sadd.s32 s3, s20  }
0x19b: {  	[tilespmem:s22], [sflag:$0x2] =	stream.linear.gather [hbm4b:s20+s2], $0x80, $0x38;
	[tilespmem:$0x11900] =	vst v63  }
0x19c: {  	s20 =	sand.u32 $0x1FFFFFF0, s23;
	s28 =	spop (v2sf);
	(v2sf) =	vpush v1, $0xB  }
0x19d: {  	s24 =	sadd.s32 $0x6B80, s18;
	s20 =	sadd.s32 s3, s20  }
0x19e: {  	[tilespmem:s24], [sflag:$0x2] =	stream.linear.gather [hbm4b:s20+s2], $0x80, $0x38;
	[tilespmem:$0x11900] =	vst v63  }
0x19f: {  	s20 =	sand.u32 $0x1FFFFFF0, s25  }
0x1a0: {  	s26 =	sadd.s32 $0x6C00, s18;
	s20 =	sadd.s32 s3, s20;
	s30 =	spop (v2sf)  }
0x1a1: {  	(v2sf) =	vpush v1, $0xC;
	[tilespmem:s26], [sflag:$0x2] =	stream.linear.gather [hbm4b:s20+s2], $0x80, $0x38;
	[tilespmem:$0x11900] =	vst v63  }
0x1a2: {  	s20 =	sand.u32 $0x1FFFFFF0, s28  }
0x1a3: {  	s29 =	sadd.s32 $0x6C80, s18;
	s20 =	sadd.s32 s3, s20  }
0x1a4: {  	[tilespmem:s29], [sflag:$0x2] =	stream.linear.gather [hbm4b:s20+s2], $0x80, $0x38;
	[tilespmem:$0x11900] =	vst v63  }
0x1a5: {  	s20 =	sand.u32 $0x1FFFFFF0, s30  }
0x1a6: {  	s31 =	sadd.s32 $0x6D00, s18;
	s20 =	sadd.s32 s3, s20;
	s21 =	spop (v2sf);
	(v2sf) =	vpush v1, $0xD  }
0x1a7: {  	[tilespmem:s31], [sflag:$0x2] =	stream.linear.gather [hbm4b:s20+s2], $0x80, $0x38;
	[tilespmem:$0x11900] =	vst v63  }
0x1a8: {  	s20 =	sand.u32 $0x1FFFFFF0, s21;
	s23 =	spop (v2sf);
	(v2sf) =	vpush v1, $0xE  }
0x1a9: {  	s22 =	sadd.s32 $0x6D80, s18;
	s20 =	sadd.s32 s3, s20  }
0x1aa: {  	[tilespmem:s22], [sflag:$0x2] =	stream.linear.gather [hbm4b:s20+s2], $0x80, $0x38;
	[tilespmem:$0x11900] =	vst v63  }
0x1ab: {  	s25 =	spop (v2sf);
	(v2sf) =	vpush v1, $0xF  }
0x1ac: {  	s20 =	sand.u32 $0x1FFFFFF0, s23  }
0x1ad: {  	s24 =	sadd.s32 $0x6E00, s18;
	s20 =	sadd.s32 s3, s20  }
0x1ae: {  	[tilespmem:s24], [sflag:$0x2] =	stream.linear.gather [hbm4b:s20+s2], $0x80, $0x38;
	[tilespmem:$0x11900] =	vst v63  }
0x1af: {  	s20 =	sand.u32 $0x1FFFFFF0, s25  }
0x1b0: {  	s26 =	sadd.s32 $0x6E80, s18;
	s28 =	spop (v2sf);
	s20 =	sadd.s32 s3, s20  }
0x1b1: {  	[tilespmem:s26], [sflag:$0x2] =	stream.linear.gather [hbm4b:s20+s2], $0x80, $0x38;
	[tilespmem:$0x11900] =	vst v63  }
0x1b2: {  	s20 =	sand.u32 $0x1FFFFFF0, s28  }
0x1b3: {  	s29 =	sadd.s32 $0x6F00, s18;
	s20 =	sadd.s32 s3, s20  }
0x1b4: {  	[tilespmem:s29], [sflag:$0x2] =	stream.linear.gather [hbm4b:s20+s2], $0x80, $0x38;
	[tilespmem:$0x11900] =	vst v63  }
0x1b5: {  	s30 =	spop (v2sf)  }
0x1b6: {  	s20 =	sand.u32 $0x1FFFFFF0, s30  }
0x1b7: {  	s31 =	sadd.s32 $0x6F80, s18;
	s22 =	spop (v2sf);
	s20 =	sadd.s32 s3, s20  }
0x1b8: {  	[tilespmem:s31], [sflag:$0x2] =	stream.linear.gather [hbm4b:s20+s2], $0x80, $0x38;
	[tilespmem:$0x11900] =	vst v63  }
0x1b9: {  	s20 =	sand.u32 $0x1FFFFFF0, s22  }
0x1ba: {  	s23 =	sadd.s32 $0x7000, s18;
	s24 =	spop (v2sf);
	s20 =	sadd.s32 s3, s20  }
0x1bb: {  	[tilespmem:s23], [sflag:$0x2] =	stream.linear.gather [hbm4b:s20+s2], $0x80, $0x38;
	[tilespmem:$0x11900] =	vst v63  }
0x1bc: {  	s20 =	sand.u32 $0x1FFFFFF0, s24  }
0x1bd: {  	s19 =	sor.u32 $0x30, s19;
	s25 =	sadd.s32 $0x7080, s18;
	s20 =	sadd.s32 s3, s20  }
0x1be: {  	[tilespmem:s25], [sflag:$0x2] =	stream.linear.gather [hbm4b:s20+s2], $0x80, $0x38;
	[tilespmem:$0x11900] =	vst v63  }
0x1bf: {  	v1 =	vld.idx.msk [tilespmem:v0+s19+$0x0 ss:$0x1], $0xffff;
	_ =	sdelay $0x4  }
0x1c0: {  	v1 =	vshll.u32 v1, $0x4  }
0x1c1: {  	(v2sf) =	vpush v1, $0x0;
	_ =	sdelay $0x4  }
0x1c2: {  	(v2sf) =	vpush v1, $0x1  }
0x1c3: {  	(v2sf) =	vpush v1, $0x2  }
0x1c4: {  	(v2sf) =	vpush v1, $0x3;
	_ =	sdelay $0x1  }
0x1c5: {  	(v2sf) =	vpush v1, $0x4;
	_ =	sdelay $0x5  }
0x1c6: {  	s26 =	spop (v2sf);
	(v2sf) =	vpush v1, $0x5;
	_ =	sdelay $0x4  }
0x1c7: {  	s19 =	sshll.u32 s19, $0x7;
	s28 =	spop (v2sf)  }
0x1c8: {  	s19 =	sand.u32 $0x3FFFF800, s19;
	s20 =	sand.u32 $0x1FFFFFF0, s26;
	s30 =	spop (v2sf);
	(v2sf) =	vpush v1, $0x6  }
0x1c9: {  	s19 =	sadd.s32 $0x5900, s19;
	s20 =	sadd.s32 s3, s20;
	s21 =	spop (v2sf);
	(v2sf) =	vpush v1, $0x7  }
0x1ca: {  	[tilespmem:s19], [sflag:$0x2] =	stream.linear.gather [hbm4b:s20+s2], $0x80, $0x38;
	[tilespmem:$0x11900] =	vst v63  }
0x1cb: {  	s19 =	sand.u32 $0x1FFFFFF0, s28;
	s23 =	spop (v2sf);
	(v2sf) =	vpush v1, $0x8  }
0x1cc: {  	s29 =	sadd.s32 $0x7180, s18;
	s19 =	sadd.s32 s3, s19  }
0x1cd: {  	[tilespmem:s29], [sflag:$0x2] =	stream.linear.gather [hbm4b:s19+s2], $0x80, $0x38;
	[tilespmem:$0x11900] =	vst v63  }
0x1ce: {  	s19 =	sand.u32 $0x1FFFFFF0, s30  }
0x1cf: {  	s31 =	sadd.s32 $0x7200, s18;
	s19 =	sadd.s32 s3, s19  }
0x1d0: {  	[tilespmem:s31], [sflag:$0x2] =	stream.linear.gather [hbm4b:s19+s2], $0x80, $0x38;
	[tilespmem:$0x11900] =	vst v63  }
0x1d1: {  	s19 =	sand.u32 $0x1FFFFFF0, s21;
	s25 =	spop (v2sf);
	(v2sf) =	vpush v1, $0x9  }
0x1d2: {  	s22 =	sadd.s32 $0x7280, s18;
	s19 =	sadd.s32 s3, s19  }
0x1d3: {  	[tilespmem:s22], [sflag:$0x2] =	stream.linear.gather [hbm4b:s19+s2], $0x80, $0x38;
	[tilespmem:$0x11900] =	vst v63  }
0x1d4: {  	s19 =	sand.u32 $0x1FFFFFF0, s23  }
0x1d5: {  	s24 =	sadd.s32 $0x7300, s18;
	s19 =	sadd.s32 s3, s19;
	(v2sf) =	vpush v1, $0xA  }
0x1d6: {  	[tilespmem:s24], [sflag:$0x2] =	stream.linear.gather [hbm4b:s19+s2], $0x80, $0x38;
	[tilespmem:$0x11900] =	vst v63  }
0x1d7: {  	s19 =	sand.u32 $0x1FFFFFF0, s25;
	s28 =	spop (v2sf);
	(v2sf) =	vpush v1, $0xB  }
0x1d8: {  	s26 =	sadd.s32 $0x7380, s18;
	s19 =	sadd.s32 s3, s19;
	s30 =	spop (v2sf);
	(v2sf) =	vpush v1, $0xC  }
0x1d9: {  	[tilespmem:s26], [sflag:$0x2] =	stream.linear.gather [hbm4b:s19+s2], $0x80, $0x38;
	[tilespmem:$0x11900] =	vst v63  }
0x1da: {  	s19 =	sand.u32 $0x1FFFFFF0, s28;
	s21 =	spop (v2sf);
	(v2sf) =	vpush v1, $0xD  }
0x1db: {  	s29 =	sadd.s32 $0x7400, s18;
	s19 =	sadd.s32 s3, s19  }
0x1dc: {  	[tilespmem:s29], [sflag:$0x2] =	stream.linear.gather [hbm4b:s19+s2], $0x80, $0x38;
	[tilespmem:$0x11900] =	vst v63  }
0x1dd: {  	s19 =	sand.u32 $0x1FFFFFF0, s30  }
0x1de: {  	s31 =	sadd.s32 $0x7480, s18;
	s19 =	sadd.s32 s3, s19  }
0x1df: {  	[tilespmem:s31], [sflag:$0x2] =	stream.linear.gather [hbm4b:s19+s2], $0x80, $0x38;
	[tilespmem:$0x11900] =	vst v63  }
0x1e0: {  	s19 =	sand.u32 $0x1FFFFFF0, s21;
	s23 =	spop (v2sf);
	(v2sf) =	vpush v1, $0xE  }
0x1e1: {  	s22 =	sadd.s32 $0x7500, s18;
	s19 =	sadd.s32 s3, s19  }
0x1e2: {  	[tilespmem:s22], [sflag:$0x2] =	stream.linear.gather [hbm4b:s19+s2], $0x80, $0x38;
	[tilespmem:$0x11900] =	vst v63  }
0x1e3: {  	s24 =	sadd.s32 $0x7580, s18;
	s19 =	sand.u32 $0x1FFFFFF0, s23  }
0x1e4: {  	s28 =	sadd.s32 $0x7600, s18;
	s25 =	spop (v2sf);
	(v2sf) =	vpush v1, $0xF;
	s19 =	sadd.s32 s3, s19  }
0x1e5: {  	[tilespmem:s24], [sflag:$0x2] =	stream.linear.gather [hbm4b:s19+s2], $0x80, $0x38;
	[tilespmem:$0x11900] =	vst v63  }
0x1e6: {  	s31 =	sadd.s32 $0x7680, s18;
	s26 =	spop (v2sf);
	s19 =	sand.u32 $0x1FFFFFF0, s25  }
0x1e7: {  	s29 =	sand.u32 $0x1FFFFFF0, s26;
	s30 =	spop (v2sf);
	s19 =	sadd.s32 s3, s19  }
0x1e8: {  	[tilespmem:s28], [sflag:$0x2] =	stream.linear.gather [hbm4b:s19+s2], $0x80, $0x38;
	[tilespmem:$0x11900] =	vst v63  }
0x1e9: {  	s22 =	sand.u32 $0x1FFFFFF0, s30;
	s23 =	spop (v2sf);
	s19 =	sadd.s32 s3, s29  }
0x1ea: {  	[tilespmem:s31], [sflag:$0x2] =	stream.linear.gather [hbm4b:s19+s2], $0x80, $0x38;
	[tilespmem:$0x11900] =	vst v63  }
0x1eb: {  	s24 =	sadd.s32 $0x7700, s18;
	s25 =	sand.u32 $0x1FFFFFF0, s23;
	s19 =	sadd.s32 s3, s22  }
0x1ec: {  	[tilespmem:s24], [sflag:$0x2] =	stream.linear.gather [hbm4b:s19+s2], $0x80, $0x38;
	[tilespmem:$0x11900] =	vst v63  }
0x1ed: {  	s28 =	sadd.s32 $0x7780, s18;
	s19 =	sadd.s32 s3, s25  }
0x1ee: {  	[tilespmem:s28], [sflag:$0x2] =	stream.linear.gather [hbm4b:s19+s2], $0x80, $0x38;
	[tilespmem:$0x11900] =	vst v63  }
0x1ef: {  	s26 =	spop (v2sf)  }
0x1f0: {  	s29 =	sand.u32 $0x1FFFFFF0, s26  }
0x1f1: {  	p1 =	por p0, p0;
	s30 =	sadd.s32 $0x7800, s18;
	s19 =	sadd.s32 s3, s29  }
0x1f2: {  	[tilespmem:s30], [sflag:$0x2] =	stream.linear.gather [hbm4b:s19+s2], $0x80, $0x38;
	[tilespmem:$0x11900] =	vst v63  }
.Ltmp1:
0x1f3: {  	s31 =	spop (v2sf);
	(pc) =	sbr.rel @p1 .LBB2_4-.Ltmp1, $4  }
0x1f4: {  	s19 =	sand.u32 $0x1FFFFFF0, s31  }
0x1f5: {  	s18 =	sadd.s32 $0x7880, s18;
	s19 =	sadd.s32 s3, s19  }
0x1f6: {  	[tilespmem:s18], [sflag:$0x2] =	stream.linear.gather [hbm4b:s19+s2], $0x80, $0x38;
	[tilespmem:$0x11900] =	vst v63  }
0x1f7: {  	p0 =	por $0x0, $0x0;
	s18 =	simm.s32 $0x4  }
0x1f8: {  	_ =	swait.ge [sflag:s9], $0x4000  }
0x1f9: {  	p0 =	seq.s32 s16, $0x0;
	[sflag:s9] =	ssyncset.done $0x0  }
0x1fa: {  	s18 =	simm.s32 @!p0 $0x3;
	[sflag:s9] =	ssyncadd.s32 $0xFFFFC000  }
0x1fb: {  	_ =	swait.ge @!p0 [sflag:s18], $0x4000  }
0x1fc: {  	[sflag:s18] =	ssyncset.done @!p0 $0x0  }
0x1fd: {  	s23 =	simm.s32 $0x1A00;
	[sflag:s18] =	ssyncadd.s32 @!p0 $0xFFFFC000  }
0x1fe: {  	v0 =	vld [tilespmem:s23+$0x80];
	_ =	sdelay $0x3  }
0x1ff: {  	v1 =	vld [tilespmem:s23+$0xFFFFFF00]  }
0x200: {  	v2 =	vld [tilespmem:s23+$0xFFFFFF80];
	v0 =	vmul.f32 $8.000000000e+00, v0  }
0x201: {  	s18 =	simm.s32 $0x9A00;
	v3 =	vld [tilespmem:s23+$0x0]  }
0x202: {  	[tilespmem:s18+$0x80] =	vst v0  }
0x203: {  	v0 =	vld [tilespmem:s23+$0x90]  }
0x204: {  	v1 =	vmul.f32 $8.000000000e+00, v1  }
0x205: {  	v2 =	vmul.f32 $8.000000000e+00, v2  }
0x206: {  	v3 =	vmul.f32 $8.000000000e+00, v3;
	[tilespmem:s18+$0xFFFFFF00] =	vst v1  }
0x207: {  	[tilespmem:s18+$0xFFFFFF80] =	vst v2;
	v1 =	vld [tilespmem:s23+$0xFFFFFF10]  }
0x208: {  	[tilespmem:s18+$0x0] =	vst v3;
	v2 =	vld [tilespmem:s23+$0xFFFFFF90];
	v0 =	vmul.f32 $8.000000000e+00, v0  }
0x209: {  	s19 =	simm.s32 $0x1C00;
	v3 =	vld [tilespmem:s23+$0x10]  }
0x20a: {  	[tilespmem:s18+$0x90] =	vst v0;
	v0 =	vld [tilespmem:s19+$0x80]  }
0x20b: {  	v4 =	vld [tilespmem:s23+$0xA0]  }
0x20c: {  	v5 =	vld [tilespmem:s19+$0xFFFFFF80];
	v1 =	vmul.f32 $8.000000000e+00, v1  }
0x20d: {  	v6 =	vld [tilespmem:s19+$0x0];
	v2 =	vmul.f32 $8.000000000e+00, v2  }
0x20e: {  	v3 =	vmul.f32 $8.000000000e+00, v3;
	[tilespmem:s18+$0xFFFFFF10] =	vst v1;
	v1 =	vld [tilespmem:s19+$0xFFFFFF00]  }
0x20f: {  	[tilespmem:s18+$0xFFFFFF90] =	vst v2;
	v2 =	vld [tilespmem:s23+$0xFFFFFF20];
	v0 =	vmul.f32 $8.000000000e+00, v0  }
0x210: {  	s20 =	simm.s32 $0x9C00;
	[tilespmem:s18+$0x10] =	vst v3;
	v7 =	vld [tilespmem:s23+$0xFFFFFFA0];
	v3 =	vmul.f32 $8.000000000e+00, v4  }
0x211: {  	v4 =	vmul.f32 $8.000000000e+00, v5;
	[tilespmem:s20+$0x80] =	vst v0;
	v0 =	vld [tilespmem:s23+$0x20]  }
0x212: {  	v5 =	vmul.f32 $8.000000000e+00, v6;
	v6 =	vld [tilespmem:s19+$0x90];
	[tilespmem:s18+$0xA0] =	vst v3  }
0x213: {  	v1 =	vmul.f32 $8.000000000e+00, v1;
	[tilespmem:s20+$0xFFFFFF80] =	vst v4;
	v8 =	vld [tilespmem:s23+$0xB0]  }
0x214: {  	v2 =	vmul.f32 $8.000000000e+00, v2;
	[tilespmem:s20+$0x0] =	vst v5;
	v9 =	vld [tilespmem:s19+$0xFFFFFF90]  }
0x215: {  	[tilespmem:s20+$0xFFFFFF00] =	vst v1;
	v5 =	vmul.f32 $8.000000000e+00, v7;
	v3 =	vld [tilespmem:s19+$0x10]  }
0x216: {  	v4 =	vld [tilespmem:s19+$0xFFFFFF10];
	[tilespmem:s18+$0xFFFFFF20] =	vst v2;
	v2 =	vmul.f32 $8.000000000e+00, v0  }
0x217: {  	v1 =	vld [tilespmem:s23+$0xFFFFFF30];
	[tilespmem:s18+$0xFFFFFFA0] =	vst v5;
	v7 =	vmul.f32 $8.000000000e+00, v6  }
0x218: {  	v0 =	vld [tilespmem:s23+$0xFFFFFFB0];
	[tilespmem:s18+$0x20] =	vst v2;
	v5 =	vmul.f32 $8.000000000e+00, v8  }
0x219: {  	s21 =	simm.s32 $0x4;
	s22 =	simm.s32 $0x1E00;
	v6 =	vmul.f32 $8.000000000e+00, v9;
	[tilespmem:s20+$0x90] =	vst v7;
	v2 =	vld [tilespmem:s23+$0x30]  }
.LBB2_6:
0x21a: {  	v7 =	vld [tilespmem:s22+$0x80];
	v3 =	vmul.f32 $8.000000000e+00, v3;
	[tilespmem:s18+$0xB0] =	vst v5  }
0x21b: {  	s21 =	sadd.s32 $0x4, s21;
	v4 =	vmul.f32 $8.000000000e+00, v4;
	[tilespmem:s20+$0xFFFFFF90] =	vst v6;
	v5 =	vld [tilespmem:s19+$0xA0]  }
0x21c: {  	p1 =	slt.u32 s21, $0x7C;
	v6 =	vld [tilespmem:s22+$0xFFFFFF80];
	[tilespmem:s20+$0x10] =	vst v3;
	v1 =	vmul.f32 $8.000000000e+00, v1  }
0x21d: {  	v3 =	vld [tilespmem:s22+$0x0];
	[tilespmem:s20+$0xFFFFFF10] =	vst v4;
	v0 =	vmul.f32 $8.000000000e+00, v0  }
0x21e: {  	v4 =	vld [tilespmem:s22+$0xFFFFFF00];
	[tilespmem:s18+$0xFFFFFF30] =	vst v1;
	v1 =	vmul.f32 $8.000000000e+00, v2  }
0x21f: {  	v2 =	vmul.f32 $8.000000000e+00, v7;
	v7 =	vld [tilespmem:s19+$0xFFFFFF20];
	[tilespmem:s18+$0xFFFFFFB0] =	vst v0  }
0x220: {  	v0 =	vld [tilespmem:s19+$0xFFFFFFA0];
	v5 =	vmul.f32 $8.000000000e+00, v5;
	[tilespmem:s18+$0x30] =	vst v1;
	s18 =	smov.u32 s20;
	s20 =	sadd.s32 $0x200, s20  }
0x221: {  	v1 =	vmul.f32 $8.000000000e+00, v6;
	[tilespmem:s20+$0x80] =	vst v2;
	v2 =	vld [tilespmem:s19+$0x20]  }
0x222: {  	v3 =	vmul.f32 $8.000000000e+00, v3;
	v6 =	vld [tilespmem:s22+$0x90];
	[tilespmem:s18+$0xA0] =	vst v5  }
0x223: {  	v4 =	vmul.f32 $8.000000000e+00, v4;
	[tilespmem:s20+$0xFFFFFF80] =	vst v1;
	v5 =	vld [tilespmem:s19+$0xB0]  }
0x224: {  	v8 =	vld [tilespmem:s22+$0xFFFFFF90];
	[tilespmem:s20+$0x0] =	vst v3;
	v1 =	vmul.f32 $8.000000000e+00, v7  }
.Ltmp2:
0x225: {  	[tilespmem:s20+$0xFFFFFF00] =	vst v4;
	v3 =	vld [tilespmem:s22+$0x10];
	v0 =	vmul.f32 $8.000000000e+00, v0;
	(pc) =	sbr.rel @p1 .LBB2_6-.Ltmp2, $4  }
0x226: {  	v4 =	vld [tilespmem:s22+$0xFFFFFF10];
	[tilespmem:s18+$0xFFFFFF20] =	vst v1;
	v2 =	vmul.f32 $8.000000000e+00, v2  }
0x227: {  	v7 =	vmul.f32 $8.000000000e+00, v6;
	v1 =	vld [tilespmem:s19+$0xFFFFFF30];
	[tilespmem:s18+$0xFFFFFFA0] =	vst v0  }
0x228: {  	v0 =	vld [tilespmem:s19+$0xFFFFFFB0];
	[tilespmem:s18+$0x20] =	vst v2;
	v5 =	vmul.f32 $8.000000000e+00, v5  }
0x229: {  	v6 =	vmul.f32 $8.000000000e+00, v8;
	[tilespmem:s20+$0x90] =	vst v7;
	v2 =	vld [tilespmem:s19+$0x30];
	s19 =	smov.u32 s22;
	s22 =	sadd.s32 $0x200, s22  }
0x22a: {  	v3 =	vmul.f32 $8.000000000e+00, v3  }
0x22b: {  	v7 =	vld [tilespmem:s19+$0xA0];
	v4 =	vmul.f32 $8.000000000e+00, v4;
	[tilespmem:s20+$0xFFFFFF90] =	vst v6  }
0x22c: {  	[tilespmem:s20+$0x10] =	vst v3;
	v53 =	vld [tilespmem:s19+$0xFFFFFFA0]  }
0x22d: {  	[tilespmem:s20+$0xFFFFFF10] =	vst v4;
	v54 =	vld [tilespmem:s19+$0x20]  }
0x22e: {  	v4 =	vld [tilespmem:s19+$0xFFFFFF20];
	_ =	sdelay $0x1  }
0x22f: {  	v7 =	vmul.f32 $8.000000000e+00, v7  }
0x230: {  	v3 =	vmul.f32 $8.000000000e+00, v53  }
0x231: {  	[tilespmem:s20+$0xA0] =	vst v7;
	v6 =	vmul.f32 $8.000000000e+00, v54  }
0x232: {  	v55 =	vld [tilespmem:s19+$0xB0];
	v4 =	vmul.f32 $8.000000000e+00, v4;
	[tilespmem:s20+$0xFFFFFFA0] =	vst v3  }
0x233: {  	[tilespmem:s20+$0x20] =	vst v6;
	v57 =	vld [tilespmem:s19+$0xFFFFFFB0]  }
0x234: {  	v1 =	vmul.f32 $8.000000000e+00, v1;
	[tilespmem:s20+$0xFFFFFF20] =	vst v4;
	v58 =	vld [tilespmem:s19+$0x30]  }
0x235: {  	[tilespmem:s18+$0xB0] =	vst v5;
	v0 =	vmul.f32 $8.000000000e+00, v0;
	v56 =	vld [tilespmem:s19+$0xFFFFFF30]  }
0x236: {  	[tilespmem:s18+$0xFFFFFF30] =	vst v1;
	v59 =	vmul.f32 $8.000000000e+00, v2  }
0x237: {  	[tilespmem:s18+$0xFFFFFFB0] =	vst v0;
	v60 =	vmul.f32 $8.000000000e+00, v55  }
0x238: {  	p1 =	seq.s32 s16, $0x18;
	[tilespmem:s18+$0x30] =	vst v59;
	v62 =	vmul.f32 $8.000000000e+00, v57  }
.Ltmp3:
0x239: {  	s31 =	sshll.u32 s16, $0xF;
	[tilespmem:s20+$0xB0] =	vst v60;
	v63 =	vmul.f32 $8.000000000e+00, v58;
	(pc) =	sbr.rel @!p1 .LBB2_8-.Ltmp3, $4  }
0x23a: {  	s18 =	sadd.s32 s6, s31;
	v61 =	vmul.f32 $8.000000000e+00, v56;
	[tilespmem:s20+$0xFFFFFFB0] =	vst v62  }
0x23b: {  	s18 =	sshrl.u32 s18, $0x3;
	[tilespmem:s20+$0x30] =	vst v63  }
0x23c: {  	s18 =	sadd.s32 s4, s18;
	[tilespmem:s20+$0xFFFFFF30] =	vst v61  }
0x23d: {  	[hbm4b:s18+s2] =	stream.linear.scatter [tilespmem:s10], [sflag:$0x3], $0x4000, $0x38;
	[tilespmem:$0x11900] =	vst v63  }
.Ltmp4:
0x23e: {  	(pc) =	sbr.rel .LBB2_11-.Ltmp4, $4  }
0x23f: {  	_ = 	snop  }
0x240: {  	_ =	swait.ge [sflag:s11], $0x4000  }
0x241: {  	[sflag:s11] =	ssyncset.done $0x0  }
0x242: {  	[sflag:s11] =	ssyncadd.s32 $0xFFFFC000  }
.LBB2_8:
0x243: {  	s18 =	sshll.u32 s16, $0x8  }
0x244: {  	s18 =	sand.u32 $0x3FFFFF00, s18  }
0x245: {  	s19 =	sadd.s32 $0x100, s18  }
0x246: {  	v0 =	vmov s19;
	_ =	sdelay $0x1  }
0x247: {  	p1 =	por $0x1, $0x1;
	s18 =	simm.s32 $0x0  }
.LBB2_9:
0x248: {  	s19 =	sshll.u32 s18, $0x4  }
0x249: {  	s20 =	sand.u32 $0x3FFFFFF0, s19  }
0x24a: {  	v1 =	vld.idx.msk [tilespmem:v0+s20+$0x0 ss:$0x1], $0xffff;
	_ =	sdelay $0x4  }
0x24b: {  	v1 =	vshll.u32 v1, $0x4  }
0x24c: {  	(v2sf) =	vpush v1, $0x0;
	_ =	sdelay $0x3  }
0x24d: {  	(v2sf) =	vpush v1, $0x1;
	_ =	sdelay $0x1  }
0x24e: {  	(v2sf) =	vpush v1, $0x2;
	_ =	sdelay $0x6  }
0x24f: {  	(v2sf) =	vpush v1, $0x3;
	_ =	sdelay $0x1  }
0x250: {  	s30 =	sshll.u32 s18, $0xB;
	s31 =	spop (v2sf);
	(v2sf) =	vpush v1, $0x4  }
0x251: {  	s18 =	sand.u32 $0x3FFFF800, s30;
	s20 =	sand.u32 $0x1FFFFFF0, s31  }
0x252: {  	s21 =	sadd.s32 $0x1900, s18;
	s20 =	sadd.s32 s3, s20  }
0x253: {  	[tilespmem:s21], [sflag:$0x1] =	stream.linear.gather [hbm4b:s20+s2], $0x80, $0x38;
	[tilespmem:$0x11900] =	vst v63  }
0x254: {  	s21 =	spop (v2sf);
	(v2sf) =	vpush v1, $0x5;
	_ =	sdelay $0x1  }
0x255: {  	s23 =	spop (v2sf);
	(v2sf) =	vpush v1, $0x6;
	_ =	sdelay $0x2  }
0x256: {  	(v2sf) =	vpush v1, $0x7;
	_ =	sdelay $0x2  }
0x257: {  	s20 =	sand.u32 $0x1FFFFFF0, s21  }
0x258: {  	s22 =	sadd.s32 $0x1980, s18;
	s20 =	sadd.s32 s3, s20;
	s25 =	spop (v2sf)  }
0x259: {  	[tilespmem:s22], [sflag:$0x1] =	stream.linear.gather [hbm4b:s20+s2], $0x80, $0x38;
	[tilespmem:$0x11900] =	vst v63  }
0x25a: {  	s20 =	sand.u32 $0x1FFFFFF0, s23;
	s28 =	spop (v2sf);
	(v2sf) =	vpush v1, $0x8  }
0x25b: {  	s24 =	sadd.s32 $0x1A00, s18;
	s20 =	sadd.s32 s3, s20  }
0x25c: {  	[tilespmem:s24], [sflag:$0x1] =	stream.linear.gather [hbm4b:s20+s2], $0x80, $0x38;
	[tilespmem:$0x11900] =	vst v63  }
0x25d: {  	s20 =	sand.u32 $0x1FFFFFF0, s25  }
0x25e: {  	s26 =	sadd.s32 $0x1A80, s18;
	s20 =	sadd.s32 s3, s20;
	s30 =	spop (v2sf);
	(v2sf) =	vpush v1, $0x9  }
0x25f: {  	[tilespmem:s26], [sflag:$0x1] =	stream.linear.gather [hbm4b:s20+s2], $0x80, $0x38;
	[tilespmem:$0x11900] =	vst v63  }
0x260: {  	s20 =	sand.u32 $0x1FFFFFF0, s28;
	s21 =	spop (v2sf);
	(v2sf) =	vpush v1, $0xA  }
0x261: {  	s29 =	sadd.s32 $0x1B00, s18;
	s20 =	sadd.s32 s3, s20  }
0x262: {  	[tilespmem:s29], [sflag:$0x1] =	stream.linear.gather [hbm4b:s20+s2], $0x80, $0x38;
	[tilespmem:$0x11900] =	vst v63  }
0x263: {  	s20 =	sand.u32 $0x1FFFFFF0, s30;
	s23 =	spop (v2sf);
	(v2sf) =	vpush v1, $0xB  }
0x264: {  	s31 =	sadd.s32 $0x1B80, s18;
	s20 =	sadd.s32 s3, s20  }
0x265: {  	[tilespmem:s31], [sflag:$0x1] =	stream.linear.gather [hbm4b:s20+s2], $0x80, $0x38;
	[tilespmem:$0x11900] =	vst v63  }
0x266: {  	s20 =	sand.u32 $0x1FFFFFF0, s21  }
0x267: {  	s22 =	sadd.s32 $0x1C00, s18;
	s20 =	sadd.s32 s3, s20  }
0x268: {  	[tilespmem:s22], [sflag:$0x1] =	stream.linear.gather [hbm4b:s20+s2], $0x80, $0x38;
	[tilespmem:$0x11900] =	vst v63  }
0x269: {  	s20 =	sand.u32 $0x1FFFFFF0, s23;
	s25 =	spop (v2sf);
	(v2sf) =	vpush v1, $0xC  }
0x26a: {  	s24 =	sadd.s32 $0x1C80, s18;
	s20 =	sadd.s32 s3, s20  }
0x26b: {  	[tilespmem:s24], [sflag:$0x1] =	stream.linear.gather [hbm4b:s20+s2], $0x80, $0x38;
	[tilespmem:$0x11900] =	vst v63  }
0x26c: {  	s20 =	sand.u32 $0x1FFFFFF0, s25  }
0x26d: {  	s26 =	sadd.s32 $0x1D00, s18;
	s20 =	sadd.s32 s3, s20;
	s28 =	spop (v2sf);
	(v2sf) =	vpush v1, $0xD  }
0x26e: {  	[tilespmem:s26], [sflag:$0x1] =	stream.linear.gather [hbm4b:s20+s2], $0x80, $0x38;
	[tilespmem:$0x11900] =	vst v63  }
0x26f: {  	s20 =	sand.u32 $0x1FFFFFF0, s28;
	s30 =	spop (v2sf);
	(v2sf) =	vpush v1, $0xE  }
0x270: {  	s29 =	sadd.s32 $0x1D80, s18;
	s20 =	sadd.s32 s3, s20  }
0x271: {  	[tilespmem:s29], [sflag:$0x1] =	stream.linear.gather [hbm4b:s20+s2], $0x80, $0x38;
	[tilespmem:$0x11900] =	vst v63  }
0x272: {  	s21 =	spop (v2sf);
	(v2sf) =	vpush v1, $0xF;
	s20 =	sand.u32 $0x1FFFFFF0, s30  }
0x273: {  	s31 =	sadd.s32 $0x1E00, s18;
	s20 =	sadd.s32 s3, s20  }
0x274: {  	[tilespmem:s31], [sflag:$0x1] =	stream.linear.gather [hbm4b:s20+s2], $0x80, $0x38;
	[tilespmem:$0x11900] =	vst v63  }
0x275: {  	s20 =	sand.u32 $0x1FFFFFF0, s21  }
0x276: {  	s22 =	sadd.s32 $0x1E80, s18;
	s20 =	sadd.s32 s3, s20  }
0x277: {  	[tilespmem:s22], [sflag:$0x1] =	stream.linear.gather [hbm4b:s20+s2], $0x80, $0x38;
	[tilespmem:$0x11900] =	vst v63  }
0x278: {  	s23 =	spop (v2sf)  }
0x279: {  	s20 =	sand.u32 $0x1FFFFFF0, s23  }
0x27a: {  	s24 =	sadd.s32 $0x1F00, s18;
	s20 =	sadd.s32 s3, s20  }
0x27b: {  	[tilespmem:s24], [sflag:$0x1] =	stream.linear.gather [hbm4b:s20+s2], $0x80, $0x38;
	[tilespmem:$0x11900] =	vst v63  }
0x27c: {  	s25 =	spop (v2sf)  }
0x27d: {  	s20 =	sand.u32 $0x1FFFFFF0, s25  }
0x27e: {  	s26 =	sadd.s32 $0x1F80, s18;
	s28 =	spop (v2sf);
	s20 =	sadd.s32 s3, s20  }
0x27f: {  	[tilespmem:s26], [sflag:$0x1] =	stream.linear.gather [hbm4b:s20+s2], $0x80, $0x38;
	[tilespmem:$0x11900] =	vst v63  }
0x280: {  	s20 =	sand.u32 $0x1FFFFFF0, s28  }
0x281: {  	s29 =	sadd.s32 $0x2000, s18;
	s30 =	spop (v2sf);
	s20 =	sadd.s32 s3, s20  }
0x282: {  	[tilespmem:s29], [sflag:$0x1] =	stream.linear.gather [hbm4b:s20+s2], $0x80, $0x38;
	[tilespmem:$0x11900] =	vst v63  }
0x283: {  	s20 =	sand.u32 $0x1FFFFFF0, s30  }
0x284: {  	s31 =	sadd.s32 $0x2080, s18;
	s21 =	sor.u32 $0x10, s19;
	s20 =	sadd.s32 s3, s20  }
0x285: {  	[tilespmem:s31], [sflag:$0x1] =	stream.linear.gather [hbm4b:s20+s2], $0x80, $0x38;
	[tilespmem:$0x11900] =	vst v63  }
0x286: {  	v1 =	vld.idx.msk [tilespmem:v0+s21+$0x0 ss:$0x1], $0xffff;
	_ =	sdelay $0x4  }
0x287: {  	v1 =	vshll.u32 v1, $0x4  }
0x288: {  	(v2sf) =	vpush v1, $0x0;
	_ =	sdelay $0x1  }
0x289: {  	(v2sf) =	vpush v1, $0x1;
	_ =	sdelay $0x1  }
0x28a: {  	(v2sf) =	vpush v1, $0x2  }
0x28b: {  	(v2sf) =	vpush v1, $0x3;
	_ =	sdelay $0x3  }
0x28c: {  	(v2sf) =	vpush v1, $0x4;
	_ =	sdelay $0x5  }
0x28d: {  	s22 =	spop (v2sf);
	(v2sf) =	vpush v1, $0x5;
	_ =	sdelay $0x1  }
0x28e: {  	s23 =	spop (v2sf);
	(v2sf) =	vpush v1, $0x6;
	_ =	sdelay $0x1  }
0x28f: {  	s20 =	sshll.u32 s21, $0x7;
	s25 =	spop (v2sf)  }
0x290: {  	s20 =	sand.u32 $0x3FFFF800, s20;
	s21 =	sand.u32 $0x1FFFFFF0, s22;
	s28 =	spop (v2sf);
	(v2sf) =	vpush v1, $0x7  }
0x291: {  	s20 =	sadd.s32 $0x1900, s20;
	s21 =	sadd.s32 s3, s21  }
0x292: {  	[tilespmem:s20], [sflag:$0x1] =	stream.linear.gather [hbm4b:s21+s2], $0x80, $0x38;
	[tilespmem:$0x11900] =	vst v63  }
0x293: {  	s20 =	sand.u32 $0x1FFFFFF0, s23  }
0x294: {  	s24 =	sadd.s32 $0x2180, s18;
	s20 =	sadd.s32 s3, s20;
	s30 =	spop (v2sf);
	(v2sf) =	vpush v1, $0x8  }
0x295: {  	[tilespmem:s24], [sflag:$0x1] =	stream.linear.gather [hbm4b:s20+s2], $0x80, $0x38;
	[tilespmem:$0x11900] =	vst v63  }
0x296: {  	s20 =	sand.u32 $0x1FFFFFF0, s25  }
0x297: {  	s26 =	sadd.s32 $0x2200, s18;
	s20 =	sadd.s32 s3, s20  }
0x298: {  	[tilespmem:s26], [sflag:$0x1] =	stream.linear.gather [hbm4b:s20+s2], $0x80, $0x38;
	[tilespmem:$0x11900] =	vst v63  }
0x299: {  	s20 =	sand.u32 $0x1FFFFFF0, s28  }
0x29a: {  	s29 =	sadd.s32 $0x2280, s18;
	s20 =	sadd.s32 s3, s20;
	s21 =	spop (v2sf);
	(v2sf) =	vpush v1, $0x9  }
0x29b: {  	[tilespmem:s29], [sflag:$0x1] =	stream.linear.gather [hbm4b:s20+s2], $0x80, $0x38;
	[tilespmem:$0x11900] =	vst v63  }
0x29c: {  	s20 =	sand.u32 $0x1FFFFFF0, s30;
	s23 =	spop (v2sf);
	(v2sf) =	vpush v1, $0xA  }
0x29d: {  	s31 =	sadd.s32 $0x2300, s18;
	s20 =	sadd.s32 s3, s20  }
0x29e: {  	[tilespmem:s31], [sflag:$0x1] =	stream.linear.gather [hbm4b:s20+s2], $0x80, $0x38;
	[tilespmem:$0x11900] =	vst v63  }
0x29f: {  	s20 =	sand.u32 $0x1FFFFFF0, s21;
	s25 =	spop (v2sf);
	(v2sf) =	vpush v1, $0xB  }
0x2a0: {  	s22 =	sadd.s32 $0x2380, s18;
	s20 =	sadd.s32 s3, s20  }
0x2a1: {  	[tilespmem:s22], [sflag:$0x1] =	stream.linear.gather [hbm4b:s20+s2], $0x80, $0x38;
	[tilespmem:$0x11900] =	vst v63  }
0x2a2: {  	s20 =	sand.u32 $0x1FFFFFF0, s23  }
0x2a3: {  	s24 =	sadd.s32 $0x2400, s18;
	s20 =	sadd.s32 s3, s20;
	s28 =	spop (v2sf)  }
0x2a4: {  	(v2sf) =	vpush v1, $0xC;
	[tilespmem:s24], [sflag:$0x1] =	stream.linear.gather [hbm4b:s20+s2], $0x80, $0x38;
	[tilespmem:$0x11900] =	vst v63  }
0x2a5: {  	s20 =	sand.u32 $0x1FFFFFF0, s25  }
0x2a6: {  	s26 =	sadd.s32 $0x2480, s18;
	s20 =	sadd.s32 s3, s20  }
0x2a7: {  	[tilespmem:s26], [sflag:$0x1] =	stream.linear.gather [hbm4b:s20+s2], $0x80, $0x38;
	[tilespmem:$0x11900] =	vst v63  }
0x2a8: {  	s20 =	sand.u32 $0x1FFFFFF0, s28  }
0x2a9: {  	s29 =	sadd.s32 $0x2500, s18;
	s20 =	sadd.s32 s3, s20;
	s30 =	spop (v2sf);
	(v2sf) =	vpush v1, $0xD  }
0x2aa: {  	[tilespmem:s29], [sflag:$0x1] =	stream.linear.gather [hbm4b:s20+s2], $0x80, $0x38;
	[tilespmem:$0x11900] =	vst v63  }
0x2ab: {  	s20 =	sand.u32 $0x1FFFFFF0, s30;
	s21 =	spop (v2sf);
	(v2sf) =	vpush v1, $0xE  }
0x2ac: {  	s31 =	sadd.s32 $0x2580, s18;
	s20 =	sadd.s32 s3, s20  }
0x2ad: {  	[tilespmem:s31], [sflag:$0x1] =	stream.linear.gather [hbm4b:s20+s2], $0x80, $0x38;
	[tilespmem:$0x11900] =	vst v63  }
0x2ae: {  	s23 =	spop (v2sf);
	(v2sf) =	vpush v1, $0xF  }
0x2af: {  	s20 =	sand.u32 $0x1FFFFFF0, s21  }
0x2b0: {  	s22 =	sadd.s32 $0x2600, s18;
	s20 =	sadd.s32 s3, s20  }
0x2b1: {  	[tilespmem:s22], [sflag:$0x1] =	stream.linear.gather [hbm4b:s20+s2], $0x80, $0x38;
	[tilespmem:$0x11900] =	vst v63  }
0x2b2: {  	s20 =	sand.u32 $0x1FFFFFF0, s23  }
0x2b3: {  	s24 =	sadd.s32 $0x2680, s18;
	s25 =	spop (v2sf);
	s20 =	sadd.s32 s3, s20  }
0x2b4: {  	[tilespmem:s24], [sflag:$0x1] =	stream.linear.gather [hbm4b:s20+s2], $0x80, $0x38;
	[tilespmem:$0x11900] =	vst v63  }
0x2b5: {  	s20 =	sand.u32 $0x1FFFFFF0, s25  }
0x2b6: {  	s26 =	sadd.s32 $0x2700, s18;
	s20 =	sadd.s32 s3, s20  }
0x2b7: {  	[tilespmem:s26], [sflag:$0x1] =	stream.linear.gather [hbm4b:s20+s2], $0x80, $0x38;
	[tilespmem:$0x11900] =	vst v63  }
0x2b8: {  	s28 =	spop (v2sf)  }
0x2b9: {  	s20 =	sand.u32 $0x1FFFFFF0, s28  }
0x2ba: {  	s29 =	sadd.s32 $0x2780, s18;
	s30 =	spop (v2sf);
	s20 =	sadd.s32 s3, s20  }
0x2bb: {  	[tilespmem:s29], [sflag:$0x1] =	stream.linear.gather [hbm4b:s20+s2], $0x80, $0x38;
	[tilespmem:$0x11900] =	vst v63  }
0x2bc: {  	s20 =	sand.u32 $0x1FFFFFF0, s30  }
0x2bd: {  	s31 =	sadd.s32 $0x2800, s18;
	s21 =	spop (v2sf);
	s20 =	sadd.s32 s3, s20  }
0x2be: {  	[tilespmem:s31], [sflag:$0x1] =	stream.linear.gather [hbm4b:s20+s2], $0x80, $0x38;
	[tilespmem:$0x11900] =	vst v63  }
0x2bf: {  	s20 =	sand.u32 $0x1FFFFFF0, s21  }
0x2c0: {  	s22 =	sadd.s32 $0x2880, s18;
	s23 =	sor.u32 $0x20, s19;
	s20 =	sadd.s32 s3, s20  }
0x2c1: {  	[tilespmem:s22], [sflag:$0x1] =	stream.linear.gather [hbm4b:s20+s2], $0x80, $0x38;
	[tilespmem:$0x11900] =	vst v63  }
0x2c2: {  	v1 =	vld.idx.msk [tilespmem:v0+s23+$0x0 ss:$0x1], $0xffff;
	_ =	sdelay $0x4  }
0x2c3: {  	v1 =	vshll.u32 v1, $0x4  }
0x2c4: {  	(v2sf) =	vpush v1, $0x0;
	_ =	sdelay $0x1  }
0x2c5: {  	(v2sf) =	vpush v1, $0x1;
	_ =	sdelay $0x1  }
0x2c6: {  	(v2sf) =	vpush v1, $0x2  }
0x2c7: {  	(v2sf) =	vpush v1, $0x3;
	_ =	sdelay $0x3  }
0x2c8: {  	(v2sf) =	vpush v1, $0x4;
	_ =	sdelay $0x5  }
0x2c9: {  	s24 =	spop (v2sf);
	(v2sf) =	vpush v1, $0x5;
	_ =	sdelay $0x1  }
0x2ca: {  	s25 =	spop (v2sf);
	(v2sf) =	vpush v1, $0x6;
	_ =	sdelay $0x1  }
0x2cb: {  	s20 =	sshll.u32 s23, $0x7;
	s28 =	spop (v2sf)  }
0x2cc: {  	s20 =	sand.u32 $0x3FFFF800, s20;
	s21 =	sand.u32 $0x1FFFFFF0, s24;
	s30 =	spop (v2sf);
	(v2sf) =	vpush v1, $0x7  }
0x2cd: {  	s20 =	sadd.s32 $0x1900, s20;
	s21 =	sadd.s32 s3, s21  }
0x2ce: {  	[tilespmem:s20], [sflag:$0x1] =	stream.linear.gather [hbm4b:s21+s2], $0x80, $0x38;
	[tilespmem:$0x11900] =	vst v63  }
0x2cf: {  	s20 =	sand.u32 $0x1FFFFFF0, s25  }
0x2d0: {  	s26 =	sadd.s32 $0x2980, s18;
	s20 =	sadd.s32 s3, s20;
	s21 =	spop (v2sf);
	(v2sf) =	vpush v1, $0x8  }
0x2d1: {  	[tilespmem:s26], [sflag:$0x1] =	stream.linear.gather [hbm4b:s20+s2], $0x80, $0x38;
	[tilespmem:$0x11900] =	vst v63  }
0x2d2: {  	s20 =	sand.u32 $0x1FFFFFF0, s28  }
0x2d3: {  	s29 =	sadd.s32 $0x2A00, s18;
	s20 =	sadd.s32 s3, s20  }
0x2d4: {  	[tilespmem:s29], [sflag:$0x1] =	stream.linear.gather [hbm4b:s20+s2], $0x80, $0x38;
	[tilespmem:$0x11900] =	vst v63  }
0x2d5: {  	s20 =	sand.u32 $0x1FFFFFF0, s30  }
0x2d6: {  	s31 =	sadd.s32 $0x2A80, s18;
	s20 =	sadd.s32 s3, s20;
	s23 =	spop (v2sf);
	(v2sf) =	vpush v1, $0x9  }
0x2d7: {  	[tilespmem:s31], [sflag:$0x1] =	stream.linear.gather [hbm4b:s20+s2], $0x80, $0x38;
	[tilespmem:$0x11900] =	vst v63  }
0x2d8: {  	s20 =	sand.u32 $0x1FFFFFF0, s21;
	s25 =	spop (v2sf);
	(v2sf) =	vpush v1, $0xA  }
0x2d9: {  	s22 =	sadd.s32 $0x2B00, s18;
	s20 =	sadd.s32 s3, s20  }
0x2da: {  	[tilespmem:s22], [sflag:$0x1] =	stream.linear.gather [hbm4b:s20+s2], $0x80, $0x38;
	[tilespmem:$0x11900] =	vst v63  }
0x2db: {  	s20 =	sand.u32 $0x1FFFFFF0, s23;
	s28 =	spop (v2sf);
	(v2sf) =	vpush v1, $0xB  }
0x2dc: {  	s24 =	sadd.s32 $0x2B80, s18;
	s20 =	sadd.s32 s3, s20  }
0x2dd: {  	[tilespmem:s24], [sflag:$0x1] =	stream.linear.gather [hbm4b:s20+s2], $0x80, $0x38;
	[tilespmem:$0x11900] =	vst v63  }
0x2de: {  	s20 =	sand.u32 $0x1FFFFFF0, s25  }
0x2df: {  	s26 =	sadd.s32 $0x2C00, s18;
	s20 =	sadd.s32 s3, s20;
	s30 =	spop (v2sf)  }
0x2e0: {  	(v2sf) =	vpush v1, $0xC;
	[tilespmem:s26], [sflag:$0x1] =	stream.linear.gather [hbm4b:s20+s2], $0x80, $0x38;
	[tilespmem:$0x11900] =	vst v63  }
0x2e1: {  	s20 =	sand.u32 $0x1FFFFFF0, s28  }
0x2e2: {  	s29 =	sadd.s32 $0x2C80, s18;
	s20 =	sadd.s32 s3, s20  }
0x2e3: {  	[tilespmem:s29], [sflag:$0x1] =	stream.linear.gather [hbm4b:s20+s2], $0x80, $0x38;
	[tilespmem:$0x11900] =	vst v63  }
0x2e4: {  	s20 =	sand.u32 $0x1FFFFFF0, s30  }
0x2e5: {  	s31 =	sadd.s32 $0x2D00, s18;
	s20 =	sadd.s32 s3, s20;
	s21 =	spop (v2sf);
	(v2sf) =	vpush v1, $0xD  }
0x2e6: {  	[tilespmem:s31], [sflag:$0x1] =	stream.linear.gather [hbm4b:s20+s2], $0x80, $0x38;
	[tilespmem:$0x11900] =	vst v63  }
0x2e7: {  	s20 =	sand.u32 $0x1FFFFFF0, s21;
	s23 =	spop (v2sf);
	(v2sf) =	vpush v1, $0xE  }
0x2e8: {  	s22 =	sadd.s32 $0x2D80, s18;
	s20 =	sadd.s32 s3, s20  }
0x2e9: {  	[tilespmem:s22], [sflag:$0x1] =	stream.linear.gather [hbm4b:s20+s2], $0x80, $0x38;
	[tilespmem:$0x11900] =	vst v63  }
0x2ea: {  	s25 =	spop (v2sf);
	(v2sf) =	vpush v1, $0xF  }
0x2eb: {  	s20 =	sand.u32 $0x1FFFFFF0, s23  }
0x2ec: {  	s24 =	sadd.s32 $0x2E00, s18;
	s20 =	sadd.s32 s3, s20  }
0x2ed: {  	[tilespmem:s24], [sflag:$0x1] =	stream.linear.gather [hbm4b:s20+s2], $0x80, $0x38;
	[tilespmem:$0x11900] =	vst v63  }
0x2ee: {  	s20 =	sand.u32 $0x1FFFFFF0, s25  }
0x2ef: {  	s26 =	sadd.s32 $0x2E80, s18;
	s28 =	spop (v2sf);
	s20 =	sadd.s32 s3, s20  }
0x2f0: {  	[tilespmem:s26], [sflag:$0x1] =	stream.linear.gather [hbm4b:s20+s2], $0x80, $0x38;
	[tilespmem:$0x11900] =	vst v63  }
0x2f1: {  	s20 =	sand.u32 $0x1FFFFFF0, s28  }
0x2f2: {  	s29 =	sadd.s32 $0x2F00, s18;
	s20 =	sadd.s32 s3, s20  }
0x2f3: {  	[tilespmem:s29], [sflag:$0x1] =	stream.linear.gather [hbm4b:s20+s2], $0x80, $0x38;
	[tilespmem:$0x11900] =	vst v63  }
0x2f4: {  	s30 =	spop (v2sf)  }
0x2f5: {  	s20 =	sand.u32 $0x1FFFFFF0, s30  }
0x2f6: {  	s31 =	sadd.s32 $0x2F80, s18;
	s22 =	spop (v2sf);
	s20 =	sadd.s32 s3, s20  }
0x2f7: {  	[tilespmem:s31], [sflag:$0x1] =	stream.linear.gather [hbm4b:s20+s2], $0x80, $0x38;
	[tilespmem:$0x11900] =	vst v63  }
0x2f8: {  	s20 =	sand.u32 $0x1FFFFFF0, s22  }
0x2f9: {  	s23 =	sadd.s32 $0x3000, s18;
	s24 =	spop (v2sf);
	s20 =	sadd.s32 s3, s20  }
0x2fa: {  	[tilespmem:s23], [sflag:$0x1] =	stream.linear.gather [hbm4b:s20+s2], $0x80, $0x38;
	[tilespmem:$0x11900] =	vst v63  }
0x2fb: {  	s20 =	sand.u32 $0x1FFFFFF0, s24  }
0x2fc: {  	s19 =	sor.u32 $0x30, s19;
	s25 =	sadd.s32 $0x3080, s18;
	s20 =	sadd.s32 s3, s20  }
0x2fd: {  	[tilespmem:s25], [sflag:$0x1] =	stream.linear.gather [hbm4b:s20+s2], $0x80, $0x38;
	[tilespmem:$0x11900] =	vst v63  }
0x2fe: {  	v1 =	vld.idx.msk [tilespmem:v0+s19+$0x0 ss:$0x1], $0xffff;
	_ =	sdelay $0x4  }
0x2ff: {  	v1 =	vshll.u32 v1, $0x4  }
0x300: {  	(v2sf) =	vpush v1, $0x0;
	_ =	sdelay $0x4  }
0x301: {  	(v2sf) =	vpush v1, $0x1  }
0x302: {  	(v2sf) =	vpush v1, $0x2  }
0x303: {  	(v2sf) =	vpush v1, $0x3;
	_ =	sdelay $0x1  }
0x304: {  	(v2sf) =	vpush v1, $0x4;
	_ =	sdelay $0x5  }
0x305: {  	s26 =	spop (v2sf);
	(v2sf) =	vpush v1, $0x5;
	_ =	sdelay $0x4  }
0x306: {  	s19 =	sshll.u32 s19, $0x7;
	s28 =	spop (v2sf)  }
0x307: {  	s19 =	sand.u32 $0x3FFFF800, s19;
	s20 =	sand.u32 $0x1FFFFFF0, s26;
	s30 =	spop (v2sf);
	(v2sf) =	vpush v1, $0x6  }
0x308: {  	s19 =	sadd.s32 $0x1900, s19;
	s20 =	sadd.s32 s3, s20;
	s21 =	spop (v2sf);
	(v2sf) =	vpush v1, $0x7  }
0x309: {  	[tilespmem:s19], [sflag:$0x1] =	stream.linear.gather [hbm4b:s20+s2], $0x80, $0x38;
	[tilespmem:$0x11900] =	vst v63  }
0x30a: {  	s19 =	sand.u32 $0x1FFFFFF0, s28;
	s23 =	spop (v2sf);
	(v2sf) =	vpush v1, $0x8  }
0x30b: {  	s29 =	sadd.s32 $0x3180, s18;
	s19 =	sadd.s32 s3, s19  }
0x30c: {  	[tilespmem:s29], [sflag:$0x1] =	stream.linear.gather [hbm4b:s19+s2], $0x80, $0x38;
	[tilespmem:$0x11900] =	vst v63  }
0x30d: {  	s19 =	sand.u32 $0x1FFFFFF0, s30  }
0x30e: {  	s31 =	sadd.s32 $0x3200, s18;
	s19 =	sadd.s32 s3, s19  }
0x30f: {  	[tilespmem:s31], [sflag:$0x1] =	stream.linear.gather [hbm4b:s19+s2], $0x80, $0x38;
	[tilespmem:$0x11900] =	vst v63  }
0x310: {  	s19 =	sand.u32 $0x1FFFFFF0, s21;
	s25 =	spop (v2sf);
	(v2sf) =	vpush v1, $0x9  }
0x311: {  	s22 =	sadd.s32 $0x3280, s18;
	s19 =	sadd.s32 s3, s19  }
0x312: {  	[tilespmem:s22], [sflag:$0x1] =	stream.linear.gather [hbm4b:s19+s2], $0x80, $0x38;
	[tilespmem:$0x11900] =	vst v63  }
0x313: {  	s19 =	sand.u32 $0x1FFFFFF0, s23  }
0x314: {  	s24 =	sadd.s32 $0x3300, s18;
	s19 =	sadd.s32 s3, s19;
	(v2sf) =	vpush v1, $0xA  }
0x315: {  	[tilespmem:s24], [sflag:$0x1] =	stream.linear.gather [hbm4b:s19+s2], $0x80, $0x38;
	[tilespmem:$0x11900] =	vst v63  }
0x316: {  	s19 =	sand.u32 $0x1FFFFFF0, s25;
	s28 =	spop (v2sf);
	(v2sf) =	vpush v1, $0xB  }
0x317: {  	s26 =	sadd.s32 $0x3380, s18;
	s19 =	sadd.s32 s3, s19;
	s30 =	spop (v2sf);
	(v2sf) =	vpush v1, $0xC  }
0x318: {  	[tilespmem:s26], [sflag:$0x1] =	stream.linear.gather [hbm4b:s19+s2], $0x80, $0x38;
	[tilespmem:$0x11900] =	vst v63  }
0x319: {  	s19 =	sand.u32 $0x1FFFFFF0, s28;
	s21 =	spop (v2sf);
	(v2sf) =	vpush v1, $0xD  }
0x31a: {  	s29 =	sadd.s32 $0x3400, s18;
	s19 =	sadd.s32 s3, s19  }
0x31b: {  	[tilespmem:s29], [sflag:$0x1] =	stream.linear.gather [hbm4b:s19+s2], $0x80, $0x38;
	[tilespmem:$0x11900] =	vst v63  }
0x31c: {  	s19 =	sand.u32 $0x1FFFFFF0, s30  }
0x31d: {  	s31 =	sadd.s32 $0x3480, s18;
	s19 =	sadd.s32 s3, s19  }
0x31e: {  	[tilespmem:s31], [sflag:$0x1] =	stream.linear.gather [hbm4b:s19+s2], $0x80, $0x38;
	[tilespmem:$0x11900] =	vst v63  }
0x31f: {  	s19 =	sand.u32 $0x1FFFFFF0, s21;
	s23 =	spop (v2sf);
	(v2sf) =	vpush v1, $0xE  }
0x320: {  	s22 =	sadd.s32 $0x3500, s18;
	s19 =	sadd.s32 s3, s19  }
0x321: {  	[tilespmem:s22], [sflag:$0x1] =	stream.linear.gather [hbm4b:s19+s2], $0x80, $0x38;
	[tilespmem:$0x11900] =	vst v63  }
0x322: {  	s24 =	sadd.s32 $0x3580, s18;
	s19 =	sand.u32 $0x1FFFFFF0, s23  }
0x323: {  	s28 =	sadd.s32 $0x3600, s18;
	s25 =	spop (v2sf);
	(v2sf) =	vpush v1, $0xF;
	s19 =	sadd.s32 s3, s19  }
0x324: {  	[tilespmem:s24], [sflag:$0x1] =	stream.linear.gather [hbm4b:s19+s2], $0x80, $0x38;
	[tilespmem:$0x11900] =	vst v63  }
0x325: {  	s31 =	sadd.s32 $0x3680, s18;
	s26 =	spop (v2sf);
	s19 =	sand.u32 $0x1FFFFFF0, s25  }
0x326: {  	s29 =	sand.u32 $0x1FFFFFF0, s26;
	s30 =	spop (v2sf);
	s19 =	sadd.s32 s3, s19  }
0x327: {  	[tilespmem:s28], [sflag:$0x1] =	stream.linear.gather [hbm4b:s19+s2], $0x80, $0x38;
	[tilespmem:$0x11900] =	vst v63  }
0x328: {  	s22 =	sand.u32 $0x1FFFFFF0, s30;
	s23 =	spop (v2sf);
	s19 =	sadd.s32 s3, s29  }
0x329: {  	[tilespmem:s31], [sflag:$0x1] =	stream.linear.gather [hbm4b:s19+s2], $0x80, $0x38;
	[tilespmem:$0x11900] =	vst v63  }
0x32a: {  	s24 =	sadd.s32 $0x3700, s18;
	s25 =	sand.u32 $0x1FFFFFF0, s23;
	s19 =	sadd.s32 s3, s22  }
0x32b: {  	[tilespmem:s24], [sflag:$0x1] =	stream.linear.gather [hbm4b:s19+s2], $0x80, $0x38;
	[tilespmem:$0x11900] =	vst v63  }
0x32c: {  	s28 =	sadd.s32 $0x3780, s18;
	s19 =	sadd.s32 s3, s25  }
0x32d: {  	[tilespmem:s28], [sflag:$0x1] =	stream.linear.gather [hbm4b:s19+s2], $0x80, $0x38;
	[tilespmem:$0x11900] =	vst v63  }
0x32e: {  	s26 =	spop (v2sf)  }
0x32f: {  	s29 =	sand.u32 $0x1FFFFFF0, s26  }
0x330: {  	p2 =	por p1, p1;
	s30 =	sadd.s32 $0x3800, s18;
	s19 =	sadd.s32 s3, s29  }
0x331: {  	[tilespmem:s30], [sflag:$0x1] =	stream.linear.gather [hbm4b:s19+s2], $0x80, $0x38;
	[tilespmem:$0x11900] =	vst v63  }
.Ltmp5:
0x332: {  	s31 =	spop (v2sf);
	(pc) =	sbr.rel @p2 .LBB2_9-.Ltmp5, $4  }
0x333: {  	s19 =	sand.u32 $0x1FFFFFF0, s31  }
0x334: {  	s18 =	sadd.s32 $0x3880, s18;
	s19 =	sadd.s32 s3, s19  }
0x335: {  	[tilespmem:s18], [sflag:$0x1] =	stream.linear.gather [hbm4b:s19+s2], $0x80, $0x38;
	[tilespmem:$0x11900] =	vst v63  }
0x336: {  	p1 =	por $0x0, $0x0;
	s18 =	simm.s32 $0x4  }
.Ltmp6:
0x337: {  	(pc) =	sbr.rel @p0 .LBB2_12-.Ltmp6, $4  }
0x338: {  	_ = 	snop  }
0x339: {  	_ =	swait.ge [sflag:s11], $0x4000  }
0x33a: {  	[sflag:s11] =	ssyncset.done $0x0  }
0x33b: {  	[sflag:s11] =	ssyncadd.s32 $0xFFFFC000  }
.LBB2_11:
0x33c: {  	_ =	swait.ge [sflag:s12], $0x4000  }
0x33d: {  	[sflag:s12] =	ssyncset.done $0x0  }
0x33e: {  	[sflag:s12] =	ssyncadd.s32 $0xFFFFC000  }
.LBB2_12:
0x33f: {  	s23 =	simm.s32 $0x5A00  }
0x340: {  	v0 =	vld [tilespmem:s23+$0x80];
	_ =	sdelay $0x3  }
0x341: {  	v1 =	vld [tilespmem:s23+$0xFFFFFF00]  }
0x342: {  	v2 =	vld [tilespmem:s23+$0xFFFFFF80];
	v0 =	vmul.f32 $8.000000000e+00, v0  }
0x343: {  	s18 =	simm.s32 $0xDA00;
	v3 =	vld [tilespmem:s23+$0x0]  }
0x344: {  	[tilespmem:s18+$0x80] =	vst v0  }
0x345: {  	v0 =	vld [tilespmem:s23+$0x90]  }
0x346: {  	v1 =	vmul.f32 $8.000000000e+00, v1  }
0x347: {  	v2 =	vmul.f32 $8.000000000e+00, v2  }
0x348: {  	v3 =	vmul.f32 $8.000000000e+00, v3;
	[tilespmem:s18+$0xFFFFFF00] =	vst v1  }
0x349: {  	[tilespmem:s18+$0xFFFFFF80] =	vst v2;
	v1 =	vld [tilespmem:s23+$0xFFFFFF10]  }
0x34a: {  	[tilespmem:s18+$0x0] =	vst v3;
	v2 =	vld [tilespmem:s23+$0xFFFFFF90];
	v0 =	vmul.f32 $8.000000000e+00, v0  }
0x34b: {  	s19 =	simm.s32 $0x5C00;
	v3 =	vld [tilespmem:s23+$0x10]  }
0x34c: {  	[tilespmem:s18+$0x90] =	vst v0;
	v0 =	vld [tilespmem:s19+$0x80]  }
0x34d: {  	v4 =	vld [tilespmem:s23+$0xA0]  }
0x34e: {  	v5 =	vld [tilespmem:s19+$0xFFFFFF80];
	v1 =	vmul.f32 $8.000000000e+00, v1  }
0x34f: {  	v6 =	vld [tilespmem:s19+$0x0];
	v2 =	vmul.f32 $8.000000000e+00, v2  }
0x350: {  	v3 =	vmul.f32 $8.000000000e+00, v3;
	[tilespmem:s18+$0xFFFFFF10] =	vst v1;
	v1 =	vld [tilespmem:s19+$0xFFFFFF00]  }
0x351: {  	[tilespmem:s18+$0xFFFFFF90] =	vst v2;
	v2 =	vld [tilespmem:s23+$0xFFFFFF20];
	v0 =	vmul.f32 $8.000000000e+00, v0  }
0x352: {  	s20 =	simm.s32 $0xDC00;
	[tilespmem:s18+$0x10] =	vst v3;
	v7 =	vld [tilespmem:s23+$0xFFFFFFA0];
	v3 =	vmul.f32 $8.000000000e+00, v4  }
0x353: {  	v4 =	vmul.f32 $8.000000000e+00, v5;
	[tilespmem:s20+$0x80] =	vst v0;
	v0 =	vld [tilespmem:s23+$0x20]  }
0x354: {  	v5 =	vmul.f32 $8.000000000e+00, v6;
	v6 =	vld [tilespmem:s19+$0x90];
	[tilespmem:s18+$0xA0] =	vst v3  }
0x355: {  	v1 =	vmul.f32 $8.000000000e+00, v1;
	[tilespmem:s20+$0xFFFFFF80] =	vst v4;
	v8 =	vld [tilespmem:s23+$0xB0]  }
0x356: {  	v2 =	vmul.f32 $8.000000000e+00, v2;
	[tilespmem:s20+$0x0] =	vst v5;
	v9 =	vld [tilespmem:s19+$0xFFFFFF90]  }
0x357: {  	[tilespmem:s20+$0xFFFFFF00] =	vst v1;
	v5 =	vmul.f32 $8.000000000e+00, v7;
	v3 =	vld [tilespmem:s19+$0x10]  }
0x358: {  	v4 =	vld [tilespmem:s19+$0xFFFFFF10];
	[tilespmem:s18+$0xFFFFFF20] =	vst v2;
	v2 =	vmul.f32 $8.000000000e+00, v0  }
0x359: {  	v1 =	vld [tilespmem:s23+$0xFFFFFF30];
	[tilespmem:s18+$0xFFFFFFA0] =	vst v5;
	v7 =	vmul.f32 $8.000000000e+00, v6  }
0x35a: {  	v0 =	vld [tilespmem:s23+$0xFFFFFFB0];
	[tilespmem:s18+$0x20] =	vst v2;
	v5 =	vmul.f32 $8.000000000e+00, v8  }
0x35b: {  	s21 =	simm.s32 $0x4;
	s22 =	simm.s32 $0x5E00;
	v6 =	vmul.f32 $8.000000000e+00, v9;
	[tilespmem:s20+$0x90] =	vst v7;
	v2 =	vld [tilespmem:s23+$0x30]  }
.LBB2_13:
0x35c: {  	v7 =	vld [tilespmem:s22+$0x80];
	v3 =	vmul.f32 $8.000000000e+00, v3;
	[tilespmem:s18+$0xB0] =	vst v5  }
0x35d: {  	s21 =	sadd.s32 $0x4, s21;
	v4 =	vmul.f32 $8.000000000e+00, v4;
	[tilespmem:s20+$0xFFFFFF90] =	vst v6;
	v5 =	vld [tilespmem:s19+$0xA0]  }
0x35e: {  	p0 =	slt.u32 s21, $0x7C;
	v6 =	vld [tilespmem:s22+$0xFFFFFF80];
	[tilespmem:s20+$0x10] =	vst v3;
	v1 =	vmul.f32 $8.000000000e+00, v1  }
0x35f: {  	v3 =	vld [tilespmem:s22+$0x0];
	[tilespmem:s20+$0xFFFFFF10] =	vst v4;
	v0 =	vmul.f32 $8.000000000e+00, v0  }
0x360: {  	v4 =	vld [tilespmem:s22+$0xFFFFFF00];
	[tilespmem:s18+$0xFFFFFF30] =	vst v1;
	v1 =	vmul.f32 $8.000000000e+00, v2  }
0x361: {  	v2 =	vmul.f32 $8.000000000e+00, v7;
	v7 =	vld [tilespmem:s19+$0xFFFFFF20];
	[tilespmem:s18+$0xFFFFFFB0] =	vst v0  }
0x362: {  	v0 =	vld [tilespmem:s19+$0xFFFFFFA0];
	v5 =	vmul.f32 $8.000000000e+00, v5;
	[tilespmem:s18+$0x30] =	vst v1;
	s18 =	smov.u32 s20;
	s20 =	sadd.s32 $0x200, s20  }
0x363: {  	v1 =	vmul.f32 $8.000000000e+00, v6;
	[tilespmem:s20+$0x80] =	vst v2;
	v2 =	vld [tilespmem:s19+$0x20]  }
0x364: {  	v3 =	vmul.f32 $8.000000000e+00, v3;
	v6 =	vld [tilespmem:s22+$0x90];
	[tilespmem:s18+$0xA0] =	vst v5  }
0x365: {  	v4 =	vmul.f32 $8.000000000e+00, v4;
	[tilespmem:s20+$0xFFFFFF80] =	vst v1;
	v5 =	vld [tilespmem:s19+$0xB0]  }
0x366: {  	v8 =	vld [tilespmem:s22+$0xFFFFFF90];
	[tilespmem:s20+$0x0] =	vst v3;
	v1 =	vmul.f32 $8.000000000e+00, v7  }
.Ltmp7:
0x367: {  	[tilespmem:s20+$0xFFFFFF00] =	vst v4;
	v3 =	vld [tilespmem:s22+$0x10];
	v0 =	vmul.f32 $8.000000000e+00, v0;
	(pc) =	sbr.rel @p0 .LBB2_13-.Ltmp7, $4  }
0x368: {  	v4 =	vld [tilespmem:s22+$0xFFFFFF10];
	[tilespmem:s18+$0xFFFFFF20] =	vst v1;
	v2 =	vmul.f32 $8.000000000e+00, v2  }
0x369: {  	v7 =	vmul.f32 $8.000000000e+00, v6;
	v1 =	vld [tilespmem:s19+$0xFFFFFF30];
	[tilespmem:s18+$0xFFFFFFA0] =	vst v0  }
0x36a: {  	v0 =	vld [tilespmem:s19+$0xFFFFFFB0];
	[tilespmem:s18+$0x20] =	vst v2;
	v5 =	vmul.f32 $8.000000000e+00, v5  }
0x36b: {  	v6 =	vmul.f32 $8.000000000e+00, v8;
	[tilespmem:s20+$0x90] =	vst v7;
	v2 =	vld [tilespmem:s19+$0x30];
	s19 =	smov.u32 s22;
	s22 =	sadd.s32 $0x200, s22  }
0x36c: {  	v3 =	vmul.f32 $8.000000000e+00, v3  }
0x36d: {  	v7 =	vld [tilespmem:s19+$0xA0];
	v4 =	vmul.f32 $8.000000000e+00, v4;
	[tilespmem:s20+$0xFFFFFF90] =	vst v6  }
0x36e: {  	[tilespmem:s20+$0x10] =	vst v3;
	v53 =	vld [tilespmem:s19+$0xFFFFFFA0]  }
0x36f: {  	[tilespmem:s20+$0xFFFFFF10] =	vst v4;
	v54 =	vld [tilespmem:s19+$0x20]  }
0x370: {  	v4 =	vld [tilespmem:s19+$0xFFFFFF20];
	_ =	sdelay $0x1  }
0x371: {  	v7 =	vmul.f32 $8.000000000e+00, v7  }
0x372: {  	v3 =	vmul.f32 $8.000000000e+00, v53  }
0x373: {  	[tilespmem:s20+$0xA0] =	vst v7;
	v6 =	vmul.f32 $8.000000000e+00, v54  }
0x374: {  	v55 =	vld [tilespmem:s19+$0xB0];
	v4 =	vmul.f32 $8.000000000e+00, v4;
	[tilespmem:s20+$0xFFFFFFA0] =	vst v3  }
0x375: {  	[tilespmem:s20+$0x20] =	vst v6;
	v57 =	vld [tilespmem:s19+$0xFFFFFFB0]  }
0x376: {  	v1 =	vmul.f32 $8.000000000e+00, v1;
	[tilespmem:s20+$0xFFFFFF20] =	vst v4;
	v58 =	vld [tilespmem:s19+$0x30]  }
0x377: {  	[tilespmem:s18+$0xB0] =	vst v5;
	v0 =	vmul.f32 $8.000000000e+00, v0;
	v56 =	vld [tilespmem:s19+$0xFFFFFF30]  }
0x378: {  	[tilespmem:s18+$0xFFFFFF30] =	vst v1;
	v59 =	vmul.f32 $8.000000000e+00, v2  }
0x379: {  	s16 =	sadd.s32 $0x1, s16;
	[tilespmem:s18+$0xFFFFFFB0] =	vst v0;
	v60 =	vmul.f32 $8.000000000e+00, v55  }
0x37a: {  	p0 =	sne.s32 s16, $0x19;
	[tilespmem:s18+$0x30] =	vst v59;
	v62 =	vmul.f32 $8.000000000e+00, v57  }
.Ltmp8:
0x37b: {  	s17 =	sshll.u32 s17, $0xE;
	[tilespmem:s20+$0xB0] =	vst v60;
	v63 =	vmul.f32 $8.000000000e+00, v58;
	(pc) =	sbr.rel @p0 .LBB2_3-.Ltmp8, $4  }
0x37c: {  	s17 =	sadd.s32 s6, s17;
	v61 =	vmul.f32 $8.000000000e+00, v56;
	[tilespmem:s20+$0xFFFFFFB0] =	vst v62  }
0x37d: {  	s17 =	sshrl.u32 s17, $0x3;
	[tilespmem:s20+$0x30] =	vst v63  }
0x37e: {  	s17 =	sadd.s32 s4, s17;
	[tilespmem:s20+$0xFFFFFF30] =	vst v61  }
0x37f: {  	[hbm4b:s17+s2] =	stream.linear.scatter [tilespmem:s13], [sflag:$0x4], $0x4000, $0x38;
	[tilespmem:$0x11900] =	vst v63  }
0x380: {  	s15 =	sadd.s32 $0x1, s15  }
0x381: {  	_ =	swait.ge [sflag:s14], $0x4000;
	p0 =	sne.s32 s15, s7  }
.Ltmp9:
0x382: {  	[sflag:s14] =	ssyncset.done $0x0;
	(pc) =	sbr.rel @p0 .LBB2_1-.Ltmp9, $4  }
0x383: {  	[sflag:s14] =	ssyncadd.s32 $0xFFFFC000  }
0x384: {  	_ =	swait.ge [sflag:s12], $0x4000  }
0x385: {  	[sflag:s12] =	ssyncset.done $0x0  }
0x386: {  	[sflag:s12] =	ssyncadd.s32 $0xFFFFC000  }
0x387: {  	_ =	sfence.sel $0x180000  }
0x388: {  	[bflag:$0x0] =	sbarrier.arrive $0xFFFF  }
0x389: {  	p0 =	sne.s32 s1, $0x0;
	_ =	strace $0x90000047  }
0x38a: {  	s0 =	sadd.s32 @!p0 $0x100000, s0;
	[bflag:$0x2] =	sbarrier.arrive $0xFFFF  }
0x38b: {  	[sflag:s0] =	ssyncadd.tile.s32 @!p0 $0x1;
	_ =	shalt  }
.Lfunc_end2:
_tile_overlayer_lowered:
.L_overlay_start_2:
0x38c: {  	(tag) =	ssettag $0x2  }
0x38d: {  	s0 =	rddreg [dreg:$0x0];
	s2 =	stileid.u32  }
0x38e: {  	s1 =	rddreg [dreg:$0x1];
	p0 =	sne.s32 s2, $0x0  }
0x38f: {  	s3 =	rddreg [dreg:$0x2];
	[bflag:$0x3] =	sbarrier.arrive $0xFFFF;
	s2 =	simm.s32 @!p0 $0x1C05  }
0x390: {  	[timem:s3], [sflag:s2] =	dma.local @!p0 [hbm:s0], s1  }
0x391: {  	s0 =	simm.s32 @!p0 $0x5  }
0x392: {  	_ =	swait.ge @!p0 [sflag:s0], s1  }
0x393: {  	s1 =	ssub.s32 @!p0 $0x0, s1;
	[sflag:s0] =	ssyncset.done @!p0 $0x0  }
0x394: {  	[sflag:s0] =	ssyncadd.s32 @!p0 s1  }
0x395: {  	[bflag:$0x3] =	sbarrier.arrive $0xFFFF  }
0x396: {  	_ =	shalt  }

// kernel: sparse-core-data-format-call.cloned.1.call-start
scs
called_computation_lowered:
.L_overlay_start_0:
0x0: {  	s2 =	sld [smem:$0x3FD9]  }
0x1: {  	s3 =	sld [smem:$0x3FFE];
	_ =	sdelay $0x1  }
0x2: {  	s1 =	srdreg.scid  }
0x3: {  	s0 =	sand.u32 $0x1, s1  }
0x4: {  	s18 =	sshll.u32 s0, $0xA;
	s2 =	sadd.s32 s3, s2  }
0x5: {  	s2 =	sadd.s32 s2, s18  }
0x6: {  	[smem:$0x3FC6] =	sst s2  }
0x7: {  	_ = 	snop  }
0x8: {  	s2 =	sld [smem:$0x3FD0];
	(tm) =	ssettm $0x1  }
0x9: {  	s19 =	sld [smem:$0x3FFB];
	_ =	sdelay $0x3  }
0xa: {  	_ =	strace s19  }
0xb: {  	s3 =	sld [smem:$0x3FFC];
	_ =	sdelay $0x3  }
0xc: {  	_ =	strace s3  }
0xd: {  	s3 =	sld [smem:$0x3FFD];
	_ =	sdelay $0x3  }
0xe: {  	_ =	strace s3  }
0xf: {  	_ =	strace $0x8FFFFFFF  }
0x10: {  	s20 =	sld [smem:$0x3FDB];
	_ =	sdelay $0x1  }
0x11: {  	s4 =	simm.s32 $_scs_section_size  }
0x12: {  	s5 =	simm.s32 $_size__tile_overlayer_lowered;
	s6 =	simm.s32 $_tile_overlayer_lowered  }
0x13: {  	s23 =	simm.s32 $0x1BFF;
	s22 =	sshll.u32 s6, $0x1;
	s3 =	sadd.s32 s4, s20  }
0x14: {  	s7 =	simm.s32 $0x0;
	s21 =	sshll.u32 s5, $0x1;
	s5 =	sadd.s32 s22, s3  }
0x15: {  	[timem:s7], [sflag:s23] =	dma.local [hbm:s5], s21  }
0x16: {  	_ =	swait.ge [sflag:s23], s21  }
0x17: {  	s4 =	ssub.s32 $0x0, s21;
	[sflag:s23] =	ssyncset.done $0x0  }
0x18: {  	[sflag:s23] =	ssyncadd.s32 s4;
	_ =	sdelay $0x1  }
0x19: {  	s24 =	simm.s32 $0x1B8B  }
0x1a: {  	_ =	swait.ge [sflag:s24], $0x1  }
0x1b: {  	[sflag:s24] =	ssyncset.done $0x0  }
0x1c: {  	s26 =	simm.s32 $0x1B8E;
	s25 =	sld [smem:$0x3FFE];
	[sflag:s24] =	ssyncadd.s32 $0xFFFFFFFF  }
0x1d: {  	s27 =	simm.s32 $execute0_lowered;
	[smem:$0x3FD2] =	sst s26  }
0x1e: {  	s5 =	sshll.u32 s27, $0x1;
	_ =	strace $0x80000049;
	[dreg:$0x1] =	wrdreg $0xFFFFFFFF  }
0x1f: {  	s28 =	simm.s32 $_size_execute0_lowered;
	s3 =	sadd.s32 s3, s5;
	[dreg:$0x0] =	wrdreg $0x0  }
0x20: {  	s5 =	sshll.u32 s28, $0x1;
	[dreg:$0x2] =	wrdreg s3  }
0x21: {  	[dreg:$0x3] =	wrdreg s5  }
0x22: {  	[dreg:$0x4] =	wrdreg $0xC0  }
0x23: {  	_ =	task [dreg:s7], $0x5FFFF  }
0x24: {  	[dreg:$0x1] =	wrdreg $0xFFFFFFFF  }
0x25: {  	[dreg:$0x0] =	wrdreg $0x60  }
0x26: {  	[dreg:$0x2] =	wrdreg s25  }
0x27: {  	[dreg:$0x3] =	wrdreg s2  }
0x28: {  	[dreg:$0x4] =	wrdreg $0x9  }
0x29: {  	_ =	task.clear_ibuf [dreg:s7], $0x5FFFF;
	_ =	strace $0x90000049  }
0x2a: {  	s29 =	simm.s32 $0x9;
	_ =	strace $0x8000004B  }
0x2b: {  	_ =	swait.ge [sflag:s29], $0x1  }
0x2c: {  	[sflag:s29] =	ssyncadd.s32 $0xFFFFFFFF  }
0x2d: {  	_ =	strace $0x9000004B  }
0x2e: {  	_ =	sfence  }
0x2f: {  	s30 =	sld [smem:$0x0];
	_ =	sdelay $0x2  }
0x30: {  	s31 =	sshll.u32 s1, $0xD;
	s1 =	sshrl.u32 s1, $0x2  }
0x31: {  	s3 =	sand.u32 $0x4000, s31;
	s1 =	sadd.s32 s1, s30  }
0x32: {  	s0 =	sor.u32 s3, s0;
	s1 =	sshll.u32 s1, $0x11  }
0x33: {  	s0 =	sor.u32 s1, s0  }
0x34: {  	s0 =	sadd.s32 $0x8F2B, s0  }
0x35: {  	[sflag:s0] =	ssyncadd.remote.s32 $0x1  }
0x36: {  	_ =	sfence.sel $0xFFFF  }
0x37: {  	[dreg:$0x0] =	wrdreg $0xFFFFFFFF;
	(pc) =	sbr.abs _section_cstart, $3  }
0x38: {  	[dreg:$0x1] =	wrdreg $0xFFFFFFFF  }
0x39: {  	_ =	task.clear_ibuf [dreg:s7], $0x2FFFF;
	_ =	strace $0x9FFFFFFF  }
0x3a: {  	(tm) =	ssettm $0x7FFFFFFF  }
0x3b: {  	_ =	shalt  }
tec
execute0_lowered:
.L_overlay_start_1:
0x0: {  	(tag) =	ssettag $0x1  }
0x1: {  	s0 =	srdreg.scid  }
0x2: {  	s1 =	sshll.u32 s0, $0x4  }
0x3: {  	s0 =	stileid.u32;
	s1 =	sand.u32 $0x10, s1  }
0x4: {  	s1 =	sor.u32 s0, s1  }
0x5: {  	s6 =	rddreg [dreg:$0x0];
	s4 =	simm.s32 $0x1;
	s2 =	sshll.u32 s1, $0x7  }
0x6: {  	s7 =	simm.s32 $0x2;
	s12 =	simm.s32 $0x0;
	s1 =	ssub.s32 $0x1000, s2  }
0x7: {  	s8 =	simm.s32 $0x8000;
	s13 =	simm.s32 $0x0;
	s3 =	sand.u32 $0xF80, s1  }
0x8: {  	s9 =	simm.s32 $0x0;
	s5 =	sshrl.u32 s1, $0xC;
	p0 =	sne.s32 s3, $0x0  }
.Ltmp0:
0x9: {  	s1 =	rddreg [dreg:$0x2];
	s4 =	simm.s32 @!p0 $0x0;
	(pc) =	sbr.rel .LBB1_1-.Ltmp0, $4  }
0xa: {  	s11 =	simm.s32 $0x0;
	s3 =	rddreg [dreg:$0x1];
	s5 =	sadd.s32 s4, s5  }
0xb: {  	_ =	strace $0x8000004A;
	s4 =	simm.s32 $0x1;
	s5 =	smul.u32 $0x32, s5  }
0xc: {  	s6 =	sadd.s32 $0x800, s6;
	s10 =	smov.u32 s2;
	[sflag:s4] =	ssyncpa.u1 $0x0  }
0xd: {  	p0 =	por $0x0, $0x0;
	[sflag:s7] =	ssyncpa.u1 $0x0;
	s7 =	sor.u32 $0x1, s5  }
.LBB1_4:
0xe: {  	s16 =	sshll.u32 s13, $0x3;
	s17 =	sand.u32 $0x78, s13  }
0xf: {  	s30 =	sand.u32 $0x7E00, s13;
	s12 =	sshll.u32 s12, $0xF;
	s16 =	sand.u32 $0xC00, s16  }
0x10: {  	[tilespmem:s15+$0x810 ss:$0x81] =	vst.msk $0xffff, v2;
	s31 =	sand.u32 $0x7, s13;
	s16 =	sor.u32 s17, s16;
	s17 =	sadd.s32 s3, s30  }
0x11: {  	[tilespmem:s15+$0x1020 ss:$0x81] =	vst.msk $0xffff, v0;
	s13 =	sshll.u32 s31, $0x12;
	s12 =	sadd.s32 s12, s17;
	s16 =	sshrl.u32 s16, $0x3  }
0x12: {  	[tilespmem:s15+$0x0 ss:$0x81] =	vst.msk $0xffff, v1;
	s13 =	sor.u32 $0x400, s13;
	s12 =	sadd.s32 s16, s12  }
0x13: {  	[hbm4b:s12+s13] =	stream.strided.scatter [tilespmem:s14], [sflag:$0x2], $0x2000, s8, s13, $0x20;
	[tilespmem:$0x8080] =	vst v63  }
.LBB1_5:
0x14: {  	s14 =	sadd.s32 $0x1, s9  }
0x15: {  	s12 =	sadd.s32 $0x1000, s10;
	s16 =	smov.u32 s10;
	p2 =	sgt.s32 s14, $0x31  }
0x16: {  	s16 =	smov.u32 @p2 s12  }
0x17: {  	s14 =	simm.s32 @p2 $0x0;
	p2 =	sgt.s32 s16, $0xFFF  }
0x18: {  	s16 =	smov.u32 @p2 s2;
	p2 =	sne.s32 s11, s7  }
.Ltmp1:
0x19: {  	p1 =	slt.u32 s11, $0x2;
	(pc) =	sbr.rel @!p2 .LBB1_6-.Ltmp1, $4  }
0x1a: {  	s15 =	simm.s32 @!p1 $0x2  }
0x1b: {  	s13 =	smov.u32 s10;
	p0 =	por !p0, !p0;
	_ =	swait.ge @!p1 [sflag:s15], $0x2000  }
0x1c: {  	s12 =	smov.u32 s9;
	[sflag:s15] =	ssyncset.done @!p1 $0x0;
	s9 =	smov.u32 s14  }
0x1d: {  	s11 =	sadd.s32 $0x1, s11;
	[sflag:s15] =	ssyncadd.s32 @!p1 $0xFFFFE000;
	s10 =	smov.u32 s16  }
.LBB1_1:
0x1e: {  	p1 =	sge.u32 s11, s5  }
0x1f: {  	s14 =	sand.u32 @!p1 $0x1FFFFFF, s9  }
0x20: {  	s15 =	smulhi.u32 @!p1 $0x4924925, s14;
	_ =	sdelay $0x1  }
0x21: {  	s15 =	smul.u32 @!p1 $0x38, s15  }
0x22: {  	s16 =	sxor.u32 @!p1 $0xFFFFFFFF, s11;
	s17 =	smul.u32 @!p1 $0x380, s10  }
0x23: {  	s31 =	sadd.s32 $0xFFFFFFFF, s11;
	s16 =	sshll.u32 @!p1 s16, $0xD;
	s14 =	ssub.s32 @!p1 s14, s15  }
0x24: {  	s15 =	sand.u32 @!p1 $0x2000, s16;
	s16 =	sadd.s32 @!p1 s6, s17;
	s14 =	sshll.u32 @!p1 s14, $0x4  }
0x25: {  	s17 =	simm.s32 @!p1 $0x1C00;
	s14 =	sadd.s32 @!p1 s14, s16;
	s16 =	simm.s32 @!p1 $0x40  }
0x26: {  	[tilespmem:s15], [sflag:$0x1] =	stream.strided.gather @!p1 [hbm4b:s14+s16], $0x2000, s17, s16, $0x38;
	[tilespmem:$0x8080] =	vst v63  }
0x27: {  	p1 =	sge.u32 s31, s5  }
.Ltmp2:
0x28: {  	_ = 	snop;
	(pc) =	sbr.rel @p1 .LBB1_5-.Ltmp2, $1  }
0x29: {  	_ =	sdelay $0x3  }
0x2a: {  	s14 =	simm.s32 $0x1  }
0x2b: {  	_ =	swait.ge [sflag:s4], $0x2000;
	s14 =	simm.s32 @!p0 $0x0  }
0x2c: {  	[sflag:s4] =	ssyncset.done $0x0;
	s15 =	sshll.u32 s14, $0xD  }
0x2d: {  	[sflag:s4] =	ssyncadd.s32 $0xFFFFE000;
	s18 =	sor.u32 $0x20, s15  }
0x2e: {  	s14 =	smul.u32 $0x8100, s14;
	v3 =	vld [tilespmem:s18+$0x10]  }
0x2f: {  	s30 =	sand.u32 $0x1, s11;
	v2 =	vld [tilespmem:s18+$0xFFFFFFF0]  }
0x30: {  	s15 =	smul.u32 $0x8100, s30;
	s14 =	sshrl.u32 s14, $0x2;
	v0 =	vld [tilespmem:s18+$0x0]  }
0x31: {  	v1 =	vld [tilespmem:s18+$0xFFFFFFE0];
	s16 =	sor.u32 $0x4000, s14  }
0x32: {  	s31 =	sshrl.u32 s15, $0x2;
	s15 =	sadd.s32 $0x0, s16  }
0x33: {  	s17 =	simm.s32 $0x4;
	s18 =	sadd.s32 $0x40, s18;
	s14 =	sor.u32 $0x4000, s31;
	[tilespmem:s15+$0x1830 ss:$0x81] =	vst.msk $0xffff, v3  }
.LBB1_3:
0x34: {  	v3 =	vld [tilespmem:s18+$0x10];
	p1 =	sne.s32 s17, $0x1FC;
	[tilespmem:s15+$0x810 ss:$0x81] =	vst.msk $0xffff, v2;
	s19 =	smov.u32 s17;
	s17 =	sadd.s32 $0x4, s17  }
.Ltmp3:
0x35: {  	v2 =	vld [tilespmem:s18+$0xFFFFFFF0];
	[tilespmem:s15+$0x1020 ss:$0x81] =	vst.msk $0xffff, v0;
	(pc) =	sbr.rel @p1 .LBB1_3-.Ltmp3, $4  }
0x36: {  	v0 =	vld [tilespmem:s18+$0x0];
	[tilespmem:s15+$0x0 ss:$0x81] =	vst.msk $0xffff, v1  }
0x37: {  	s15 =	sshra.s32 s19, $0x2;
	v1 =	vld [tilespmem:s18+$0xFFFFFFE0]  }
0x38: {  	s15 =	sadd.s32 s15, s16  }
0x39: {  	s18 =	sadd.s32 $0x40, s18;
	[tilespmem:s15+$0x1830 ss:$0x81] =	vst.msk $0xffff, v3  }
.Ltmp4:
0x3a: {  	_ = 	snop;
	(pc) =	sbr.rel .LBB1_4-.Ltmp4, $1  }
0x3b: {  	_ =	sdelay $0x3  }
.LBB1_6:
0x3c: {  	_ =	sfence.sel $0x180000  }
0x3d: {  	s2 =	simm.s32 $0x1;
	[bflag:$0x0] =	sbarrier.arrive $0xFFFF  }
0x3e: {  	s31 =	simm.s32 $0x2;
	[sflag:s2] =	ssyncpa.u1 $0x1  }
0x3f: {  	[sflag:s31] =	ssyncpa.u1 $0x1  }
0x40: {  	p0 =	sne.s32 s0, $0x0;
	_ =	strace $0x9000004A  }
0x41: {  	s0 =	sadd.s32 @!p0 $0x100000, s1;
	[bflag:$0x2] =	sbarrier.arrive $0xFFFF  }
0x42: {  	[sflag:s0] =	ssyncadd.tile.s32 @!p0 $0x1;
	_ =	shalt  }
.Lfunc_end1:
_tile_overlayer_lowered:
.L_overlay_start_2:
0x43: {  	(tag) =	ssettag $0x2  }
0x44: {  	s0 =	rddreg [dreg:$0x0];
	s2 =	stileid.u32  }
0x45: {  	s1 =	rddreg [dreg:$0x1];
	p0 =	sne.s32 s2, $0x0  }
0x46: {  	s3 =	rddreg [dreg:$0x2];
	[bflag:$0x3] =	sbarrier.arrive $0xFFFF;
	s2 =	simm.s32 @!p0 $0x1C01  }
0x47: {  	[timem:s3], [sflag:s2] =	dma.local @!p0 [hbm:s0], s1  }
0x48: {  	s0 =	simm.s32 @!p0 $0x1  }
0x49: {  	_ =	swait.ge @!p0 [sflag:s0], s1  }
0x4a: {  	s1 =	ssub.s32 @!p0 $0x0, s1;
	[sflag:s0] =	ssyncset.done @!p0 $0x0  }
0x4b: {  	[sflag:s0] =	ssyncadd.s32 @!p0 s1  }
0x4c: {  	[bflag:$0x3] =	sbarrier.arrive $0xFFFF  }
0x4d: {  	_ =	shalt  }

</sc_bundles>
